<compile_context>
chip_gen: v7x
topology: tpu7x:2x2x1
jax: 0.10.2.dev20260603
libtpu: 0.0.44.dev20260713+nightly
codegen_flags: <defaults>
</compile_context>

<pallas_src>
import functools

import jax
import jax.numpy as jnp
from jax import lax
from jax.experimental import pallas as pl
from jax.experimental.pallas import tpu as pltpu
from jax.experimental.pallas import tpu_sc as plsc

_B, _C, _N, _K, _OUT = 2, 96, 4096, 9, 96
_ROWS = 256
_KPAD = 16
_CHUNK = 64
_CP = 128
_NBIG = 3.0e38


def _topk_body(bias, x_ref, idx_ref, rows_s, cols_s):
    j = pl.program_id(0)

    @pl.when(j == 0)
    def _prep():
        xall = x_ref[...]
        nrm = jnp.sqrt(jnp.sum(xall * xall, axis=1, keepdims=True))
        xn = xall / jnp.maximum(nrm, 1e-12)
        xsq = jnp.sum(xn * xn, axis=1, keepdims=True)
        lane = lax.broadcasted_iota(jnp.int32, (1, _CP), 1)
        cols = -2.0 * xn
        cols = jnp.where(lane == _C, xsq, cols)
        cols = jnp.where(lane == _C + 1, 1.0, cols)
        rows = jnp.where(lane == _C, 1.0, xn)
        rows = jnp.where(lane == _C + 1, xsq, rows)
        rows_s[...] = rows
        cols_s[...] = cols

    @pl.when(j > 0)
    def _block():
        jj = j - 1
        rows = rows_s[pl.ds(jj * _ROWS, _ROWS), :]
        d = lax.dot_general(rows, cols_s[...], (((1,), (1,)), ((), ())),
                            preferred_element_type=jnp.float32)

        lane = lax.broadcasted_iota(
            jnp.int32, (1, _N), 1).astype(jnp.float32)
        lane128 = lax.broadcasted_iota(jnp.int32, (1, 128), 1)
        acc = jnp.zeros((_ROWS, 128), jnp.float32)
        for k in range(_K):
            m = jnp.min(d, axis=1, keepdims=True)
            cand = jnp.where(d == m, lane, _NBIG)
            sel = jnp.min(cand, axis=1, keepdims=True)
            acc = jnp.where(lane128 == k, sel, acc)
            d = jnp.where(lane == sel, _NBIG, d)
        accT = jnp.transpose(acc, (1, 0))
        idx_ref[...] = accT[:_KPAD, :].astype(jnp.int32) + bias


def _build_topk(b):
    return pl.pallas_call(
        functools.partial(_topk_body, b * _N),
        grid=(_N // _ROWS + 1,),
        in_specs=[pl.BlockSpec((_N, _CP), lambda j: (0, 0))],
        out_specs=pl.BlockSpec(
            (_KPAD, _ROWS), lambda j: (0, jnp.maximum(j - 1, 0))),
        out_shape=jax.ShapeDtypeStruct((_KPAD, _N), jnp.int32),
        scratch_shapes=[
            pltpu.VMEM((_N, _CP), jnp.float32),
            pltpu.VMEM((_N, _CP), jnp.float32),
        ],
    )


def _sc_info():
    info = plsc.get_sparse_core_info()
    return info.num_cores, info.num_subcores


def _build_gather_max(b):
    nc, ns = _sc_info()
    nw = nc * ns
    per_w = _N // nw
    nchunks = per_w // _CHUNK
    base_b = b * _N
    mesh = plsc.VectorSubcoreMesh(core_axis_name="c", subcore_axis_name="s")

    @functools.partial(
        pl.kernel,
        mesh=mesh,
        out_type=jax.ShapeDtypeStruct((_N, _CP), jnp.float32),
        scratch_types=[
            pltpu.VMEM((_K, _CHUNK), jnp.int32),
            pltpu.VMEM((_K * _CHUNK, _CP), jnp.float32),
            pltpu.VMEM((_CHUNK, _CP), jnp.float32),
            pltpu.VMEM((_CHUNK, _CP), jnp.float32),
            pltpu.SemaphoreType.DMA,
        ],
    )
    def gather_max(table_hbm, idx_hbm, out_hbm, idx_v, rows_v,
                   cen_v, res_v, sem):
        wid = lax.axis_index("s") * nc + lax.axis_index("c")

        def chunk_body(ch):
            n0 = wid * per_w + ch * _CHUNK
            for k in range(_K):
                pltpu.sync_copy(idx_hbm.at[pl.ds(k * _N + n0, _CHUNK)],
                                idx_v.at[k])
            copies = [
                pltpu.async_copy(table_hbm.at[idx_v.at[k]],
                                 rows_v.at[pl.ds(k * _CHUNK, _CHUNK)], sem)
                for k in range(_K)
            ]
            pltpu.sync_copy(table_hbm.at[pl.ds(base_b + n0, _CHUNK)], cen_v)
            for c in copies:
                c.wait()

            def node_body(dn):
                for cb in range(_C // 16):
                    sl = pl.ds(cb * 16, 16)
                    acc = rows_v[dn, sl]
                    for k in range(1, _K):
                        acc = jnp.maximum(acc, rows_v[k * _CHUNK + dn, sl])
                    res_v[dn, sl] = acc - cen_v[dn, sl]

            pl.loop(0, _CHUNK)(node_body)
            pltpu.sync_copy(res_v, out_hbm.at[pl.ds(n0, _CHUNK)])

        pl.loop(0, nchunks)(chunk_body)

    return gather_max


def _conv_body(xf_ref, xm_ref, we_ref, wo_ref, b_ref, out_ref):
    a = lax.dot_general(we_ref[...], xf_ref[...][:, :_C],
                        (((1,), (1,)), ((), ())),
                        preferred_element_type=jnp.float32)
    m = lax.dot_general(wo_ref[...], xm_ref[...][:, :_C],
                        (((1,), (1,)), ((), ())),
                        preferred_element_type=jnp.float32)
    out_ref[...] = jnp.maximum(a + m + b_ref[...], 0.0)


def _build_conv():
    cols = 512
    return pl.pallas_call(
        _conv_body,
        grid=(_N // cols,),
        in_specs=[
            pl.BlockSpec((cols, _CP), lambda j: (j, 0)),
            pl.BlockSpec((cols, _CP), lambda j: (j, 0)),
            pl.BlockSpec((_OUT, _C), lambda j: (0, 0)),
            pl.BlockSpec((_OUT, _C), lambda j: (0, 0)),
            pl.BlockSpec((_OUT, 1), lambda j: (0, 0)),
        ],
        out_specs=pl.BlockSpec((_OUT, cols), lambda j: (0, j)),
        out_shape=jax.ShapeDtypeStruct((_OUT, _N), jnp.float32),
    )


def kernel(x, Wc, b):
    Bs, Cs, Hs, Ws, Ds = x.shape
    N = Hs * Ws * Ds
    xf = x.reshape(Bs, Cs, N)
    xpad = jnp.pad(jnp.transpose(xf, (0, 2, 1)),
                   ((0, 0), (0, 0), (0, _CP - Cs)))
    table = xpad.reshape(Bs * N, _CP)

    we = Wc[:, 0::2]
    wo = Wc[:, 1::2]
    b2 = b.reshape(_OUT, 1)
    conv = _build_conv()

    outs = []
    for bb in range(Bs):
        nn_idx = _build_topk(bb)(xpad[bb])
        xj = _build_gather_max(bb)(table, nn_idx.reshape(-1))
        outs.append(conv(xpad[bb], xj, we, wo, b2))
    out = jnp.stack(outs)
    return out.reshape(Bs, _OUT, Hs, Ws, Ds)

# --- scband reference (transcript-rebuilt; emitter-appended) ---
"""Pipeline reference for scband-dy-graph-conv-1632087572829 (READ-ONLY COPY).

The authoritative reference and input builder live on the scoring server;
editing this copy changes nothing except your own understanding.
"""

import jax, jax.numpy as jnp
import numpy as np

B, C, H, W, D = 2, 96, 16, 16, 16
OUT = 96
K = 9

def setup_inputs(seed: int = 0) -> dict:
    key = jax.random.key(seed)
    k1, k2, k3 = jax.random.split(key, 3)
    x = jax.random.normal(k1, (B, C, H, W, D), dtype=jnp.float32)
    Wc = jax.random.normal(k2, (OUT, 2 * C), dtype=jnp.float32) * (1.0 / np.sqrt(2 * C))
    b = jax.random.normal(k3, (OUT,), dtype=jnp.float32) * 0.01
    return {"x": x, "Wc": Wc, "b": b}

def reference(x, Wc, b):
    Bs, Cs, Hs, Ws, Ds = x.shape
    N = Hs * Ws * Ds
    xf = x.reshape(Bs, Cs, N)  # [B, C, N] (flattened spatial, trailing 1 implicit)
    # --- DenseDilatedKnnGraph: l2-normalize over channel dim, dense pairwise dist, top-k ---
    nrm = jnp.sqrt(jnp.sum(xf * xf, axis=1, keepdims=True))
    xn = xf / jnp.maximum(nrm, 1e-12)
    feat = jnp.transpose(xn, (0, 2, 1))  # [B, N, C]
    x_sq = jnp.sum(feat * feat, axis=-1, keepdims=True)  # [B, N, 1]
    inner = -2.0 * jnp.matmul(feat, jnp.transpose(feat, (0, 2, 1)))  # [B, N, N]
    dist = x_sq + inner + jnp.transpose(x_sq, (0, 2, 1))
    _, nn_idx = jax.lax.top_k(-dist, K)  # [B, N, K]; dilation=1 -> no striding
    # edge_index[0] = nn_idx (source/neighbor), edge_index[1] = center idx
    # --- MRConv: batched_index_select gathers ---
    idx = jnp.broadcast_to(nn_idx[:, None, :, :], (Bs, Cs, N, K))
    xe = jnp.broadcast_to(xf[:, :, :, None], (Bs, Cs, N, K))
    x_j = jnp.take_along_axis(xe, idx, axis=2)  # neighbor feats [B, C, N, K]
    x_i = xf[:, :, :, None]  # center feats broadcast over K
    x_j_max = jnp.max(x_j - x_i, axis=-1, keepdims=True)  # [B, C, N, 1]
    # cat([x.unsqueeze(2), x_j.unsqueeze(2)], dim=2).reshape(B, 2C, N, 1) -> interleaved channels
    cat = jnp.concatenate([xf[:, :, None, :, None], x_j_max[:, :, None, :, :]], axis=2)
    cat = cat.reshape(Bs, 2 * Cs, N)
    # BasicConv: 1x1x1 conv (pointwise) + bias + relu
    out = jnp.einsum('oc,bcn->bon', Wc, cat) + b[None, :, None]
    out = jax.nn.relu(out)
    return out.reshape(Bs, OUT, Hs, Ws, Ds)

if __name__ == "__main__":
    import jax
    _d = setup_inputs()
    print(jax.jit(kernel)(*tuple(_d.values())))

</pallas_src>

<mosaic_0001>
#map = affine_map<(d0, d1) -> (0, 0)>
#map1 = affine_map<(d0, d1) -> (0)>
module attributes {stable_mosaic.version = 14 : i64} {
  func.func @gather_max(%arg0: i32, %arg1: i32, %arg2: memref<8192x128xf32, #tpu.memory_space<hbm>>, %arg3: memref<65536xi32, #tpu.memory_space<hbm>>, %arg4: memref<4096x128xf32, #tpu.memory_space<hbm>>, %arg5: memref<9x64xi32, #tpu.memory_space<vmem>>, %arg6: memref<576x128xf32, #tpu.memory_space<vmem>>, %arg7: memref<64x128xf32, #tpu.memory_space<vmem>>, %arg8: memref<64x128xf32, #tpu.memory_space<vmem>>, %arg9: memref<!tpu.dma_semaphore, #tpu.memory_space<semaphore_mem>>) attributes {dimension_semantics = [#tpu.dimension_semantics<core_parallel>, #tpu.dimension_semantics<subcore_parallel>], iteration_bounds = array<i64: 2, 16>, scalar_prefetch = 0 : i64, scratch_operands = 5 : i64, tpu.core_type = #tpu.core_type<sc_vector_subcore>, window_params = [{transform_indices = #map}, {transform_indices = #map1}, {transform_indices = #map}]} {
    %mul3A = arith.constant 2 : i32
    %mul3A_0 = arith.muli %arg1, %mul3A : i32
    %add3A = arith.addi %mul3A_0, %arg0 : i32
    %scan3A = arith.constant 0 : i32
    %scan3A_1 = arith.constant 2 : i32
    %scan3A_2 = arith.addi %scan3A, %scan3A_1 : i32
    %scan3A_3 = arith.constant 1 : i32
    scf.for %scan3A_5 = %scan3A to %scan3A_2 step %scan3A_3  : i32 {
      %mul3A_6 = arith.constant 1 : i32
      %mul3A_7 = arith.muli %scan3A_5, %mul3A_6 : i32
      %add3A_8 = arith.constant 0 : i32
      %add3A_9 = arith.addi %add3A_8, %mul3A_7 : i32
      %mul3A_10 = arith.constant 128 : i32
      %mul3A_11 = arith.muli %add3A, %mul3A_10 : i32
      %mul3A_12 = arith.constant 64 : i32
      %mul3A_13 = arith.muli %add3A_9, %mul3A_12 : i32
      %add3A_14 = arith.addi %mul3A_11, %mul3A_13 : i32
      %add3A_15 = arith.constant 0 : i32
      %add3A_16 = arith.addi %add3A_15, %add3A_14 : i32
      %run_scoped3A = arith.constant 0 : i32
      "tpu.region"() ({
        %run_scoped3A_226 = tpu.sem_alloc : memref<!tpu.dma_semaphore, #tpu.memory_space<semaphore_mem>>
        %dma_start3A_227 = arith.constant 0 : i32
        %dma_start3A_228 = tpu.memref_slice %arg5[%run_scoped3A, %dma_start3A_227] : memref<9x64xi32, #tpu.memory_space<vmem>> -> memref<1x64xi32, #tpu.memory_space<vmem>>
        %dma_start3A_229 = tpu.memref_squeeze %dma_start3A_228 : memref<1x64xi32, #tpu.memory_space<vmem>> -> memref<64xi32, #tpu.memory_space<vmem>>
        %dma_start3A_230 = tpu.memref_slice %arg3[%add3A_16] : memref<65536xi32, #tpu.memory_space<hbm>> -> memref<64xi32, #tpu.memory_space<hbm>>
        %dma_start3A_231 = arith.constant 0 : i32
        %dma_start3A_232 = tpu.memref_slice %arg5[%run_scoped3A, %dma_start3A_231] : memref<9x64xi32, #tpu.memory_space<vmem>> -> memref<1x64xi32, #tpu.memory_space<vmem>>
        %dma_start3A_233 = tpu.memref_squeeze %dma_start3A_232 : memref<1x64xi32, #tpu.memory_space<vmem>> -> memref<64xi32, #tpu.memory_space<vmem>>
        %dma_start3A_234 = tpu.memref_slice %arg3[%add3A_16] : memref<65536xi32, #tpu.memory_space<hbm>> -> memref<64xi32, #tpu.memory_space<hbm>>
        tpu.enqueue_dma source(%dma_start3A_234 : memref<64xi32, #tpu.memory_space<hbm>>) target(%dma_start3A_233 : memref<64xi32, #tpu.memory_space<vmem>>) target_semaphore(%run_scoped3A_226 : memref<!tpu.dma_semaphore, #tpu.memory_space<semaphore_mem>>)
        %dma_wait3A_235 = arith.constant 0 : i32
        %dma_wait3A_236 = tpu.memref_slice %arg5[%run_scoped3A, %dma_wait3A_235] : memref<9x64xi32, #tpu.memory_space<vmem>> -> memref<1x64xi32, #tpu.memory_space<vmem>>
        %dma_wait3A_237 = tpu.memref_squeeze %dma_wait3A_236 : memref<1x64xi32, #tpu.memory_space<vmem>> -> memref<64xi32, #tpu.memory_space<vmem>>
        %dma_wait3A_238 = tpu.memref_slice %arg3[%add3A_16] : memref<65536xi32, #tpu.memory_space<hbm>> -> memref<64xi32, #tpu.memory_space<hbm>>
        %dma_wait3A_239 = arith.constant 0 : i32
        %dma_wait3A_240 = tpu.memref_slice %arg5[%run_scoped3A, %dma_wait3A_239] : memref<9x64xi32, #tpu.memory_space<vmem>> -> memref<1x64xi32, #tpu.memory_space<vmem>>
        %dma_wait3A_241 = tpu.memref_squeeze %dma_wait3A_240 : memref<1x64xi32, #tpu.memory_space<vmem>> -> memref<64xi32, #tpu.memory_space<vmem>>
        %dma_wait3A_242 = tpu.memref_slice %arg3[%add3A_16] : memref<65536xi32, #tpu.memory_space<hbm>> -> memref<64xi32, #tpu.memory_space<hbm>>
        tpu.wait_dma2 semaphore(%run_scoped3A_226 : memref<!tpu.dma_semaphore, #tpu.memory_space<semaphore_mem>>) src(%dma_wait3A_242 : memref<64xi32, #tpu.memory_space<hbm>>) dst(%dma_wait3A_241 : memref<64xi32, #tpu.memory_space<vmem>>)
        tpu.yield
      }) : () -> ()
      %add3A_17 = arith.constant 4096 : i32
      %add3A_18 = arith.addi %add3A_17, %add3A_14 : i32
      %run_scoped3A_19 = arith.constant 1 : i32
      "tpu.region"() ({
        %run_scoped3A_226 = tpu.sem_alloc : memref<!tpu.dma_semaphore, #tpu.memory_space<semaphore_mem>>
        %dma_start3A_227 = arith.constant 0 : i32
        %dma_start3A_228 = tpu.memref_slice %arg5[%run_scoped3A_19, %dma_start3A_227] : memref<9x64xi32, #tpu.memory_space<vmem>> -> memref<1x64xi32, #tpu.memory_space<vmem>>
        %dma_start3A_229 = tpu.memref_squeeze %dma_start3A_228 : memref<1x64xi32, #tpu.memory_space<vmem>> -> memref<64xi32, #tpu.memory_space<vmem>>
        %dma_start3A_230 = tpu.memref_slice %arg3[%add3A_18] : memref<65536xi32, #tpu.memory_space<hbm>> -> memref<64xi32, #tpu.memory_space<hbm>>
        %dma_start3A_231 = arith.constant 0 : i32
        %dma_start3A_232 = tpu.memref_slice %arg5[%run_scoped3A_19, %dma_start3A_231] : memref<9x64xi32, #tpu.memory_space<vmem>> -> memref<1x64xi32, #tpu.memory_space<vmem>>
        %dma_start3A_233 = tpu.memref_squeeze %dma_start3A_232 : memref<1x64xi32, #tpu.memory_space<vmem>> -> memref<64xi32, #tpu.memory_space<vmem>>
        %dma_start3A_234 = tpu.memref_slice %arg3[%add3A_18] : memref<65536xi32, #tpu.memory_space<hbm>> -> memref<64xi32, #tpu.memory_space<hbm>>
        tpu.enqueue_dma source(%dma_start3A_234 : memref<64xi32, #tpu.memory_space<hbm>>) target(%dma_start3A_233 : memref<64xi32, #tpu.memory_space<vmem>>) target_semaphore(%run_scoped3A_226 : memref<!tpu.dma_semaphore, #tpu.memory_space<semaphore_mem>>)
        %dma_wait3A_235 = arith.constant 0 : i32
        %dma_wait3A_236 = tpu.memref_slice %arg5[%run_scoped3A_19, %dma_wait3A_235] : memref<9x64xi32, #tpu.memory_space<vmem>> -> memref<1x64xi32, #tpu.memory_space<vmem>>
        %dma_wait3A_237 = tpu.memref_squeeze %dma_wait3A_236 : memref<1x64xi32, #tpu.memory_space<vmem>> -> memref<64xi32, #tpu.memory_space<vmem>>
        %dma_wait3A_238 = tpu.memref_slice %arg3[%add3A_18] : memref<65536xi32, #tpu.memory_space<hbm>> -> memref<64xi32, #tpu.memory_space<hbm>>
        %dma_wait3A_239 = arith.constant 0 : i32
        %dma_wait3A_240 = tpu.memref_slice %arg5[%run_scoped3A_19, %dma_wait3A_239] : memref<9x64xi32, #tpu.memory_space<vmem>> -> memref<1x64xi32, #tpu.memory_space<vmem>>
        %dma_wait3A_241 = tpu.memref_squeeze %dma_wait3A_240 : memref<1x64xi32, #tpu.memory_space<vmem>> -> memref<64xi32, #tpu.memory_space<vmem>>
        %dma_wait3A_242 = tpu.memref_slice %arg3[%add3A_18] : memref<65536xi32, #tpu.memory_space<hbm>> -> memref<64xi32, #tpu.memory_space<hbm>>
        tpu.wait_dma2 semaphore(%run_scoped3A_226 : memref<!tpu.dma_semaphore, #tpu.memory_space<semaphore_mem>>) src(%dma_wait3A_242 : memref<64xi32, #tpu.memory_space<hbm>>) dst(%dma_wait3A_241 : memref<64xi32, #tpu.memory_space<vmem>>)
        tpu.yield
      }) : () -> ()
      %add3A_20 = arith.constant 8192 : i32
      %add3A_21 = arith.addi %add3A_20, %add3A_14 : i32
      %run_scoped3A_22 = arith.constant 2 : i32
      "tpu.region"() ({
        %run_scoped3A_226 = tpu.sem_alloc : memref<!tpu.dma_semaphore, #tpu.memory_space<semaphore_mem>>
        %dma_start3A_227 = arith.constant 0 : i32
        %dma_start3A_228 = tpu.memref_slice %arg5[%run_scoped3A_22, %dma_start3A_227] : memref<9x64xi32, #tpu.memory_space<vmem>> -> memref<1x64xi32, #tpu.memory_space<vmem>>
        %dma_start3A_229 = tpu.memref_squeeze %dma_start3A_228 : memref<1x64xi32, #tpu.memory_space<vmem>> -> memref<64xi32, #tpu.memory_space<vmem>>
        %dma_start3A_230 = tpu.memref_slice %arg3[%add3A_21] : memref<65536xi32, #tpu.memory_space<hbm>> -> memref<64xi32, #tpu.memory_space<hbm>>
        %dma_start3A_231 = arith.constant 0 : i32
        %dma_start3A_232 = tpu.memref_slice %arg5[%run_scoped3A_22, %dma_start3A_231] : memref<9x64xi32, #tpu.memory_space<vmem>> -> memref<1x64xi32, #tpu.memory_space<vmem>>
        %dma_start3A_233 = tpu.memref_squeeze %dma_start3A_232 : memref<1x64xi32, #tpu.memory_space<vmem>> -> memref<64xi32, #tpu.memory_space<vmem>>
        %dma_start3A_234 = tpu.memref_slice %arg3[%add3A_21] : memref<65536xi32, #tpu.memory_space<hbm>> -> memref<64xi32, #tpu.memory_space<hbm>>
        tpu.enqueue_dma source(%dma_start3A_234 : memref<64xi32, #tpu.memory_space<hbm>>) target(%dma_start3A_233 : memref<64xi32, #tpu.memory_space<vmem>>) target_semaphore(%run_scoped3A_226 : memref<!tpu.dma_semaphore, #tpu.memory_space<semaphore_mem>>)
        %dma_wait3A_235 = arith.constant 0 : i32
        %dma_wait3A_236 = tpu.memref_slice %arg5[%run_scoped3A_22, %dma_wait3A_235] : memref<9x64xi32, #tpu.memory_space<vmem>> -> memref<1x64xi32, #tpu.memory_space<vmem>>
        %dma_wait3A_237 = tpu.memref_squeeze %dma_wait3A_236 : memref<1x64xi32, #tpu.memory_space<vmem>> -> memref<64xi32, #tpu.memory_space<vmem>>
        %dma_wait3A_238 = tpu.memref_slice %arg3[%add3A_21] : memref<65536xi32, #tpu.memory_space<hbm>> -> memref<64xi32, #tpu.memory_space<hbm>>
        %dma_wait3A_239 = arith.constant 0 : i32
        %dma_wait3A_240 = tpu.memref_slice %arg5[%run_scoped3A_22, %dma_wait3A_239] : memref<9x64xi32, #tpu.memory_space<vmem>> -> memref<1x64xi32, #tpu.memory_space<vmem>>
        %dma_wait3A_241 = tpu.memref_squeeze %dma_wait3A_240 : memref<1x64xi32, #tpu.memory_space<vmem>> -> memref<64xi32, #tpu.memory_space<vmem>>
        %dma_wait3A_242 = tpu.memref_slice %arg3[%add3A_21] : memref<65536xi32, #tpu.memory_space<hbm>> -> memref<64xi32, #tpu.memory_space<hbm>>
        tpu.wait_dma2 semaphore(%run_scoped3A_226 : memref<!tpu.dma_semaphore, #tpu.memory_space<semaphore_mem>>) src(%dma_wait3A_242 : memref<64xi32, #tpu.memory_space<hbm>>) dst(%dma_wait3A_241 : memref<64xi32, #tpu.memory_space<vmem>>)
        tpu.yield
      }) : () -> ()
      %add3A_23 = arith.constant 12288 : i32
      %add3A_24 = arith.addi %add3A_23, %add3A_14 : i32
      %run_scoped3A_25 = arith.constant 3 : i32
      "tpu.region"() ({
        %run_scoped3A_226 = tpu.sem_alloc : memref<!tpu.dma_semaphore, #tpu.memory_space<semaphore_mem>>
        %dma_start3A_227 = arith.constant 0 : i32
        %dma_start3A_228 = tpu.memref_slice %arg5[%run_scoped3A_25, %dma_start3A_227] : memref<9x64xi32, #tpu.memory_space<vmem>> -> memref<1x64xi32, #tpu.memory_space<vmem>>
        %dma_start3A_229 = tpu.memref_squeeze %dma_start3A_228 : memref<1x64xi32, #tpu.memory_space<vmem>> -> memref<64xi32, #tpu.memory_space<vmem>>
        %dma_start3A_230 = tpu.memref_slice %arg3[%add3A_24] : memref<65536xi32, #tpu.memory_space<hbm>> -> memref<64xi32, #tpu.memory_space<hbm>>
        %dma_start3A_231 = arith.constant 0 : i32
        %dma_start3A_232 = tpu.memref_slice %arg5[%run_scoped3A_25, %dma_start3A_231] : memref<9x64xi32, #tpu.memory_space<vmem>> -> memref<1x64xi32, #tpu.memory_space<vmem>>
        %dma_start3A_233 = tpu.memref_squeeze %dma_start3A_232 : memref<1x64xi32, #tpu.memory_space<vmem>> -> memref<64xi32, #tpu.memory_space<vmem>>
        %dma_start3A_234 = tpu.memref_slice %arg3[%add3A_24] : memref<65536xi32, #tpu.memory_space<hbm>> -> memref<64xi32, #tpu.memory_space<hbm>>
        tpu.enqueue_dma source(%dma_start3A_234 : memref<64xi32, #tpu.memory_space<hbm>>) target(%dma_start3A_233 : memref<64xi32, #tpu.memory_space<vmem>>) target_semaphore(%run_scoped3A_226 : memref<!tpu.dma_semaphore, #tpu.memory_space<semaphore_mem>>)
        %dma_wait3A_235 = arith.constant 0 : i32
        %dma_wait3A_236 = tpu.memref_slice %arg5[%run_scoped3A_25, %dma_wait3A_235] : memref<9x64xi32, #tpu.memory_space<vmem>> -> memref<1x64xi32, #tpu.memory_space<vmem>>
        %dma_wait3A_237 = tpu.memref_squeeze %dma_wait3A_236 : memref<1x64xi32, #tpu.memory_space<vmem>> -> memref<64xi32, #tpu.memory_space<vmem>>
        %dma_wait3A_238 = tpu.memref_slice %arg3[%add3A_24] : memref<65536xi32, #tpu.memory_space<hbm>> -> memref<64xi32, #tpu.memory_space<hbm>>
        %dma_wait3A_239 = arith.constant 0 : i32
        %dma_wait3A_240 = tpu.memref_slice %arg5[%run_scoped3A_25, %dma_wait3A_239] : memref<9x64xi32, #tpu.memory_space<vmem>> -> memref<1x64xi32, #tpu.memory_space<vmem>>
        %dma_wait3A_241 = tpu.memref_squeeze %dma_wait3A_240 : memref<1x64xi32, #tpu.memory_space<vmem>> -> memref<64xi32, #tpu.memory_space<vmem>>
        %dma_wait3A_242 = tpu.memref_slice %arg3[%add3A_24] : memref<65536xi32, #tpu.memory_space<hbm>> -> memref<64xi32, #tpu.memory_space<hbm>>
        tpu.wait_dma2 semaphore(%run_scoped3A_226 : memref<!tpu.dma_semaphore, #tpu.memory_space<semaphore_mem>>) src(%dma_wait3A_242 : memref<64xi32, #tpu.memory_space<hbm>>) dst(%dma_wait3A_241 : memref<64xi32, #tpu.memory_space<vmem>>)
        tpu.yield
      }) : () -> ()
      %add3A_26 = arith.constant 16384 : i32
      %add3A_27 = arith.addi %add3A_26, %add3A_14 : i32
      %run_scoped3A_28 = arith.constant 4 : i32
      "tpu.region"() ({
        %run_scoped3A_226 = tpu.sem_alloc : memref<!tpu.dma_semaphore, #tpu.memory_space<semaphore_mem>>
        %dma_start3A_227 = arith.constant 0 : i32
        %dma_start3A_228 = tpu.memref_slice %arg5[%run_scoped3A_28, %dma_start3A_227] : memref<9x64xi32, #tpu.memory_space<vmem>> -> memref<1x64xi32, #tpu.memory_space<vmem>>
        %dma_start3A_229 = tpu.memref_squeeze %dma_start3A_228 : memref<1x64xi32, #tpu.memory_space<vmem>> -> memref<64xi32, #tpu.memory_space<vmem>>
        %dma_start3A_230 = tpu.memref_slice %arg3[%add3A_27] : memref<65536xi32, #tpu.memory_space<hbm>> -> memref<64xi32, #tpu.memory_space<hbm>>
        %dma_start3A_231 = arith.constant 0 : i32
        %dma_start3A_232 = tpu.memref_slice %arg5[%run_scoped3A_28, %dma_start3A_231] : memref<9x64xi32, #tpu.memory_space<vmem>> -> memref<1x64xi32, #tpu.memory_space<vmem>>
        %dma_start3A_233 = tpu.memref_squeeze %dma_start3A_232 : memref<1x64xi32, #tpu.memory_space<vmem>> -> memref<64xi32, #tpu.memory_space<vmem>>
        %dma_start3A_234 = tpu.memref_slice %arg3[%add3A_27] : memref<65536xi32, #tpu.memory_space<hbm>> -> memref<64xi32, #tpu.memory_space<hbm>>
        tpu.enqueue_dma source(%dma_start3A_234 : memref<64xi32, #tpu.memory_space<hbm>>) target(%dma_start3A_233 : memref<64xi32, #tpu.memory_space<vmem>>) target_semaphore(%run_scoped3A_226 : memref<!tpu.dma_semaphore, #tpu.memory_space<semaphore_mem>>)
        %dma_wait3A_235 = arith.constant 0 : i32
        %dma_wait3A_236 = tpu.memref_slice %arg5[%run_scoped3A_28, %dma_wait3A_235] : memref<9x64xi32, #tpu.memory_space<vmem>> -> memref<1x64xi32, #tpu.memory_space<vmem>>
        %dma_wait3A_237 = tpu.memref_squeeze %dma_wait3A_236 : memref<1x64xi32, #tpu.memory_space<vmem>> -> memref<64xi32, #tpu.memory_space<vmem>>
        %dma_wait3A_238 = tpu.memref_slice %arg3[%add3A_27] : memref<65536xi32, #tpu.memory_space<hbm>> -> memref<64xi32, #tpu.memory_space<hbm>>
        %dma_wait3A_239 = arith.constant 0 : i32
        %dma_wait3A_240 = tpu.memref_slice %arg5[%run_scoped3A_28, %dma_wait3A_239] : memref<9x64xi32, #tpu.memory_space<vmem>> -> memref<1x64xi32, #tpu.memory_space<vmem>>
        %dma_wait3A_241 = tpu.memref_squeeze %dma_wait3A_240 : memref<1x64xi32, #tpu.memory_space<vmem>> -> memref<64xi32, #tpu.memory_space<vmem>>
        %dma_wait3A_242 = tpu.memref_slice %arg3[%add3A_27] : memref<65536xi32, #tpu.memory_space<hbm>> -> memref<64xi32, #tpu.memory_space<hbm>>
        tpu.wait_dma2 semaphore(%run_scoped3A_226 : memref<!tpu.dma_semaphore, #tpu.memory_space<semaphore_mem>>) src(%dma_wait3A_242 : memref<64xi32, #tpu.memory_space<hbm>>) dst(%dma_wait3A_241 : memref<64xi32, #tpu.memory_space<vmem>>)
        tpu.yield
      }) : () -> ()
      %add3A_29 = arith.constant 20480 : i32
      %add3A_30 = arith.addi %add3A_29, %add3A_14 : i32
      %run_scoped3A_31 = arith.constant 5 : i32
      "tpu.region"() ({
        %run_scoped3A_226 = tpu.sem_alloc : memref<!tpu.dma_semaphore, #tpu.memory_space<semaphore_mem>>
        %dma_start3A_227 = arith.constant 0 : i32
        %dma_start3A_228 = tpu.memref_slice %arg5[%run_scoped3A_31, %dma_start3A_227] : memref<9x64xi32, #tpu.memory_space<vmem>> -> memref<1x64xi32, #tpu.memory_space<vmem>>
        %dma_start3A_229 = tpu.memref_squeeze %dma_start3A_228 : memref<1x64xi32, #tpu.memory_space<vmem>> -> memref<64xi32, #tpu.memory_space<vmem>>
        %dma_start3A_230 = tpu.memref_slice %arg3[%add3A_30] : memref<65536xi32, #tpu.memory_space<hbm>> -> memref<64xi32, #tpu.memory_space<hbm>>
        %dma_start3A_231 = arith.constant 0 : i32
        %dma_start3A_232 = tpu.memref_slice %arg5[%run_scoped3A_31, %dma_start3A_231] : memref<9x64xi32, #tpu.memory_space<vmem>> -> memref<1x64xi32, #tpu.memory_space<vmem>>
        %dma_start3A_233 = tpu.memref_squeeze %dma_start3A_232 : memref<1x64xi32, #tpu.memory_space<vmem>> -> memref<64xi32, #tpu.memory_space<vmem>>
        %dma_start3A_234 = tpu.memref_slice %arg3[%add3A_30] : memref<65536xi32, #tpu.memory_space<hbm>> -> memref<64xi32, #tpu.memory_space<hbm>>
        tpu.enqueue_dma source(%dma_start3A_234 : memref<64xi32, #tpu.memory_space<hbm>>) target(%dma_start3A_233 : memref<64xi32, #tpu.memory_space<vmem>>) target_semaphore(%run_scoped3A_226 : memref<!tpu.dma_semaphore, #tpu.memory_space<semaphore_mem>>)
        %dma_wait3A_235 = arith.constant 0 : i32
        %dma_wait3A_236 = tpu.memref_slice %arg5[%run_scoped3A_31, %dma_wait3A_235] : memref<9x64xi32, #tpu.memory_space<vmem>> -> memref<1x64xi32, #tpu.memory_space<vmem>>
        %dma_wait3A_237 = tpu.memref_squeeze %dma_wait3A_236 : memref<1x64xi32, #tpu.memory_space<vmem>> -> memref<64xi32, #tpu.memory_space<vmem>>
        %dma_wait3A_238 = tpu.memref_slice %arg3[%add3A_30] : memref<65536xi32, #tpu.memory_space<hbm>> -> memref<64xi32, #tpu.memory_space<hbm>>
        %dma_wait3A_239 = arith.constant 0 : i32
        %dma_wait3A_240 = tpu.memref_slice %arg5[%run_scoped3A_31, %dma_wait3A_239] : memref<9x64xi32, #tpu.memory_space<vmem>> -> memref<1x64xi32, #tpu.memory_space<vmem>>
        %dma_wait3A_241 = tpu.memref_squeeze %dma_wait3A_240 : memref<1x64xi32, #tpu.memory_space<vmem>> -> memref<64xi32, #tpu.memory_space<vmem>>
        %dma_wait3A_242 = tpu.memref_slice %arg3[%add3A_30] : memref<65536xi32, #tpu.memory_space<hbm>> -> memref<64xi32, #tpu.memory_space<hbm>>
        tpu.wait_dma2 semaphore(%run_scoped3A_226 : memref<!tpu.dma_semaphore, #tpu.memory_space<semaphore_mem>>) src(%dma_wait3A_242 : memref<64xi32, #tpu.memory_space<hbm>>) dst(%dma_wait3A_241 : memref<64xi32, #tpu.memory_space<vmem>>)
        tpu.yield
      }) : () -> ()
      %add3A_32 = arith.constant 24576 : i32
      %add3A_33 = arith.addi %add3A_32, %add3A_14 : i32
      %run_scoped3A_34 = arith.constant 6 : i32
      "tpu.region"() ({
        %run_scoped3A_226 = tpu.sem_alloc : memref<!tpu.dma_semaphore, #tpu.memory_space<semaphore_mem>>
        %dma_start3A_227 = arith.constant 0 : i32
        %dma_start3A_228 = tpu.memref_slice %arg5[%run_scoped3A_34, %dma_start3A_227] : memref<9x64xi32, #tpu.memory_space<vmem>> -> memref<1x64xi32, #tpu.memory_space<vmem>>
        %dma_start3A_229 = tpu.memref_squeeze %dma_start3A_228 : memref<1x64xi32, #tpu.memory_space<vmem>> -> memref<64xi32, #tpu.memory_space<vmem>>
        %dma_start3A_230 = tpu.memref_slice %arg3[%add3A_33] : memref<65536xi32, #tpu.memory_space<hbm>> -> memref<64xi32, #tpu.memory_space<hbm>>
        %dma_start3A_231 = arith.constant 0 : i32
        %dma_start3A_232 = tpu.memref_slice %arg5[%run_scoped3A_34, %dma_start3A_231] : memref<9x64xi32, #tpu.memory_space<vmem>> -> memref<1x64xi32, #tpu.memory_space<vmem>>
        %dma_start3A_233 = tpu.memref_squeeze %dma_start3A_232 : memref<1x64xi32, #tpu.memory_space<vmem>> -> memref<64xi32, #tpu.memory_space<vmem>>
        %dma_start3A_234 = tpu.memref_slice %arg3[%add3A_33] : memref<65536xi32, #tpu.memory_space<hbm>> -> memref<64xi32, #tpu.memory_space<hbm>>
        tpu.enqueue_dma source(%dma_start3A_234 : memref<64xi32, #tpu.memory_space<hbm>>) target(%dma_start3A_233 : memref<64xi32, #tpu.memory_space<vmem>>) target_semaphore(%run_scoped3A_226 : memref<!tpu.dma_semaphore, #tpu.memory_space<semaphore_mem>>)
        %dma_wait3A_235 = arith.constant 0 : i32
        %dma_wait3A_236 = tpu.memref_slice %arg5[%run_scoped3A_34, %dma_wait3A_235] : memref<9x64xi32, #tpu.memory_space<vmem>> -> memref<1x64xi32, #tpu.memory_space<vmem>>
        %dma_wait3A_237 = tpu.memref_squeeze %dma_wait3A_236 : memref<1x64xi32, #tpu.memory_space<vmem>> -> memref<64xi32, #tpu.memory_space<vmem>>
        %dma_wait3A_238 = tpu.memref_slice %arg3[%add3A_33] : memref<65536xi32, #tpu.memory_space<hbm>> -> memref<64xi32, #tpu.memory_space<hbm>>
        %dma_wait3A_239 = arith.constant 0 : i32
        %dma_wait3A_240 = tpu.memref_slice %arg5[%run_scoped3A_34, %dma_wait3A_239] : memref<9x64xi32, #tpu.memory_space<vmem>> -> memref<1x64xi32, #tpu.memory_space<vmem>>
        %dma_wait3A_241 = tpu.memref_squeeze %dma_wait3A_240 : memref<1x64xi32, #tpu.memory_space<vmem>> -> memref<64xi32, #tpu.memory_space<vmem>>
        %dma_wait3A_242 = tpu.memref_slice %arg3[%add3A_33] : memref<65536xi32, #tpu.memory_space<hbm>> -> memref<64xi32, #tpu.memory_space<hbm>>
        tpu.wait_dma2 semaphore(%run_scoped3A_226 : memref<!tpu.dma_semaphore, #tpu.memory_space<semaphore_mem>>) src(%dma_wait3A_242 : memref<64xi32, #tpu.memory_space<hbm>>) dst(%dma_wait3A_241 : memref<64xi32, #tpu.memory_space<vmem>>)
        tpu.yield
      }) : () -> ()
      %add3A_35 = arith.constant 28672 : i32
      %add3A_36 = arith.addi %add3A_35, %add3A_14 : i32
      %run_scoped3A_37 = arith.constant 7 : i32
      "tpu.region"() ({
        %run_scoped3A_226 = tpu.sem_alloc : memref<!tpu.dma_semaphore, #tpu.memory_space<semaphore_mem>>
        %dma_start3A_227 = arith.constant 0 : i32
        %dma_start3A_228 = tpu.memref_slice %arg5[%run_scoped3A_37, %dma_start3A_227] : memref<9x64xi32, #tpu.memory_space<vmem>> -> memref<1x64xi32, #tpu.memory_space<vmem>>
        %dma_start3A_229 = tpu.memref_squeeze %dma_start3A_228 : memref<1x64xi32, #tpu.memory_space<vmem>> -> memref<64xi32, #tpu.memory_space<vmem>>
        %dma_start3A_230 = tpu.memref_slice %arg3[%add3A_36] : memref<65536xi32, #tpu.memory_space<hbm>> -> memref<64xi32, #tpu.memory_space<hbm>>
        %dma_start3A_231 = arith.constant 0 : i32
        %dma_start3A_232 = tpu.memref_slice %arg5[%run_scoped3A_37, %dma_start3A_231] : memref<9x64xi32, #tpu.memory_space<vmem>> -> memref<1x64xi32, #tpu.memory_space<vmem>>
        %dma_start3A_233 = tpu.memref_squeeze %dma_start3A_232 : memref<1x64xi32, #tpu.memory_space<vmem>> -> memref<64xi32, #tpu.memory_space<vmem>>
        %dma_start3A_234 = tpu.memref_slice %arg3[%add3A_36] : memref<65536xi32, #tpu.memory_space<hbm>> -> memref<64xi32, #tpu.memory_space<hbm>>
        tpu.enqueue_dma source(%dma_start3A_234 : memref<64xi32, #tpu.memory_space<hbm>>) target(%dma_start3A_233 : memref<64xi32, #tpu.memory_space<vmem>>) target_semaphore(%run_scoped3A_226 : memref<!tpu.dma_semaphore, #tpu.memory_space<semaphore_mem>>)
        %dma_wait3A_235 = arith.constant 0 : i32
        %dma_wait3A_236 = tpu.memref_slice %arg5[%run_scoped3A_37, %dma_wait3A_235] : memref<9x64xi32, #tpu.memory_space<vmem>> -> memref<1x64xi32, #tpu.memory_space<vmem>>
        %dma_wait3A_237 = tpu.memref_squeeze %dma_wait3A_236 : memref<1x64xi32, #tpu.memory_space<vmem>> -> memref<64xi32, #tpu.memory_space<vmem>>
        %dma_wait3A_238 = tpu.memref_slice %arg3[%add3A_36] : memref<65536xi32, #tpu.memory_space<hbm>> -> memref<64xi32, #tpu.memory_space<hbm>>
        %dma_wait3A_239 = arith.constant 0 : i32
        %dma_wait3A_240 = tpu.memref_slice %arg5[%run_scoped3A_37, %dma_wait3A_239] : memref<9x64xi32, #tpu.memory_space<vmem>> -> memref<1x64xi32, #tpu.memory_space<vmem>>
        %dma_wait3A_241 = tpu.memref_squeeze %dma_wait3A_240 : memref<1x64xi32, #tpu.memory_space<vmem>> -> memref<64xi32, #tpu.memory_space<vmem>>
        %dma_wait3A_242 = tpu.memref_slice %arg3[%add3A_36] : memref<65536xi32, #tpu.memory_space<hbm>> -> memref<64xi32, #tpu.memory_space<hbm>>
        tpu.wait_dma2 semaphore(%run_scoped3A_226 : memref<!tpu.dma_semaphore, #tpu.memory_space<semaphore_mem>>) src(%dma_wait3A_242 : memref<64xi32, #tpu.memory_space<hbm>>) dst(%dma_wait3A_241 : memref<64xi32, #tpu.memory_space<vmem>>)
        tpu.yield
      }) : () -> ()
      %add3A_38 = arith.constant 32768 : i32
      %add3A_39 = arith.addi %add3A_38, %add3A_14 : i32
      %run_scoped3A_40 = arith.constant 8 : i32
      "tpu.region"() ({
        %run_scoped3A_226 = tpu.sem_alloc : memref<!tpu.dma_semaphore, #tpu.memory_space<semaphore_mem>>
        %dma_start3A_227 = arith.constant 0 : i32
        %dma_start3A_228 = tpu.memref_slice %arg5[%run_scoped3A_40, %dma_start3A_227] : memref<9x64xi32, #tpu.memory_space<vmem>> -> memref<1x64xi32, #tpu.memory_space<vmem>>
        %dma_start3A_229 = tpu.memref_squeeze %dma_start3A_228 : memref<1x64xi32, #tpu.memory_space<vmem>> -> memref<64xi32, #tpu.memory_space<vmem>>
        %dma_start3A_230 = tpu.memref_slice %arg3[%add3A_39] : memref<65536xi32, #tpu.memory_space<hbm>> -> memref<64xi32, #tpu.memory_space<hbm>>
        %dma_start3A_231 = arith.constant 0 : i32
        %dma_start3A_232 = tpu.memref_slice %arg5[%run_scoped3A_40, %dma_start3A_231] : memref<9x64xi32, #tpu.memory_space<vmem>> -> memref<1x64xi32, #tpu.memory_space<vmem>>
        %dma_start3A_233 = tpu.memref_squeeze %dma_start3A_232 : memref<1x64xi32, #tpu.memory_space<vmem>> -> memref<64xi32, #tpu.memory_space<vmem>>
        %dma_start3A_234 = tpu.memref_slice %arg3[%add3A_39] : memref<65536xi32, #tpu.memory_space<hbm>> -> memref<64xi32, #tpu.memory_space<hbm>>
        tpu.enqueue_dma source(%dma_start3A_234 : memref<64xi32, #tpu.memory_space<hbm>>) target(%dma_start3A_233 : memref<64xi32, #tpu.memory_space<vmem>>) target_semaphore(%run_scoped3A_226 : memref<!tpu.dma_semaphore, #tpu.memory_space<semaphore_mem>>)
        %dma_wait3A_235 = arith.constant 0 : i32
        %dma_wait3A_236 = tpu.memref_slice %arg5[%run_scoped3A_40, %dma_wait3A_235] : memref<9x64xi32, #tpu.memory_space<vmem>> -> memref<1x64xi32, #tpu.memory_space<vmem>>
        %dma_wait3A_237 = tpu.memref_squeeze %dma_wait3A_236 : memref<1x64xi32, #tpu.memory_space<vmem>> -> memref<64xi32, #tpu.memory_space<vmem>>
        %dma_wait3A_238 = tpu.memref_slice %arg3[%add3A_39] : memref<65536xi32, #tpu.memory_space<hbm>> -> memref<64xi32, #tpu.memory_space<hbm>>
        %dma_wait3A_239 = arith.constant 0 : i32
        %dma_wait3A_240 = tpu.memref_slice %arg5[%run_scoped3A_40, %dma_wait3A_239] : memref<9x64xi32, #tpu.memory_space<vmem>> -> memref<1x64xi32, #tpu.memory_space<vmem>>
        %dma_wait3A_241 = tpu.memref_squeeze %dma_wait3A_240 : memref<1x64xi32, #tpu.memory_space<vmem>> -> memref<64xi32, #tpu.memory_space<vmem>>
        %dma_wait3A_242 = tpu.memref_slice %arg3[%add3A_39] : memref<65536xi32, #tpu.memory_space<hbm>> -> memref<64xi32, #tpu.memory_space<hbm>>
        tpu.wait_dma2 semaphore(%run_scoped3A_226 : memref<!tpu.dma_semaphore, #tpu.memory_space<semaphore_mem>>) src(%dma_wait3A_242 : memref<64xi32, #tpu.memory_space<hbm>>) dst(%dma_wait3A_241 : memref<64xi32, #tpu.memory_space<vmem>>)
        tpu.yield
      }) : () -> ()
      %dma_start3A = arith.constant 0 : i32
      %dma_start3A_41 = arith.constant 0 : i32
      %dma_start3A_42 = arith.constant 0 : i32
      %dma_start3A_43 = tpu.memref_slice %arg6[%dma_start3A_41, %dma_start3A_42] : memref<576x128xf32, #tpu.memory_space<vmem>> -> memref<64x128xf32, #tpu.memory_space<vmem>>
      %dma_start3A_44 = arith.constant 0 : i32
      %dma_start3A_45 = tpu.memref_slice %arg5[%dma_start3A, %dma_start3A_44] : memref<9x64xi32, #tpu.memory_space<vmem>> -> memref<1x64xi32, #tpu.memory_space<vmem>>
      %dma_start3A_46 = tpu.memref_squeeze %dma_start3A_45 : memref<1x64xi32, #tpu.memory_space<vmem>> -> memref<64xi32, #tpu.memory_space<vmem>>
      %dma_start3A_47 = arith.constant 0 : i32
      %dma_start3A_48 = arith.constant 0 : i32
      %dma_start3A_49 = tpu.memref_slice %arg2[%dma_start3A_47, %dma_start3A_48] : memref<8192x128xf32, #tpu.memory_space<hbm>> -> memref<8192x128xf32, #tpu.memory_space<hbm>>
      tpu.enqueue_indirect_dma source(%dma_start3A_49 : memref<8192x128xf32, #tpu.memory_space<hbm>>) target(%dma_start3A_43 : memref<64x128xf32, #tpu.memory_space<vmem>>) offsets(%dma_start3A_46 : memref<64xi32, #tpu.memory_space<vmem>>) semaphore(%arg9 : memref<!tpu.dma_semaphore, #tpu.memory_space<semaphore_mem>>)
      %dma_start3A_50 = arith.constant 1 : i32
      %dma_start3A_51 = arith.constant 64 : i32
      %dma_start3A_52 = arith.constant 0 : i32
      %dma_start3A_53 = tpu.memref_slice %arg6[%dma_start3A_51, %dma_start3A_52] : memref<576x128xf32, #tpu.memory_space<vmem>> -> memref<64x128xf32, #tpu.memory_space<vmem>>
      %dma_start3A_54 = arith.constant 0 : i32
      %dma_start3A_55 = tpu.memref_slice %arg5[%dma_start3A_50, %dma_start3A_54] : memref<9x64xi32, #tpu.memory_space<vmem>> -> memref<1x64xi32, #tpu.memory_space<vmem>>
      %dma_start3A_56 = tpu.memref_squeeze %dma_start3A_55 : memref<1x64xi32, #tpu.memory_space<vmem>> -> memref<64xi32, #tpu.memory_space<vmem>>
      %dma_start3A_57 = arith.constant 0 : i32
      %dma_start3A_58 = arith.constant 0 : i32
      %dma_start3A_59 = tpu.memref_slice %arg2[%dma_start3A_57, %dma_start3A_58] : memref<8192x128xf32, #tpu.memory_space<hbm>> -> memref<8192x128xf32, #tpu.memory_space<hbm>>
      tpu.enqueue_indirect_dma source(%dma_start3A_59 : memref<8192x128xf32, #tpu.memory_space<hbm>>) target(%dma_start3A_53 : memref<64x128xf32, #tpu.memory_space<vmem>>) offsets(%dma_start3A_56 : memref<64xi32, #tpu.memory_space<vmem>>) semaphore(%arg9 : memref<!tpu.dma_semaphore, #tpu.memory_space<semaphore_mem>>)
      %dma_start3A_60 = arith.constant 2 : i32
      %dma_start3A_61 = arith.constant 128 : i32
      %dma_start3A_62 = arith.constant 0 : i32
      %dma_start3A_63 = tpu.memref_slice %arg6[%dma_start3A_61, %dma_start3A_62] : memref<576x128xf32, #tpu.memory_space<vmem>> -> memref<64x128xf32, #tpu.memory_space<vmem>>
      %dma_start3A_64 = arith.constant 0 : i32
      %dma_start3A_65 = tpu.memref_slice %arg5[%dma_start3A_60, %dma_start3A_64] : memref<9x64xi32, #tpu.memory_space<vmem>> -> memref<1x64xi32, #tpu.memory_space<vmem>>
      %dma_start3A_66 = tpu.memref_squeeze %dma_start3A_65 : memref<1x64xi32, #tpu.memory_space<vmem>> -> memref<64xi32, #tpu.memory_space<vmem>>
      %dma_start3A_67 = arith.constant 0 : i32
      %dma_start3A_68 = arith.constant 0 : i32
      %dma_start3A_69 = tpu.memref_slice %arg2[%dma_start3A_67, %dma_start3A_68] : memref<8192x128xf32, #tpu.memory_space<hbm>> -> memref<8192x128xf32, #tpu.memory_space<hbm>>
      tpu.enqueue_indirect_dma source(%dma_start3A_69 : memref<8192x128xf32, #tpu.memory_space<hbm>>) target(%dma_start3A_63 : memref<64x128xf32, #tpu.memory_space<vmem>>) offsets(%dma_start3A_66 : memref<64xi32, #tpu.memory_space<vmem>>) semaphore(%arg9 : memref<!tpu.dma_semaphore, #tpu.memory_space<semaphore_mem>>)
      %dma_start3A_70 = arith.constant 3 : i32
      %dma_start3A_71 = arith.constant 192 : i32
      %dma_start3A_72 = arith.constant 0 : i32
      %dma_start3A_73 = tpu.memref_slice %arg6[%dma_start3A_71, %dma_start3A_72] : memref<576x128xf32, #tpu.memory_space<vmem>> -> memref<64x128xf32, #tpu.memory_space<vmem>>
      %dma_start3A_74 = arith.constant 0 : i32
      %dma_start3A_75 = tpu.memref_slice %arg5[%dma_start3A_70, %dma_start3A_74] : memref<9x64xi32, #tpu.memory_space<vmem>> -> memref<1x64xi32, #tpu.memory_space<vmem>>
      %dma_start3A_76 = tpu.memref_squeeze %dma_start3A_75 : memref<1x64xi32, #tpu.memory_space<vmem>> -> memref<64xi32, #tpu.memory_space<vmem>>
      %dma_start3A_77 = arith.constant 0 : i32
      %dma_start3A_78 = arith.constant 0 : i32
      %dma_start3A_79 = tpu.memref_slice %arg2[%dma_start3A_77, %dma_start3A_78] : memref<8192x128xf32, #tpu.memory_space<hbm>> -> memref<8192x128xf32, #tpu.memory_space<hbm>>
      tpu.enqueue_indirect_dma source(%dma_start3A_79 : memref<8192x128xf32, #tpu.memory_space<hbm>>) target(%dma_start3A_73 : memref<64x128xf32, #tpu.memory_space<vmem>>) offsets(%dma_start3A_76 : memref<64xi32, #tpu.memory_space<vmem>>) semaphore(%arg9 : memref<!tpu.dma_semaphore, #tpu.memory_space<semaphore_mem>>)
      %dma_start3A_80 = arith.constant 4 : i32
      %dma_start3A_81 = arith.constant 256 : i32
      %dma_start3A_82 = arith.constant 0 : i32
      %dma_start3A_83 = tpu.memref_slice %arg6[%dma_start3A_81, %dma_start3A_82] : memref<576x128xf32, #tpu.memory_space<vmem>> -> memref<64x128xf32, #tpu.memory_space<vmem>>
      %dma_start3A_84 = arith.constant 0 : i32
      %dma_start3A_85 = tpu.memref_slice %arg5[%dma_start3A_80, %dma_start3A_84] : memref<9x64xi32, #tpu.memory_space<vmem>> -> memref<1x64xi32, #tpu.memory_space<vmem>>
      %dma_start3A_86 = tpu.memref_squeeze %dma_start3A_85 : memref<1x64xi32, #tpu.memory_space<vmem>> -> memref<64xi32, #tpu.memory_space<vmem>>
      %dma_start3A_87 = arith.constant 0 : i32
      %dma_start3A_88 = arith.constant 0 : i32
      %dma_start3A_89 = tpu.memref_slice %arg2[%dma_start3A_87, %dma_start3A_88] : memref<8192x128xf32, #tpu.memory_space<hbm>> -> memref<8192x128xf32, #tpu.memory_space<hbm>>
      tpu.enqueue_indirect_dma source(%dma_start3A_89 : memref<8192x128xf32, #tpu.memory_space<hbm>>) target(%dma_start3A_83 : memref<64x128xf32, #tpu.memory_space<vmem>>) offsets(%dma_start3A_86 : memref<64xi32, #tpu.memory_space<vmem>>) semaphore(%arg9 : memref<!tpu.dma_semaphore, #tpu.memory_space<semaphore_mem>>)
      %dma_start3A_90 = arith.constant 5 : i32
      %dma_start3A_91 = arith.constant 320 : i32
      %dma_start3A_92 = arith.constant 0 : i32
      %dma_start3A_93 = tpu.memref_slice %arg6[%dma_start3A_91, %dma_start3A_92] : memref<576x128xf32, #tpu.memory_space<vmem>> -> memref<64x128xf32, #tpu.memory_space<vmem>>
      %dma_start3A_94 = arith.constant 0 : i32
      %dma_start3A_95 = tpu.memref_slice %arg5[%dma_start3A_90, %dma_start3A_94] : memref<9x64xi32, #tpu.memory_space<vmem>> -> memref<1x64xi32, #tpu.memory_space<vmem>>
      %dma_start3A_96 = tpu.memref_squeeze %dma_start3A_95 : memref<1x64xi32, #tpu.memory_space<vmem>> -> memref<64xi32, #tpu.memory_space<vmem>>
      %dma_start3A_97 = arith.constant 0 : i32
      %dma_start3A_98 = arith.constant 0 : i32
      %dma_start3A_99 = tpu.memref_slice %arg2[%dma_start3A_97, %dma_start3A_98] : memref<8192x128xf32, #tpu.memory_space<hbm>> -> memref<8192x128xf32, #tpu.memory_space<hbm>>
      tpu.enqueue_indirect_dma source(%dma_start3A_99 : memref<8192x128xf32, #tpu.memory_space<hbm>>) target(%dma_start3A_93 : memref<64x128xf32, #tpu.memory_space<vmem>>) offsets(%dma_start3A_96 : memref<64xi32, #tpu.memory_space<vmem>>) semaphore(%arg9 : memref<!tpu.dma_semaphore, #tpu.memory_space<semaphore_mem>>)
      %dma_start3A_100 = arith.constant 6 : i32
      %dma_start3A_101 = arith.constant 384 : i32
      %dma_start3A_102 = arith.constant 0 : i32
      %dma_start3A_103 = tpu.memref_slice %arg6[%dma_start3A_101, %dma_start3A_102] : memref<576x128xf32, #tpu.memory_space<vmem>> -> memref<64x128xf32, #tpu.memory_space<vmem>>
      %dma_start3A_104 = arith.constant 0 : i32
      %dma_start3A_105 = tpu.memref_slice %arg5[%dma_start3A_100, %dma_start3A_104] : memref<9x64xi32, #tpu.memory_space<vmem>> -> memref<1x64xi32, #tpu.memory_space<vmem>>
      %dma_start3A_106 = tpu.memref_squeeze %dma_start3A_105 : memref<1x64xi32, #tpu.memory_space<vmem>> -> memref<64xi32, #tpu.memory_space<vmem>>
      %dma_start3A_107 = arith.constant 0 : i32
      %dma_start3A_108 = arith.constant 0 : i32
      %dma_start3A_109 = tpu.memref_slice %arg2[%dma_start3A_107, %dma_start3A_108] : memref<8192x128xf32, #tpu.memory_space<hbm>> -> memref<8192x128xf32, #tpu.memory_space<hbm>>
      tpu.enqueue_indirect_dma source(%dma_start3A_109 : memref<8192x128xf32, #tpu.memory_space<hbm>>) target(%dma_start3A_103 : memref<64x128xf32, #tpu.memory_space<vmem>>) offsets(%dma_start3A_106 : memref<64xi32, #tpu.memory_space<vmem>>) semaphore(%arg9 : memref<!tpu.dma_semaphore, #tpu.memory_space<semaphore_mem>>)
      %dma_start3A_110 = arith.constant 7 : i32
      %dma_start3A_111 = arith.constant 448 : i32
      %dma_start3A_112 = arith.constant 0 : i32
      %dma_start3A_113 = tpu.memref_slice %arg6[%dma_start3A_111, %dma_start3A_112] : memref<576x128xf32, #tpu.memory_space<vmem>> -> memref<64x128xf32, #tpu.memory_space<vmem>>
      %dma_start3A_114 = arith.constant 0 : i32
      %dma_start3A_115 = tpu.memref_slice %arg5[%dma_start3A_110, %dma_start3A_114] : memref<9x64xi32, #tpu.memory_space<vmem>> -> memref<1x64xi32, #tpu.memory_space<vmem>>
      %dma_start3A_116 = tpu.memref_squeeze %dma_start3A_115 : memref<1x64xi32, #tpu.memory_space<vmem>> -> memref<64xi32, #tpu.memory_space<vmem>>
      %dma_start3A_117 = arith.constant 0 : i32
      %dma_start3A_118 = arith.constant 0 : i32
      %dma_start3A_119 = tpu.memref_slice %arg2[%dma_start3A_117, %dma_start3A_118] : memref<8192x128xf32, #tpu.memory_space<hbm>> -> memref<8192x128xf32, #tpu.memory_space<hbm>>
      tpu.enqueue_indirect_dma source(%dma_start3A_119 : memref<8192x128xf32, #tpu.memory_space<hbm>>) target(%dma_start3A_113 : memref<64x128xf32, #tpu.memory_space<vmem>>) offsets(%dma_start3A_116 : memref<64xi32, #tpu.memory_space<vmem>>) semaphore(%arg9 : memref<!tpu.dma_semaphore, #tpu.memory_space<semaphore_mem>>)
      %dma_start3A_120 = arith.constant 8 : i32
      %dma_start3A_121 = arith.constant 512 : i32
      %dma_start3A_122 = arith.constant 0 : i32
      %dma_start3A_123 = tpu.memref_slice %arg6[%dma_start3A_121, %dma_start3A_122] : memref<576x128xf32, #tpu.memory_space<vmem>> -> memref<64x128xf32, #tpu.memory_space<vmem>>
      %dma_start3A_124 = arith.constant 0 : i32
      %dma_start3A_125 = tpu.memref_slice %arg5[%dma_start3A_120, %dma_start3A_124] : memref<9x64xi32, #tpu.memory_space<vmem>> -> memref<1x64xi32, #tpu.memory_space<vmem>>
      %dma_start3A_126 = tpu.memref_squeeze %dma_start3A_125 : memref<1x64xi32, #tpu.memory_space<vmem>> -> memref<64xi32, #tpu.memory_space<vmem>>
      %dma_start3A_127 = arith.constant 0 : i32
      %dma_start3A_128 = arith.constant 0 : i32
      %dma_start3A_129 = tpu.memref_slice %arg2[%dma_start3A_127, %dma_start3A_128] : memref<8192x128xf32, #tpu.memory_space<hbm>> -> memref<8192x128xf32, #tpu.memory_space<hbm>>
      tpu.enqueue_indirect_dma source(%dma_start3A_129 : memref<8192x128xf32, #tpu.memory_space<hbm>>) target(%dma_start3A_123 : memref<64x128xf32, #tpu.memory_space<vmem>>) offsets(%dma_start3A_126 : memref<64xi32, #tpu.memory_space<vmem>>) semaphore(%arg9 : memref<!tpu.dma_semaphore, #tpu.memory_space<semaphore_mem>>)
      %add3A_130 = arith.constant 0 : i32
      %add3A_131 = arith.addi %add3A_130, %add3A_14 : i32
      "tpu.region"() ({
        %run_scoped3A_226 = tpu.sem_alloc : memref<!tpu.dma_semaphore, #tpu.memory_space<semaphore_mem>>
        %dma_start3A_227 = arith.constant 0 : i32
        %dma_start3A_228 = tpu.memref_slice %arg2[%add3A_131, %dma_start3A_227] : memref<8192x128xf32, #tpu.memory_space<hbm>> -> memref<64x128xf32, #tpu.memory_space<hbm>>
        %dma_start3A_229 = arith.constant 0 : i32
        %dma_start3A_230 = tpu.memref_slice %arg2[%add3A_131, %dma_start3A_229] : memref<8192x128xf32, #tpu.memory_space<hbm>> -> memref<64x128xf32, #tpu.memory_space<hbm>>
        tpu.enqueue_dma source(%dma_start3A_230 : memref<64x128xf32, #tpu.memory_space<hbm>>) target(%arg7 : memref<64x128xf32, #tpu.memory_space<vmem>>) target_semaphore(%run_scoped3A_226 : memref<!tpu.dma_semaphore, #tpu.memory_space<semaphore_mem>>)
        %dma_wait3A_231 = arith.constant 0 : i32
        %dma_wait3A_232 = tpu.memref_slice %arg2[%add3A_131, %dma_wait3A_231] : memref<8192x128xf32, #tpu.memory_space<hbm>> -> memref<64x128xf32, #tpu.memory_space<hbm>>
        %dma_wait3A_233 = arith.constant 0 : i32
        %dma_wait3A_234 = tpu.memref_slice %arg2[%add3A_131, %dma_wait3A_233] : memref<8192x128xf32, #tpu.memory_space<hbm>> -> memref<64x128xf32, #tpu.memory_space<hbm>>
        tpu.wait_dma2 semaphore(%run_scoped3A_226 : memref<!tpu.dma_semaphore, #tpu.memory_space<semaphore_mem>>) src(%dma_wait3A_234 : memref<64x128xf32, #tpu.memory_space<hbm>>) dst(%arg7 : memref<64x128xf32, #tpu.memory_space<vmem>>)
        tpu.yield
      }) : () -> ()
      %dma_wait3A = arith.constant 0 : i32
      %dma_wait3A_132 = arith.constant 0 : i32
      %dma_wait3A_133 = arith.constant 0 : i32
      %dma_wait3A_134 = tpu.memref_slice %arg6[%dma_wait3A_132, %dma_wait3A_133] : memref<576x128xf32, #tpu.memory_space<vmem>> -> memref<64x128xf32, #tpu.memory_space<vmem>>
      %dma_wait3A_135 = arith.constant 0 : i32
      %dma_wait3A_136 = tpu.memref_slice %arg5[%dma_wait3A, %dma_wait3A_135] : memref<9x64xi32, #tpu.memory_space<vmem>> -> memref<1x64xi32, #tpu.memory_space<vmem>>
      %dma_wait3A_137 = tpu.memref_squeeze %dma_wait3A_136 : memref<1x64xi32, #tpu.memory_space<vmem>> -> memref<64xi32, #tpu.memory_space<vmem>>
      %dma_wait3A_138 = arith.constant 0 : i32
      %dma_wait3A_139 = arith.constant 0 : i32
      %dma_wait3A_140 = tpu.memref_slice %arg2[%dma_wait3A_138, %dma_wait3A_139] : memref<8192x128xf32, #tpu.memory_space<hbm>> -> memref<8192x128xf32, #tpu.memory_space<hbm>>
      tpu.wait_indirect_dma semaphore(%arg9 : memref<!tpu.dma_semaphore, #tpu.memory_space<semaphore_mem>>) src(%dma_wait3A_140 : memref<8192x128xf32, #tpu.memory_space<hbm>>) dst(%dma_wait3A_134 : memref<64x128xf32, #tpu.memory_space<vmem>>)
      %dma_wait3A_141 = arith.constant 1 : i32
      %dma_wait3A_142 = arith.constant 64 : i32
      %dma_wait3A_143 = arith.constant 0 : i32
      %dma_wait3A_144 = tpu.memref_slice %arg6[%dma_wait3A_142, %dma_wait3A_143] : memref<576x128xf32, #tpu.memory_space<vmem>> -> memref<64x128xf32, #tpu.memory_space<vmem>>
      %dma_wait3A_145 = arith.constant 0 : i32
      %dma_wait3A_146 = tpu.memref_slice %arg5[%dma_wait3A_141, %dma_wait3A_145] : memref<9x64xi32, #tpu.memory_space<vmem>> -> memref<1x64xi32, #tpu.memory_space<vmem>>
      %dma_wait3A_147 = tpu.memref_squeeze %dma_wait3A_146 : memref<1x64xi32, #tpu.memory_space<vmem>> -> memref<64xi32, #tpu.memory_space<vmem>>
      %dma_wait3A_148 = arith.constant 0 : i32
      %dma_wait3A_149 = arith.constant 0 : i32
      %dma_wait3A_150 = tpu.memref_slice %arg2[%dma_wait3A_148, %dma_wait3A_149] : memref<8192x128xf32, #tpu.memory_space<hbm>> -> memref<8192x128xf32, #tpu.memory_space<hbm>>
      tpu.wait_indirect_dma semaphore(%arg9 : memref<!tpu.dma_semaphore, #tpu.memory_space<semaphore_mem>>) src(%dma_wait3A_150 : memref<8192x128xf32, #tpu.memory_space<hbm>>) dst(%dma_wait3A_144 : memref<64x128xf32, #tpu.memory_space<vmem>>)
      %dma_wait3A_151 = arith.constant 2 : i32
      %dma_wait3A_152 = arith.constant 128 : i32
      %dma_wait3A_153 = arith.constant 0 : i32
      %dma_wait3A_154 = tpu.memref_slice %arg6[%dma_wait3A_152, %dma_wait3A_153] : memref<576x128xf32, #tpu.memory_space<vmem>> -> memref<64x128xf32, #tpu.memory_space<vmem>>
      %dma_wait3A_155 = arith.constant 0 : i32
      %dma_wait3A_156 = tpu.memref_slice %arg5[%dma_wait3A_151, %dma_wait3A_155] : memref<9x64xi32, #tpu.memory_space<vmem>> -> memref<1x64xi32, #tpu.memory_space<vmem>>
      %dma_wait3A_157 = tpu.memref_squeeze %dma_wait3A_156 : memref<1x64xi32, #tpu.memory_space<vmem>> -> memref<64xi32, #tpu.memory_space<vmem>>
      %dma_wait3A_158 = arith.constant 0 : i32
      %dma_wait3A_159 = arith.constant 0 : i32
      %dma_wait3A_160 = tpu.memref_slice %arg2[%dma_wait3A_158, %dma_wait3A_159] : memref<8192x128xf32, #tpu.memory_space<hbm>> -> memref<8192x128xf32, #tpu.memory_space<hbm>>
      tpu.wait_indirect_dma semaphore(%arg9 : memref<!tpu.dma_semaphore, #tpu.memory_space<semaphore_mem>>) src(%dma_wait3A_160 : memref<8192x128xf32, #tpu.memory_space<hbm>>) dst(%dma_wait3A_154 : memref<64x128xf32, #tpu.memory_space<vmem>>)
      %dma_wait3A_161 = arith.constant 3 : i32
      %dma_wait3A_162 = arith.constant 192 : i32
      %dma_wait3A_163 = arith.constant 0 : i32
      %dma_wait3A_164 = tpu.memref_slice %arg6[%dma_wait3A_162, %dma_wait3A_163] : memref<576x128xf32, #tpu.memory_space<vmem>> -> memref<64x128xf32, #tpu.memory_space<vmem>>
      %dma_wait3A_165 = arith.constant 0 : i32
      %dma_wait3A_166 = tpu.memref_slice %arg5[%dma_wait3A_161, %dma_wait3A_165] : memref<9x64xi32, #tpu.memory_space<vmem>> -> memref<1x64xi32, #tpu.memory_space<vmem>>
      %dma_wait3A_167 = tpu.memref_squeeze %dma_wait3A_166 : memref<1x64xi32, #tpu.memory_space<vmem>> -> memref<64xi32, #tpu.memory_space<vmem>>
      %dma_wait3A_168 = arith.constant 0 : i32
      %dma_wait3A_169 = arith.constant 0 : i32
      %dma_wait3A_170 = tpu.memref_slice %arg2[%dma_wait3A_168, %dma_wait3A_169] : memref<8192x128xf32, #tpu.memory_space<hbm>> -> memref<8192x128xf32, #tpu.memory_space<hbm>>
      tpu.wait_indirect_dma semaphore(%arg9 : memref<!tpu.dma_semaphore, #tpu.memory_space<semaphore_mem>>) src(%dma_wait3A_170 : memref<8192x128xf32, #tpu.memory_space<hbm>>) dst(%dma_wait3A_164 : memref<64x128xf32, #tpu.memory_space<vmem>>)
      %dma_wait3A_171 = arith.constant 4 : i32
      %dma_wait3A_172 = arith.constant 256 : i32
      %dma_wait3A_173 = arith.constant 0 : i32
      %dma_wait3A_174 = tpu.memref_slice %arg6[%dma_wait3A_172, %dma_wait3A_173] : memref<576x128xf32, #tpu.memory_space<vmem>> -> memref<64x128xf32, #tpu.memory_space<vmem>>
      %dma_wait3A_175 = arith.constant 0 : i32
      %dma_wait3A_176 = tpu.memref_slice %arg5[%dma_wait3A_171, %dma_wait3A_175] : memref<9x64xi32, #tpu.memory_space<vmem>> -> memref<1x64xi32, #tpu.memory_space<vmem>>
      %dma_wait3A_177 = tpu.memref_squeeze %dma_wait3A_176 : memref<1x64xi32, #tpu.memory_space<vmem>> -> memref<64xi32, #tpu.memory_space<vmem>>
      %dma_wait3A_178 = arith.constant 0 : i32
      %dma_wait3A_179 = arith.constant 0 : i32
      %dma_wait3A_180 = tpu.memref_slice %arg2[%dma_wait3A_178, %dma_wait3A_179] : memref<8192x128xf32, #tpu.memory_space<hbm>> -> memref<8192x128xf32, #tpu.memory_space<hbm>>
      tpu.wait_indirect_dma semaphore(%arg9 : memref<!tpu.dma_semaphore, #tpu.memory_space<semaphore_mem>>) src(%dma_wait3A_180 : memref<8192x128xf32, #tpu.memory_space<hbm>>) dst(%dma_wait3A_174 : memref<64x128xf32, #tpu.memory_space<vmem>>)
      %dma_wait3A_181 = arith.constant 5 : i32
      %dma_wait3A_182 = arith.constant 320 : i32
      %dma_wait3A_183 = arith.constant 0 : i32
      %dma_wait3A_184 = tpu.memref_slice %arg6[%dma_wait3A_182, %dma_wait3A_183] : memref<576x128xf32, #tpu.memory_space<vmem>> -> memref<64x128xf32, #tpu.memory_space<vmem>>
      %dma_wait3A_185 = arith.constant 0 : i32
      %dma_wait3A_186 = tpu.memref_slice %arg5[%dma_wait3A_181, %dma_wait3A_185] : memref<9x64xi32, #tpu.memory_space<vmem>> -> memref<1x64xi32, #tpu.memory_space<vmem>>
      %dma_wait3A_187 = tpu.memref_squeeze %dma_wait3A_186 : memref<1x64xi32, #tpu.memory_space<vmem>> -> memref<64xi32, #tpu.memory_space<vmem>>
      %dma_wait3A_188 = arith.constant 0 : i32
      %dma_wait3A_189 = arith.constant 0 : i32
      %dma_wait3A_190 = tpu.memref_slice %arg2[%dma_wait3A_188, %dma_wait3A_189] : memref<8192x128xf32, #tpu.memory_space<hbm>> -> memref<8192x128xf32, #tpu.memory_space<hbm>>
      tpu.wait_indirect_dma semaphore(%arg9 : memref<!tpu.dma_semaphore, #tpu.memory_space<semaphore_mem>>) src(%dma_wait3A_190 : memref<8192x128xf32, #tpu.memory_space<hbm>>) dst(%dma_wait3A_184 : memref<64x128xf32, #tpu.memory_space<vmem>>)
      %dma_wait3A_191 = arith.constant 6 : i32
      %dma_wait3A_192 = arith.constant 384 : i32
      %dma_wait3A_193 = arith.constant 0 : i32
      %dma_wait3A_194 = tpu.memref_slice %arg6[%dma_wait3A_192, %dma_wait3A_193] : memref<576x128xf32, #tpu.memory_space<vmem>> -> memref<64x128xf32, #tpu.memory_space<vmem>>
      %dma_wait3A_195 = arith.constant 0 : i32
      %dma_wait3A_196 = tpu.memref_slice %arg5[%dma_wait3A_191, %dma_wait3A_195] : memref<9x64xi32, #tpu.memory_space<vmem>> -> memref<1x64xi32, #tpu.memory_space<vmem>>
      %dma_wait3A_197 = tpu.memref_squeeze %dma_wait3A_196 : memref<1x64xi32, #tpu.memory_space<vmem>> -> memref<64xi32, #tpu.memory_space<vmem>>
      %dma_wait3A_198 = arith.constant 0 : i32
      %dma_wait3A_199 = arith.constant 0 : i32
      %dma_wait3A_200 = tpu.memref_slice %arg2[%dma_wait3A_198, %dma_wait3A_199] : memref<8192x128xf32, #tpu.memory_space<hbm>> -> memref<8192x128xf32, #tpu.memory_space<hbm>>
      tpu.wait_indirect_dma semaphore(%arg9 : memref<!tpu.dma_semaphore, #tpu.memory_space<semaphore_mem>>) src(%dma_wait3A_200 : memref<8192x128xf32, #tpu.memory_space<hbm>>) dst(%dma_wait3A_194 : memref<64x128xf32, #tpu.memory_space<vmem>>)
      %dma_wait3A_201 = arith.constant 7 : i32
      %dma_wait3A_202 = arith.constant 448 : i32
      %dma_wait3A_203 = arith.constant 0 : i32
      %dma_wait3A_204 = tpu.memref_slice %arg6[%dma_wait3A_202, %dma_wait3A_203] : memref<576x128xf32, #tpu.memory_space<vmem>> -> memref<64x128xf32, #tpu.memory_space<vmem>>
      %dma_wait3A_205 = arith.constant 0 : i32
      %dma_wait3A_206 = tpu.memref_slice %arg5[%dma_wait3A_201, %dma_wait3A_205] : memref<9x64xi32, #tpu.memory_space<vmem>> -> memref<1x64xi32, #tpu.memory_space<vmem>>
      %dma_wait3A_207 = tpu.memref_squeeze %dma_wait3A_206 : memref<1x64xi32, #tpu.memory_space<vmem>> -> memref<64xi32, #tpu.memory_space<vmem>>
      %dma_wait3A_208 = arith.constant 0 : i32
      %dma_wait3A_209 = arith.constant 0 : i32
      %dma_wait3A_210 = tpu.memref_slice %arg2[%dma_wait3A_208, %dma_wait3A_209] : memref<8192x128xf32, #tpu.memory_space<hbm>> -> memref<8192x128xf32, #tpu.memory_space<hbm>>
      tpu.wait_indirect_dma semaphore(%arg9 : memref<!tpu.dma_semaphore, #tpu.memory_space<semaphore_mem>>) src(%dma_wait3A_210 : memref<8192x128xf32, #tpu.memory_space<hbm>>) dst(%dma_wait3A_204 : memref<64x128xf32, #tpu.memory_space<vmem>>)
      %dma_wait3A_211 = arith.constant 8 : i32
      %dma_wait3A_212 = arith.constant 512 : i32
      %dma_wait3A_213 = arith.constant 0 : i32
      %dma_wait3A_214 = tpu.memref_slice %arg6[%dma_wait3A_212, %dma_wait3A_213] : memref<576x128xf32, #tpu.memory_space<vmem>> -> memref<64x128xf32, #tpu.memory_space<vmem>>
      %dma_wait3A_215 = arith.constant 0 : i32
      %dma_wait3A_216 = tpu.memref_slice %arg5[%dma_wait3A_211, %dma_wait3A_215] : memref<9x64xi32, #tpu.memory_space<vmem>> -> memref<1x64xi32, #tpu.memory_space<vmem>>
      %dma_wait3A_217 = tpu.memref_squeeze %dma_wait3A_216 : memref<1x64xi32, #tpu.memory_space<vmem>> -> memref<64xi32, #tpu.memory_space<vmem>>
      %dma_wait3A_218 = arith.constant 0 : i32
      %dma_wait3A_219 = arith.constant 0 : i32
      %dma_wait3A_220 = tpu.memref_slice %arg2[%dma_wait3A_218, %dma_wait3A_219] : memref<8192x128xf32, #tpu.memory_space<hbm>> -> memref<8192x128xf32, #tpu.memory_space<hbm>>
      tpu.wait_indirect_dma semaphore(%arg9 : memref<!tpu.dma_semaphore, #tpu.memory_space<semaphore_mem>>) src(%dma_wait3A_220 : memref<8192x128xf32, #tpu.memory_space<hbm>>) dst(%dma_wait3A_214 : memref<64x128xf32, #tpu.memory_space<vmem>>)
      %scan3A_221 = arith.constant 0 : i32
      %scan3A_222 = arith.constant 64 : i32
      %scan3A_223 = arith.addi %scan3A_221, %scan3A_222 : i32
      %scan3A_224 = arith.constant 1 : i32
      scf.for %scan3A_226 = %scan3A_221 to %scan3A_223 step %scan3A_224  : i32 {
        %mul3A_227 = arith.constant 1 : i32
        %mul3A_228 = arith.muli %scan3A_226, %mul3A_227 : i32
        %add3A_229 = arith.constant 0 : i32
        %add3A_230 = arith.addi %add3A_229, %mul3A_228 : i32
        %get3A = arith.index_cast %add3A_230 : i32 to index
        %get3A_231 = arith.constant 0 : index
        %get3A_232 = tpu.vector_load %arg6[%get3A, %get3A_231] {strides = array<i32>} : memref<576x128xf32, #tpu.memory_space<vmem>>, vector<1x16xf32>,
        %get3A_233 = vector.shape_cast %get3A_232 : vector<1x16xf32> to vector<16xf32>
        %add3A_234 = arith.constant 64 : i32
        %add3A_235 = arith.addi %add3A_234, %add3A_230 : i32
        %get3A_236 = arith.index_cast %add3A_235 : i32 to index
        %get3A_237 = arith.constant 0 : index
        %get3A_238 = tpu.vector_load %arg6[%get3A_236, %get3A_237] {strides = array<i32>} : memref<576x128xf32, #tpu.memory_space<vmem>>, vector<1x16xf32>,
        %get3A_239 = vector.shape_cast %get3A_238 : vector<1x16xf32> to vector<16xf32>
        %max3A = arith.maximumf %get3A_233, %get3A_239 : vector<16xf32>
        %add3A_240 = arith.constant 128 : i32
        %add3A_241 = arith.addi %add3A_240, %add3A_230 : i32
        %get3A_242 = arith.index_cast %add3A_241 : i32 to index
        %get3A_243 = arith.constant 0 : index
        %get3A_244 = tpu.vector_load %arg6[%get3A_242, %get3A_243] {strides = array<i32>} : memref<576x128xf32, #tpu.memory_space<vmem>>, vector<1x16xf32>,
        %get3A_245 = vector.shape_cast %get3A_244 : vector<1x16xf32> to vector<16xf32>
        %max3A_246 = arith.maximumf %max3A, %get3A_245 : vector<16xf32>
        %add3A_247 = arith.constant 192 : i32
        %add3A_248 = arith.addi %add3A_247, %add3A_230 : i32
        %get3A_249 = arith.index_cast %add3A_248 : i32 to index
        %get3A_250 = arith.constant 0 : index
        %get3A_251 = tpu.vector_load %arg6[%get3A_249, %get3A_250] {strides = array<i32>} : memref<576x128xf32, #tpu.memory_space<vmem>>, vector<1x16xf32>,
        %get3A_252 = vector.shape_cast %get3A_251 : vector<1x16xf32> to vector<16xf32>
        %max3A_253 = arith.maximumf %max3A_246, %get3A_252 : vector<16xf32>
        %add3A_254 = arith.constant 256 : i32
        %add3A_255 = arith.addi %add3A_254, %add3A_230 : i32
        %get3A_256 = arith.index_cast %add3A_255 : i32 to index
        %get3A_257 = arith.constant 0 : index
        %get3A_258 = tpu.vector_load %arg6[%get3A_256, %get3A_257] {strides = array<i32>} : memref<576x128xf32, #tpu.memory_space<vmem>>, vector<1x16xf32>,
        %get3A_259 = vector.shape_cast %get3A_258 : vector<1x16xf32> to vector<16xf32>
        %max3A_260 = arith.maximumf %max3A_253, %get3A_259 : vector<16xf32>
        %add3A_261 = arith.constant 320 : i32
        %add3A_262 = arith.addi %add3A_261, %add3A_230 : i32
        %get3A_263 = arith.index_cast %add3A_262 : i32 to index
        %get3A_264 = arith.constant 0 : index
        %get3A_265 = tpu.vector_load %arg6[%get3A_263, %get3A_264] {strides = array<i32>} : memref<576x128xf32, #tpu.memory_space<vmem>>, vector<1x16xf32>,
        %get3A_266 = vector.shape_cast %get3A_265 : vector<1x16xf32> to vector<16xf32>
        %max3A_267 = arith.maximumf %max3A_260, %get3A_266 : vector<16xf32>
        %add3A_268 = arith.constant 384 : i32
        %add3A_269 = arith.addi %add3A_268, %add3A_230 : i32
        %get3A_270 = arith.index_cast %add3A_269 : i32 to index
        %get3A_271 = arith.constant 0 : index
        %get3A_272 = tpu.vector_load %arg6[%get3A_270, %get3A_271] {strides = array<i32>} : memref<576x128xf32, #tpu.memory_space<vmem>>, vector<1x16xf32>,
        %get3A_273 = vector.shape_cast %get3A_272 : vector<1x16xf32> to vector<16xf32>
        %max3A_274 = arith.maximumf %max3A_267, %get3A_273 : vector<16xf32>
        %add3A_275 = arith.constant 448 : i32
        %add3A_276 = arith.addi %add3A_275, %add3A_230 : i32
        %get3A_277 = arith.index_cast %add3A_276 : i32 to index
        %get3A_278 = arith.constant 0 : index
        %get3A_279 = tpu.vector_load %arg6[%get3A_277, %get3A_278] {strides = array<i32>} : memref<576x128xf32, #tpu.memory_space<vmem>>, vector<1x16xf32>,
        %get3A_280 = vector.shape_cast %get3A_279 : vector<1x16xf32> to vector<16xf32>
        %max3A_281 = arith.maximumf %max3A_274, %get3A_280 : vector<16xf32>
        %add3A_282 = arith.constant 512 : i32
        %add3A_283 = arith.addi %add3A_282, %add3A_230 : i32
        %get3A_284 = arith.index_cast %add3A_283 : i32 to index
        %get3A_285 = arith.constant 0 : index
        %get3A_286 = tpu.vector_load %arg6[%get3A_284, %get3A_285] {strides = array<i32>} : memref<576x128xf32, #tpu.memory_space<vmem>>, vector<1x16xf32>,
        %get3A_287 = vector.shape_cast %get3A_286 : vector<1x16xf32> to vector<16xf32>
        %max3A_288 = arith.maximumf %max3A_281, %get3A_287 : vector<16xf32>
        %get3A_289 = arith.index_cast %add3A_230 : i32 to index
        %get3A_290 = arith.constant 0 : index
        %get3A_291 = tpu.vector_load %arg7[%get3A_289, %get3A_290] {strides = array<i32>} : memref<64x128xf32, #tpu.memory_space<vmem>>, vector<1x16xf32>,
        %get3A_292 = vector.shape_cast %get3A_291 : vector<1x16xf32> to vector<16xf32>
        %sub3A = arith.subf %max3A_288, %get3A_292 : vector<16xf32>
        %swap3A = arith.index_cast %add3A_230 : i32 to index
        %swap3A_293 = arith.constant 0 : index
        %swap3A_294 = tpu.vector_load %arg8[%swap3A, %swap3A_293] {strides = array<i32>} : memref<64x128xf32, #tpu.memory_space<vmem>>, vector<1x16xf32>,
        %swap3A_295 = vector.shape_cast %swap3A_294 : vector<1x16xf32> to vector<16xf32>
        %swap3A_296 = vector.shape_cast %sub3A : vector<16xf32> to vector<1x16xf32>
        tpu.vector_store %arg8[%swap3A, %swap3A_293], %swap3A_296 {strides = array<i32>} : memref<64x128xf32, #tpu.memory_space<vmem>>, vector<1x16xf32>,
        %get3A_297 = arith.index_cast %add3A_230 : i32 to index
        %get3A_298 = arith.constant 16 : index
        %get3A_299 = tpu.vector_load %arg6[%get3A_297, %get3A_298] {strides = array<i32>} : memref<576x128xf32, #tpu.memory_space<vmem>>, vector<1x16xf32>,
        %get3A_300 = vector.shape_cast %get3A_299 : vector<1x16xf32> to vector<16xf32>
        %add3A_301 = arith.constant 64 : i32
        %add3A_302 = arith.addi %add3A_301, %add3A_230 : i32
        %get3A_303 = arith.index_cast %add3A_302 : i32 to index
        %get3A_304 = arith.constant 16 : index
        %get3A_305 = tpu.vector_load %arg6[%get3A_303, %get3A_304] {strides = array<i32>} : memref<576x128xf32, #tpu.memory_space<vmem>>, vector<1x16xf32>,
        %get3A_306 = vector.shape_cast %get3A_305 : vector<1x16xf32> to vector<16xf32>
        %max3A_307 = arith.maximumf %get3A_300, %get3A_306 : vector<16xf32>
        %add3A_308 = arith.constant 128 : i32
        %add3A_309 = arith.addi %add3A_308, %add3A_230 : i32
        %get3A_310 = arith.index_cast %add3A_309 : i32 to index
        %get3A_311 = arith.constant 16 : index
        %get3A_312 = tpu.vector_load %arg6[%get3A_310, %get3A_311] {strides = array<i32>} : memref<576x128xf32, #tpu.memory_space<vmem>>, vector<1x16xf32>,
        %get3A_313 = vector.shape_cast %get3A_312 : vector<1x16xf32> to vector<16xf32>
        %max3A_314 = arith.maximumf %max3A_307, %get3A_313 : vector<16xf32>
        %add3A_315 = arith.constant 192 : i32
        %add3A_316 = arith.addi %add3A_315, %add3A_230 : i32
        %get3A_317 = arith.index_cast %add3A_316 : i32 to index
        %get3A_318 = arith.constant 16 : index
        %get3A_319 = tpu.vector_load %arg6[%get3A_317, %get3A_318] {strides = array<i32>} : memref<576x128xf32, #tpu.memory_space<vmem>>, vector<1x16xf32>,
        %get3A_320 = vector.shape_cast %get3A_319 : vector<1x16xf32> to vector<16xf32>
        %max3A_321 = arith.maximumf %max3A_314, %get3A_320 : vector<16xf32>
        %add3A_322 = arith.constant 256 : i32
        %add3A_323 = arith.addi %add3A_322, %add3A_230 : i32
        %get3A_324 = arith.index_cast %add3A_323 : i32 to index
        %get3A_325 = arith.constant 16 : index
        %get3A_326 = tpu.vector_load %arg6[%get3A_324, %get3A_325] {strides = array<i32>} : memref<576x128xf32, #tpu.memory_space<vmem>>, vector<1x16xf32>,
        %get3A_327 = vector.shape_cast %get3A_326 : vector<1x16xf32> to vector<16xf32>
        %max3A_328 = arith.maximumf %max3A_321, %get3A_327 : vector<16xf32>
        %add3A_329 = arith.constant 320 : i32
        %add3A_330 = arith.addi %add3A_329, %add3A_230 : i32
        %get3A_331 = arith.index_cast %add3A_330 : i32 to index
        %get3A_332 = arith.constant 16 : index
        %get3A_333 = tpu.vector_load %arg6[%get3A_331, %get3A_332] {strides = array<i32>} : memref<576x128xf32, #tpu.memory_space<vmem>>, vector<1x16xf32>,
        %get3A_334 = vector.shape_cast %get3A_333 : vector<1x16xf32> to vector<16xf32>
        %max3A_335 = arith.maximumf %max3A_328, %get3A_334 : vector<16xf32>
        %add3A_336 = arith.constant 384 : i32
        %add3A_337 = arith.addi %add3A_336, %add3A_230 : i32
        %get3A_338 = arith.index_cast %add3A_337 : i32 to index
        %get3A_339 = arith.constant 16 : index
        %get3A_340 = tpu.vector_load %arg6[%get3A_338, %get3A_339] {strides = array<i32>} : memref<576x128xf32, #tpu.memory_space<vmem>>, vector<1x16xf32>,
        %get3A_341 = vector.shape_cast %get3A_340 : vector<1x16xf32> to vector<16xf32>
        %max3A_342 = arith.maximumf %max3A_335, %get3A_341 : vector<16xf32>
        %add3A_343 = arith.constant 448 : i32
        %add3A_344 = arith.addi %add3A_343, %add3A_230 : i32
        %get3A_345 = arith.index_cast %add3A_344 : i32 to index
        %get3A_346 = arith.constant 16 : index
        %get3A_347 = tpu.vector_load %arg6[%get3A_345, %get3A_346] {strides = array<i32>} : memref<576x128xf32, #tpu.memory_space<vmem>>, vector<1x16xf32>,
        %get3A_348 = vector.shape_cast %get3A_347 : vector<1x16xf32> to vector<16xf32>
        %max3A_349 = arith.maximumf %max3A_342, %get3A_348 : vector<16xf32>
        %add3A_350 = arith.constant 512 : i32
        %add3A_351 = arith.addi %add3A_350, %add3A_230 : i32
        %get3A_352 = arith.index_cast %add3A_351 : i32 to index
        %get3A_353 = arith.constant 16 : index
        %get3A_354 = tpu.vector_load %arg6[%get3A_352, %get3A_353] {strides = array<i32>} : memref<576x128xf32, #tpu.memory_space<vmem>>, vector<1x16xf32>,
        %get3A_355 = vector.shape_cast %get3A_354 : vector<1x16xf32> to vector<16xf32>
        %max3A_356 = arith.maximumf %max3A_349, %get3A_355 : vector<16xf32>
        %get3A_357 = arith.index_cast %add3A_230 : i32 to index
        %get3A_358 = arith.constant 16 : index
        %get3A_359 = tpu.vector_load %arg7[%get3A_357, %get3A_358] {strides = array<i32>} : memref<64x128xf32, #tpu.memory_space<vmem>>, vector<1x16xf32>,
        %get3A_360 = vector.shape_cast %get3A_359 : vector<1x16xf32> to vector<16xf32>
        %sub3A_361 = arith.subf %max3A_356, %get3A_360 : vector<16xf32>
        %swap3A_362 = arith.index_cast %add3A_230 : i32 to index
        %swap3A_363 = arith.constant 16 : index
        %swap3A_364 = tpu.vector_load %arg8[%swap3A_362, %swap3A_363] {strides = array<i32>} : memref<64x128xf32, #tpu.memory_space<vmem>>, vector<1x16xf32>,
        %swap3A_365 = vector.shape_cast %swap3A_364 : vector<1x16xf32> to vector<16xf32>
        %swap3A_366 = vector.shape_cast %sub3A_361 : vector<16xf32> to vector<1x16xf32>
        tpu.vector_store %arg8[%swap3A_362, %swap3A_363], %swap3A_366 {strides = array<i32>} : memref<64x128xf32, #tpu.memory_space<vmem>>, vector<1x16xf32>,
        %get3A_367 = arith.index_cast %add3A_230 : i32 to index
        %get3A_368 = arith.constant 32 : index
        %get3A_369 = tpu.vector_load %arg6[%get3A_367, %get3A_368] {strides = array<i32>} : memref<576x128xf32, #tpu.memory_space<vmem>>, vector<1x16xf32>,
        %get3A_370 = vector.shape_cast %get3A_369 : vector<1x16xf32> to vector<16xf32>
        %add3A_371 = arith.constant 64 : i32
        %add3A_372 = arith.addi %add3A_371, %add3A_230 : i32
        %get3A_373 = arith.index_cast %add3A_372 : i32 to index
        %get3A_374 = arith.constant 32 : index
        %get3A_375 = tpu.vector_load %arg6[%get3A_373, %get3A_374] {strides = array<i32>} : memref<576x128xf32, #tpu.memory_space<vmem>>, vector<1x16xf32>,
        %get3A_376 = vector.shape_cast %get3A_375 : vector<1x16xf32> to vector<16xf32>
        %max3A_377 = arith.maximumf %get3A_370, %get3A_376 : vector<16xf32>
        %add3A_378 = arith.constant 128 : i32
        %add3A_379 = arith.addi %add3A_378, %add3A_230 : i32
        %get3A_380 = arith.index_cast %add3A_379 : i32 to index
        %get3A_381 = arith.constant 32 : index
        %get3A_382 = tpu.vector_load %arg6[%get3A_380, %get3A_381] {strides = array<i32>} : memref<576x128xf32, #tpu.memory_space<vmem>>, vector<1x16xf32>,
        %get3A_383 = vector.shape_cast %get3A_382 : vector<1x16xf32> to vector<16xf32>
        %max3A_384 = arith.maximumf %max3A_377, %get3A_383 : vector<16xf32>
        %add3A_385 = arith.constant 192 : i32
        %add3A_386 = arith.addi %add3A_385, %add3A_230 : i32
        %get3A_387 = arith.index_cast %add3A_386 : i32 to index
        %get3A_388 = arith.constant 32 : index
        %get3A_389 = tpu.vector_load %arg6[%get3A_387, %get3A_388] {strides = array<i32>} : memref<576x128xf32, #tpu.memory_space<vmem>>, vector<1x16xf32>,
        %get3A_390 = vector.shape_cast %get3A_389 : vector<1x16xf32> to vector<16xf32>
        %max3A_391 = arith.maximumf %max3A_384, %get3A_390 : vector<16xf32>
        %add3A_392 = arith.constant 256 : i32
        %add3A_393 = arith.addi %add3A_392, %add3A_230 : i32
        %get3A_394 = arith.index_cast %add3A_393 : i32 to index
        %get3A_395 = arith.constant 32 : index
        %get3A_396 = tpu.vector_load %arg6[%get3A_394, %get3A_395] {strides = array<i32>} : memref<576x128xf32, #tpu.memory_space<vmem>>, vector<1x16xf32>,
        %get3A_397 = vector.shape_cast %get3A_396 : vector<1x16xf32> to vector<16xf32>
        %max3A_398 = arith.maximumf %max3A_391, %get3A_397 : vector<16xf32>
        %add3A_399 = arith.constant 320 : i32
        %add3A_400 = arith.addi %add3A_399, %add3A_230 : i32
        %get3A_401 = arith.index_cast %add3A_400 : i32 to index
        %get3A_402 = arith.constant 32 : index
        %get3A_403 = tpu.vector_load %arg6[%get3A_401, %get3A_402] {strides = array<i32>} : memref<576x128xf32, #tpu.memory_space<vmem>>, vector<1x16xf32>,
        %get3A_404 = vector.shape_cast %get3A_403 : vector<1x16xf32> to vector<16xf32>
        %max3A_405 = arith.maximumf %max3A_398, %get3A_404 : vector<16xf32>
        %add3A_406 = arith.constant 384 : i32
        %add3A_407 = arith.addi %add3A_406, %add3A_230 : i32
        %get3A_408 = arith.index_cast %add3A_407 : i32 to index
        %get3A_409 = arith.constant 32 : index
        %get3A_410 = tpu.vector_load %arg6[%get3A_408, %get3A_409] {strides = array<i32>} : memref<576x128xf32, #tpu.memory_space<vmem>>, vector<1x16xf32>,
        %get3A_411 = vector.shape_cast %get3A_410 : vector<1x16xf32> to vector<16xf32>
        %max3A_412 = arith.maximumf %max3A_405, %get3A_411 : vector<16xf32>
        %add3A_413 = arith.constant 448 : i32
        %add3A_414 = arith.addi %add3A_413, %add3A_230 : i32
        %get3A_415 = arith.index_cast %add3A_414 : i32 to index
        %get3A_416 = arith.constant 32 : index
        %get3A_417 = tpu.vector_load %arg6[%get3A_415, %get3A_416] {strides = array<i32>} : memref<576x128xf32, #tpu.memory_space<vmem>>, vector<1x16xf32>,
        %get3A_418 = vector.shape_cast %get3A_417 : vector<1x16xf32> to vector<16xf32>
        %max3A_419 = arith.maximumf %max3A_412, %get3A_418 : vector<16xf32>
        %add3A_420 = arith.constant 512 : i32
        %add3A_421 = arith.addi %add3A_420, %add3A_230 : i32
        %get3A_422 = arith.index_cast %add3A_421 : i32 to index
        %get3A_423 = arith.constant 32 : index
        %get3A_424 = tpu.vector_load %arg6[%get3A_422, %get3A_423] {strides = array<i32>} : memref<576x128xf32, #tpu.memory_space<vmem>>, vector<1x16xf32>,
        %get3A_425 = vector.shape_cast %get3A_424 : vector<1x16xf32> to vector<16xf32>
        %max3A_426 = arith.maximumf %max3A_419, %get3A_425 : vector<16xf32>
        %get3A_427 = arith.index_cast %add3A_230 : i32 to index
        %get3A_428 = arith.constant 32 : index
        %get3A_429 = tpu.vector_load %arg7[%get3A_427, %get3A_428] {strides = array<i32>} : memref<64x128xf32, #tpu.memory_space<vmem>>, vector<1x16xf32>,
        %get3A_430 = vector.shape_cast %get3A_429 : vector<1x16xf32> to vector<16xf32>
        %sub3A_431 = arith.subf %max3A_426, %get3A_430 : vector<16xf32>
        %swap3A_432 = arith.index_cast %add3A_230 : i32 to index
        %swap3A_433 = arith.constant 32 : index
        %swap3A_434 = tpu.vector_load %arg8[%swap3A_432, %swap3A_433] {strides = array<i32>} : memref<64x128xf32, #tpu.memory_space<vmem>>, vector<1x16xf32>,
        %swap3A_435 = vector.shape_cast %swap3A_434 : vector<1x16xf32> to vector<16xf32>
        %swap3A_436 = vector.shape_cast %sub3A_431 : vector<16xf32> to vector<1x16xf32>
        tpu.vector_store %arg8[%swap3A_432, %swap3A_433], %swap3A_436 {strides = array<i32>} : memref<64x128xf32, #tpu.memory_space<vmem>>, vector<1x16xf32>,
        %get3A_437 = arith.index_cast %add3A_230 : i32 to index
        %get3A_438 = arith.constant 48 : index
        %get3A_439 = tpu.vector_load %arg6[%get3A_437, %get3A_438] {strides = array<i32>} : memref<576x128xf32, #tpu.memory_space<vmem>>, vector<1x16xf32>,
        %get3A_440 = vector.shape_cast %get3A_439 : vector<1x16xf32> to vector<16xf32>
        %add3A_441 = arith.constant 64 : i32
        %add3A_442 = arith.addi %add3A_441, %add3A_230 : i32
        %get3A_443 = arith.index_cast %add3A_442 : i32 to index
        %get3A_444 = arith.constant 48 : index
        %get3A_445 = tpu.vector_load %arg6[%get3A_443, %get3A_444] {strides = array<i32>} : memref<576x128xf32, #tpu.memory_space<vmem>>, vector<1x16xf32>,
        %get3A_446 = vector.shape_cast %get3A_445 : vector<1x16xf32> to vector<16xf32>
        %max3A_447 = arith.maximumf %get3A_440, %get3A_446 : vector<16xf32>
        %add3A_448 = arith.constant 128 : i32
        %add3A_449 = arith.addi %add3A_448, %add3A_230 : i32
        %get3A_450 = arith.index_cast %add3A_449 : i32 to index
        %get3A_451 = arith.constant 48 : index
        %get3A_452 = tpu.vector_load %arg6[%get3A_450, %get3A_451] {strides = array<i32>} : memref<576x128xf32, #tpu.memory_space<vmem>>, vector<1x16xf32>,
        %get3A_453 = vector.shape_cast %get3A_452 : vector<1x16xf32> to vector<16xf32>
        %max3A_454 = arith.maximumf %max3A_447, %get3A_453 : vector<16xf32>
        %add3A_455 = arith.constant 192 : i32
        %add3A_456 = arith.addi %add3A_455, %add3A_230 : i32
        %get3A_457 = arith.index_cast %add3A_456 : i32 to index
        %get3A_458 = arith.constant 48 : index
        %get3A_459 = tpu.vector_load %arg6[%get3A_457, %get3A_458] {strides = array<i32>} : memref<576x128xf32, #tpu.memory_space<vmem>>, vector<1x16xf32>,
        %get3A_460 = vector.shape_cast %get3A_459 : vector<1x16xf32> to vector<16xf32>
        %max3A_461 = arith.maximumf %max3A_454, %get3A_460 : vector<16xf32>
        %add3A_462 = arith.constant 256 : i32
        %add3A_463 = arith.addi %add3A_462, %add3A_230 : i32
        %get3A_464 = arith.index_cast %add3A_463 : i32 to index
        %get3A_465 = arith.constant 48 : index
        %get3A_466 = tpu.vector_load %arg6[%get3A_464, %get3A_465] {strides = array<i32>} : memref<576x128xf32, #tpu.memory_space<vmem>>, vector<1x16xf32>,
        %get3A_467 = vector.shape_cast %get3A_466 : vector<1x16xf32> to vector<16xf32>
        %max3A_468 = arith.maximumf %max3A_461, %get3A_467 : vector<16xf32>
        %add3A_469 = arith.constant 320 : i32
        %add3A_470 = arith.addi %add3A_469, %add3A_230 : i32
        %get3A_471 = arith.index_cast %add3A_470 : i32 to index
        %get3A_472 = arith.constant 48 : index
        %get3A_473 = tpu.vector_load %arg6[%get3A_471, %get3A_472] {strides = array<i32>} : memref<576x128xf32, #tpu.memory_space<vmem>>, vector<1x16xf32>,
        %get3A_474 = vector.shape_cast %get3A_473 : vector<1x16xf32> to vector<16xf32>
        %max3A_475 = arith.maximumf %max3A_468, %get3A_474 : vector<16xf32>
        %add3A_476 = arith.constant 384 : i32
        %add3A_477 = arith.addi %add3A_476, %add3A_230 : i32
        %get3A_478 = arith.index_cast %add3A_477 : i32 to index
        %get3A_479 = arith.constant 48 : index
        %get3A_480 = tpu.vector_load %arg6[%get3A_478, %get3A_479] {strides = array<i32>} : memref<576x128xf32, #tpu.memory_space<vmem>>, vector<1x16xf32>,
        %get3A_481 = vector.shape_cast %get3A_480 : vector<1x16xf32> to vector<16xf32>
        %max3A_482 = arith.maximumf %max3A_475, %get3A_481 : vector<16xf32>
        %add3A_483 = arith.constant 448 : i32
        %add3A_484 = arith.addi %add3A_483, %add3A_230 : i32
        %get3A_485 = arith.index_cast %add3A_484 : i32 to index
        %get3A_486 = arith.constant 48 : index
        %get3A_487 = tpu.vector_load %arg6[%get3A_485, %get3A_486] {strides = array<i32>} : memref<576x128xf32, #tpu.memory_space<vmem>>, vector<1x16xf32>,
        %get3A_488 = vector.shape_cast %get3A_487 : vector<1x16xf32> to vector<16xf32>
        %max3A_489 = arith.maximumf %max3A_482, %get3A_488 : vector<16xf32>
        %add3A_490 = arith.constant 512 : i32
        %add3A_491 = arith.addi %add3A_490, %add3A_230 : i32
        %get3A_492 = arith.index_cast %add3A_491 : i32 to index
        %get3A_493 = arith.constant 48 : index
        %get3A_494 = tpu.vector_load %arg6[%get3A_492, %get3A_493] {strides = array<i32>} : memref<576x128xf32, #tpu.memory_space<vmem>>, vector<1x16xf32>,
        %get3A_495 = vector.shape_cast %get3A_494 : vector<1x16xf32> to vector<16xf32>
        %max3A_496 = arith.maximumf %max3A_489, %get3A_495 : vector<16xf32>
        %get3A_497 = arith.index_cast %add3A_230 : i32 to index
        %get3A_498 = arith.constant 48 : index
        %get3A_499 = tpu.vector_load %arg7[%get3A_497, %get3A_498] {strides = array<i32>} : memref<64x128xf32, #tpu.memory_space<vmem>>, vector<1x16xf32>,
        %get3A_500 = vector.shape_cast %get3A_499 : vector<1x16xf32> to vector<16xf32>
        %sub3A_501 = arith.subf %max3A_496, %get3A_500 : vector<16xf32>
        %swap3A_502 = arith.index_cast %add3A_230 : i32 to index
        %swap3A_503 = arith.constant 48 : index
        %swap3A_504 = tpu.vector_load %arg8[%swap3A_502, %swap3A_503] {strides = array<i32>} : memref<64x128xf32, #tpu.memory_space<vmem>>, vector<1x16xf32>,
        %swap3A_505 = vector.shape_cast %swap3A_504 : vector<1x16xf32> to vector<16xf32>
        %swap3A_506 = vector.shape_cast %sub3A_501 : vector<16xf32> to vector<1x16xf32>
        tpu.vector_store %arg8[%swap3A_502, %swap3A_503], %swap3A_506 {strides = array<i32>} : memref<64x128xf32, #tpu.memory_space<vmem>>, vector<1x16xf32>,
        %get3A_507 = arith.index_cast %add3A_230 : i32 to index
        %get3A_508 = arith.constant 64 : index
        %get3A_509 = tpu.vector_load %arg6[%get3A_507, %get3A_508] {strides = array<i32>} : memref<576x128xf32, #tpu.memory_space<vmem>>, vector<1x16xf32>,
        %get3A_510 = vector.shape_cast %get3A_509 : vector<1x16xf32> to vector<16xf32>
        %add3A_511 = arith.constant 64 : i32
        %add3A_512 = arith.addi %add3A_511, %add3A_230 : i32
        %get3A_513 = arith.index_cast %add3A_512 : i32 to index
        %get3A_514 = arith.constant 64 : index
        %get3A_515 = tpu.vector_load %arg6[%get3A_513, %get3A_514] {strides = array<i32>} : memref<576x128xf32, #tpu.memory_space<vmem>>, vector<1x16xf32>,
        %get3A_516 = vector.shape_cast %get3A_515 : vector<1x16xf32> to vector<16xf32>
        %max3A_517 = arith.maximumf %get3A_510, %get3A_516 : vector<16xf32>
        %add3A_518 = arith.constant 128 : i32
        %add3A_519 = arith.addi %add3A_518, %add3A_230 : i32
        %get3A_520 = arith.index_cast %add3A_519 : i32 to index
        %get3A_521 = arith.constant 64 : index
        %get3A_522 = tpu.vector_load %arg6[%get3A_520, %get3A_521] {strides = array<i32>} : memref<576x128xf32, #tpu.memory_space<vmem>>, vector<1x16xf32>,
        %get3A_523 = vector.shape_cast %get3A_522 : vector<1x16xf32> to vector<16xf32>
        %max3A_524 = arith.maximumf %max3A_517, %get3A_523 : vector<16xf32>
        %add3A_525 = arith.constant 192 : i32
        %add3A_526 = arith.addi %add3A_525, %add3A_230 : i32
        %get3A_527 = arith.index_cast %add3A_526 : i32 to index
        %get3A_528 = arith.constant 64 : index
        %get3A_529 = tpu.vector_load %arg6[%get3A_527, %get3A_528] {strides = array<i32>} : memref<576x128xf32, #tpu.memory_space<vmem>>, vector<1x16xf32>,
        %get3A_530 = vector.shape_cast %get3A_529 : vector<1x16xf32> to vector<16xf32>
        %max3A_531 = arith.maximumf %max3A_524, %get3A_530 : vector<16xf32>
        %add3A_532 = arith.constant 256 : i32
        %add3A_533 = arith.addi %add3A_532, %add3A_230 : i32
        %get3A_534 = arith.index_cast %add3A_533 : i32 to index
        %get3A_535 = arith.constant 64 : index
        %get3A_536 = tpu.vector_load %arg6[%get3A_534, %get3A_535] {strides = array<i32>} : memref<576x128xf32, #tpu.memory_space<vmem>>, vector<1x16xf32>,
        %get3A_537 = vector.shape_cast %get3A_536 : vector<1x16xf32> to vector<16xf32>
        %max3A_538 = arith.maximumf %max3A_531, %get3A_537 : vector<16xf32>
        %add3A_539 = arith.constant 320 : i32
        %add3A_540 = arith.addi %add3A_539, %add3A_230 : i32
        %get3A_541 = arith.index_cast %add3A_540 : i32 to index
        %get3A_542 = arith.constant 64 : index
        %get3A_543 = tpu.vector_load %arg6[%get3A_541, %get3A_542] {strides = array<i32>} : memref<576x128xf32, #tpu.memory_space<vmem>>, vector<1x16xf32>,
        %get3A_544 = vector.shape_cast %get3A_543 : vector<1x16xf32> to vector<16xf32>
        %max3A_545 = arith.maximumf %max3A_538, %get3A_544 : vector<16xf32>
        %add3A_546 = arith.constant 384 : i32
        %add3A_547 = arith.addi %add3A_546, %add3A_230 : i32
        %get3A_548 = arith.index_cast %add3A_547 : i32 to index
        %get3A_549 = arith.constant 64 : index
        %get3A_550 = tpu.vector_load %arg6[%get3A_548, %get3A_549] {strides = array<i32>} : memref<576x128xf32, #tpu.memory_space<vmem>>, vector<1x16xf32>,
        %get3A_551 = vector.shape_cast %get3A_550 : vector<1x16xf32> to vector<16xf32>
        %max3A_552 = arith.maximumf %max3A_545, %get3A_551 : vector<16xf32>
        %add3A_553 = arith.constant 448 : i32
        %add3A_554 = arith.addi %add3A_553, %add3A_230 : i32
        %get3A_555 = arith.index_cast %add3A_554 : i32 to index
        %get3A_556 = arith.constant 64 : index
        %get3A_557 = tpu.vector_load %arg6[%get3A_555, %get3A_556] {strides = array<i32>} : memref<576x128xf32, #tpu.memory_space<vmem>>, vector<1x16xf32>,
        %get3A_558 = vector.shape_cast %get3A_557 : vector<1x16xf32> to vector<16xf32>
        %max3A_559 = arith.maximumf %max3A_552, %get3A_558 : vector<16xf32>
        %add3A_560 = arith.constant 512 : i32
        %add3A_561 = arith.addi %add3A_560, %add3A_230 : i32
        %get3A_562 = arith.index_cast %add3A_561 : i32 to index
        %get3A_563 = arith.constant 64 : index
        %get3A_564 = tpu.vector_load %arg6[%get3A_562, %get3A_563] {strides = array<i32>} : memref<576x128xf32, #tpu.memory_space<vmem>>, vector<1x16xf32>,
        %get3A_565 = vector.shape_cast %get3A_564 : vector<1x16xf32> to vector<16xf32>
        %max3A_566 = arith.maximumf %max3A_559, %get3A_565 : vector<16xf32>
        %get3A_567 = arith.index_cast %add3A_230 : i32 to index
        %get3A_568 = arith.constant 64 : index
        %get3A_569 = tpu.vector_load %arg7[%get3A_567, %get3A_568] {strides = array<i32>} : memref<64x128xf32, #tpu.memory_space<vmem>>, vector<1x16xf32>,
        %get3A_570 = vector.shape_cast %get3A_569 : vector<1x16xf32> to vector<16xf32>
        %sub3A_571 = arith.subf %max3A_566, %get3A_570 : vector<16xf32>
        %swap3A_572 = arith.index_cast %add3A_230 : i32 to index
        %swap3A_573 = arith.constant 64 : index
        %swap3A_574 = tpu.vector_load %arg8[%swap3A_572, %swap3A_573] {strides = array<i32>} : memref<64x128xf32, #tpu.memory_space<vmem>>, vector<1x16xf32>,
        %swap3A_575 = vector.shape_cast %swap3A_574 : vector<1x16xf32> to vector<16xf32>
        %swap3A_576 = vector.shape_cast %sub3A_571 : vector<16xf32> to vector<1x16xf32>
        tpu.vector_store %arg8[%swap3A_572, %swap3A_573], %swap3A_576 {strides = array<i32>} : memref<64x128xf32, #tpu.memory_space<vmem>>, vector<1x16xf32>,
        %get3A_577 = arith.index_cast %add3A_230 : i32 to index
        %get3A_578 = arith.constant 80 : index
        %get3A_579 = tpu.vector_load %arg6[%get3A_577, %get3A_578] {strides = array<i32>} : memref<576x128xf32, #tpu.memory_space<vmem>>, vector<1x16xf32>,
        %get3A_580 = vector.shape_cast %get3A_579 : vector<1x16xf32> to vector<16xf32>
        %add3A_581 = arith.constant 64 : i32
        %add3A_582 = arith.addi %add3A_581, %add3A_230 : i32
        %get3A_583 = arith.index_cast %add3A_582 : i32 to index
        %get3A_584 = arith.constant 80 : index
        %get3A_585 = tpu.vector_load %arg6[%get3A_583, %get3A_584] {strides = array<i32>} : memref<576x128xf32, #tpu.memory_space<vmem>>, vector<1x16xf32>,
        %get3A_586 = vector.shape_cast %get3A_585 : vector<1x16xf32> to vector<16xf32>
        %max3A_587 = arith.maximumf %get3A_580, %get3A_586 : vector<16xf32>
        %add3A_588 = arith.constant 128 : i32
        %add3A_589 = arith.addi %add3A_588, %add3A_230 : i32
        %get3A_590 = arith.index_cast %add3A_589 : i32 to index
        %get3A_591 = arith.constant 80 : index
        %get3A_592 = tpu.vector_load %arg6[%get3A_590, %get3A_591] {strides = array<i32>} : memref<576x128xf32, #tpu.memory_space<vmem>>, vector<1x16xf32>,
        %get3A_593 = vector.shape_cast %get3A_592 : vector<1x16xf32> to vector<16xf32>
        %max3A_594 = arith.maximumf %max3A_587, %get3A_593 : vector<16xf32>
        %add3A_595 = arith.constant 192 : i32
        %add3A_596 = arith.addi %add3A_595, %add3A_230 : i32
        %get3A_597 = arith.index_cast %add3A_596 : i32 to index
        %get3A_598 = arith.constant 80 : index
        %get3A_599 = tpu.vector_load %arg6[%get3A_597, %get3A_598] {strides = array<i32>} : memref<576x128xf32, #tpu.memory_space<vmem>>, vector<1x16xf32>,
        %get3A_600 = vector.shape_cast %get3A_599 : vector<1x16xf32> to vector<16xf32>
        %max3A_601 = arith.maximumf %max3A_594, %get3A_600 : vector<16xf32>
        %add3A_602 = arith.constant 256 : i32
        %add3A_603 = arith.addi %add3A_602, %add3A_230 : i32
        %get3A_604 = arith.index_cast %add3A_603 : i32 to index
        %get3A_605 = arith.constant 80 : index
        %get3A_606 = tpu.vector_load %arg6[%get3A_604, %get3A_605] {strides = array<i32>} : memref<576x128xf32, #tpu.memory_space<vmem>>, vector<1x16xf32>,
        %get3A_607 = vector.shape_cast %get3A_606 : vector<1x16xf32> to vector<16xf32>
        %max3A_608 = arith.maximumf %max3A_601, %get3A_607 : vector<16xf32>
        %add3A_609 = arith.constant 320 : i32
        %add3A_610 = arith.addi %add3A_609, %add3A_230 : i32
        %get3A_611 = arith.index_cast %add3A_610 : i32 to index
        %get3A_612 = arith.constant 80 : index
        %get3A_613 = tpu.vector_load %arg6[%get3A_611, %get3A_612] {strides = array<i32>} : memref<576x128xf32, #tpu.memory_space<vmem>>, vector<1x16xf32>,
        %get3A_614 = vector.shape_cast %get3A_613 : vector<1x16xf32> to vector<16xf32>
        %max3A_615 = arith.maximumf %max3A_608, %get3A_614 : vector<16xf32>
        %add3A_616 = arith.constant 384 : i32
        %add3A_617 = arith.addi %add3A_616, %add3A_230 : i32
        %get3A_618 = arith.index_cast %add3A_617 : i32 to index
        %get3A_619 = arith.constant 80 : index
        %get3A_620 = tpu.vector_load %arg6[%get3A_618, %get3A_619] {strides = array<i32>} : memref<576x128xf32, #tpu.memory_space<vmem>>, vector<1x16xf32>,
        %get3A_621 = vector.shape_cast %get3A_620 : vector<1x16xf32> to vector<16xf32>
        %max3A_622 = arith.maximumf %max3A_615, %get3A_621 : vector<16xf32>
        %add3A_623 = arith.constant 448 : i32
        %add3A_624 = arith.addi %add3A_623, %add3A_230 : i32
        %get3A_625 = arith.index_cast %add3A_624 : i32 to index
        %get3A_626 = arith.constant 80 : index
        %get3A_627 = tpu.vector_load %arg6[%get3A_625, %get3A_626] {strides = array<i32>} : memref<576x128xf32, #tpu.memory_space<vmem>>, vector<1x16xf32>,
        %get3A_628 = vector.shape_cast %get3A_627 : vector<1x16xf32> to vector<16xf32>
        %max3A_629 = arith.maximumf %max3A_622, %get3A_628 : vector<16xf32>
        %add3A_630 = arith.constant 512 : i32
        %add3A_631 = arith.addi %add3A_630, %add3A_230 : i32
        %get3A_632 = arith.index_cast %add3A_631 : i32 to index
        %get3A_633 = arith.constant 80 : index
        %get3A_634 = tpu.vector_load %arg6[%get3A_632, %get3A_633] {strides = array<i32>} : memref<576x128xf32, #tpu.memory_space<vmem>>, vector<1x16xf32>,
        %get3A_635 = vector.shape_cast %get3A_634 : vector<1x16xf32> to vector<16xf32>
        %max3A_636 = arith.maximumf %max3A_629, %get3A_635 : vector<16xf32>
        %get3A_637 = arith.index_cast %add3A_230 : i32 to index
        %get3A_638 = arith.constant 80 : index
        %get3A_639 = tpu.vector_load %arg7[%get3A_637, %get3A_638] {strides = array<i32>} : memref<64x128xf32, #tpu.memory_space<vmem>>, vector<1x16xf32>,
        %get3A_640 = vector.shape_cast %get3A_639 : vector<1x16xf32> to vector<16xf32>
        %sub3A_641 = arith.subf %max3A_636, %get3A_640 : vector<16xf32>
        %swap3A_642 = arith.index_cast %add3A_230 : i32 to index
        %swap3A_643 = arith.constant 80 : index
        %swap3A_644 = tpu.vector_load %arg8[%swap3A_642, %swap3A_643] {strides = array<i32>} : memref<64x128xf32, #tpu.memory_space<vmem>>, vector<1x16xf32>,
        %swap3A_645 = vector.shape_cast %swap3A_644 : vector<1x16xf32> to vector<16xf32>
        %swap3A_646 = vector.shape_cast %sub3A_641 : vector<16xf32> to vector<1x16xf32>
        tpu.vector_store %arg8[%swap3A_642, %swap3A_643], %swap3A_646 {strides = array<i32>} : memref<64x128xf32, #tpu.memory_space<vmem>>, vector<1x16xf32>,
      }
      %scan3A_225 = arith.constant 64 : i32
      "tpu.region"() ({
        %run_scoped3A_226 = tpu.sem_alloc : memref<!tpu.dma_semaphore, #tpu.memory_space<semaphore_mem>>
        %dma_start3A_227 = arith.constant 0 : i32
        %dma_start3A_228 = tpu.memref_slice %arg4[%add3A_14, %dma_start3A_227] : memref<4096x128xf32, #tpu.memory_space<hbm>> -> memref<64x128xf32, #tpu.memory_space<hbm>>
        %dma_start3A_229 = arith.constant 0 : i32
        %dma_start3A_230 = tpu.memref_slice %arg4[%add3A_14, %dma_start3A_229] : memref<4096x128xf32, #tpu.memory_space<hbm>> -> memref<64x128xf32, #tpu.memory_space<hbm>>
        tpu.enqueue_dma source(%arg8 : memref<64x128xf32, #tpu.memory_space<vmem>>) target(%dma_start3A_230 : memref<64x128xf32, #tpu.memory_space<hbm>>) target_semaphore(%run_scoped3A_226 : memref<!tpu.dma_semaphore, #tpu.memory_space<semaphore_mem>>)
        %dma_wait3A_231 = arith.constant 0 : i32
        %dma_wait3A_232 = tpu.memref_slice %arg4[%add3A_14, %dma_wait3A_231] : memref<4096x128xf32, #tpu.memory_space<hbm>> -> memref<64x128xf32, #tpu.memory_space<hbm>>
        %dma_wait3A_233 = arith.constant 0 : i32
        %dma_wait3A_234 = tpu.memref_slice %arg4[%add3A_14, %dma_wait3A_233] : memref<4096x128xf32, #tpu.memory_space<hbm>> -> memref<64x128xf32, #tpu.memory_space<hbm>>
        tpu.wait_dma2 semaphore(%run_scoped3A_226 : memref<!tpu.dma_semaphore, #tpu.memory_space<semaphore_mem>>) src(%arg8 : memref<64x128xf32, #tpu.memory_space<vmem>>) dst(%dma_wait3A_234 : memref<64x128xf32, #tpu.memory_space<hbm>>)
        tpu.yield
      }) : () -> ()
    }
    %scan3A_4 = arith.constant 2 : i32
    return
  }
}

#map = affine_map<(d0, d1) -> (0, 0)>
#map1 = affine_map<(d0, d1) -> (0)>
module attributes {stable_mosaic.version = 14 : i64} {
  func.func @gather_max(%arg0: i32, %arg1: i32, %arg2: memref<8192x128xf32, #tpu.memory_space<hbm>>, %arg3: memref<65536xi32, #tpu.memory_space<hbm>>, %arg4: memref<4096x128xf32, #tpu.memory_space<hbm>>, %arg5: memref<9x64xi32, #tpu.memory_space<vmem>>, %arg6: memref<576x128xf32, #tpu.memory_space<vmem>>, %arg7: memref<64x128xf32, #tpu.memory_space<vmem>>, %arg8: memref<64x128xf32, #tpu.memory_space<vmem>>, %arg9: memref<!tpu.dma_semaphore, #tpu.memory_space<semaphore_mem>>) attributes {dimension_semantics = [#tpu.dimension_semantics<core_parallel>, #tpu.dimension_semantics<subcore_parallel>], iteration_bounds = array<i64: 2, 16>, scalar_prefetch = 0 : i64, scratch_operands = 5 : i64, tpu.core_type = #tpu.core_type<sc_vector_subcore>, window_params = [{transform_indices = #map}, {transform_indices = #map1}, {transform_indices = #map}]} {
    %mul3A = arith.constant 2 : i32
    %mul3A_0 = arith.muli %arg1, %mul3A : i32
    %add3A = arith.addi %mul3A_0, %arg0 : i32
    %scan3A = arith.constant 0 : i32
    %scan3A_1 = arith.constant 2 : i32
    %scan3A_2 = arith.addi %scan3A, %scan3A_1 : i32
    %scan3A_3 = arith.constant 1 : i32
    scf.for %scan3A_5 = %scan3A to %scan3A_2 step %scan3A_3  : i32 {
      %mul3A_6 = arith.constant 1 : i32
      %mul3A_7 = arith.muli %scan3A_5, %mul3A_6 : i32
      %add3A_8 = arith.constant 0 : i32
      %add3A_9 = arith.addi %add3A_8, %mul3A_7 : i32
      %mul3A_10 = arith.constant 128 : i32
      %mul3A_11 = arith.muli %add3A, %mul3A_10 : i32
      %mul3A_12 = arith.constant 64 : i32
      %mul3A_13 = arith.muli %add3A_9, %mul3A_12 : i32
      %add3A_14 = arith.addi %mul3A_11, %mul3A_13 : i32
      %add3A_15 = arith.constant 0 : i32
      %add3A_16 = arith.addi %add3A_15, %add3A_14 : i32
      %run_scoped3A = arith.constant 0 : i32
      "tpu.region"() ({
        %run_scoped3A_226 = tpu.sem_alloc : memref<!tpu.dma_semaphore, #tpu.memory_space<semaphore_mem>>
        %dma_start3A_227 = arith.constant 0 : i32
        %dma_start3A_228 = tpu.memref_slice %arg5[%run_scoped3A, %dma_start3A_227] : memref<9x64xi32, #tpu.memory_space<vmem>> -> memref<1x64xi32, #tpu.memory_space<vmem>>
        %dma_start3A_229 = tpu.memref_squeeze %dma_start3A_228 : memref<1x64xi32, #tpu.memory_space<vmem>> -> memref<64xi32, #tpu.memory_space<vmem>>
        %dma_start3A_230 = tpu.memref_slice %arg3[%add3A_16] : memref<65536xi32, #tpu.memory_space<hbm>> -> memref<64xi32, #tpu.memory_space<hbm>>
        %dma_start3A_231 = arith.constant 0 : i32
        %dma_start3A_232 = tpu.memref_slice %arg5[%run_scoped3A, %dma_start3A_231] : memref<9x64xi32, #tpu.memory_space<vmem>> -> memref<1x64xi32, #tpu.memory_space<vmem>>
        %dma_start3A_233 = tpu.memref_squeeze %dma_start3A_232 : memref<1x64xi32, #tpu.memory_space<vmem>> -> memref<64xi32, #tpu.memory_space<vmem>>
        %dma_start3A_234 = tpu.memref_slice %arg3[%add3A_16] : memref<65536xi32, #tpu.memory_space<hbm>> -> memref<64xi32, #tpu.memory_space<hbm>>
        tpu.enqueue_dma source(%dma_start3A_234 : memref<64xi32, #tpu.memory_space<hbm>>) target(%dma_start3A_233 : memref<64xi32, #tpu.memory_space<vmem>>) target_semaphore(%run_scoped3A_226 : memref<!tpu.dma_semaphore, #tpu.memory_space<semaphore_mem>>)
        %dma_wait3A_235 = arith.constant 0 : i32
        %dma_wait3A_236 = tpu.memref_slice %arg5[%run_scoped3A, %dma_wait3A_235] : memref<9x64xi32, #tpu.memory_space<vmem>> -> memref<1x64xi32, #tpu.memory_space<vmem>>
        %dma_wait3A_237 = tpu.memref_squeeze %dma_wait3A_236 : memref<1x64xi32, #tpu.memory_space<vmem>> -> memref<64xi32, #tpu.memory_space<vmem>>
        %dma_wait3A_238 = tpu.memref_slice %arg3[%add3A_16] : memref<65536xi32, #tpu.memory_space<hbm>> -> memref<64xi32, #tpu.memory_space<hbm>>
        %dma_wait3A_239 = arith.constant 0 : i32
        %dma_wait3A_240 = tpu.memref_slice %arg5[%run_scoped3A, %dma_wait3A_239] : memref<9x64xi32, #tpu.memory_space<vmem>> -> memref<1x64xi32, #tpu.memory_space<vmem>>
        %dma_wait3A_241 = tpu.memref_squeeze %dma_wait3A_240 : memref<1x64xi32, #tpu.memory_space<vmem>> -> memref<64xi32, #tpu.memory_space<vmem>>
        %dma_wait3A_242 = tpu.memref_slice %arg3[%add3A_16] : memref<65536xi32, #tpu.memory_space<hbm>> -> memref<64xi32, #tpu.memory_space<hbm>>
        tpu.wait_dma2 semaphore(%run_scoped3A_226 : memref<!tpu.dma_semaphore, #tpu.memory_space<semaphore_mem>>) src(%dma_wait3A_242 : memref<64xi32, #tpu.memory_space<hbm>>) dst(%dma_wait3A_241 : memref<64xi32, #tpu.memory_space<vmem>>)
        tpu.yield
      }) : () -> ()
      %add3A_17 = arith.constant 4096 : i32
      %add3A_18 = arith.addi %add3A_17, %add3A_14 : i32
      %run_scoped3A_19 = arith.constant 1 : i32
      "tpu.region"() ({
        %run_scoped3A_226 = tpu.sem_alloc : memref<!tpu.dma_semaphore, #tpu.memory_space<semaphore_mem>>
        %dma_start3A_227 = arith.constant 0 : i32
        %dma_start3A_228 = tpu.memref_slice %arg5[%run_scoped3A_19, %dma_start3A_227] : memref<9x64xi32, #tpu.memory_space<vmem>> -> memref<1x64xi32, #tpu.memory_space<vmem>>
        %dma_start3A_229 = tpu.memref_squeeze %dma_start3A_228 : memref<1x64xi32, #tpu.memory_space<vmem>> -> memref<64xi32, #tpu.memory_space<vmem>>
        %dma_start3A_230 = tpu.memref_slice %arg3[%add3A_18] : memref<65536xi32, #tpu.memory_space<hbm>> -> memref<64xi32, #tpu.memory_space<hbm>>
        %dma_start3A_231 = arith.constant 0 : i32
        %dma_start3A_232 = tpu.memref_slice %arg5[%run_scoped3A_19, %dma_start3A_231] : memref<9x64xi32, #tpu.memory_space<vmem>> -> memref<1x64xi32, #tpu.memory_space<vmem>>
        %dma_start3A_233 = tpu.memref_squeeze %dma_start3A_232 : memref<1x64xi32, #tpu.memory_space<vmem>> -> memref<64xi32, #tpu.memory_space<vmem>>
        %dma_start3A_234 = tpu.memref_slice %arg3[%add3A_18] : memref<65536xi32, #tpu.memory_space<hbm>> -> memref<64xi32, #tpu.memory_space<hbm>>
        tpu.enqueue_dma source(%dma_start3A_234 : memref<64xi32, #tpu.memory_space<hbm>>) target(%dma_start3A_233 : memref<64xi32, #tpu.memory_space<vmem>>) target_semaphore(%run_scoped3A_226 : memref<!tpu.dma_semaphore, #tpu.memory_space<semaphore_mem>>)
        %dma_wait3A_235 = arith.constant 0 : i32
        %dma_wait3A_236 = tpu.memref_slice %arg5[%run_scoped3A_19, %dma_wait3A_235] : memref<9x64xi32, #tpu.memory_space<vmem>> -> memref<1x64xi32, #tpu.memory_space<vmem>>
        %dma_wait3A_237 = tpu.memref_squeeze %dma_wait3A_236 : memref<1x64xi32, #tpu.memory_space<vmem>> -> memref<64xi32, #tpu.memory_space<vmem>>
        %dma_wait3A_238 = tpu.memref_slice %arg3[%add3A_18] : memref<65536xi32, #tpu.memory_space<hbm>> -> memref<64xi32, #tpu.memory_space<hbm>>
        %dma_wait3A_239 = arith.constant 0 : i32
        %dma_wait3A_240 = tpu.memref_slice %arg5[%run_scoped3A_19, %dma_wait3A_239] : memref<9x64xi32, #tpu.memory_space<vmem>> -> memref<1x64xi32, #tpu.memory_space<vmem>>
        %dma_wait3A_241 = tpu.memref_squeeze %dma_wait3A_240 : memref<1x64xi32, #tpu.memory_space<vmem>> -> memref<64xi32, #tpu.memory_space<vmem>>
        %dma_wait3A_242 = tpu.memref_slice %arg3[%add3A_18] : memref<65536xi32, #tpu.memory_space<hbm>> -> memref<64xi32, #tpu.memory_space<hbm>>
        tpu.wait_dma2 semaphore(%run_scoped3A_226 : memref<!tpu.dma_semaphore, #tpu.memory_space<semaphore_mem>>) src(%dma_wait3A_242 : memref<64xi32, #tpu.memory_space<hbm>>) dst(%dma_wait3A_241 : memref<64xi32, #tpu.memory_space<vmem>>)
        tpu.yield
      }) : () -> ()
      %add3A_20 = arith.constant 8192 : i32
      %add3A_21 = arith.addi %add3A_20, %add3A_14 : i32
      %run_scoped3A_22 = arith.constant 2 : i32
      "tpu.region"() ({
        %run_scoped3A_226 = tpu.sem_alloc : memref<!tpu.dma_semaphore, #tpu.memory_space<semaphore_mem>>
        %dma_start3A_227 = arith.constant 0 : i32
        %dma_start3A_228 = tpu.memref_slice %arg5[%run_scoped3A_22, %dma_start3A_227] : memref<9x64xi32, #tpu.memory_space<vmem>> -> memref<1x64xi32, #tpu.memory_space<vmem>>
        %dma_start3A_229 = tpu.memref_squeeze %dma_start3A_228 : memref<1x64xi32, #tpu.memory_space<vmem>> -> memref<64xi32, #tpu.memory_space<vmem>>
        %dma_start3A_230 = tpu.memref_slice %arg3[%add3A_21] : memref<65536xi32, #tpu.memory_space<hbm>> -> memref<64xi32, #tpu.memory_space<hbm>>
        %dma_start3A_231 = arith.constant 0 : i32
        %dma_start3A_232 = tpu.memref_slice %arg5[%run_scoped3A_22, %dma_start3A_231] : memref<9x64xi32, #tpu.memory_space<vmem>> -> memref<1x64xi32, #tpu.memory_space<vmem>>
        %dma_start3A_233 = tpu.memref_squeeze %dma_start3A_232 : memref<1x64xi32, #tpu.memory_space<vmem>> -> memref<64xi32, #tpu.memory_space<vmem>>
        %dma_start3A_234 = tpu.memref_slice %arg3[%add3A_21] : memref<65536xi32, #tpu.memory_space<hbm>> -> memref<64xi32, #tpu.memory_space<hbm>>
        tpu.enqueue_dma source(%dma_start3A_234 : memref<64xi32, #tpu.memory_space<hbm>>) target(%dma_start3A_233 : memref<64xi32, #tpu.memory_space<vmem>>) target_semaphore(%run_scoped3A_226 : memref<!tpu.dma_semaphore, #tpu.memory_space<semaphore_mem>>)
        %dma_wait3A_235 = arith.constant 0 : i32
        %dma_wait3A_236 = tpu.memref_slice %arg5[%run_scoped3A_22, %dma_wait3A_235] : memref<9x64xi32, #tpu.memory_space<vmem>> -> memref<1x64xi32, #tpu.memory_space<vmem>>
        %dma_wait3A_237 = tpu.memref_squeeze %dma_wait3A_236 : memref<1x64xi32, #tpu.memory_space<vmem>> -> memref<64xi32, #tpu.memory_space<vmem>>
        %dma_wait3A_238 = tpu.memref_slice %arg3[%add3A_21] : memref<65536xi32, #tpu.memory_space<hbm>> -> memref<64xi32, #tpu.memory_space<hbm>>
        %dma_wait3A_239 = arith.constant 0 : i32
        %dma_wait3A_240 = tpu.memref_slice %arg5[%run_scoped3A_22, %dma_wait3A_239] : memref<9x64xi32, #tpu.memory_space<vmem>> -> memref<1x64xi32, #tpu.memory_space<vmem>>
        %dma_wait3A_241 = tpu.memref_squeeze %dma_wait3A_240 : memref<1x64xi32, #tpu.memory_space<vmem>> -> memref<64xi32, #tpu.memory_space<vmem>>
        %dma_wait3A_242 = tpu.memref_slice %arg3[%add3A_21] : memref<65536xi32, #tpu.memory_space<hbm>> -> memref<64xi32, #tpu.memory_space<hbm>>
        tpu.wait_dma2 semaphore(%run_scoped3A_226 : memref<!tpu.dma_semaphore, #tpu.memory_space<semaphore_mem>>) src(%dma_wait3A_242 : memref<64xi32, #tpu.memory_space<hbm>>) dst(%dma_wait3A_241 : memref<64xi32, #tpu.memory_space<vmem>>)
        tpu.yield
      }) : () -> ()
      %add3A_23 = arith.constant 12288 : i32
      %add3A_24 = arith.addi %add3A_23, %add3A_14 : i32
      %run_scoped3A_25 = arith.constant 3 : i32
      "tpu.region"() ({
        %run_scoped3A_226 = tpu.sem_alloc : memref<!tpu.dma_semaphore, #tpu.memory_space<semaphore_mem>>
        %dma_start3A_227 = arith.constant 0 : i32
        %dma_start3A_228 = tpu.memref_slice %arg5[%run_scoped3A_25, %dma_start3A_227] : memref<9x64xi32, #tpu.memory_space<vmem>> -> memref<1x64xi32, #tpu.memory_space<vmem>>
        %dma_start3A_229 = tpu.memref_squeeze %dma_start3A_228 : memref<1x64xi32, #tpu.memory_space<vmem>> -> memref<64xi32, #tpu.memory_space<vmem>>
        %dma_start3A_230 = tpu.memref_slice %arg3[%add3A_24] : memref<65536xi32, #tpu.memory_space<hbm>> -> memref<64xi32, #tpu.memory_space<hbm>>
        %dma_start3A_231 = arith.constant 0 : i32
        %dma_start3A_232 = tpu.memref_slice %arg5[%run_scoped3A_25, %dma_start3A_231] : memref<9x64xi32, #tpu.memory_space<vmem>> -> memref<1x64xi32, #tpu.memory_space<vmem>>
        %dma_start3A_233 = tpu.memref_squeeze %dma_start3A_232 : memref<1x64xi32, #tpu.memory_space<vmem>> -> memref<64xi32, #tpu.memory_space<vmem>>
        %dma_start3A_234 = tpu.memref_slice %arg3[%add3A_24] : memref<65536xi32, #tpu.memory_space<hbm>> -> memref<64xi32, #tpu.memory_space<hbm>>
        tpu.enqueue_dma source(%dma_start3A_234 : memref<64xi32, #tpu.memory_space<hbm>>) target(%dma_start3A_233 : memref<64xi32, #tpu.memory_space<vmem>>) target_semaphore(%run_scoped3A_226 : memref<!tpu.dma_semaphore, #tpu.memory_space<semaphore_mem>>)
        %dma_wait3A_235 = arith.constant 0 : i32
        %dma_wait3A_236 = tpu.memref_slice %arg5[%run_scoped3A_25, %dma_wait3A_235] : memref<9x64xi32, #tpu.memory_space<vmem>> -> memref<1x64xi32, #tpu.memory_space<vmem>>
        %dma_wait3A_237 = tpu.memref_squeeze %dma_wait3A_236 : memref<1x64xi32, #tpu.memory_space<vmem>> -> memref<64xi32, #tpu.memory_space<vmem>>
        %dma_wait3A_238 = tpu.memref_slice %arg3[%add3A_24] : memref<65536xi32, #tpu.memory_space<hbm>> -> memref<64xi32, #tpu.memory_space<hbm>>
        %dma_wait3A_239 = arith.constant 0 : i32
        %dma_wait3A_240 = tpu.memref_slice %arg5[%run_scoped3A_25, %dma_wait3A_239] : memref<9x64xi32, #tpu.memory_space<vmem>> -> memref<1x64xi32, #tpu.memory_space<vmem>>
        %dma_wait3A_241 = tpu.memref_squeeze %dma_wait3A_240 : memref<1x64xi32, #tpu.memory_space<vmem>> -> memref<64xi32, #tpu.memory_space<vmem>>
        %dma_wait3A_242 = tpu.memref_slice %arg3[%add3A_24] : memref<65536xi32, #tpu.memory_space<hbm>> -> memref<64xi32, #tpu.memory_space<hbm>>
        tpu.wait_dma2 semaphore(%run_scoped3A_226 : memref<!tpu.dma_semaphore, #tpu.memory_space<semaphore_mem>>) src(%dma_wait3A_242 : memref<64xi32, #tpu.memory_space<hbm>>) dst(%dma_wait3A_241 : memref<64xi32, #tpu.memory_space<vmem>>)
        tpu.yield
      }) : () -> ()
      %add3A_26 = arith.constant 16384 : i32
      %add3A_27 = arith.addi %add3A_26, %add3A_14 : i32
      %run_scoped3A_28 = arith.constant 4 : i32
      "tpu.region"() ({
        %run_scoped3A_226 = tpu.sem_alloc : memref<!tpu.dma_semaphore, #tpu.memory_space<semaphore_mem>>
        %dma_start3A_227 = arith.constant 0 : i32
        %dma_start3A_228 = tpu.memref_slice %arg5[%run_scoped3A_28, %dma_start3A_227] : memref<9x64xi32, #tpu.memory_space<vmem>> -> memref<1x64xi32, #tpu.memory_space<vmem>>
        %dma_start3A_229 = tpu.memref_squeeze %dma_start3A_228 : memref<1x64xi32, #tpu.memory_space<vmem>> -> memref<64xi32, #tpu.memory_space<vmem>>
        %dma_start3A_230 = tpu.memref_slice %arg3[%add3A_27] : memref<65536xi32, #tpu.memory_space<hbm>> -> memref<64xi32, #tpu.memory_space<hbm>>
        %dma_start3A_231 = arith.constant 0 : i32
        %dma_start3A_232 = tpu.memref_slice %arg5[%run_scoped3A_28, %dma_start3A_231] : memref<9x64xi32, #tpu.memory_space<vmem>> -> memref<1x64xi32, #tpu.memory_space<vmem>>
        %dma_start3A_233 = tpu.memref_squeeze %dma_start3A_232 : memref<1x64xi32, #tpu.memory_space<vmem>> -> memref<64xi32, #tpu.memory_space<vmem>>
        %dma_start3A_234 = tpu.memref_slice %arg3[%add3A_27] : memref<65536xi32, #tpu.memory_space<hbm>> -> memref<64xi32, #tpu.memory_space<hbm>>
        tpu.enqueue_dma source(%dma_start3A_234 : memref<64xi32, #tpu.memory_space<hbm>>) target(%dma_start3A_233 : memref<64xi32, #tpu.memory_space<vmem>>) target_semaphore(%run_scoped3A_226 : memref<!tpu.dma_semaphore, #tpu.memory_space<semaphore_mem>>)
        %dma_wait3A_235 = arith.constant 0 : i32
        %dma_wait3A_236 = tpu.memref_slice %arg5[%run_scoped3A_28, %dma_wait3A_235] : memref<9x64xi32, #tpu.memory_space<vmem>> -> memref<1x64xi32, #tpu.memory_space<vmem>>
        %dma_wait3A_237 = tpu.memref_squeeze %dma_wait3A_236 : memref<1x64xi32, #tpu.memory_space<vmem>> -> memref<64xi32, #tpu.memory_space<vmem>>
        %dma_wait3A_238 = tpu.memref_slice %arg3[%add3A_27] : memref<65536xi32, #tpu.memory_space<hbm>> -> memref<64xi32, #tpu.memory_space<hbm>>
        %dma_wait3A_239 = arith.constant 0 : i32
        %dma_wait3A_240 = tpu.memref_slice %arg5[%run_scoped3A_28, %dma_wait3A_239] : memref<9x64xi32, #tpu.memory_space<vmem>> -> memref<1x64xi32, #tpu.memory_space<vmem>>
        %dma_wait3A_241 = tpu.memref_squeeze %dma_wait3A_240 : memref<1x64xi32, #tpu.memory_space<vmem>> -> memref<64xi32, #tpu.memory_space<vmem>>
        %dma_wait3A_242 = tpu.memref_slice %arg3[%add3A_27] : memref<65536xi32, #tpu.memory_space<hbm>> -> memref<64xi32, #tpu.memory_space<hbm>>
        tpu.wait_dma2 semaphore(%run_scoped3A_226 : memref<!tpu.dma_semaphore, #tpu.memory_space<semaphore_mem>>) src(%dma_wait3A_242 : memref<64xi32, #tpu.memory_space<hbm>>) dst(%dma_wait3A_241 : memref<64xi32, #tpu.memory_space<vmem>>)
        tpu.yield
      }) : () -> ()
      %add3A_29 = arith.constant 20480 : i32
      %add3A_30 = arith.addi %add3A_29, %add3A_14 : i32
      %run_scoped3A_31 = arith.constant 5 : i32
      "tpu.region"() ({
        %run_scoped3A_226 = tpu.sem_alloc : memref<!tpu.dma_semaphore, #tpu.memory_space<semaphore_mem>>
        %dma_start3A_227 = arith.constant 0 : i32
        %dma_start3A_228 = tpu.memref_slice %arg5[%run_scoped3A_31, %dma_start3A_227] : memref<9x64xi32, #tpu.memory_space<vmem>> -> memref<1x64xi32, #tpu.memory_space<vmem>>
        %dma_start3A_229 = tpu.memref_squeeze %dma_start3A_228 : memref<1x64xi32, #tpu.memory_space<vmem>> -> memref<64xi32, #tpu.memory_space<vmem>>
        %dma_start3A_230 = tpu.memref_slice %arg3[%add3A_30] : memref<65536xi32, #tpu.memory_space<hbm>> -> memref<64xi32, #tpu.memory_space<hbm>>
        %dma_start3A_231 = arith.constant 0 : i32
        %dma_start3A_232 = tpu.memref_slice %arg5[%run_scoped3A_31, %dma_start3A_231] : memref<9x64xi32, #tpu.memory_space<vmem>> -> memref<1x64xi32, #tpu.memory_space<vmem>>
        %dma_start3A_233 = tpu.memref_squeeze %dma_start3A_232 : memref<1x64xi32, #tpu.memory_space<vmem>> -> memref<64xi32, #tpu.memory_space<vmem>>
        %dma_start3A_234 = tpu.memref_slice %arg3[%add3A_30] : memref<65536xi32, #tpu.memory_space<hbm>> -> memref<64xi32, #tpu.memory_space<hbm>>
        tpu.enqueue_dma source(%dma_start3A_234 : memref<64xi32, #tpu.memory_space<hbm>>) target(%dma_start3A_233 : memref<64xi32, #tpu.memory_space<vmem>>) target_semaphore(%run_scoped3A_226 : memref<!tpu.dma_semaphore, #tpu.memory_space<semaphore_mem>>)
        %dma_wait3A_235 = arith.constant 0 : i32
        %dma_wait3A_236 = tpu.memref_slice %arg5[%run_scoped3A_31, %dma_wait3A_235] : memref<9x64xi32, #tpu.memory_space<vmem>> -> memref<1x64xi32, #tpu.memory_space<vmem>>
        %dma_wait3A_237 = tpu.memref_squeeze %dma_wait3A_236 : memref<1x64xi32, #tpu.memory_space<vmem>> -> memref<64xi32, #tpu.memory_space<vmem>>
        %dma_wait3A_238 = tpu.memref_slice %arg3[%add3A_30] : memref<65536xi32, #tpu.memory_space<hbm>> -> memref<64xi32, #tpu.memory_space<hbm>>
        %dma_wait3A_239 = arith.constant 0 : i32
        %dma_wait3A_240 = tpu.memref_slice %arg5[%run_scoped3A_31, %dma_wait3A_239] : memref<9x64xi32, #tpu.memory_space<vmem>> -> memref<1x64xi32, #tpu.memory_space<vmem>>
        %dma_wait3A_241 = tpu.memref_squeeze %dma_wait3A_240 : memref<1x64xi32, #tpu.memory_space<vmem>> -> memref<64xi32, #tpu.memory_space<vmem>>
        %dma_wait3A_242 = tpu.memref_slice %arg3[%add3A_30] : memref<65536xi32, #tpu.memory_space<hbm>> -> memref<64xi32, #tpu.memory_space<hbm>>
        tpu.wait_dma2 semaphore(%run_scoped3A_226 : memref<!tpu.dma_semaphore, #tpu.memory_space<semaphore_mem>>) src(%dma_wait3A_242 : memref<64xi32, #tpu.memory_space<hbm>>) dst(%dma_wait3A_241 : memref<64xi32, #tpu.memory_space<vmem>>)
        tpu.yield
      }) : () -> ()
      %add3A_32 = arith.constant 24576 : i32
      %add3A_33 = arith.addi %add3A_32, %add3A_14 : i32
      %run_scoped3A_34 = arith.constant 6 : i32
      "tpu.region"() ({
        %run_scoped3A_226 = tpu.sem_alloc : memref<!tpu.dma_semaphore, #tpu.memory_space<semaphore_mem>>
        %dma_start3A_227 = arith.constant 0 : i32
        %dma_start3A_228 = tpu.memref_slice %arg5[%run_scoped3A_34, %dma_start3A_227] : memref<9x64xi32, #tpu.memory_space<vmem>> -> memref<1x64xi32, #tpu.memory_space<vmem>>
        %dma_start3A_229 = tpu.memref_squeeze %dma_start3A_228 : memref<1x64xi32, #tpu.memory_space<vmem>> -> memref<64xi32, #tpu.memory_space<vmem>>
        %dma_start3A_230 = tpu.memref_slice %arg3[%add3A_33] : memref<65536xi32, #tpu.memory_space<hbm>> -> memref<64xi32, #tpu.memory_space<hbm>>
        %dma_start3A_231 = arith.constant 0 : i32
        %dma_start3A_232 = tpu.memref_slice %arg5[%run_scoped3A_34, %dma_start3A_231] : memref<9x64xi32, #tpu.memory_space<vmem>> -> memref<1x64xi32, #tpu.memory_space<vmem>>
        %dma_start3A_233 = tpu.memref_squeeze %dma_start3A_232 : memref<1x64xi32, #tpu.memory_space<vmem>> -> memref<64xi32, #tpu.memory_space<vmem>>
        %dma_start3A_234 = tpu.memref_slice %arg3[%add3A_33] : memref<65536xi32, #tpu.memory_space<hbm>> -> memref<64xi32, #tpu.memory_space<hbm>>
        tpu.enqueue_dma source(%dma_start3A_234 : memref<64xi32, #tpu.memory_space<hbm>>) target(%dma_start3A_233 : memref<64xi32, #tpu.memory_space<vmem>>) target_semaphore(%run_scoped3A_226 : memref<!tpu.dma_semaphore, #tpu.memory_space<semaphore_mem>>)
        %dma_wait3A_235 = arith.constant 0 : i32
        %dma_wait3A_236 = tpu.memref_slice %arg5[%run_scoped3A_34, %dma_wait3A_235] : memref<9x64xi32, #tpu.memory_space<vmem>> -> memref<1x64xi32, #tpu.memory_space<vmem>>
        %dma_wait3A_237 = tpu.memref_squeeze %dma_wait3A_236 : memref<1x64xi32, #tpu.memory_space<vmem>> -> memref<64xi32, #tpu.memory_space<vmem>>
        %dma_wait3A_238 = tpu.memref_slice %arg3[%add3A_33] : memref<65536xi32, #tpu.memory_space<hbm>> -> memref<64xi32, #tpu.memory_space<hbm>>
        %dma_wait3A_239 = arith.constant 0 : i32
        %dma_wait3A_240 = tpu.memref_slice %arg5[%run_scoped3A_34, %dma_wait3A_239] : memref<9x64xi32, #tpu.memory_space<vmem>> -> memref<1x64xi32, #tpu.memory_space<vmem>>
        %dma_wait3A_241 = tpu.memref_squeeze %dma_wait3A_240 : memref<1x64xi32, #tpu.memory_space<vmem>> -> memref<64xi32, #tpu.memory_space<vmem>>
        %dma_wait3A_242 = tpu.memref_slice %arg3[%add3A_33] : memref<65536xi32, #tpu.memory_space<hbm>> -> memref<64xi32, #tpu.memory_space<hbm>>
        tpu.wait_dma2 semaphore(%run_scoped3A_226 : memref<!tpu.dma_semaphore, #tpu.memory_space<semaphore_mem>>) src(%dma_wait3A_242 : memref<64xi32, #tpu.memory_space<hbm>>) dst(%dma_wait3A_241 : memref<64xi32, #tpu.memory_space<vmem>>)
        tpu.yield
      }) : () -> ()
      %add3A_35 = arith.constant 28672 : i32
      %add3A_36 = arith.addi %add3A_35, %add3A_14 : i32
      %run_scoped3A_37 = arith.constant 7 : i32
      "tpu.region"() ({
        %run_scoped3A_226 = tpu.sem_alloc : memref<!tpu.dma_semaphore, #tpu.memory_space<semaphore_mem>>
        %dma_start3A_227 = arith.constant 0 : i32
        %dma_start3A_228 = tpu.memref_slice %arg5[%run_scoped3A_37, %dma_start3A_227] : memref<9x64xi32, #tpu.memory_space<vmem>> -> memref<1x64xi32, #tpu.memory_space<vmem>>
        %dma_start3A_229 = tpu.memref_squeeze %dma_start3A_228 : memref<1x64xi32, #tpu.memory_space<vmem>> -> memref<64xi32, #tpu.memory_space<vmem>>
        %dma_start3A_230 = tpu.memref_slice %arg3[%add3A_36] : memref<65536xi32, #tpu.memory_space<hbm>> -> memref<64xi32, #tpu.memory_space<hbm>>
        %dma_start3A_231 = arith.constant 0 : i32
        %dma_start3A_232 = tpu.memref_slice %arg5[%run_scoped3A_37, %dma_start3A_231] : memref<9x64xi32, #tpu.memory_space<vmem>> -> memref<1x64xi32, #tpu.memory_space<vmem>>
        %dma_start3A_233 = tpu.memref_squeeze %dma_start3A_232 : memref<1x64xi32, #tpu.memory_space<vmem>> -> memref<64xi32, #tpu.memory_space<vmem>>
        %dma_start3A_234 = tpu.memref_slice %arg3[%add3A_36] : memref<65536xi32, #tpu.memory_space<hbm>> -> memref<64xi32, #tpu.memory_space<hbm>>
        tpu.enqueue_dma source(%dma_start3A_234 : memref<64xi32, #tpu.memory_space<hbm>>) target(%dma_start3A_233 : memref<64xi32, #tpu.memory_space<vmem>>) target_semaphore(%run_scoped3A_226 : memref<!tpu.dma_semaphore, #tpu.memory_space<semaphore_mem>>)
        %dma_wait3A_235 = arith.constant 0 : i32
        %dma_wait3A_236 = tpu.memref_slice %arg5[%run_scoped3A_37, %dma_wait3A_235] : memref<9x64xi32, #tpu.memory_space<vmem>> -> memref<1x64xi32, #tpu.memory_space<vmem>>
        %dma_wait3A_237 = tpu.memref_squeeze %dma_wait3A_236 : memref<1x64xi32, #tpu.memory_space<vmem>> -> memref<64xi32, #tpu.memory_space<vmem>>
        %dma_wait3A_238 = tpu.memref_slice %arg3[%add3A_36] : memref<65536xi32, #tpu.memory_space<hbm>> -> memref<64xi32, #tpu.memory_space<hbm>>
        %dma_wait3A_239 = arith.constant 0 : i32
        %dma_wait3A_240 = tpu.memref_slice %arg5[%run_scoped3A_37, %dma_wait3A_239] : memref<9x64xi32, #tpu.memory_space<vmem>> -> memref<1x64xi32, #tpu.memory_space<vmem>>
        %dma_wait3A_241 = tpu.memref_squeeze %dma_wait3A_240 : memref<1x64xi32, #tpu.memory_space<vmem>> -> memref<64xi32, #tpu.memory_space<vmem>>
        %dma_wait3A_242 = tpu.memref_slice %arg3[%add3A_36] : memref<65536xi32, #tpu.memory_space<hbm>> -> memref<64xi32, #tpu.memory_space<hbm>>
        tpu.wait_dma2 semaphore(%run_scoped3A_226 : memref<!tpu.dma_semaphore, #tpu.memory_space<semaphore_mem>>) src(%dma_wait3A_242 : memref<64xi32, #tpu.memory_space<hbm>>) dst(%dma_wait3A_241 : memref<64xi32, #tpu.memory_space<vmem>>)
        tpu.yield
      }) : () -> ()
      %add3A_38 = arith.constant 32768 : i32
      %add3A_39 = arith.addi %add3A_38, %add3A_14 : i32
      %run_scoped3A_40 = arith.constant 8 : i32
      "tpu.region"() ({
        %run_scoped3A_226 = tpu.sem_alloc : memref<!tpu.dma_semaphore, #tpu.memory_space<semaphore_mem>>
        %dma_start3A_227 = arith.constant 0 : i32
        %dma_start3A_228 = tpu.memref_slice %arg5[%run_scoped3A_40, %dma_start3A_227] : memref<9x64xi32, #tpu.memory_space<vmem>> -> memref<1x64xi32, #tpu.memory_space<vmem>>
        %dma_start3A_229 = tpu.memref_squeeze %dma_start3A_228 : memref<1x64xi32, #tpu.memory_space<vmem>> -> memref<64xi32, #tpu.memory_space<vmem>>
        %dma_start3A_230 = tpu.memref_slice %arg3[%add3A_39] : memref<65536xi32, #tpu.memory_space<hbm>> -> memref<64xi32, #tpu.memory_space<hbm>>
        %dma_start3A_231 = arith.constant 0 : i32
        %dma_start3A_232 = tpu.memref_slice %arg5[%run_scoped3A_40, %dma_start3A_231] : memref<9x64xi32, #tpu.memory_space<vmem>> -> memref<1x64xi32, #tpu.memory_space<vmem>>
        %dma_start3A_233 = tpu.memref_squeeze %dma_start3A_232 : memref<1x64xi32, #tpu.memory_space<vmem>> -> memref<64xi32, #tpu.memory_space<vmem>>
        %dma_start3A_234 = tpu.memref_slice %arg3[%add3A_39] : memref<65536xi32, #tpu.memory_space<hbm>> -> memref<64xi32, #tpu.memory_space<hbm>>
        tpu.enqueue_dma source(%dma_start3A_234 : memref<64xi32, #tpu.memory_space<hbm>>) target(%dma_start3A_233 : memref<64xi32, #tpu.memory_space<vmem>>) target_semaphore(%run_scoped3A_226 : memref<!tpu.dma_semaphore, #tpu.memory_space<semaphore_mem>>)
        %dma_wait3A_235 = arith.constant 0 : i32
        %dma_wait3A_236 = tpu.memref_slice %arg5[%run_scoped3A_40, %dma_wait3A_235] : memref<9x64xi32, #tpu.memory_space<vmem>> -> memref<1x64xi32, #tpu.memory_space<vmem>>
        %dma_wait3A_237 = tpu.memref_squeeze %dma_wait3A_236 : memref<1x64xi32, #tpu.memory_space<vmem>> -> memref<64xi32, #tpu.memory_space<vmem>>
        %dma_wait3A_238 = tpu.memref_slice %arg3[%add3A_39] : memref<65536xi32, #tpu.memory_space<hbm>> -> memref<64xi32, #tpu.memory_space<hbm>>
        %dma_wait3A_239 = arith.constant 0 : i32
        %dma_wait3A_240 = tpu.memref_slice %arg5[%run_scoped3A_40, %dma_wait3A_239] : memref<9x64xi32, #tpu.memory_space<vmem>> -> memref<1x64xi32, #tpu.memory_space<vmem>>
        %dma_wait3A_241 = tpu.memref_squeeze %dma_wait3A_240 : memref<1x64xi32, #tpu.memory_space<vmem>> -> memref<64xi32, #tpu.memory_space<vmem>>
        %dma_wait3A_242 = tpu.memref_slice %arg3[%add3A_39] : memref<65536xi32, #tpu.memory_space<hbm>> -> memref<64xi32, #tpu.memory_space<hbm>>
        tpu.wait_dma2 semaphore(%run_scoped3A_226 : memref<!tpu.dma_semaphore, #tpu.memory_space<semaphore_mem>>) src(%dma_wait3A_242 : memref<64xi32, #tpu.memory_space<hbm>>) dst(%dma_wait3A_241 : memref<64xi32, #tpu.memory_space<vmem>>)
        tpu.yield
      }) : () -> ()
      %dma_start3A = arith.constant 0 : i32
      %dma_start3A_41 = arith.constant 0 : i32
      %dma_start3A_42 = arith.constant 0 : i32
      %dma_start3A_43 = tpu.memref_slice %arg6[%dma_start3A_41, %dma_start3A_42] : memref<576x128xf32, #tpu.memory_space<vmem>> -> memref<64x128xf32, #tpu.memory_space<vmem>>
      %dma_start3A_44 = arith.constant 0 : i32
      %dma_start3A_45 = tpu.memref_slice %arg5[%dma_start3A, %dma_start3A_44] : memref<9x64xi32, #tpu.memory_space<vmem>> -> memref<1x64xi32, #tpu.memory_space<vmem>>
      %dma_start3A_46 = tpu.memref_squeeze %dma_start3A_45 : memref<1x64xi32, #tpu.memory_space<vmem>> -> memref<64xi32, #tpu.memory_space<vmem>>
      %dma_start3A_47 = arith.constant 0 : i32
      %dma_start3A_48 = arith.constant 0 : i32
      %dma_start3A_49 = tpu.memref_slice %arg2[%dma_start3A_47, %dma_start3A_48] : memref<8192x128xf32, #tpu.memory_space<hbm>> -> memref<8192x128xf32, #tpu.memory_space<hbm>>
      tpu.enqueue_indirect_dma source(%dma_start3A_49 : memref<8192x128xf32, #tpu.memory_space<hbm>>) target(%dma_start3A_43 : memref<64x128xf32, #tpu.memory_space<vmem>>) offsets(%dma_start3A_46 : memref<64xi32, #tpu.memory_space<vmem>>) semaphore(%arg9 : memref<!tpu.dma_semaphore, #tpu.memory_space<semaphore_mem>>)
      %dma_start3A_50 = arith.constant 1 : i32
      %dma_start3A_51 = arith.constant 64 : i32
      %dma_start3A_52 = arith.constant 0 : i32
      %dma_start3A_53 = tpu.memref_slice %arg6[%dma_start3A_51, %dma_start3A_52] : memref<576x128xf32, #tpu.memory_space<vmem>> -> memref<64x128xf32, #tpu.memory_space<vmem>>
      %dma_start3A_54 = arith.constant 0 : i32
      %dma_start3A_55 = tpu.memref_slice %arg5[%dma_start3A_50, %dma_start3A_54] : memref<9x64xi32, #tpu.memory_space<vmem>> -> memref<1x64xi32, #tpu.memory_space<vmem>>
      %dma_start3A_56 = tpu.memref_squeeze %dma_start3A_55 : memref<1x64xi32, #tpu.memory_space<vmem>> -> memref<64xi32, #tpu.memory_space<vmem>>
      %dma_start3A_57 = arith.constant 0 : i32
      %dma_start3A_58 = arith.constant 0 : i32
      %dma_start3A_59 = tpu.memref_slice %arg2[%dma_start3A_57, %dma_start3A_58] : memref<8192x128xf32, #tpu.memory_space<hbm>> -> memref<8192x128xf32, #tpu.memory_space<hbm>>
      tpu.enqueue_indirect_dma source(%dma_start3A_59 : memref<8192x128xf32, #tpu.memory_space<hbm>>) target(%dma_start3A_53 : memref<64x128xf32, #tpu.memory_space<vmem>>) offsets(%dma_start3A_56 : memref<64xi32, #tpu.memory_space<vmem>>) semaphore(%arg9 : memref<!tpu.dma_semaphore, #tpu.memory_space<semaphore_mem>>)
      %dma_start3A_60 = arith.constant 2 : i32
      %dma_start3A_61 = arith.constant 128 : i32
      %dma_start3A_62 = arith.constant 0 : i32
      %dma_start3A_63 = tpu.memref_slice %arg6[%dma_start3A_61, %dma_start3A_62] : memref<576x128xf32, #tpu.memory_space<vmem>> -> memref<64x128xf32, #tpu.memory_space<vmem>>
      %dma_start3A_64 = arith.constant 0 : i32
      %dma_start3A_65 = tpu.memref_slice %arg5[%dma_start3A_60, %dma_start3A_64] : memref<9x64xi32, #tpu.memory_space<vmem>> -> memref<1x64xi32, #tpu.memory_space<vmem>>
      %dma_start3A_66 = tpu.memref_squeeze %dma_start3A_65 : memref<1x64xi32, #tpu.memory_space<vmem>> -> memref<64xi32, #tpu.memory_space<vmem>>
      %dma_start3A_67 = arith.constant 0 : i32
      %dma_start3A_68 = arith.constant 0 : i32
      %dma_start3A_69 = tpu.memref_slice %arg2[%dma_start3A_67, %dma_start3A_68] : memref<8192x128xf32, #tpu.memory_space<hbm>> -> memref<8192x128xf32, #tpu.memory_space<hbm>>
      tpu.enqueue_indirect_dma source(%dma_start3A_69 : memref<8192x128xf32, #tpu.memory_space<hbm>>) target(%dma_start3A_63 : memref<64x128xf32, #tpu.memory_space<vmem>>) offsets(%dma_start3A_66 : memref<64xi32, #tpu.memory_space<vmem>>) semaphore(%arg9 : memref<!tpu.dma_semaphore, #tpu.memory_space<semaphore_mem>>)
      %dma_start3A_70 = arith.constant 3 : i32
      %dma_start3A_71 = arith.constant 192 : i32
      %dma_start3A_72 = arith.constant 0 : i32
      %dma_start3A_73 = tpu.memref_slice %arg6[%dma_start3A_71, %dma_start3A_72] : memref<576x128xf32, #tpu.memory_space<vmem>> -> memref<64x128xf32, #tpu.memory_space<vmem>>
      %dma_start3A_74 = arith.constant 0 : i32
      %dma_start3A_75 = tpu.memref_slice %arg5[%dma_start3A_70, %dma_start3A_74] : memref<9x64xi32, #tpu.memory_space<vmem>> -> memref<1x64xi32, #tpu.memory_space<vmem>>
      %dma_start3A_76 = tpu.memref_squeeze %dma_start3A_75 : memref<1x64xi32, #tpu.memory_space<vmem>> -> memref<64xi32, #tpu.memory_space<vmem>>
      %dma_start3A_77 = arith.constant 0 : i32
      %dma_start3A_78 = arith.constant 0 : i32
      %dma_start3A_79 = tpu.memref_slice %arg2[%dma_start3A_77, %dma_start3A_78] : memref<8192x128xf32, #tpu.memory_space<hbm>> -> memref<8192x128xf32, #tpu.memory_space<hbm>>
      tpu.enqueue_indirect_dma source(%dma_start3A_79 : memref<8192x128xf32, #tpu.memory_space<hbm>>) target(%dma_start3A_73 : memref<64x128xf32, #tpu.memory_space<vmem>>) offsets(%dma_start3A_76 : memref<64xi32, #tpu.memory_space<vmem>>) semaphore(%arg9 : memref<!tpu.dma_semaphore, #tpu.memory_space<semaphore_mem>>)
      %dma_start3A_80 = arith.constant 4 : i32
      %dma_start3A_81 = arith.constant 256 : i32
      %dma_start3A_82 = arith.constant 0 : i32
      %dma_start3A_83 = tpu.memref_slice %arg6[%dma_start3A_81, %dma_start3A_82] : memref<576x128xf32, #tpu.memory_space<vmem>> -> memref<64x128xf32, #tpu.memory_space<vmem>>
      %dma_start3A_84 = arith.constant 0 : i32
      %dma_start3A_85 = tpu.memref_slice %arg5[%dma_start3A_80, %dma_start3A_84] : memref<9x64xi32, #tpu.memory_space<vmem>> -> memref<1x64xi32, #tpu.memory_space<vmem>>
      %dma_start3A_86 = tpu.memref_squeeze %dma_start3A_85 : memref<1x64xi32, #tpu.memory_space<vmem>> -> memref<64xi32, #tpu.memory_space<vmem>>
      %dma_start3A_87 = arith.constant 0 : i32
      %dma_start3A_88 = arith.constant 0 : i32
      %dma_start3A_89 = tpu.memref_slice %arg2[%dma_start3A_87, %dma_start3A_88] : memref<8192x128xf32, #tpu.memory_space<hbm>> -> memref<8192x128xf32, #tpu.memory_space<hbm>>
      tpu.enqueue_indirect_dma source(%dma_start3A_89 : memref<8192x128xf32, #tpu.memory_space<hbm>>) target(%dma_start3A_83 : memref<64x128xf32, #tpu.memory_space<vmem>>) offsets(%dma_start3A_86 : memref<64xi32, #tpu.memory_space<vmem>>) semaphore(%arg9 : memref<!tpu.dma_semaphore, #tpu.memory_space<semaphore_mem>>)
      %dma_start3A_90 = arith.constant 5 : i32
      %dma_start3A_91 = arith.constant 320 : i32
      %dma_start3A_92 = arith.constant 0 : i32
      %dma_start3A_93 = tpu.memref_slice %arg6[%dma_start3A_91, %dma_start3A_92] : memref<576x128xf32, #tpu.memory_space<vmem>> -> memref<64x128xf32, #tpu.memory_space<vmem>>
      %dma_start3A_94 = arith.constant 0 : i32
      %dma_start3A_95 = tpu.memref_slice %arg5[%dma_start3A_90, %dma_start3A_94] : memref<9x64xi32, #tpu.memory_space<vmem>> -> memref<1x64xi32, #tpu.memory_space<vmem>>
      %dma_start3A_96 = tpu.memref_squeeze %dma_start3A_95 : memref<1x64xi32, #tpu.memory_space<vmem>> -> memref<64xi32, #tpu.memory_space<vmem>>
      %dma_start3A_97 = arith.constant 0 : i32
      %dma_start3A_98 = arith.constant 0 : i32
      %dma_start3A_99 = tpu.memref_slice %arg2[%dma_start3A_97, %dma_start3A_98] : memref<8192x128xf32, #tpu.memory_space<hbm>> -> memref<8192x128xf32, #tpu.memory_space<hbm>>
      tpu.enqueue_indirect_dma source(%dma_start3A_99 : memref<8192x128xf32, #tpu.memory_space<hbm>>) target(%dma_start3A_93 : memref<64x128xf32, #tpu.memory_space<vmem>>) offsets(%dma_start3A_96 : memref<64xi32, #tpu.memory_space<vmem>>) semaphore(%arg9 : memref<!tpu.dma_semaphore, #tpu.memory_space<semaphore_mem>>)
      %dma_start3A_100 = arith.constant 6 : i32
      %dma_start3A_101 = arith.constant 384 : i32
      %dma_start3A_102 = arith.constant 0 : i32
      %dma_start3A_103 = tpu.memref_slice %arg6[%dma_start3A_101, %dma_start3A_102] : memref<576x128xf32, #tpu.memory_space<vmem>> -> memref<64x128xf32, #tpu.memory_space<vmem>>
      %dma_start3A_104 = arith.constant 0 : i32
      %dma_start3A_105 = tpu.memref_slice %arg5[%dma_start3A_100, %dma_start3A_104] : memref<9x64xi32, #tpu.memory_space<vmem>> -> memref<1x64xi32, #tpu.memory_space<vmem>>
      %dma_start3A_106 = tpu.memref_squeeze %dma_start3A_105 : memref<1x64xi32, #tpu.memory_space<vmem>> -> memref<64xi32, #tpu.memory_space<vmem>>
      %dma_start3A_107 = arith.constant 0 : i32
      %dma_start3A_108 = arith.constant 0 : i32
      %dma_start3A_109 = tpu.memref_slice %arg2[%dma_start3A_107, %dma_start3A_108] : memref<8192x128xf32, #tpu.memory_space<hbm>> -> memref<8192x128xf32, #tpu.memory_space<hbm>>
      tpu.enqueue_indirect_dma source(%dma_start3A_109 : memref<8192x128xf32, #tpu.memory_space<hbm>>) target(%dma_start3A_103 : memref<64x128xf32, #tpu.memory_space<vmem>>) offsets(%dma_start3A_106 : memref<64xi32, #tpu.memory_space<vmem>>) semaphore(%arg9 : memref<!tpu.dma_semaphore, #tpu.memory_space<semaphore_mem>>)
      %dma_start3A_110 = arith.constant 7 : i32
      %dma_start3A_111 = arith.constant 448 : i32
      %dma_start3A_112 = arith.constant 0 : i32
      %dma_start3A_113 = tpu.memref_slice %arg6[%dma_start3A_111, %dma_start3A_112] : memref<576x128xf32, #tpu.memory_space<vmem>> -> memref<64x128xf32, #tpu.memory_space<vmem>>
      %dma_start3A_114 = arith.constant 0 : i32
      %dma_start3A_115 = tpu.memref_slice %arg5[%dma_start3A_110, %dma_start3A_114] : memref<9x64xi32, #tpu.memory_space<vmem>> -> memref<1x64xi32, #tpu.memory_space<vmem>>
      %dma_start3A_116 = tpu.memref_squeeze %dma_start3A_115 : memref<1x64xi32, #tpu.memory_space<vmem>> -> memref<64xi32, #tpu.memory_space<vmem>>
      %dma_start3A_117 = arith.constant 0 : i32
      %dma_start3A_118 = arith.constant 0 : i32
      %dma_start3A_119 = tpu.memref_slice %arg2[%dma_start3A_117, %dma_start3A_118] : memref<8192x128xf32, #tpu.memory_space<hbm>> -> memref<8192x128xf32, #tpu.memory_space<hbm>>
      tpu.enqueue_indirect_dma source(%dma_start3A_119 : memref<8192x128xf32, #tpu.memory_space<hbm>>) target(%dma_start3A_113 : memref<64x128xf32, #tpu.memory_space<vmem>>) offsets(%dma_start3A_116 : memref<64xi32, #tpu.memory_space<vmem>>) semaphore(%arg9 : memref<!tpu.dma_semaphore, #tpu.memory_space<semaphore_mem>>)
      %dma_start3A_120 = arith.constant 8 : i32
      %dma_start3A_121 = arith.constant 512 : i32
      %dma_start3A_122 = arith.constant 0 : i32
      %dma_start3A_123 = tpu.memref_slice %arg6[%dma_start3A_121, %dma_start3A_122] : memref<576x128xf32, #tpu.memory_space<vmem>> -> memref<64x128xf32, #tpu.memory_space<vmem>>
      %dma_start3A_124 = arith.constant 0 : i32
      %dma_start3A_125 = tpu.memref_slice %arg5[%dma_start3A_120, %dma_start3A_124] : memref<9x64xi32, #tpu.memory_space<vmem>> -> memref<1x64xi32, #tpu.memory_space<vmem>>
      %dma_start3A_126 = tpu.memref_squeeze %dma_start3A_125 : memref<1x64xi32, #tpu.memory_space<vmem>> -> memref<64xi32, #tpu.memory_space<vmem>>
      %dma_start3A_127 = arith.constant 0 : i32
      %dma_start3A_128 = arith.constant 0 : i32
      %dma_start3A_129 = tpu.memref_slice %arg2[%dma_start3A_127, %dma_start3A_128] : memref<8192x128xf32, #tpu.memory_space<hbm>> -> memref<8192x128xf32, #tpu.memory_space<hbm>>
      tpu.enqueue_indirect_dma source(%dma_start3A_129 : memref<8192x128xf32, #tpu.memory_space<hbm>>) target(%dma_start3A_123 : memref<64x128xf32, #tpu.memory_space<vmem>>) offsets(%dma_start3A_126 : memref<64xi32, #tpu.memory_space<vmem>>) semaphore(%arg9 : memref<!tpu.dma_semaphore, #tpu.memory_space<semaphore_mem>>)
      %add3A_130 = arith.constant 4096 : i32
      %add3A_131 = arith.addi %add3A_130, %add3A_14 : i32
      "tpu.region"() ({
        %run_scoped3A_226 = tpu.sem_alloc : memref<!tpu.dma_semaphore, #tpu.memory_space<semaphore_mem>>
        %dma_start3A_227 = arith.constant 0 : i32
        %dma_start3A_228 = tpu.memref_slice %arg2[%add3A_131, %dma_start3A_227] : memref<8192x128xf32, #tpu.memory_space<hbm>> -> memref<64x128xf32, #tpu.memory_space<hbm>>
        %dma_start3A_229 = arith.constant 0 : i32
        %dma_start3A_230 = tpu.memref_slice %arg2[%add3A_131, %dma_start3A_229] : memref<8192x128xf32, #tpu.memory_space<hbm>> -> memref<64x128xf32, #tpu.memory_space<hbm>>
        tpu.enqueue_dma source(%dma_start3A_230 : memref<64x128xf32, #tpu.memory_space<hbm>>) target(%arg7 : memref<64x128xf32, #tpu.memory_space<vmem>>) target_semaphore(%run_scoped3A_226 : memref<!tpu.dma_semaphore, #tpu.memory_space<semaphore_mem>>)
        %dma_wait3A_231 = arith.constant 0 : i32
        %dma_wait3A_232 = tpu.memref_slice %arg2[%add3A_131, %dma_wait3A_231] : memref<8192x128xf32, #tpu.memory_space<hbm>> -> memref<64x128xf32, #tpu.memory_space<hbm>>
        %dma_wait3A_233 = arith.constant 0 : i32
        %dma_wait3A_234 = tpu.memref_slice %arg2[%add3A_131, %dma_wait3A_233] : memref<8192x128xf32, #tpu.memory_space<hbm>> -> memref<64x128xf32, #tpu.memory_space<hbm>>
        tpu.wait_dma2 semaphore(%run_scoped3A_226 : memref<!tpu.dma_semaphore, #tpu.memory_space<semaphore_mem>>) src(%dma_wait3A_234 : memref<64x128xf32, #tpu.memory_space<hbm>>) dst(%arg7 : memref<64x128xf32, #tpu.memory_space<vmem>>)
        tpu.yield
      }) : () -> ()
      %dma_wait3A = arith.constant 0 : i32
      %dma_wait3A_132 = arith.constant 0 : i32
      %dma_wait3A_133 = arith.constant 0 : i32
      %dma_wait3A_134 = tpu.memref_slice %arg6[%dma_wait3A_132, %dma_wait3A_133] : memref<576x128xf32, #tpu.memory_space<vmem>> -> memref<64x128xf32, #tpu.memory_space<vmem>>
      %dma_wait3A_135 = arith.constant 0 : i32
      %dma_wait3A_136 = tpu.memref_slice %arg5[%dma_wait3A, %dma_wait3A_135] : memref<9x64xi32, #tpu.memory_space<vmem>> -> memref<1x64xi32, #tpu.memory_space<vmem>>
      %dma_wait3A_137 = tpu.memref_squeeze %dma_wait3A_136 : memref<1x64xi32, #tpu.memory_space<vmem>> -> memref<64xi32, #tpu.memory_space<vmem>>
      %dma_wait3A_138 = arith.constant 0 : i32
      %dma_wait3A_139 = arith.constant 0 : i32
      %dma_wait3A_140 = tpu.memref_slice %arg2[%dma_wait3A_138, %dma_wait3A_139] : memref<8192x128xf32, #tpu.memory_space<hbm>> -> memref<8192x128xf32, #tpu.memory_space<hbm>>
      tpu.wait_indirect_dma semaphore(%arg9 : memref<!tpu.dma_semaphore, #tpu.memory_space<semaphore_mem>>) src(%dma_wait3A_140 : memref<8192x128xf32, #tpu.memory_space<hbm>>) dst(%dma_wait3A_134 : memref<64x128xf32, #tpu.memory_space<vmem>>)
      %dma_wait3A_141 = arith.constant 1 : i32
      %dma_wait3A_142 = arith.constant 64 : i32
      %dma_wait3A_143 = arith.constant 0 : i32
      %dma_wait3A_144 = tpu.memref_slice %arg6[%dma_wait3A_142, %dma_wait3A_143] : memref<576x128xf32, #tpu.memory_space<vmem>> -> memref<64x128xf32, #tpu.memory_space<vmem>>
      %dma_wait3A_145 = arith.constant 0 : i32
      %dma_wait3A_146 = tpu.memref_slice %arg5[%dma_wait3A_141, %dma_wait3A_145] : memref<9x64xi32, #tpu.memory_space<vmem>> -> memref<1x64xi32, #tpu.memory_space<vmem>>
      %dma_wait3A_147 = tpu.memref_squeeze %dma_wait3A_146 : memref<1x64xi32, #tpu.memory_space<vmem>> -> memref<64xi32, #tpu.memory_space<vmem>>
      %dma_wait3A_148 = arith.constant 0 : i32
      %dma_wait3A_149 = arith.constant 0 : i32
      %dma_wait3A_150 = tpu.memref_slice %arg2[%dma_wait3A_148, %dma_wait3A_149] : memref<8192x128xf32, #tpu.memory_space<hbm>> -> memref<8192x128xf32, #tpu.memory_space<hbm>>
      tpu.wait_indirect_dma semaphore(%arg9 : memref<!tpu.dma_semaphore, #tpu.memory_space<semaphore_mem>>) src(%dma_wait3A_150 : memref<8192x128xf32, #tpu.memory_space<hbm>>) dst(%dma_wait3A_144 : memref<64x128xf32, #tpu.memory_space<vmem>>)
      %dma_wait3A_151 = arith.constant 2 : i32
      %dma_wait3A_152 = arith.constant 128 : i32
      %dma_wait3A_153 = arith.constant 0 : i32
      %dma_wait3A_154 = tpu.memref_slice %arg6[%dma_wait3A_152, %dma_wait3A_153] : memref<576x128xf32, #tpu.memory_space<vmem>> -> memref<64x128xf32, #tpu.memory_space<vmem>>
      %dma_wait3A_155 = arith.constant 0 : i32
      %dma_wait3A_156 = tpu.memref_slice %arg5[%dma_wait3A_151, %dma_wait3A_155] : memref<9x64xi32, #tpu.memory_space<vmem>> -> memref<1x64xi32, #tpu.memory_space<vmem>>
      %dma_wait3A_157 = tpu.memref_squeeze %dma_wait3A_156 : memref<1x64xi32, #tpu.memory_space<vmem>> -> memref<64xi32, #tpu.memory_space<vmem>>
      %dma_wait3A_158 = arith.constant 0 : i32
      %dma_wait3A_159 = arith.constant 0 : i32
      %dma_wait3A_160 = tpu.memref_slice %arg2[%dma_wait3A_158, %dma_wait3A_159] : memref<8192x128xf32, #tpu.memory_space<hbm>> -> memref<8192x128xf32, #tpu.memory_space<hbm>>
      tpu.wait_indirect_dma semaphore(%arg9 : memref<!tpu.dma_semaphore, #tpu.memory_space<semaphore_mem>>) src(%dma_wait3A_160 : memref<8192x128xf32, #tpu.memory_space<hbm>>) dst(%dma_wait3A_154 : memref<64x128xf32, #tpu.memory_space<vmem>>)
      %dma_wait3A_161 = arith.constant 3 : i32
      %dma_wait3A_162 = arith.constant 192 : i32
      %dma_wait3A_163 = arith.constant 0 : i32
      %dma_wait3A_164 = tpu.memref_slice %arg6[%dma_wait3A_162, %dma_wait3A_163] : memref<576x128xf32, #tpu.memory_space<vmem>> -> memref<64x128xf32, #tpu.memory_space<vmem>>
      %dma_wait3A_165 = arith.constant 0 : i32
      %dma_wait3A_166 = tpu.memref_slice %arg5[%dma_wait3A_161, %dma_wait3A_165] : memref<9x64xi32, #tpu.memory_space<vmem>> -> memref<1x64xi32, #tpu.memory_space<vmem>>
      %dma_wait3A_167 = tpu.memref_squeeze %dma_wait3A_166 : memref<1x64xi32, #tpu.memory_space<vmem>> -> memref<64xi32, #tpu.memory_space<vmem>>
      %dma_wait3A_168 = arith.constant 0 : i32
      %dma_wait3A_169 = arith.constant 0 : i32
      %dma_wait3A_170 = tpu.memref_slice %arg2[%dma_wait3A_168, %dma_wait3A_169] : memref<8192x128xf32, #tpu.memory_space<hbm>> -> memref<8192x128xf32, #tpu.memory_space<hbm>>
      tpu.wait_indirect_dma semaphore(%arg9 : memref<!tpu.dma_semaphore, #tpu.memory_space<semaphore_mem>>) src(%dma_wait3A_170 : memref<8192x128xf32, #tpu.memory_space<hbm>>) dst(%dma_wait3A_164 : memref<64x128xf32, #tpu.memory_space<vmem>>)
      %dma_wait3A_171 = arith.constant 4 : i32
      %dma_wait3A_172 = arith.constant 256 : i32
      %dma_wait3A_173 = arith.constant 0 : i32
      %dma_wait3A_174 = tpu.memref_slice %arg6[%dma_wait3A_172, %dma_wait3A_173] : memref<576x128xf32, #tpu.memory_space<vmem>> -> memref<64x128xf32, #tpu.memory_space<vmem>>
      %dma_wait3A_175 = arith.constant 0 : i32
      %dma_wait3A_176 = tpu.memref_slice %arg5[%dma_wait3A_171, %dma_wait3A_175] : memref<9x64xi32, #tpu.memory_space<vmem>> -> memref<1x64xi32, #tpu.memory_space<vmem>>
      %dma_wait3A_177 = tpu.memref_squeeze %dma_wait3A_176 : memref<1x64xi32, #tpu.memory_space<vmem>> -> memref<64xi32, #tpu.memory_space<vmem>>
      %dma_wait3A_178 = arith.constant 0 : i32
      %dma_wait3A_179 = arith.constant 0 : i32
      %dma_wait3A_180 = tpu.memref_slice %arg2[%dma_wait3A_178, %dma_wait3A_179] : memref<8192x128xf32, #tpu.memory_space<hbm>> -> memref<8192x128xf32, #tpu.memory_space<hbm>>
      tpu.wait_indirect_dma semaphore(%arg9 : memref<!tpu.dma_semaphore, #tpu.memory_space<semaphore_mem>>) src(%dma_wait3A_180 : memref<8192x128xf32, #tpu.memory_space<hbm>>) dst(%dma_wait3A_174 : memref<64x128xf32, #tpu.memory_space<vmem>>)
      %dma_wait3A_181 = arith.constant 5 : i32
      %dma_wait3A_182 = arith.constant 320 : i32
      %dma_wait3A_183 = arith.constant 0 : i32
      %dma_wait3A_184 = tpu.memref_slice %arg6[%dma_wait3A_182, %dma_wait3A_183] : memref<576x128xf32, #tpu.memory_space<vmem>> -> memref<64x128xf32, #tpu.memory_space<vmem>>
      %dma_wait3A_185 = arith.constant 0 : i32
      %dma_wait3A_186 = tpu.memref_slice %arg5[%dma_wait3A_181, %dma_wait3A_185] : memref<9x64xi32, #tpu.memory_space<vmem>> -> memref<1x64xi32, #tpu.memory_space<vmem>>
      %dma_wait3A_187 = tpu.memref_squeeze %dma_wait3A_186 : memref<1x64xi32, #tpu.memory_space<vmem>> -> memref<64xi32, #tpu.memory_space<vmem>>
      %dma_wait3A_188 = arith.constant 0 : i32
      %dma_wait3A_189 = arith.constant 0 : i32
      %dma_wait3A_190 = tpu.memref_slice %arg2[%dma_wait3A_188, %dma_wait3A_189] : memref<8192x128xf32, #tpu.memory_space<hbm>> -> memref<8192x128xf32, #tpu.memory_space<hbm>>
      tpu.wait_indirect_dma semaphore(%arg9 : memref<!tpu.dma_semaphore, #tpu.memory_space<semaphore_mem>>) src(%dma_wait3A_190 : memref<8192x128xf32, #tpu.memory_space<hbm>>) dst(%dma_wait3A_184 : memref<64x128xf32, #tpu.memory_space<vmem>>)
      %dma_wait3A_191 = arith.constant 6 : i32
      %dma_wait3A_192 = arith.constant 384 : i32
      %dma_wait3A_193 = arith.constant 0 : i32
      %dma_wait3A_194 = tpu.memref_slice %arg6[%dma_wait3A_192, %dma_wait3A_193] : memref<576x128xf32, #tpu.memory_space<vmem>> -> memref<64x128xf32, #tpu.memory_space<vmem>>
      %dma_wait3A_195 = arith.constant 0 : i32
      %dma_wait3A_196 = tpu.memref_slice %arg5[%dma_wait3A_191, %dma_wait3A_195] : memref<9x64xi32, #tpu.memory_space<vmem>> -> memref<1x64xi32, #tpu.memory_space<vmem>>
      %dma_wait3A_197 = tpu.memref_squeeze %dma_wait3A_196 : memref<1x64xi32, #tpu.memory_space<vmem>> -> memref<64xi32, #tpu.memory_space<vmem>>
      %dma_wait3A_198 = arith.constant 0 : i32
      %dma_wait3A_199 = arith.constant 0 : i32
      %dma_wait3A_200 = tpu.memref_slice %arg2[%dma_wait3A_198, %dma_wait3A_199] : memref<8192x128xf32, #tpu.memory_space<hbm>> -> memref<8192x128xf32, #tpu.memory_space<hbm>>
      tpu.wait_indirect_dma semaphore(%arg9 : memref<!tpu.dma_semaphore, #tpu.memory_space<semaphore_mem>>) src(%dma_wait3A_200 : memref<8192x128xf32, #tpu.memory_space<hbm>>) dst(%dma_wait3A_194 : memref<64x128xf32, #tpu.memory_space<vmem>>)
      %dma_wait3A_201 = arith.constant 7 : i32
      %dma_wait3A_202 = arith.constant 448 : i32
      %dma_wait3A_203 = arith.constant 0 : i32
      %dma_wait3A_204 = tpu.memref_slice %arg6[%dma_wait3A_202, %dma_wait3A_203] : memref<576x128xf32, #tpu.memory_space<vmem>> -> memref<64x128xf32, #tpu.memory_space<vmem>>
      %dma_wait3A_205 = arith.constant 0 : i32
      %dma_wait3A_206 = tpu.memref_slice %arg5[%dma_wait3A_201, %dma_wait3A_205] : memref<9x64xi32, #tpu.memory_space<vmem>> -> memref<1x64xi32, #tpu.memory_space<vmem>>
      %dma_wait3A_207 = tpu.memref_squeeze %dma_wait3A_206 : memref<1x64xi32, #tpu.memory_space<vmem>> -> memref<64xi32, #tpu.memory_space<vmem>>
      %dma_wait3A_208 = arith.constant 0 : i32
      %dma_wait3A_209 = arith.constant 0 : i32
      %dma_wait3A_210 = tpu.memref_slice %arg2[%dma_wait3A_208, %dma_wait3A_209] : memref<8192x128xf32, #tpu.memory_space<hbm>> -> memref<8192x128xf32, #tpu.memory_space<hbm>>
      tpu.wait_indirect_dma semaphore(%arg9 : memref<!tpu.dma_semaphore, #tpu.memory_space<semaphore_mem>>) src(%dma_wait3A_210 : memref<8192x128xf32, #tpu.memory_space<hbm>>) dst(%dma_wait3A_204 : memref<64x128xf32, #tpu.memory_space<vmem>>)
      %dma_wait3A_211 = arith.constant 8 : i32
      %dma_wait3A_212 = arith.constant 512 : i32
      %dma_wait3A_213 = arith.constant 0 : i32
      %dma_wait3A_214 = tpu.memref_slice %arg6[%dma_wait3A_212, %dma_wait3A_213] : memref<576x128xf32, #tpu.memory_space<vmem>> -> memref<64x128xf32, #tpu.memory_space<vmem>>
      %dma_wait3A_215 = arith.constant 0 : i32
      %dma_wait3A_216 = tpu.memref_slice %arg5[%dma_wait3A_211, %dma_wait3A_215] : memref<9x64xi32, #tpu.memory_space<vmem>> -> memref<1x64xi32, #tpu.memory_space<vmem>>
      %dma_wait3A_217 = tpu.memref_squeeze %dma_wait3A_216 : memref<1x64xi32, #tpu.memory_space<vmem>> -> memref<64xi32, #tpu.memory_space<vmem>>
      %dma_wait3A_218 = arith.constant 0 : i32
      %dma_wait3A_219 = arith.constant 0 : i32
      %dma_wait3A_220 = tpu.memref_slice %arg2[%dma_wait3A_218, %dma_wait3A_219] : memref<8192x128xf32, #tpu.memory_space<hbm>> -> memref<8192x128xf32, #tpu.memory_space<hbm>>
      tpu.wait_indirect_dma semaphore(%arg9 : memref<!tpu.dma_semaphore, #tpu.memory_space<semaphore_mem>>) src(%dma_wait3A_220 : memref<8192x128xf32, #tpu.memory_space<hbm>>) dst(%dma_wait3A_214 : memref<64x128xf32, #tpu.memory_space<vmem>>)
      %scan3A_221 = arith.constant 0 : i32
      %scan3A_222 = arith.constant 64 : i32
      %scan3A_223 = arith.addi %scan3A_221, %scan3A_222 : i32
      %scan3A_224 = arith.constant 1 : i32
      scf.for %scan3A_226 = %scan3A_221 to %scan3A_223 step %scan3A_224  : i32 {
        %mul3A_227 = arith.constant 1 : i32
        %mul3A_228 = arith.muli %scan3A_226, %mul3A_227 : i32
        %add3A_229 = arith.constant 0 : i32
        %add3A_230 = arith.addi %add3A_229, %mul3A_228 : i32
        %get3A = arith.index_cast %add3A_230 : i32 to index
        %get3A_231 = arith.constant 0 : index
        %get3A_232 = tpu.vector_load %arg6[%get3A, %get3A_231] {strides = array<i32>} : memref<576x128xf32, #tpu.memory_space<vmem>>, vector<1x16xf32>,
        %get3A_233 = vector.shape_cast %get3A_232 : vector<1x16xf32> to vector<16xf32>
        %add3A_234 = arith.constant 64 : i32
        %add3A_235 = arith.addi %add3A_234, %add3A_230 : i32
        %get3A_236 = arith.index_cast %add3A_235 : i32 to index
        %get3A_237 = arith.constant 0 : index
        %get3A_238 = tpu.vector_load %arg6[%get3A_236, %get3A_237] {strides = array<i32>} : memref<576x128xf32, #tpu.memory_space<vmem>>, vector<1x16xf32>,
        %get3A_239 = vector.shape_cast %get3A_238 : vector<1x16xf32> to vector<16xf32>
        %max3A = arith.maximumf %get3A_233, %get3A_239 : vector<16xf32>
        %add3A_240 = arith.constant 128 : i32
        %add3A_241 = arith.addi %add3A_240, %add3A_230 : i32
        %get3A_242 = arith.index_cast %add3A_241 : i32 to index
        %get3A_243 = arith.constant 0 : index
        %get3A_244 = tpu.vector_load %arg6[%get3A_242, %get3A_243] {strides = array<i32>} : memref<576x128xf32, #tpu.memory_space<vmem>>, vector<1x16xf32>,
        %get3A_245 = vector.shape_cast %get3A_244 : vector<1x16xf32> to vector<16xf32>
        %max3A_246 = arith.maximumf %max3A, %get3A_245 : vector<16xf32>
        %add3A_247 = arith.constant 192 : i32
        %add3A_248 = arith.addi %add3A_247, %add3A_230 : i32
        %get3A_249 = arith.index_cast %add3A_248 : i32 to index
        %get3A_250 = arith.constant 0 : index
        %get3A_251 = tpu.vector_load %arg6[%get3A_249, %get3A_250] {strides = array<i32>} : memref<576x128xf32, #tpu.memory_space<vmem>>, vector<1x16xf32>,
        %get3A_252 = vector.shape_cast %get3A_251 : vector<1x16xf32> to vector<16xf32>
        %max3A_253 = arith.maximumf %max3A_246, %get3A_252 : vector<16xf32>
        %add3A_254 = arith.constant 256 : i32
        %add3A_255 = arith.addi %add3A_254, %add3A_230 : i32
        %get3A_256 = arith.index_cast %add3A_255 : i32 to index
        %get3A_257 = arith.constant 0 : index
        %get3A_258 = tpu.vector_load %arg6[%get3A_256, %get3A_257] {strides = array<i32>} : memref<576x128xf32, #tpu.memory_space<vmem>>, vector<1x16xf32>,
        %get3A_259 = vector.shape_cast %get3A_258 : vector<1x16xf32> to vector<16xf32>
        %max3A_260 = arith.maximumf %max3A_253, %get3A_259 : vector<16xf32>
        %add3A_261 = arith.constant 320 : i32
        %add3A_262 = arith.addi %add3A_261, %add3A_230 : i32
        %get3A_263 = arith.index_cast %add3A_262 : i32 to index
        %get3A_264 = arith.constant 0 : index
        %get3A_265 = tpu.vector_load %arg6[%get3A_263, %get3A_264] {strides = array<i32>} : memref<576x128xf32, #tpu.memory_space<vmem>>, vector<1x16xf32>,
        %get3A_266 = vector.shape_cast %get3A_265 : vector<1x16xf32> to vector<16xf32>
        %max3A_267 = arith.maximumf %max3A_260, %get3A_266 : vector<16xf32>
        %add3A_268 = arith.constant 384 : i32
        %add3A_269 = arith.addi %add3A_268, %add3A_230 : i32
        %get3A_270 = arith.index_cast %add3A_269 : i32 to index
        %get3A_271 = arith.constant 0 : index
        %get3A_272 = tpu.vector_load %arg6[%get3A_270, %get3A_271] {strides = array<i32>} : memref<576x128xf32, #tpu.memory_space<vmem>>, vector<1x16xf32>,
        %get3A_273 = vector.shape_cast %get3A_272 : vector<1x16xf32> to vector<16xf32>
        %max3A_274 = arith.maximumf %max3A_267, %get3A_273 : vector<16xf32>
        %add3A_275 = arith.constant 448 : i32
        %add3A_276 = arith.addi %add3A_275, %add3A_230 : i32
        %get3A_277 = arith.index_cast %add3A_276 : i32 to index
        %get3A_278 = arith.constant 0 : index
        %get3A_279 = tpu.vector_load %arg6[%get3A_277, %get3A_278] {strides = array<i32>} : memref<576x128xf32, #tpu.memory_space<vmem>>, vector<1x16xf32>,
        %get3A_280 = vector.shape_cast %get3A_279 : vector<1x16xf32> to vector<16xf32>
        %max3A_281 = arith.maximumf %max3A_274, %get3A_280 : vector<16xf32>
        %add3A_282 = arith.constant 512 : i32
        %add3A_283 = arith.addi %add3A_282, %add3A_230 : i32
        %get3A_284 = arith.index_cast %add3A_283 : i32 to index
        %get3A_285 = arith.constant 0 : index
        %get3A_286 = tpu.vector_load %arg6[%get3A_284, %get3A_285] {strides = array<i32>} : memref<576x128xf32, #tpu.memory_space<vmem>>, vector<1x16xf32>,
        %get3A_287 = vector.shape_cast %get3A_286 : vector<1x16xf32> to vector<16xf32>
        %max3A_288 = arith.maximumf %max3A_281, %get3A_287 : vector<16xf32>
        %get3A_289 = arith.index_cast %add3A_230 : i32 to index
        %get3A_290 = arith.constant 0 : index
        %get3A_291 = tpu.vector_load %arg7[%get3A_289, %get3A_290] {strides = array<i32>} : memref<64x128xf32, #tpu.memory_space<vmem>>, vector<1x16xf32>,
        %get3A_292 = vector.shape_cast %get3A_291 : vector<1x16xf32> to vector<16xf32>
        %sub3A = arith.subf %max3A_288, %get3A_292 : vector<16xf32>
        %swap3A = arith.index_cast %add3A_230 : i32 to index
        %swap3A_293 = arith.constant 0 : index
        %swap3A_294 = tpu.vector_load %arg8[%swap3A, %swap3A_293] {strides = array<i32>} : memref<64x128xf32, #tpu.memory_space<vmem>>, vector<1x16xf32>,
        %swap3A_295 = vector.shape_cast %swap3A_294 : vector<1x16xf32> to vector<16xf32>
        %swap3A_296 = vector.shape_cast %sub3A : vector<16xf32> to vector<1x16xf32>
        tpu.vector_store %arg8[%swap3A, %swap3A_293], %swap3A_296 {strides = array<i32>} : memref<64x128xf32, #tpu.memory_space<vmem>>, vector<1x16xf32>,
        %get3A_297 = arith.index_cast %add3A_230 : i32 to index
        %get3A_298 = arith.constant 16 : index
        %get3A_299 = tpu.vector_load %arg6[%get3A_297, %get3A_298] {strides = array<i32>} : memref<576x128xf32, #tpu.memory_space<vmem>>, vector<1x16xf32>,
        %get3A_300 = vector.shape_cast %get3A_299 : vector<1x16xf32> to vector<16xf32>
        %add3A_301 = arith.constant 64 : i32
        %add3A_302 = arith.addi %add3A_301, %add3A_230 : i32
        %get3A_303 = arith.index_cast %add3A_302 : i32 to index
        %get3A_304 = arith.constant 16 : index
        %get3A_305 = tpu.vector_load %arg6[%get3A_303, %get3A_304] {strides = array<i32>} : memref<576x128xf32, #tpu.memory_space<vmem>>, vector<1x16xf32>,
        %get3A_306 = vector.shape_cast %get3A_305 : vector<1x16xf32> to vector<16xf32>
        %max3A_307 = arith.maximumf %get3A_300, %get3A_306 : vector<16xf32>
        %add3A_308 = arith.constant 128 : i32
        %add3A_309 = arith.addi %add3A_308, %add3A_230 : i32
        %get3A_310 = arith.index_cast %add3A_309 : i32 to index
        %get3A_311 = arith.constant 16 : index
        %get3A_312 = tpu.vector_load %arg6[%get3A_310, %get3A_311] {strides = array<i32>} : memref<576x128xf32, #tpu.memory_space<vmem>>, vector<1x16xf32>,
        %get3A_313 = vector.shape_cast %get3A_312 : vector<1x16xf32> to vector<16xf32>
        %max3A_314 = arith.maximumf %max3A_307, %get3A_313 : vector<16xf32>
        %add3A_315 = arith.constant 192 : i32
        %add3A_316 = arith.addi %add3A_315, %add3A_230 : i32
        %get3A_317 = arith.index_cast %add3A_316 : i32 to index
        %get3A_318 = arith.constant 16 : index
        %get3A_319 = tpu.vector_load %arg6[%get3A_317, %get3A_318] {strides = array<i32>} : memref<576x128xf32, #tpu.memory_space<vmem>>, vector<1x16xf32>,
        %get3A_320 = vector.shape_cast %get3A_319 : vector<1x16xf32> to vector<16xf32>
        %max3A_321 = arith.maximumf %max3A_314, %get3A_320 : vector<16xf32>
        %add3A_322 = arith.constant 256 : i32
        %add3A_323 = arith.addi %add3A_322, %add3A_230 : i32
        %get3A_324 = arith.index_cast %add3A_323 : i32 to index
        %get3A_325 = arith.constant 16 : index
        %get3A_326 = tpu.vector_load %arg6[%get3A_324, %get3A_325] {strides = array<i32>} : memref<576x128xf32, #tpu.memory_space<vmem>>, vector<1x16xf32>,
        %get3A_327 = vector.shape_cast %get3A_326 : vector<1x16xf32> to vector<16xf32>
        %max3A_328 = arith.maximumf %max3A_321, %get3A_327 : vector<16xf32>
        %add3A_329 = arith.constant 320 : i32
        %add3A_330 = arith.addi %add3A_329, %add3A_230 : i32
        %get3A_331 = arith.index_cast %add3A_330 : i32 to index
        %get3A_332 = arith.constant 16 : index
        %get3A_333 = tpu.vector_load %arg6[%get3A_331, %get3A_332] {strides = array<i32>} : memref<576x128xf32, #tpu.memory_space<vmem>>, vector<1x16xf32>,
        %get3A_334 = vector.shape_cast %get3A_333 : vector<1x16xf32> to vector<16xf32>
        %max3A_335 = arith.maximumf %max3A_328, %get3A_334 : vector<16xf32>
        %add3A_336 = arith.constant 384 : i32
        %add3A_337 = arith.addi %add3A_336, %add3A_230 : i32
        %get3A_338 = arith.index_cast %add3A_337 : i32 to index
        %get3A_339 = arith.constant 16 : index
        %get3A_340 = tpu.vector_load %arg6[%get3A_338, %get3A_339] {strides = array<i32>} : memref<576x128xf32, #tpu.memory_space<vmem>>, vector<1x16xf32>,
        %get3A_341 = vector.shape_cast %get3A_340 : vector<1x16xf32> to vector<16xf32>
        %max3A_342 = arith.maximumf %max3A_335, %get3A_341 : vector<16xf32>
        %add3A_343 = arith.constant 448 : i32
        %add3A_344 = arith.addi %add3A_343, %add3A_230 : i32
        %get3A_345 = arith.index_cast %add3A_344 : i32 to index
        %get3A_346 = arith.constant 16 : index
        %get3A_347 = tpu.vector_load %arg6[%get3A_345, %get3A_346] {strides = array<i32>} : memref<576x128xf32, #tpu.memory_space<vmem>>, vector<1x16xf32>,
        %get3A_348 = vector.shape_cast %get3A_347 : vector<1x16xf32> to vector<16xf32>
        %max3A_349 = arith.maximumf %max3A_342, %get3A_348 : vector<16xf32>
        %add3A_350 = arith.constant 512 : i32
        %add3A_351 = arith.addi %add3A_350, %add3A_230 : i32
        %get3A_352 = arith.index_cast %add3A_351 : i32 to index
        %get3A_353 = arith.constant 16 : index
        %get3A_354 = tpu.vector_load %arg6[%get3A_352, %get3A_353] {strides = array<i32>} : memref<576x128xf32, #tpu.memory_space<vmem>>, vector<1x16xf32>,
        %get3A_355 = vector.shape_cast %get3A_354 : vector<1x16xf32> to vector<16xf32>
        %max3A_356 = arith.maximumf %max3A_349, %get3A_355 : vector<16xf32>
        %get3A_357 = arith.index_cast %add3A_230 : i32 to index
        %get3A_358 = arith.constant 16 : index
        %get3A_359 = tpu.vector_load %arg7[%get3A_357, %get3A_358] {strides = array<i32>} : memref<64x128xf32, #tpu.memory_space<vmem>>, vector<1x16xf32>,
        %get3A_360 = vector.shape_cast %get3A_359 : vector<1x16xf32> to vector<16xf32>
        %sub3A_361 = arith.subf %max3A_356, %get3A_360 : vector<16xf32>
        %swap3A_362 = arith.index_cast %add3A_230 : i32 to index
        %swap3A_363 = arith.constant 16 : index
        %swap3A_364 = tpu.vector_load %arg8[%swap3A_362, %swap3A_363] {strides = array<i32>} : memref<64x128xf32, #tpu.memory_space<vmem>>, vector<1x16xf32>,
        %swap3A_365 = vector.shape_cast %swap3A_364 : vector<1x16xf32> to vector<16xf32>
        %swap3A_366 = vector.shape_cast %sub3A_361 : vector<16xf32> to vector<1x16xf32>
        tpu.vector_store %arg8[%swap3A_362, %swap3A_363], %swap3A_366 {strides = array<i32>} : memref<64x128xf32, #tpu.memory_space<vmem>>, vector<1x16xf32>,
        %get3A_367 = arith.index_cast %add3A_230 : i32 to index
        %get3A_368 = arith.constant 32 : index
        %get3A_369 = tpu.vector_load %arg6[%get3A_367, %get3A_368] {strides = array<i32>} : memref<576x128xf32, #tpu.memory_space<vmem>>, vector<1x16xf32>,
        %get3A_370 = vector.shape_cast %get3A_369 : vector<1x16xf32> to vector<16xf32>
        %add3A_371 = arith.constant 64 : i32
        %add3A_372 = arith.addi %add3A_371, %add3A_230 : i32
        %get3A_373 = arith.index_cast %add3A_372 : i32 to index
        %get3A_374 = arith.constant 32 : index
        %get3A_375 = tpu.vector_load %arg6[%get3A_373, %get3A_374] {strides = array<i32>} : memref<576x128xf32, #tpu.memory_space<vmem>>, vector<1x16xf32>,
        %get3A_376 = vector.shape_cast %get3A_375 : vector<1x16xf32> to vector<16xf32>
        %max3A_377 = arith.maximumf %get3A_370, %get3A_376 : vector<16xf32>
        %add3A_378 = arith.constant 128 : i32
        %add3A_379 = arith.addi %add3A_378, %add3A_230 : i32
        %get3A_380 = arith.index_cast %add3A_379 : i32 to index
        %get3A_381 = arith.constant 32 : index
        %get3A_382 = tpu.vector_load %arg6[%get3A_380, %get3A_381] {strides = array<i32>} : memref<576x128xf32, #tpu.memory_space<vmem>>, vector<1x16xf32>,
        %get3A_383 = vector.shape_cast %get3A_382 : vector<1x16xf32> to vector<16xf32>
        %max3A_384 = arith.maximumf %max3A_377, %get3A_383 : vector<16xf32>
        %add3A_385 = arith.constant 192 : i32
        %add3A_386 = arith.addi %add3A_385, %add3A_230 : i32
        %get3A_387 = arith.index_cast %add3A_386 : i32 to index
        %get3A_388 = arith.constant 32 : index
        %get3A_389 = tpu.vector_load %arg6[%get3A_387, %get3A_388] {strides = array<i32>} : memref<576x128xf32, #tpu.memory_space<vmem>>, vector<1x16xf32>,
        %get3A_390 = vector.shape_cast %get3A_389 : vector<1x16xf32> to vector<16xf32>
        %max3A_391 = arith.maximumf %max3A_384, %get3A_390 : vector<16xf32>
        %add3A_392 = arith.constant 256 : i32
        %add3A_393 = arith.addi %add3A_392, %add3A_230 : i32
        %get3A_394 = arith.index_cast %add3A_393 : i32 to index
        %get3A_395 = arith.constant 32 : index
        %get3A_396 = tpu.vector_load %arg6[%get3A_394, %get3A_395] {strides = array<i32>} : memref<576x128xf32, #tpu.memory_space<vmem>>, vector<1x16xf32>,
        %get3A_397 = vector.shape_cast %get3A_396 : vector<1x16xf32> to vector<16xf32>
        %max3A_398 = arith.maximumf %max3A_391, %get3A_397 : vector<16xf32>
        %add3A_399 = arith.constant 320 : i32
        %add3A_400 = arith.addi %add3A_399, %add3A_230 : i32
        %get3A_401 = arith.index_cast %add3A_400 : i32 to index
        %get3A_402 = arith.constant 32 : index
        %get3A_403 = tpu.vector_load %arg6[%get3A_401, %get3A_402] {strides = array<i32>} : memref<576x128xf32, #tpu.memory_space<vmem>>, vector<1x16xf32>,
        %get3A_404 = vector.shape_cast %get3A_403 : vector<1x16xf32> to vector<16xf32>
        %max3A_405 = arith.maximumf %max3A_398, %get3A_404 : vector<16xf32>
        %add3A_406 = arith.constant 384 : i32
        %add3A_407 = arith.addi %add3A_406, %add3A_230 : i32
        %get3A_408 = arith.index_cast %add3A_407 : i32 to index
        %get3A_409 = arith.constant 32 : index
        %get3A_410 = tpu.vector_load %arg6[%get3A_408, %get3A_409] {strides = array<i32>} : memref<576x128xf32, #tpu.memory_space<vmem>>, vector<1x16xf32>,
        %get3A_411 = vector.shape_cast %get3A_410 : vector<1x16xf32> to vector<16xf32>
        %max3A_412 = arith.maximumf %max3A_405, %get3A_411 : vector<16xf32>
        %add3A_413 = arith.constant 448 : i32
        %add3A_414 = arith.addi %add3A_413, %add3A_230 : i32
        %get3A_415 = arith.index_cast %add3A_414 : i32 to index
        %get3A_416 = arith.constant 32 : index
        %get3A_417 = tpu.vector_load %arg6[%get3A_415, %get3A_416] {strides = array<i32>} : memref<576x128xf32, #tpu.memory_space<vmem>>, vector<1x16xf32>,
        %get3A_418 = vector.shape_cast %get3A_417 : vector<1x16xf32> to vector<16xf32>
        %max3A_419 = arith.maximumf %max3A_412, %get3A_418 : vector<16xf32>
        %add3A_420 = arith.constant 512 : i32
        %add3A_421 = arith.addi %add3A_420, %add3A_230 : i32
        %get3A_422 = arith.index_cast %add3A_421 : i32 to index
        %get3A_423 = arith.constant 32 : index
        %get3A_424 = tpu.vector_load %arg6[%get3A_422, %get3A_423] {strides = array<i32>} : memref<576x128xf32, #tpu.memory_space<vmem>>, vector<1x16xf32>,
        %get3A_425 = vector.shape_cast %get3A_424 : vector<1x16xf32> to vector<16xf32>
        %max3A_426 = arith.maximumf %max3A_419, %get3A_425 : vector<16xf32>
        %get3A_427 = arith.index_cast %add3A_230 : i32 to index
        %get3A_428 = arith.constant 32 : index
        %get3A_429 = tpu.vector_load %arg7[%get3A_427, %get3A_428] {strides = array<i32>} : memref<64x128xf32, #tpu.memory_space<vmem>>, vector<1x16xf32>,
        %get3A_430 = vector.shape_cast %get3A_429 : vector<1x16xf32> to vector<16xf32>
        %sub3A_431 = arith.subf %max3A_426, %get3A_430 : vector<16xf32>
        %swap3A_432 = arith.index_cast %add3A_230 : i32 to index
        %swap3A_433 = arith.constant 32 : index
        %swap3A_434 = tpu.vector_load %arg8[%swap3A_432, %swap3A_433] {strides = array<i32>} : memref<64x128xf32, #tpu.memory_space<vmem>>, vector<1x16xf32>,
        %swap3A_435 = vector.shape_cast %swap3A_434 : vector<1x16xf32> to vector<16xf32>
        %swap3A_436 = vector.shape_cast %sub3A_431 : vector<16xf32> to vector<1x16xf32>
        tpu.vector_store %arg8[%swap3A_432, %swap3A_433], %swap3A_436 {strides = array<i32>} : memref<64x128xf32, #tpu.memory_space<vmem>>, vector<1x16xf32>,
        %get3A_437 = arith.index_cast %add3A_230 : i32 to index
        %get3A_438 = arith.constant 48 : index
        %get3A_439 = tpu.vector_load %arg6[%get3A_437, %get3A_438] {strides = array<i32>} : memref<576x128xf32, #tpu.memory_space<vmem>>, vector<1x16xf32>,
        %get3A_440 = vector.shape_cast %get3A_439 : vector<1x16xf32> to vector<16xf32>
        %add3A_441 = arith.constant 64 : i32
        %add3A_442 = arith.addi %add3A_441, %add3A_230 : i32
        %get3A_443 = arith.index_cast %add3A_442 : i32 to index
        %get3A_444 = arith.constant 48 : index
        %get3A_445 = tpu.vector_load %arg6[%get3A_443, %get3A_444] {strides = array<i32>} : memref<576x128xf32, #tpu.memory_space<vmem>>, vector<1x16xf32>,
        %get3A_446 = vector.shape_cast %get3A_445 : vector<1x16xf32> to vector<16xf32>
        %max3A_447 = arith.maximumf %get3A_440, %get3A_446 : vector<16xf32>
        %add3A_448 = arith.constant 128 : i32
        %add3A_449 = arith.addi %add3A_448, %add3A_230 : i32
        %get3A_450 = arith.index_cast %add3A_449 : i32 to index
        %get3A_451 = arith.constant 48 : index
        %get3A_452 = tpu.vector_load %arg6[%get3A_450, %get3A_451] {strides = array<i32>} : memref<576x128xf32, #tpu.memory_space<vmem>>, vector<1x16xf32>,
        %get3A_453 = vector.shape_cast %get3A_452 : vector<1x16xf32> to vector<16xf32>
        %max3A_454 = arith.maximumf %max3A_447, %get3A_453 : vector<16xf32>
        %add3A_455 = arith.constant 192 : i32
        %add3A_456 = arith.addi %add3A_455, %add3A_230 : i32
        %get3A_457 = arith.index_cast %add3A_456 : i32 to index
        %get3A_458 = arith.constant 48 : index
        %get3A_459 = tpu.vector_load %arg6[%get3A_457, %get3A_458] {strides = array<i32>} : memref<576x128xf32, #tpu.memory_space<vmem>>, vector<1x16xf32>,
        %get3A_460 = vector.shape_cast %get3A_459 : vector<1x16xf32> to vector<16xf32>
        %max3A_461 = arith.maximumf %max3A_454, %get3A_460 : vector<16xf32>
        %add3A_462 = arith.constant 256 : i32
        %add3A_463 = arith.addi %add3A_462, %add3A_230 : i32
        %get3A_464 = arith.index_cast %add3A_463 : i32 to index
        %get3A_465 = arith.constant 48 : index
        %get3A_466 = tpu.vector_load %arg6[%get3A_464, %get3A_465] {strides = array<i32>} : memref<576x128xf32, #tpu.memory_space<vmem>>, vector<1x16xf32>,
        %get3A_467 = vector.shape_cast %get3A_466 : vector<1x16xf32> to vector<16xf32>
        %max3A_468 = arith.maximumf %max3A_461, %get3A_467 : vector<16xf32>
        %add3A_469 = arith.constant 320 : i32
        %add3A_470 = arith.addi %add3A_469, %add3A_230 : i32
        %get3A_471 = arith.index_cast %add3A_470 : i32 to index
        %get3A_472 = arith.constant 48 : index
        %get3A_473 = tpu.vector_load %arg6[%get3A_471, %get3A_472] {strides = array<i32>} : memref<576x128xf32, #tpu.memory_space<vmem>>, vector<1x16xf32>,
        %get3A_474 = vector.shape_cast %get3A_473 : vector<1x16xf32> to vector<16xf32>
        %max3A_475 = arith.maximumf %max3A_468, %get3A_474 : vector<16xf32>
        %add3A_476 = arith.constant 384 : i32
        %add3A_477 = arith.addi %add3A_476, %add3A_230 : i32
        %get3A_478 = arith.index_cast %add3A_477 : i32 to index
        %get3A_479 = arith.constant 48 : index
        %get3A_480 = tpu.vector_load %arg6[%get3A_478, %get3A_479] {strides = array<i32>} : memref<576x128xf32, #tpu.memory_space<vmem>>, vector<1x16xf32>,
        %get3A_481 = vector.shape_cast %get3A_480 : vector<1x16xf32> to vector<16xf32>
        %max3A_482 = arith.maximumf %max3A_475, %get3A_481 : vector<16xf32>
        %add3A_483 = arith.constant 448 : i32
        %add3A_484 = arith.addi %add3A_483, %add3A_230 : i32
        %get3A_485 = arith.index_cast %add3A_484 : i32 to index
        %get3A_486 = arith.constant 48 : index
        %get3A_487 = tpu.vector_load %arg6[%get3A_485, %get3A_486] {strides = array<i32>} : memref<576x128xf32, #tpu.memory_space<vmem>>, vector<1x16xf32>,
        %get3A_488 = vector.shape_cast %get3A_487 : vector<1x16xf32> to vector<16xf32>
        %max3A_489 = arith.maximumf %max3A_482, %get3A_488 : vector<16xf32>
        %add3A_490 = arith.constant 512 : i32
        %add3A_491 = arith.addi %add3A_490, %add3A_230 : i32
        %get3A_492 = arith.index_cast %add3A_491 : i32 to index
        %get3A_493 = arith.constant 48 : index
        %get3A_494 = tpu.vector_load %arg6[%get3A_492, %get3A_493] {strides = array<i32>} : memref<576x128xf32, #tpu.memory_space<vmem>>, vector<1x16xf32>,
        %get3A_495 = vector.shape_cast %get3A_494 : vector<1x16xf32> to vector<16xf32>
        %max3A_496 = arith.maximumf %max3A_489, %get3A_495 : vector<16xf32>
        %get3A_497 = arith.index_cast %add3A_230 : i32 to index
        %get3A_498 = arith.constant 48 : index
        %get3A_499 = tpu.vector_load %arg7[%get3A_497, %get3A_498] {strides = array<i32>} : memref<64x128xf32, #tpu.memory_space<vmem>>, vector<1x16xf32>,
        %get3A_500 = vector.shape_cast %get3A_499 : vector<1x16xf32> to vector<16xf32>
        %sub3A_501 = arith.subf %max3A_496, %get3A_500 : vector<16xf32>
        %swap3A_502 = arith.index_cast %add3A_230 : i32 to index
        %swap3A_503 = arith.constant 48 : index
        %swap3A_504 = tpu.vector_load %arg8[%swap3A_502, %swap3A_503] {strides = array<i32>} : memref<64x128xf32, #tpu.memory_space<vmem>>, vector<1x16xf32>,
        %swap3A_505 = vector.shape_cast %swap3A_504 : vector<1x16xf32> to vector<16xf32>
        %swap3A_506 = vector.shape_cast %sub3A_501 : vector<16xf32> to vector<1x16xf32>
        tpu.vector_store %arg8[%swap3A_502, %swap3A_503], %swap3A_506 {strides = array<i32>} : memref<64x128xf32, #tpu.memory_space<vmem>>, vector<1x16xf32>,
        %get3A_507 = arith.index_cast %add3A_230 : i32 to index
        %get3A_508 = arith.constant 64 : index
        %get3A_509 = tpu.vector_load %arg6[%get3A_507, %get3A_508] {strides = array<i32>} : memref<576x128xf32, #tpu.memory_space<vmem>>, vector<1x16xf32>,
        %get3A_510 = vector.shape_cast %get3A_509 : vector<1x16xf32> to vector<16xf32>
        %add3A_511 = arith.constant 64 : i32
        %add3A_512 = arith.addi %add3A_511, %add3A_230 : i32
        %get3A_513 = arith.index_cast %add3A_512 : i32 to index
        %get3A_514 = arith.constant 64 : index
        %get3A_515 = tpu.vector_load %arg6[%get3A_513, %get3A_514] {strides = array<i32>} : memref<576x128xf32, #tpu.memory_space<vmem>>, vector<1x16xf32>,
        %get3A_516 = vector.shape_cast %get3A_515 : vector<1x16xf32> to vector<16xf32>
        %max3A_517 = arith.maximumf %get3A_510, %get3A_516 : vector<16xf32>
        %add3A_518 = arith.constant 128 : i32
        %add3A_519 = arith.addi %add3A_518, %add3A_230 : i32
        %get3A_520 = arith.index_cast %add3A_519 : i32 to index
        %get3A_521 = arith.constant 64 : index
        %get3A_522 = tpu.vector_load %arg6[%get3A_520, %get3A_521] {strides = array<i32>} : memref<576x128xf32, #tpu.memory_space<vmem>>, vector<1x16xf32>,
        %get3A_523 = vector.shape_cast %get3A_522 : vector<1x16xf32> to vector<16xf32>
        %max3A_524 = arith.maximumf %max3A_517, %get3A_523 : vector<16xf32>
        %add3A_525 = arith.constant 192 : i32
        %add3A_526 = arith.addi %add3A_525, %add3A_230 : i32
        %get3A_527 = arith.index_cast %add3A_526 : i32 to index
        %get3A_528 = arith.constant 64 : index
        %get3A_529 = tpu.vector_load %arg6[%get3A_527, %get3A_528] {strides = array<i32>} : memref<576x128xf32, #tpu.memory_space<vmem>>, vector<1x16xf32>,
        %get3A_530 = vector.shape_cast %get3A_529 : vector<1x16xf32> to vector<16xf32>
        %max3A_531 = arith.maximumf %max3A_524, %get3A_530 : vector<16xf32>
        %add3A_532 = arith.constant 256 : i32
        %add3A_533 = arith.addi %add3A_532, %add3A_230 : i32
        %get3A_534 = arith.index_cast %add3A_533 : i32 to index
        %get3A_535 = arith.constant 64 : index
        %get3A_536 = tpu.vector_load %arg6[%get3A_534, %get3A_535] {strides = array<i32>} : memref<576x128xf32, #tpu.memory_space<vmem>>, vector<1x16xf32>,
        %get3A_537 = vector.shape_cast %get3A_536 : vector<1x16xf32> to vector<16xf32>
        %max3A_538 = arith.maximumf %max3A_531, %get3A_537 : vector<16xf32>
        %add3A_539 = arith.constant 320 : i32
        %add3A_540 = arith.addi %add3A_539, %add3A_230 : i32
        %get3A_541 = arith.index_cast %add3A_540 : i32 to index
        %get3A_542 = arith.constant 64 : index
        %get3A_543 = tpu.vector_load %arg6[%get3A_541, %get3A_542] {strides = array<i32>} : memref<576x128xf32, #tpu.memory_space<vmem>>, vector<1x16xf32>,
        %get3A_544 = vector.shape_cast %get3A_543 : vector<1x16xf32> to vector<16xf32>
        %max3A_545 = arith.maximumf %max3A_538, %get3A_544 : vector<16xf32>
        %add3A_546 = arith.constant 384 : i32
        %add3A_547 = arith.addi %add3A_546, %add3A_230 : i32
        %get3A_548 = arith.index_cast %add3A_547 : i32 to index
        %get3A_549 = arith.constant 64 : index
        %get3A_550 = tpu.vector_load %arg6[%get3A_548, %get3A_549] {strides = array<i32>} : memref<576x128xf32, #tpu.memory_space<vmem>>, vector<1x16xf32>,
        %get3A_551 = vector.shape_cast %get3A_550 : vector<1x16xf32> to vector<16xf32>
        %max3A_552 = arith.maximumf %max3A_545, %get3A_551 : vector<16xf32>
        %add3A_553 = arith.constant 448 : i32
        %add3A_554 = arith.addi %add3A_553, %add3A_230 : i32
        %get3A_555 = arith.index_cast %add3A_554 : i32 to index
        %get3A_556 = arith.constant 64 : index
        %get3A_557 = tpu.vector_load %arg6[%get3A_555, %get3A_556] {strides = array<i32>} : memref<576x128xf32, #tpu.memory_space<vmem>>, vector<1x16xf32>,
        %get3A_558 = vector.shape_cast %get3A_557 : vector<1x16xf32> to vector<16xf32>
        %max3A_559 = arith.maximumf %max3A_552, %get3A_558 : vector<16xf32>
        %add3A_560 = arith.constant 512 : i32
        %add3A_561 = arith.addi %add3A_560, %add3A_230 : i32
        %get3A_562 = arith.index_cast %add3A_561 : i32 to index
        %get3A_563 = arith.constant 64 : index
        %get3A_564 = tpu.vector_load %arg6[%get3A_562, %get3A_563] {strides = array<i32>} : memref<576x128xf32, #tpu.memory_space<vmem>>, vector<1x16xf32>,
        %get3A_565 = vector.shape_cast %get3A_564 : vector<1x16xf32> to vector<16xf32>
        %max3A_566 = arith.maximumf %max3A_559, %get3A_565 : vector<16xf32>
        %get3A_567 = arith.index_cast %add3A_230 : i32 to index
        %get3A_568 = arith.constant 64 : index
        %get3A_569 = tpu.vector_load %arg7[%get3A_567, %get3A_568] {strides = array<i32>} : memref<64x128xf32, #tpu.memory_space<vmem>>, vector<1x16xf32>,
        %get3A_570 = vector.shape_cast %get3A_569 : vector<1x16xf32> to vector<16xf32>
        %sub3A_571 = arith.subf %max3A_566, %get3A_570 : vector<16xf32>
        %swap3A_572 = arith.index_cast %add3A_230 : i32 to index
        %swap3A_573 = arith.constant 64 : index
        %swap3A_574 = tpu.vector_load %arg8[%swap3A_572, %swap3A_573] {strides = array<i32>} : memref<64x128xf32, #tpu.memory_space<vmem>>, vector<1x16xf32>,
        %swap3A_575 = vector.shape_cast %swap3A_574 : vector<1x16xf32> to vector<16xf32>
        %swap3A_576 = vector.shape_cast %sub3A_571 : vector<16xf32> to vector<1x16xf32>
        tpu.vector_store %arg8[%swap3A_572, %swap3A_573], %swap3A_576 {strides = array<i32>} : memref<64x128xf32, #tpu.memory_space<vmem>>, vector<1x16xf32>,
        %get3A_577 = arith.index_cast %add3A_230 : i32 to index
        %get3A_578 = arith.constant 80 : index
        %get3A_579 = tpu.vector_load %arg6[%get3A_577, %get3A_578] {strides = array<i32>} : memref<576x128xf32, #tpu.memory_space<vmem>>, vector<1x16xf32>,
        %get3A_580 = vector.shape_cast %get3A_579 : vector<1x16xf32> to vector<16xf32>
        %add3A_581 = arith.constant 64 : i32
        %add3A_582 = arith.addi %add3A_581, %add3A_230 : i32
        %get3A_583 = arith.index_cast %add3A_582 : i32 to index
        %get3A_584 = arith.constant 80 : index
        %get3A_585 = tpu.vector_load %arg6[%get3A_583, %get3A_584] {strides = array<i32>} : memref<576x128xf32, #tpu.memory_space<vmem>>, vector<1x16xf32>,
        %get3A_586 = vector.shape_cast %get3A_585 : vector<1x16xf32> to vector<16xf32>
        %max3A_587 = arith.maximumf %get3A_580, %get3A_586 : vector<16xf32>
        %add3A_588 = arith.constant 128 : i32
        %add3A_589 = arith.addi %add3A_588, %add3A_230 : i32
        %get3A_590 = arith.index_cast %add3A_589 : i32 to index
        %get3A_591 = arith.constant 80 : index
        %get3A_592 = tpu.vector_load %arg6[%get3A_590, %get3A_591] {strides = array<i32>} : memref<576x128xf32, #tpu.memory_space<vmem>>, vector<1x16xf32>,
        %get3A_593 = vector.shape_cast %get3A_592 : vector<1x16xf32> to vector<16xf32>
        %max3A_594 = arith.maximumf %max3A_587, %get3A_593 : vector<16xf32>
        %add3A_595 = arith.constant 192 : i32
        %add3A_596 = arith.addi %add3A_595, %add3A_230 : i32
        %get3A_597 = arith.index_cast %add3A_596 : i32 to index
        %get3A_598 = arith.constant 80 : index
        %get3A_599 = tpu.vector_load %arg6[%get3A_597, %get3A_598] {strides = array<i32>} : memref<576x128xf32, #tpu.memory_space<vmem>>, vector<1x16xf32>,
        %get3A_600 = vector.shape_cast %get3A_599 : vector<1x16xf32> to vector<16xf32>
        %max3A_601 = arith.maximumf %max3A_594, %get3A_600 : vector<16xf32>
        %add3A_602 = arith.constant 256 : i32
        %add3A_603 = arith.addi %add3A_602, %add3A_230 : i32
        %get3A_604 = arith.index_cast %add3A_603 : i32 to index
        %get3A_605 = arith.constant 80 : index
        %get3A_606 = tpu.vector_load %arg6[%get3A_604, %get3A_605] {strides = array<i32>} : memref<576x128xf32, #tpu.memory_space<vmem>>, vector<1x16xf32>,
        %get3A_607 = vector.shape_cast %get3A_606 : vector<1x16xf32> to vector<16xf32>
        %max3A_608 = arith.maximumf %max3A_601, %get3A_607 : vector<16xf32>
        %add3A_609 = arith.constant 320 : i32
        %add3A_610 = arith.addi %add3A_609, %add3A_230 : i32
        %get3A_611 = arith.index_cast %add3A_610 : i32 to index
        %get3A_612 = arith.constant 80 : index
        %get3A_613 = tpu.vector_load %arg6[%get3A_611, %get3A_612] {strides = array<i32>} : memref<576x128xf32, #tpu.memory_space<vmem>>, vector<1x16xf32>,
        %get3A_614 = vector.shape_cast %get3A_613 : vector<1x16xf32> to vector<16xf32>
        %max3A_615 = arith.maximumf %max3A_608, %get3A_614 : vector<16xf32>
        %add3A_616 = arith.constant 384 : i32
        %add3A_617 = arith.addi %add3A_616, %add3A_230 : i32
        %get3A_618 = arith.index_cast %add3A_617 : i32 to index
        %get3A_619 = arith.constant 80 : index
        %get3A_620 = tpu.vector_load %arg6[%get3A_618, %get3A_619] {strides = array<i32>} : memref<576x128xf32, #tpu.memory_space<vmem>>, vector<1x16xf32>,
        %get3A_621 = vector.shape_cast %get3A_620 : vector<1x16xf32> to vector<16xf32>
        %max3A_622 = arith.maximumf %max3A_615, %get3A_621 : vector<16xf32>
        %add3A_623 = arith.constant 448 : i32
        %add3A_624 = arith.addi %add3A_623, %add3A_230 : i32
        %get3A_625 = arith.index_cast %add3A_624 : i32 to index
        %get3A_626 = arith.constant 80 : index
        %get3A_627 = tpu.vector_load %arg6[%get3A_625, %get3A_626] {strides = array<i32>} : memref<576x128xf32, #tpu.memory_space<vmem>>, vector<1x16xf32>,
        %get3A_628 = vector.shape_cast %get3A_627 : vector<1x16xf32> to vector<16xf32>
        %max3A_629 = arith.maximumf %max3A_622, %get3A_628 : vector<16xf32>
        %add3A_630 = arith.constant 512 : i32
        %add3A_631 = arith.addi %add3A_630, %add3A_230 : i32
        %get3A_632 = arith.index_cast %add3A_631 : i32 to index
        %get3A_633 = arith.constant 80 : index
        %get3A_634 = tpu.vector_load %arg6[%get3A_632, %get3A_633] {strides = array<i32>} : memref<576x128xf32, #tpu.memory_space<vmem>>, vector<1x16xf32>,
        %get3A_635 = vector.shape_cast %get3A_634 : vector<1x16xf32> to vector<16xf32>
        %max3A_636 = arith.maximumf %max3A_629, %get3A_635 : vector<16xf32>
        %get3A_637 = arith.index_cast %add3A_230 : i32 to index
        %get3A_638 = arith.constant 80 : index
        %get3A_639 = tpu.vector_load %arg7[%get3A_637, %get3A_638] {strides = array<i32>} : memref<64x128xf32, #tpu.memory_space<vmem>>, vector<1x16xf32>,
        %get3A_640 = vector.shape_cast %get3A_639 : vector<1x16xf32> to vector<16xf32>
        %sub3A_641 = arith.subf %max3A_636, %get3A_640 : vector<16xf32>
        %swap3A_642 = arith.index_cast %add3A_230 : i32 to index
        %swap3A_643 = arith.constant 80 : index
        %swap3A_644 = tpu.vector_load %arg8[%swap3A_642, %swap3A_643] {strides = array<i32>} : memref<64x128xf32, #tpu.memory_space<vmem>>, vector<1x16xf32>,
        %swap3A_645 = vector.shape_cast %swap3A_644 : vector<1x16xf32> to vector<16xf32>
        %swap3A_646 = vector.shape_cast %sub3A_641 : vector<16xf32> to vector<1x16xf32>
        tpu.vector_store %arg8[%swap3A_642, %swap3A_643], %swap3A_646 {strides = array<i32>} : memref<64x128xf32, #tpu.memory_space<vmem>>, vector<1x16xf32>,
      }
      %scan3A_225 = arith.constant 64 : i32
      "tpu.region"() ({
        %run_scoped3A_226 = tpu.sem_alloc : memref<!tpu.dma_semaphore, #tpu.memory_space<semaphore_mem>>
        %dma_start3A_227 = arith.constant 0 : i32
        %dma_start3A_228 = tpu.memref_slice %arg4[%add3A_14, %dma_start3A_227] : memref<4096x128xf32, #tpu.memory_space<hbm>> -> memref<64x128xf32, #tpu.memory_space<hbm>>
        %dma_start3A_229 = arith.constant 0 : i32
        %dma_start3A_230 = tpu.memref_slice %arg4[%add3A_14, %dma_start3A_229] : memref<4096x128xf32, #tpu.memory_space<hbm>> -> memref<64x128xf32, #tpu.memory_space<hbm>>
        tpu.enqueue_dma source(%arg8 : memref<64x128xf32, #tpu.memory_space<vmem>>) target(%dma_start3A_230 : memref<64x128xf32, #tpu.memory_space<hbm>>) target_semaphore(%run_scoped3A_226 : memref<!tpu.dma_semaphore, #tpu.memory_space<semaphore_mem>>)
        %dma_wait3A_231 = arith.constant 0 : i32
        %dma_wait3A_232 = tpu.memref_slice %arg4[%add3A_14, %dma_wait3A_231] : memref<4096x128xf32, #tpu.memory_space<hbm>> -> memref<64x128xf32, #tpu.memory_space<hbm>>
        %dma_wait3A_233 = arith.constant 0 : i32
        %dma_wait3A_234 = tpu.memref_slice %arg4[%add3A_14, %dma_wait3A_233] : memref<4096x128xf32, #tpu.memory_space<hbm>> -> memref<64x128xf32, #tpu.memory_space<hbm>>
        tpu.wait_dma2 semaphore(%run_scoped3A_226 : memref<!tpu.dma_semaphore, #tpu.memory_space<semaphore_mem>>) src(%arg8 : memref<64x128xf32, #tpu.memory_space<vmem>>) dst(%dma_wait3A_234 : memref<64x128xf32, #tpu.memory_space<hbm>>)
        tpu.yield
      }) : () -> ()
    }
    %scan3A_4 = arith.constant 2 : i32
    return
  }
}

module attributes {stable_mosaic.version = 14 : i64} {
  func.func @_topk_body(%arg0: i32, %arg1: memref<4096x128xf32, #tpu.memory_space<vmem>>, %arg2: memref<16x256xi32, #tpu.memory_space<vmem>>, %arg3: memref<4096x128xf32, #tpu.memory_space<vmem>>, %arg4: memref<4096x128xf32, #tpu.memory_space<vmem>>) attributes {dimension_semantics = [#tpu.dimension_semantics<arbitrary>], iteration_bounds = array<i64: 17>, scalar_prefetch = 0 : i64, scratch_operands = 2 : i64, tpu.core_type = #tpu.core_type<tc>, window_params = [{pipeline_mode = #tpu.pipeline_mode<synchronous>, transform_indices = @transform_0, window_bounds = array<i64: 4096, 128>}, {transform_indices = @transform_1, window_bounds = array<i64: 16, 256>}]} {
    %eq3A = arith.constant 0 : i32
    %eq3A_0 = arith.cmpi eq, %arg0, %eq3A : i32
    %convert_element_type3A = arith.extui %eq3A_0 : i1 to i32
    %cond3A = arith.constant 0 : i32
    %cond3A_1 = arith.cmpi ne, %convert_element_type3A, %cond3A : i32
    scf.if %cond3A_1 {
      %get3A = arith.constant 0 : index
      %get3A_6 = arith.constant 0 : index
      %get3A_7 = vector.load %arg1[%get3A, %get3A_6] : memref<4096x128xf32, #tpu.memory_space<vmem>>, vector<4096x128xf32>
      %mul3A = arith.mulf %get3A_7, %get3A_7 : vector<4096x128xf32>
      %reduce_sum3A = arith.constant dense<0.000000e+00> : vector<4096xf32>
      %reduce_sum3A_8 = vector.multi_reduction <add>, %mul3A, %reduce_sum3A [1] : vector<4096x128xf32> to vector<4096xf32>
      %broadcast_in_dim3A = vector.shape_cast %reduce_sum3A_8 : vector<4096xf32> to vector<4096x1xf32>
      %sqrt3A = math.sqrt %broadcast_in_dim3A : vector<4096x1xf32>
      %max3A = arith.constant 9.99999996E-13 : f32
      %max3A_9 = vector.broadcast %max3A : f32 to vector<4096x1xf32>
      %max3A_10 = arith.maximumf %sqrt3A, %max3A_9 : vector<4096x1xf32>
      %div3A = vector.broadcast %max3A_10 : vector<4096x1xf32> to vector<4096x128xf32>
      %div3A_11 = arith.divf %get3A_7, %div3A : vector<4096x128xf32>
      %mul3A_12 = arith.mulf %div3A_11, %div3A_11 : vector<4096x128xf32>
      %reduce_sum3A_13 = arith.constant dense<0.000000e+00> : vector<4096xf32>
      %reduce_sum3A_14 = vector.multi_reduction <add>, %mul3A_12, %reduce_sum3A_13 [1] : vector<4096x128xf32> to vector<4096xf32>
      %broadcast_in_dim3A_15 = vector.shape_cast %reduce_sum3A_14 : vector<4096xf32> to vector<4096x1xf32>
      %iota3A = tpu.iota {dimensions = array<i32: 1>} : vector<1x128xi32>
      %mul3A_16 = arith.constant -2.000000e+00 : f32
      %mul3A_17 = vector.broadcast %mul3A_16 : f32 to vector<4096x128xf32>
      %mul3A_18 = arith.mulf %mul3A_17, %div3A_11 : vector<4096x128xf32>
      %eq3A_19 = arith.constant 96 : i32
      %eq3A_20 = vector.broadcast %eq3A_19 : i32 to vector<1x128xi32>
      %eq3A_21 = arith.cmpi eq, %iota3A, %eq3A_20 : vector<1x128xi32>
      %broadcast_in_dim3A_22 = vector.shape_cast %eq3A_21 : vector<1x128xi1> to vector<1x128xi1>
      %broadcast_in_dim3A_23 = vector.broadcast %broadcast_in_dim3A_22 : vector<1x128xi1> to vector<4096x128xi1>
      %broadcast_in_dim3A_24 = vector.shape_cast %broadcast_in_dim3A_15 : vector<4096x1xf32> to vector<4096x1xf32>
      %broadcast_in_dim3A_25 = vector.broadcast %broadcast_in_dim3A_24 : vector<4096x1xf32> to vector<4096x128xf32>
      %select_n3A = arith.select %broadcast_in_dim3A_23, %broadcast_in_dim3A_25, %mul3A_18 : vector<4096x128xi1>, vector<4096x128xf32>
      %eq3A_26 = arith.constant 97 : i32
      %eq3A_27 = vector.broadcast %eq3A_26 : i32 to vector<1x128xi32>
      %eq3A_28 = arith.cmpi eq, %iota3A, %eq3A_27 : vector<1x128xi32>
      %jit3A = arith.constant 1.000000e+00 : f32
      %broadcast_in_dim3A_29 = vector.shape_cast %eq3A_28 : vector<1x128xi1> to vector<1x128xi1>
      %broadcast_in_dim3A_30 = vector.broadcast %broadcast_in_dim3A_29 : vector<1x128xi1> to vector<4096x128xi1>
      %broadcast_in_dim3A_31 = vector.broadcast %jit3A : f32 to vector<4096x128xf32>
      %select_n3A_32 = arith.select %broadcast_in_dim3A_30, %broadcast_in_dim3A_31, %select_n3A : vector<4096x128xi1>, vector<4096x128xf32>
      %eq3A_33 = arith.constant 96 : i32
      %eq3A_34 = vector.broadcast %eq3A_33 : i32 to vector<1x128xi32>
      %eq3A_35 = arith.cmpi eq, %iota3A, %eq3A_34 : vector<1x128xi32>
      %jit3A_36 = arith.constant 1.000000e+00 : f32
      %broadcast_in_dim3A_37 = vector.shape_cast %eq3A_35 : vector<1x128xi1> to vector<1x128xi1>
      %broadcast_in_dim3A_38 = vector.broadcast %broadcast_in_dim3A_37 : vector<1x128xi1> to vector<4096x128xi1>
      %broadcast_in_dim3A_39 = vector.broadcast %jit3A_36 : f32 to vector<4096x128xf32>
      %select_n3A_40 = arith.select %broadcast_in_dim3A_38, %broadcast_in_dim3A_39, %div3A_11 : vector<4096x128xi1>, vector<4096x128xf32>
      %eq3A_41 = arith.constant 97 : i32
      %eq3A_42 = vector.broadcast %eq3A_41 : i32 to vector<1x128xi32>
      %eq3A_43 = arith.cmpi eq, %iota3A, %eq3A_42 : vector<1x128xi32>
      %broadcast_in_dim3A_44 = vector.shape_cast %eq3A_43 : vector<1x128xi1> to vector<1x128xi1>
      %broadcast_in_dim3A_45 = vector.broadcast %broadcast_in_dim3A_44 : vector<1x128xi1> to vector<4096x128xi1>
      %broadcast_in_dim3A_46 = vector.shape_cast %broadcast_in_dim3A_15 : vector<4096x1xf32> to vector<4096x1xf32>
      %broadcast_in_dim3A_47 = vector.broadcast %broadcast_in_dim3A_46 : vector<4096x1xf32> to vector<4096x128xf32>
      %select_n3A_48 = arith.select %broadcast_in_dim3A_45, %broadcast_in_dim3A_47, %select_n3A_40 : vector<4096x128xi1>, vector<4096x128xf32>
      %swap3A = arith.constant 0 : index
      %swap3A_49 = arith.constant 0 : index
      %swap3A_50 = vector.load %arg3[%swap3A, %swap3A_49] : memref<4096x128xf32, #tpu.memory_space<vmem>>, vector<4096x128xf32>
      tpu.vector_store %arg3[%swap3A, %swap3A_49], %select_n3A_48 {strides = array<i32>} : memref<4096x128xf32, #tpu.memory_space<vmem>>, vector<4096x128xf32>,
      %swap3A_51 = arith.constant 0 : index
      %swap3A_52 = arith.constant 0 : index
      %swap3A_53 = vector.load %arg4[%swap3A_51, %swap3A_52] : memref<4096x128xf32, #tpu.memory_space<vmem>>, vector<4096x128xf32>
      tpu.vector_store %arg4[%swap3A_51, %swap3A_52], %select_n3A_32 {strides = array<i32>} : memref<4096x128xf32, #tpu.memory_space<vmem>>, vector<4096x128xf32>,
    } else {
    }
    %gt3A = arith.constant 0 : i32
    %gt3A_2 = arith.cmpi sgt, %arg0, %gt3A : i32
    %convert_element_type3A_3 = arith.extui %gt3A_2 : i1 to i32
    %cond3A_4 = arith.constant 0 : i32
    %cond3A_5 = arith.cmpi ne, %convert_element_type3A_3, %cond3A_4 : i32
    scf.if %cond3A_5 {
      %sub3A = arith.constant 1 : i32
      %sub3A_6 = arith.subi %arg0, %sub3A : i32
      %mul3A = arith.constant 256 : i32
      %mul3A_7 = arith.muli %sub3A_6, %mul3A : i32
      %get3A = arith.index_cast %mul3A_7 : i32 to index
      %get3A_8 = arith.constant 0 : index
      %get3A_9 = vector.load %arg3[%get3A, %get3A_8] : memref<4096x128xf32, #tpu.memory_space<vmem>>, vector<256x128xf32>
      %get3A_10 = arith.constant 0 : index
      %get3A_11 = arith.constant 0 : index
      %get3A_12 = vector.load %arg4[%get3A_10, %get3A_11] : memref<4096x128xf32, #tpu.memory_space<vmem>>, vector<4096x128xf32>
      %dot_general3A = arith.constant dense<0.000000e+00> : vector<256x4096xf32>
      %dot_general3A_13 = tpu.matmul %get3A_9, %get3A_12, %dot_general3A {dimension_numbers = #tpu.dot_dimension_numbers<[1], [1], [0], [0], [0, 0, 1, 0], [], []>, transpose_lhs_hint = false} : vector<256x128xf32>, vector<4096x128xf32>, vector<256x4096xf32> -> vector<256x4096xf32>
      %iota3A = tpu.iota {dimensions = array<i32: 1>} : vector<1x4096xi32>
      %convert_element_type3A_14 = arith.sitofp %iota3A : vector<1x4096xi32> to vector<1x4096xf32>
      %iota3A_15 = tpu.iota {dimensions = array<i32: 1>} : vector<1x128xi32>
      %broadcast_in_dim3A = arith.constant 0.000000e+00 : f32
      %broadcast_in_dim3A_16 = vector.broadcast %broadcast_in_dim3A : f32 to vector<256x128xf32>
      %reduce_min3A = arith.constant dense<0x7F800000> : vector<256xf32>
      %reduce_min3A_17 = vector.multi_reduction <minimumf>, %dot_general3A_13, %reduce_min3A [1] : vector<256x4096xf32> to vector<256xf32>
      %broadcast_in_dim3A_18 = vector.shape_cast %reduce_min3A_17 : vector<256xf32> to vector<256x1xf32>
      %eq3A_19 = vector.broadcast %broadcast_in_dim3A_18 : vector<256x1xf32> to vector<256x4096xf32>
      %eq3A_20 = arith.cmpf oeq, %dot_general3A_13, %eq3A_19 : vector<256x4096xf32>
      %jit3A = arith.constant 3.000000e+38 : f32
      %broadcast_in_dim3A_21 = vector.shape_cast %convert_element_type3A_14 : vector<1x4096xf32> to vector<1x4096xf32>
      %broadcast_in_dim3A_22 = vector.broadcast %broadcast_in_dim3A_21 : vector<1x4096xf32> to vector<256x4096xf32>
      %broadcast_in_dim3A_23 = vector.broadcast %jit3A : f32 to vector<256x4096xf32>
      %select_n3A = arith.select %eq3A_20, %broadcast_in_dim3A_22, %broadcast_in_dim3A_23 : vector<256x4096xi1>, vector<256x4096xf32>
      %reduce_min3A_24 = arith.constant dense<0x7F800000> : vector<256xf32>
      %reduce_min3A_25 = vector.multi_reduction <minimumf>, %select_n3A, %reduce_min3A_24 [1] : vector<256x4096xf32> to vector<256xf32>
      %broadcast_in_dim3A_26 = vector.shape_cast %reduce_min3A_25 : vector<256xf32> to vector<256x1xf32>
      %eq3A_27 = arith.constant 0 : i32
      %eq3A_28 = vector.broadcast %eq3A_27 : i32 to vector<1x128xi32>
      %eq3A_29 = arith.cmpi eq, %iota3A_15, %eq3A_28 : vector<1x128xi32>
      %broadcast_in_dim3A_30 = vector.shape_cast %eq3A_29 : vector<1x128xi1> to vector<1x128xi1>
      %broadcast_in_dim3A_31 = vector.broadcast %broadcast_in_dim3A_30 : vector<1x128xi1> to vector<256x128xi1>
      %broadcast_in_dim3A_32 = vector.shape_cast %broadcast_in_dim3A_26 : vector<256x1xf32> to vector<256x1xf32>
      %broadcast_in_dim3A_33 = vector.broadcast %broadcast_in_dim3A_32 : vector<256x1xf32> to vector<256x128xf32>
      %select_n3A_34 = arith.select %broadcast_in_dim3A_31, %broadcast_in_dim3A_33, %broadcast_in_dim3A_16 : vector<256x128xi1>, vector<256x128xf32>
      %eq3A_35 = vector.broadcast %convert_element_type3A_14 : vector<1x4096xf32> to vector<256x4096xf32>
      %eq3A_36 = vector.broadcast %broadcast_in_dim3A_26 : vector<256x1xf32> to vector<256x4096xf32>
      %eq3A_37 = arith.cmpf oeq, %eq3A_35, %eq3A_36 : vector<256x4096xf32>
      %jit3A_38 = arith.constant 3.000000e+38 : f32
      %broadcast_in_dim3A_39 = vector.broadcast %jit3A_38 : f32 to vector<256x4096xf32>
      %select_n3A_40 = arith.select %eq3A_37, %broadcast_in_dim3A_39, %dot_general3A_13 : vector<256x4096xi1>, vector<256x4096xf32>
      %reduce_min3A_41 = arith.constant dense<0x7F800000> : vector<256xf32>
      %reduce_min3A_42 = vector.multi_reduction <minimumf>, %select_n3A_40, %reduce_min3A_41 [1] : vector<256x4096xf32> to vector<256xf32>
      %broadcast_in_dim3A_43 = vector.shape_cast %reduce_min3A_42 : vector<256xf32> to vector<256x1xf32>
      %eq3A_44 = vector.broadcast %broadcast_in_dim3A_43 : vector<256x1xf32> to vector<256x4096xf32>
      %eq3A_45 = arith.cmpf oeq, %select_n3A_40, %eq3A_44 : vector<256x4096xf32>
      %jit3A_46 = arith.constant 3.000000e+38 : f32
      %broadcast_in_dim3A_47 = vector.shape_cast %convert_element_type3A_14 : vector<1x4096xf32> to vector<1x4096xf32>
      %broadcast_in_dim3A_48 = vector.broadcast %broadcast_in_dim3A_47 : vector<1x4096xf32> to vector<256x4096xf32>
      %broadcast_in_dim3A_49 = vector.broadcast %jit3A_46 : f32 to vector<256x4096xf32>
      %select_n3A_50 = arith.select %eq3A_45, %broadcast_in_dim3A_48, %broadcast_in_dim3A_49 : vector<256x4096xi1>, vector<256x4096xf32>
      %reduce_min3A_51 = arith.constant dense<0x7F800000> : vector<256xf32>
      %reduce_min3A_52 = vector.multi_reduction <minimumf>, %select_n3A_50, %reduce_min3A_51 [1] : vector<256x4096xf32> to vector<256xf32>
      %broadcast_in_dim3A_53 = vector.shape_cast %reduce_min3A_52 : vector<256xf32> to vector<256x1xf32>
      %eq3A_54 = arith.constant 1 : i32
      %eq3A_55 = vector.broadcast %eq3A_54 : i32 to vector<1x128xi32>
      %eq3A_56 = arith.cmpi eq, %iota3A_15, %eq3A_55 : vector<1x128xi32>
      %broadcast_in_dim3A_57 = vector.shape_cast %eq3A_56 : vector<1x128xi1> to vector<1x128xi1>
      %broadcast_in_dim3A_58 = vector.broadcast %broadcast_in_dim3A_57 : vector<1x128xi1> to vector<256x128xi1>
      %broadcast_in_dim3A_59 = vector.shape_cast %broadcast_in_dim3A_53 : vector<256x1xf32> to vector<256x1xf32>
      %broadcast_in_dim3A_60 = vector.broadcast %broadcast_in_dim3A_59 : vector<256x1xf32> to vector<256x128xf32>
      %select_n3A_61 = arith.select %broadcast_in_dim3A_58, %broadcast_in_dim3A_60, %select_n3A_34 : vector<256x128xi1>, vector<256x128xf32>
      %eq3A_62 = vector.broadcast %convert_element_type3A_14 : vector<1x4096xf32> to vector<256x4096xf32>
      %eq3A_63 = vector.broadcast %broadcast_in_dim3A_53 : vector<256x1xf32> to vector<256x4096xf32>
      %eq3A_64 = arith.cmpf oeq, %eq3A_62, %eq3A_63 : vector<256x4096xf32>
      %jit3A_65 = arith.constant 3.000000e+38 : f32
      %broadcast_in_dim3A_66 = vector.broadcast %jit3A_65 : f32 to vector<256x4096xf32>
      %select_n3A_67 = arith.select %eq3A_64, %broadcast_in_dim3A_66, %select_n3A_40 : vector<256x4096xi1>, vector<256x4096xf32>
      %reduce_min3A_68 = arith.constant dense<0x7F800000> : vector<256xf32>
      %reduce_min3A_69 = vector.multi_reduction <minimumf>, %select_n3A_67, %reduce_min3A_68 [1] : vector<256x4096xf32> to vector<256xf32>
      %broadcast_in_dim3A_70 = vector.shape_cast %reduce_min3A_69 : vector<256xf32> to vector<256x1xf32>
      %eq3A_71 = vector.broadcast %broadcast_in_dim3A_70 : vector<256x1xf32> to vector<256x4096xf32>
      %eq3A_72 = arith.cmpf oeq, %select_n3A_67, %eq3A_71 : vector<256x4096xf32>
      %jit3A_73 = arith.constant 3.000000e+38 : f32
      %broadcast_in_dim3A_74 = vector.shape_cast %convert_element_type3A_14 : vector<1x4096xf32> to vector<1x4096xf32>
      %broadcast_in_dim3A_75 = vector.broadcast %broadcast_in_dim3A_74 : vector<1x4096xf32> to vector<256x4096xf32>
      %broadcast_in_dim3A_76 = vector.broadcast %jit3A_73 : f32 to vector<256x4096xf32>
      %select_n3A_77 = arith.select %eq3A_72, %broadcast_in_dim3A_75, %broadcast_in_dim3A_76 : vector<256x4096xi1>, vector<256x4096xf32>
      %reduce_min3A_78 = arith.constant dense<0x7F800000> : vector<256xf32>
      %reduce_min3A_79 = vector.multi_reduction <minimumf>, %select_n3A_77, %reduce_min3A_78 [1] : vector<256x4096xf32> to vector<256xf32>
      %broadcast_in_dim3A_80 = vector.shape_cast %reduce_min3A_79 : vector<256xf32> to vector<256x1xf32>
      %eq3A_81 = arith.constant 2 : i32
      %eq3A_82 = vector.broadcast %eq3A_81 : i32 to vector<1x128xi32>
      %eq3A_83 = arith.cmpi eq, %iota3A_15, %eq3A_82 : vector<1x128xi32>
      %broadcast_in_dim3A_84 = vector.shape_cast %eq3A_83 : vector<1x128xi1> to vector<1x128xi1>
      %broadcast_in_dim3A_85 = vector.broadcast %broadcast_in_dim3A_84 : vector<1x128xi1> to vector<256x128xi1>
      %broadcast_in_dim3A_86 = vector.shape_cast %broadcast_in_dim3A_80 : vector<256x1xf32> to vector<256x1xf32>
      %broadcast_in_dim3A_87 = vector.broadcast %broadcast_in_dim3A_86 : vector<256x1xf32> to vector<256x128xf32>
      %select_n3A_88 = arith.select %broadcast_in_dim3A_85, %broadcast_in_dim3A_87, %select_n3A_61 : vector<256x128xi1>, vector<256x128xf32>
      %eq3A_89 = vector.broadcast %convert_element_type3A_14 : vector<1x4096xf32> to vector<256x4096xf32>
      %eq3A_90 = vector.broadcast %broadcast_in_dim3A_80 : vector<256x1xf32> to vector<256x4096xf32>
      %eq3A_91 = arith.cmpf oeq, %eq3A_89, %eq3A_90 : vector<256x4096xf32>
      %jit3A_92 = arith.constant 3.000000e+38 : f32
      %broadcast_in_dim3A_93 = vector.broadcast %jit3A_92 : f32 to vector<256x4096xf32>
      %select_n3A_94 = arith.select %eq3A_91, %broadcast_in_dim3A_93, %select_n3A_67 : vector<256x4096xi1>, vector<256x4096xf32>
      %reduce_min3A_95 = arith.constant dense<0x7F800000> : vector<256xf32>
      %reduce_min3A_96 = vector.multi_reduction <minimumf>, %select_n3A_94, %reduce_min3A_95 [1] : vector<256x4096xf32> to vector<256xf32>
      %broadcast_in_dim3A_97 = vector.shape_cast %reduce_min3A_96 : vector<256xf32> to vector<256x1xf32>
      %eq3A_98 = vector.broadcast %broadcast_in_dim3A_97 : vector<256x1xf32> to vector<256x4096xf32>
      %eq3A_99 = arith.cmpf oeq, %select_n3A_94, %eq3A_98 : vector<256x4096xf32>
      %jit3A_100 = arith.constant 3.000000e+38 : f32
      %broadcast_in_dim3A_101 = vector.shape_cast %convert_element_type3A_14 : vector<1x4096xf32> to vector<1x4096xf32>
      %broadcast_in_dim3A_102 = vector.broadcast %broadcast_in_dim3A_101 : vector<1x4096xf32> to vector<256x4096xf32>
      %broadcast_in_dim3A_103 = vector.broadcast %jit3A_100 : f32 to vector<256x4096xf32>
      %select_n3A_104 = arith.select %eq3A_99, %broadcast_in_dim3A_102, %broadcast_in_dim3A_103 : vector<256x4096xi1>, vector<256x4096xf32>
      %reduce_min3A_105 = arith.constant dense<0x7F800000> : vector<256xf32>
      %reduce_min3A_106 = vector.multi_reduction <minimumf>, %select_n3A_104, %reduce_min3A_105 [1] : vector<256x4096xf32> to vector<256xf32>
      %broadcast_in_dim3A_107 = vector.shape_cast %reduce_min3A_106 : vector<256xf32> to vector<256x1xf32>
      %eq3A_108 = arith.constant 3 : i32
      %eq3A_109 = vector.broadcast %eq3A_108 : i32 to vector<1x128xi32>
      %eq3A_110 = arith.cmpi eq, %iota3A_15, %eq3A_109 : vector<1x128xi32>
      %broadcast_in_dim3A_111 = vector.shape_cast %eq3A_110 : vector<1x128xi1> to vector<1x128xi1>
      %broadcast_in_dim3A_112 = vector.broadcast %broadcast_in_dim3A_111 : vector<1x128xi1> to vector<256x128xi1>
      %broadcast_in_dim3A_113 = vector.shape_cast %broadcast_in_dim3A_107 : vector<256x1xf32> to vector<256x1xf32>
      %broadcast_in_dim3A_114 = vector.broadcast %broadcast_in_dim3A_113 : vector<256x1xf32> to vector<256x128xf32>
      %select_n3A_115 = arith.select %broadcast_in_dim3A_112, %broadcast_in_dim3A_114, %select_n3A_88 : vector<256x128xi1>, vector<256x128xf32>
      %eq3A_116 = vector.broadcast %convert_element_type3A_14 : vector<1x4096xf32> to vector<256x4096xf32>
      %eq3A_117 = vector.broadcast %broadcast_in_dim3A_107 : vector<256x1xf32> to vector<256x4096xf32>
      %eq3A_118 = arith.cmpf oeq, %eq3A_116, %eq3A_117 : vector<256x4096xf32>
      %jit3A_119 = arith.constant 3.000000e+38 : f32
      %broadcast_in_dim3A_120 = vector.broadcast %jit3A_119 : f32 to vector<256x4096xf32>
      %select_n3A_121 = arith.select %eq3A_118, %broadcast_in_dim3A_120, %select_n3A_94 : vector<256x4096xi1>, vector<256x4096xf32>
      %reduce_min3A_122 = arith.constant dense<0x7F800000> : vector<256xf32>
      %reduce_min3A_123 = vector.multi_reduction <minimumf>, %select_n3A_121, %reduce_min3A_122 [1] : vector<256x4096xf32> to vector<256xf32>
      %broadcast_in_dim3A_124 = vector.shape_cast %reduce_min3A_123 : vector<256xf32> to vector<256x1xf32>
      %eq3A_125 = vector.broadcast %broadcast_in_dim3A_124 : vector<256x1xf32> to vector<256x4096xf32>
      %eq3A_126 = arith.cmpf oeq, %select_n3A_121, %eq3A_125 : vector<256x4096xf32>
      %jit3A_127 = arith.constant 3.000000e+38 : f32
      %broadcast_in_dim3A_128 = vector.shape_cast %convert_element_type3A_14 : vector<1x4096xf32> to vector<1x4096xf32>
      %broadcast_in_dim3A_129 = vector.broadcast %broadcast_in_dim3A_128 : vector<1x4096xf32> to vector<256x4096xf32>
      %broadcast_in_dim3A_130 = vector.broadcast %jit3A_127 : f32 to vector<256x4096xf32>
      %select_n3A_131 = arith.select %eq3A_126, %broadcast_in_dim3A_129, %broadcast_in_dim3A_130 : vector<256x4096xi1>, vector<256x4096xf32>
      %reduce_min3A_132 = arith.constant dense<0x7F800000> : vector<256xf32>
      %reduce_min3A_133 = vector.multi_reduction <minimumf>, %select_n3A_131, %reduce_min3A_132 [1] : vector<256x4096xf32> to vector<256xf32>
      %broadcast_in_dim3A_134 = vector.shape_cast %reduce_min3A_133 : vector<256xf32> to vector<256x1xf32>
      %eq3A_135 = arith.constant 4 : i32
      %eq3A_136 = vector.broadcast %eq3A_135 : i32 to vector<1x128xi32>
      %eq3A_137 = arith.cmpi eq, %iota3A_15, %eq3A_136 : vector<1x128xi32>
      %broadcast_in_dim3A_138 = vector.shape_cast %eq3A_137 : vector<1x128xi1> to vector<1x128xi1>
      %broadcast_in_dim3A_139 = vector.broadcast %broadcast_in_dim3A_138 : vector<1x128xi1> to vector<256x128xi1>
      %broadcast_in_dim3A_140 = vector.shape_cast %broadcast_in_dim3A_134 : vector<256x1xf32> to vector<256x1xf32>
      %broadcast_in_dim3A_141 = vector.broadcast %broadcast_in_dim3A_140 : vector<256x1xf32> to vector<256x128xf32>
      %select_n3A_142 = arith.select %broadcast_in_dim3A_139, %broadcast_in_dim3A_141, %select_n3A_115 : vector<256x128xi1>, vector<256x128xf32>
      %eq3A_143 = vector.broadcast %convert_element_type3A_14 : vector<1x4096xf32> to vector<256x4096xf32>
      %eq3A_144 = vector.broadcast %broadcast_in_dim3A_134 : vector<256x1xf32> to vector<256x4096xf32>
      %eq3A_145 = arith.cmpf oeq, %eq3A_143, %eq3A_144 : vector<256x4096xf32>
      %jit3A_146 = arith.constant 3.000000e+38 : f32
      %broadcast_in_dim3A_147 = vector.broadcast %jit3A_146 : f32 to vector<256x4096xf32>
      %select_n3A_148 = arith.select %eq3A_145, %broadcast_in_dim3A_147, %select_n3A_121 : vector<256x4096xi1>, vector<256x4096xf32>
      %reduce_min3A_149 = arith.constant dense<0x7F800000> : vector<256xf32>
      %reduce_min3A_150 = vector.multi_reduction <minimumf>, %select_n3A_148, %reduce_min3A_149 [1] : vector<256x4096xf32> to vector<256xf32>
      %broadcast_in_dim3A_151 = vector.shape_cast %reduce_min3A_150 : vector<256xf32> to vector<256x1xf32>
      %eq3A_152 = vector.broadcast %broadcast_in_dim3A_151 : vector<256x1xf32> to vector<256x4096xf32>
      %eq3A_153 = arith.cmpf oeq, %select_n3A_148, %eq3A_152 : vector<256x4096xf32>
      %jit3A_154 = arith.constant 3.000000e+38 : f32
      %broadcast_in_dim3A_155 = vector.shape_cast %convert_element_type3A_14 : vector<1x4096xf32> to vector<1x4096xf32>
      %broadcast_in_dim3A_156 = vector.broadcast %broadcast_in_dim3A_155 : vector<1x4096xf32> to vector<256x4096xf32>
      %broadcast_in_dim3A_157 = vector.broadcast %jit3A_154 : f32 to vector<256x4096xf32>
      %select_n3A_158 = arith.select %eq3A_153, %broadcast_in_dim3A_156, %broadcast_in_dim3A_157 : vector<256x4096xi1>, vector<256x4096xf32>
      %reduce_min3A_159 = arith.constant dense<0x7F800000> : vector<256xf32>
      %reduce_min3A_160 = vector.multi_reduction <minimumf>, %select_n3A_158, %reduce_min3A_159 [1] : vector<256x4096xf32> to vector<256xf32>
      %broadcast_in_dim3A_161 = vector.shape_cast %reduce_min3A_160 : vector<256xf32> to vector<256x1xf32>
      %eq3A_162 = arith.constant 5 : i32
      %eq3A_163 = vector.broadcast %eq3A_162 : i32 to vector<1x128xi32>
      %eq3A_164 = arith.cmpi eq, %iota3A_15, %eq3A_163 : vector<1x128xi32>
      %broadcast_in_dim3A_165 = vector.shape_cast %eq3A_164 : vector<1x128xi1> to vector<1x128xi1>
      %broadcast_in_dim3A_166 = vector.broadcast %broadcast_in_dim3A_165 : vector<1x128xi1> to vector<256x128xi1>
      %broadcast_in_dim3A_167 = vector.shape_cast %broadcast_in_dim3A_161 : vector<256x1xf32> to vector<256x1xf32>
      %broadcast_in_dim3A_168 = vector.broadcast %broadcast_in_dim3A_167 : vector<256x1xf32> to vector<256x128xf32>
      %select_n3A_169 = arith.select %broadcast_in_dim3A_166, %broadcast_in_dim3A_168, %select_n3A_142 : vector<256x128xi1>, vector<256x128xf32>
      %eq3A_170 = vector.broadcast %convert_element_type3A_14 : vector<1x4096xf32> to vector<256x4096xf32>
      %eq3A_171 = vector.broadcast %broadcast_in_dim3A_161 : vector<256x1xf32> to vector<256x4096xf32>
      %eq3A_172 = arith.cmpf oeq, %eq3A_170, %eq3A_171 : vector<256x4096xf32>
      %jit3A_173 = arith.constant 3.000000e+38 : f32
      %broadcast_in_dim3A_174 = vector.broadcast %jit3A_173 : f32 to vector<256x4096xf32>
      %select_n3A_175 = arith.select %eq3A_172, %broadcast_in_dim3A_174, %select_n3A_148 : vector<256x4096xi1>, vector<256x4096xf32>
      %reduce_min3A_176 = arith.constant dense<0x7F800000> : vector<256xf32>
      %reduce_min3A_177 = vector.multi_reduction <minimumf>, %select_n3A_175, %reduce_min3A_176 [1] : vector<256x4096xf32> to vector<256xf32>
      %broadcast_in_dim3A_178 = vector.shape_cast %reduce_min3A_177 : vector<256xf32> to vector<256x1xf32>
      %eq3A_179 = vector.broadcast %broadcast_in_dim3A_178 : vector<256x1xf32> to vector<256x4096xf32>
      %eq3A_180 = arith.cmpf oeq, %select_n3A_175, %eq3A_179 : vector<256x4096xf32>
      %jit3A_181 = arith.constant 3.000000e+38 : f32
      %broadcast_in_dim3A_182 = vector.shape_cast %convert_element_type3A_14 : vector<1x4096xf32> to vector<1x4096xf32>
      %broadcast_in_dim3A_183 = vector.broadcast %broadcast_in_dim3A_182 : vector<1x4096xf32> to vector<256x4096xf32>
      %broadcast_in_dim3A_184 = vector.broadcast %jit3A_181 : f32 to vector<256x4096xf32>
      %select_n3A_185 = arith.select %eq3A_180, %broadcast_in_dim3A_183, %broadcast_in_dim3A_184 : vector<256x4096xi1>, vector<256x4096xf32>
      %reduce_min3A_186 = arith.constant dense<0x7F800000> : vector<256xf32>
      %reduce_min3A_187 = vector.multi_reduction <minimumf>, %select_n3A_185, %reduce_min3A_186 [1] : vector<256x4096xf32> to vector<256xf32>
      %broadcast_in_dim3A_188 = vector.shape_cast %reduce_min3A_187 : vector<256xf32> to vector<256x1xf32>
      %eq3A_189 = arith.constant 6 : i32
      %eq3A_190 = vector.broadcast %eq3A_189 : i32 to vector<1x128xi32>
      %eq3A_191 = arith.cmpi eq, %iota3A_15, %eq3A_190 : vector<1x128xi32>
      %broadcast_in_dim3A_192 = vector.shape_cast %eq3A_191 : vector<1x128xi1> to vector<1x128xi1>
      %broadcast_in_dim3A_193 = vector.broadcast %broadcast_in_dim3A_192 : vector<1x128xi1> to vector<256x128xi1>
      %broadcast_in_dim3A_194 = vector.shape_cast %broadcast_in_dim3A_188 : vector<256x1xf32> to vector<256x1xf32>
      %broadcast_in_dim3A_195 = vector.broadcast %broadcast_in_dim3A_194 : vector<256x1xf32> to vector<256x128xf32>
      %select_n3A_196 = arith.select %broadcast_in_dim3A_193, %broadcast_in_dim3A_195, %select_n3A_169 : vector<256x128xi1>, vector<256x128xf32>
      %eq3A_197 = vector.broadcast %convert_element_type3A_14 : vector<1x4096xf32> to vector<256x4096xf32>
      %eq3A_198 = vector.broadcast %broadcast_in_dim3A_188 : vector<256x1xf32> to vector<256x4096xf32>
      %eq3A_199 = arith.cmpf oeq, %eq3A_197, %eq3A_198 : vector<256x4096xf32>
      %jit3A_200 = arith.constant 3.000000e+38 : f32
      %broadcast_in_dim3A_201 = vector.broadcast %jit3A_200 : f32 to vector<256x4096xf32>
      %select_n3A_202 = arith.select %eq3A_199, %broadcast_in_dim3A_201, %select_n3A_175 : vector<256x4096xi1>, vector<256x4096xf32>
      %reduce_min3A_203 = arith.constant dense<0x7F800000> : vector<256xf32>
      %reduce_min3A_204 = vector.multi_reduction <minimumf>, %select_n3A_202, %reduce_min3A_203 [1] : vector<256x4096xf32> to vector<256xf32>
      %broadcast_in_dim3A_205 = vector.shape_cast %reduce_min3A_204 : vector<256xf32> to vector<256x1xf32>
      %eq3A_206 = vector.broadcast %broadcast_in_dim3A_205 : vector<256x1xf32> to vector<256x4096xf32>
      %eq3A_207 = arith.cmpf oeq, %select_n3A_202, %eq3A_206 : vector<256x4096xf32>
      %jit3A_208 = arith.constant 3.000000e+38 : f32
      %broadcast_in_dim3A_209 = vector.shape_cast %convert_element_type3A_14 : vector<1x4096xf32> to vector<1x4096xf32>
      %broadcast_in_dim3A_210 = vector.broadcast %broadcast_in_dim3A_209 : vector<1x4096xf32> to vector<256x4096xf32>
      %broadcast_in_dim3A_211 = vector.broadcast %jit3A_208 : f32 to vector<256x4096xf32>
      %select_n3A_212 = arith.select %eq3A_207, %broadcast_in_dim3A_210, %broadcast_in_dim3A_211 : vector<256x4096xi1>, vector<256x4096xf32>
      %reduce_min3A_213 = arith.constant dense<0x7F800000> : vector<256xf32>
      %reduce_min3A_214 = vector.multi_reduction <minimumf>, %select_n3A_212, %reduce_min3A_213 [1] : vector<256x4096xf32> to vector<256xf32>
      %broadcast_in_dim3A_215 = vector.shape_cast %reduce_min3A_214 : vector<256xf32> to vector<256x1xf32>
      %eq3A_216 = arith.constant 7 : i32
      %eq3A_217 = vector.broadcast %eq3A_216 : i32 to vector<1x128xi32>
      %eq3A_218 = arith.cmpi eq, %iota3A_15, %eq3A_217 : vector<1x128xi32>
      %broadcast_in_dim3A_219 = vector.shape_cast %eq3A_218 : vector<1x128xi1> to vector<1x128xi1>
      %broadcast_in_dim3A_220 = vector.broadcast %broadcast_in_dim3A_219 : vector<1x128xi1> to vector<256x128xi1>
      %broadcast_in_dim3A_221 = vector.shape_cast %broadcast_in_dim3A_215 : vector<256x1xf32> to vector<256x1xf32>
      %broadcast_in_dim3A_222 = vector.broadcast %broadcast_in_dim3A_221 : vector<256x1xf32> to vector<256x128xf32>
      %select_n3A_223 = arith.select %broadcast_in_dim3A_220, %broadcast_in_dim3A_222, %select_n3A_196 : vector<256x128xi1>, vector<256x128xf32>
      %eq3A_224 = vector.broadcast %convert_element_type3A_14 : vector<1x4096xf32> to vector<256x4096xf32>
      %eq3A_225 = vector.broadcast %broadcast_in_dim3A_215 : vector<256x1xf32> to vector<256x4096xf32>
      %eq3A_226 = arith.cmpf oeq, %eq3A_224, %eq3A_225 : vector<256x4096xf32>
      %jit3A_227 = arith.constant 3.000000e+38 : f32
      %broadcast_in_dim3A_228 = vector.broadcast %jit3A_227 : f32 to vector<256x4096xf32>
      %select_n3A_229 = arith.select %eq3A_226, %broadcast_in_dim3A_228, %select_n3A_202 : vector<256x4096xi1>, vector<256x4096xf32>
      %reduce_min3A_230 = arith.constant dense<0x7F800000> : vector<256xf32>
      %reduce_min3A_231 = vector.multi_reduction <minimumf>, %select_n3A_229, %reduce_min3A_230 [1] : vector<256x4096xf32> to vector<256xf32>
      %broadcast_in_dim3A_232 = vector.shape_cast %reduce_min3A_231 : vector<256xf32> to vector<256x1xf32>
      %eq3A_233 = vector.broadcast %broadcast_in_dim3A_232 : vector<256x1xf32> to vector<256x4096xf32>
      %eq3A_234 = arith.cmpf oeq, %select_n3A_229, %eq3A_233 : vector<256x4096xf32>
      %jit3A_235 = arith.constant 3.000000e+38 : f32
      %broadcast_in_dim3A_236 = vector.shape_cast %convert_element_type3A_14 : vector<1x4096xf32> to vector<1x4096xf32>
      %broadcast_in_dim3A_237 = vector.broadcast %broadcast_in_dim3A_236 : vector<1x4096xf32> to vector<256x4096xf32>
      %broadcast_in_dim3A_238 = vector.broadcast %jit3A_235 : f32 to vector<256x4096xf32>
      %select_n3A_239 = arith.select %eq3A_234, %broadcast_in_dim3A_237, %broadcast_in_dim3A_238 : vector<256x4096xi1>, vector<256x4096xf32>
      %reduce_min3A_240 = arith.constant dense<0x7F800000> : vector<256xf32>
      %reduce_min3A_241 = vector.multi_reduction <minimumf>, %select_n3A_239, %reduce_min3A_240 [1] : vector<256x4096xf32> to vector<256xf32>
      %broadcast_in_dim3A_242 = vector.shape_cast %reduce_min3A_241 : vector<256xf32> to vector<256x1xf32>
      %eq3A_243 = arith.constant 8 : i32
      %eq3A_244 = vector.broadcast %eq3A_243 : i32 to vector<1x128xi32>
      %eq3A_245 = arith.cmpi eq, %iota3A_15, %eq3A_244 : vector<1x128xi32>
      %broadcast_in_dim3A_246 = vector.shape_cast %eq3A_245 : vector<1x128xi1> to vector<1x128xi1>
      %broadcast_in_dim3A_247 = vector.broadcast %broadcast_in_dim3A_246 : vector<1x128xi1> to vector<256x128xi1>
      %broadcast_in_dim3A_248 = vector.shape_cast %broadcast_in_dim3A_242 : vector<256x1xf32> to vector<256x1xf32>
      %broadcast_in_dim3A_249 = vector.broadcast %broadcast_in_dim3A_248 : vector<256x1xf32> to vector<256x128xf32>
      %select_n3A_250 = arith.select %broadcast_in_dim3A_247, %broadcast_in_dim3A_249, %select_n3A_223 : vector<256x128xi1>, vector<256x128xf32>
      %transpose3A = tpu.transpose %select_n3A_250, [1, 0] : vector<256x128xf32> -> vector<128x256xf32>
      %slice3A = vector.extract_strided_slice %transpose3A {offsets = [0, 0], sizes = [16, 256], strides = [1, 1]} : vector<128x256xf32> to vector<16x256xf32>
      %convert_element_type3A_251 = arith.fptosi %slice3A : vector<16x256xf32> to vector<16x256xi32>
      %add3A = arith.constant 0 : i32
      %add3A_252 = vector.broadcast %add3A : i32 to vector<16x256xi32>
      %add3A_253 = arith.addi %convert_element_type3A_251, %add3A_252 : vector<16x256xi32>
      %swap3A = arith.constant 0 : index
      %swap3A_254 = arith.constant 0 : index
      %swap3A_255 = vector.load %arg2[%swap3A, %swap3A_254] : memref<16x256xi32, #tpu.memory_space<vmem>>, vector<16x256xi32>
      tpu.vector_store %arg2[%swap3A, %swap3A_254], %add3A_253 {strides = array<i32>} : memref<16x256xi32, #tpu.memory_space<vmem>>, vector<16x256xi32>,
    } else {
    }
    return
  }
  func.func @transform_0(%arg0: i32) -> (i32, i32) {
    %c0_i32 = arith.constant 0 : i32
    %c0_i32_0 = arith.constant 0 : i32
    %c0_i32_1 = arith.constant 0 : i32
    return %c0_i32, %c0_i32_0 : i32, i32
  }
  func.func @transform_1(%arg0: i32) -> (i32, i32) {
    %sub3A = arith.constant 1 : i32
    %sub3A_0 = arith.subi %arg0, %sub3A : i32
    %max3A = arith.constant 0 : i32
    %max3A_1 = arith.maxsi %sub3A_0, %max3A : i32
    %c0_i32 = arith.constant 0 : i32
    %c0_i32_2 = arith.constant 0 : i32
    return %c0_i32, %max3A_1 : i32, i32
  }
}

module attributes {stable_mosaic.version = 14 : i64} {
  func.func @_topk_body(%arg0: i32, %arg1: memref<4096x128xf32, #tpu.memory_space<vmem>>, %arg2: memref<16x256xi32, #tpu.memory_space<vmem>>, %arg3: memref<4096x128xf32, #tpu.memory_space<vmem>>, %arg4: memref<4096x128xf32, #tpu.memory_space<vmem>>) attributes {dimension_semantics = [#tpu.dimension_semantics<arbitrary>], iteration_bounds = array<i64: 17>, scalar_prefetch = 0 : i64, scratch_operands = 2 : i64, tpu.core_type = #tpu.core_type<tc>, window_params = [{pipeline_mode = #tpu.pipeline_mode<synchronous>, transform_indices = @transform_0, window_bounds = array<i64: 4096, 128>}, {transform_indices = @transform_1, window_bounds = array<i64: 16, 256>}]} {
    %eq3A = arith.constant 0 : i32
    %eq3A_0 = arith.cmpi eq, %arg0, %eq3A : i32
    %convert_element_type3A = arith.extui %eq3A_0 : i1 to i32
    %cond3A = arith.constant 0 : i32
    %cond3A_1 = arith.cmpi ne, %convert_element_type3A, %cond3A : i32
    scf.if %cond3A_1 {
      %get3A = arith.constant 0 : index
      %get3A_6 = arith.constant 0 : index
      %get3A_7 = vector.load %arg1[%get3A, %get3A_6] : memref<4096x128xf32, #tpu.memory_space<vmem>>, vector<4096x128xf32>
      %mul3A = arith.mulf %get3A_7, %get3A_7 : vector<4096x128xf32>
      %reduce_sum3A = arith.constant dense<0.000000e+00> : vector<4096xf32>
      %reduce_sum3A_8 = vector.multi_reduction <add>, %mul3A, %reduce_sum3A [1] : vector<4096x128xf32> to vector<4096xf32>
      %broadcast_in_dim3A = vector.shape_cast %reduce_sum3A_8 : vector<4096xf32> to vector<4096x1xf32>
      %sqrt3A = math.sqrt %broadcast_in_dim3A : vector<4096x1xf32>
      %max3A = arith.constant 9.99999996E-13 : f32
      %max3A_9 = vector.broadcast %max3A : f32 to vector<4096x1xf32>
      %max3A_10 = arith.maximumf %sqrt3A, %max3A_9 : vector<4096x1xf32>
      %div3A = vector.broadcast %max3A_10 : vector<4096x1xf32> to vector<4096x128xf32>
      %div3A_11 = arith.divf %get3A_7, %div3A : vector<4096x128xf32>
      %mul3A_12 = arith.mulf %div3A_11, %div3A_11 : vector<4096x128xf32>
      %reduce_sum3A_13 = arith.constant dense<0.000000e+00> : vector<4096xf32>
      %reduce_sum3A_14 = vector.multi_reduction <add>, %mul3A_12, %reduce_sum3A_13 [1] : vector<4096x128xf32> to vector<4096xf32>
      %broadcast_in_dim3A_15 = vector.shape_cast %reduce_sum3A_14 : vector<4096xf32> to vector<4096x1xf32>
      %iota3A = tpu.iota {dimensions = array<i32: 1>} : vector<1x128xi32>
      %mul3A_16 = arith.constant -2.000000e+00 : f32
      %mul3A_17 = vector.broadcast %mul3A_16 : f32 to vector<4096x128xf32>
      %mul3A_18 = arith.mulf %mul3A_17, %div3A_11 : vector<4096x128xf32>
      %eq3A_19 = arith.constant 96 : i32
      %eq3A_20 = vector.broadcast %eq3A_19 : i32 to vector<1x128xi32>
      %eq3A_21 = arith.cmpi eq, %iota3A, %eq3A_20 : vector<1x128xi32>
      %broadcast_in_dim3A_22 = vector.shape_cast %eq3A_21 : vector<1x128xi1> to vector<1x128xi1>
      %broadcast_in_dim3A_23 = vector.broadcast %broadcast_in_dim3A_22 : vector<1x128xi1> to vector<4096x128xi1>
      %broadcast_in_dim3A_24 = vector.shape_cast %broadcast_in_dim3A_15 : vector<4096x1xf32> to vector<4096x1xf32>
      %broadcast_in_dim3A_25 = vector.broadcast %broadcast_in_dim3A_24 : vector<4096x1xf32> to vector<4096x128xf32>
      %select_n3A = arith.select %broadcast_in_dim3A_23, %broadcast_in_dim3A_25, %mul3A_18 : vector<4096x128xi1>, vector<4096x128xf32>
      %eq3A_26 = arith.constant 97 : i32
      %eq3A_27 = vector.broadcast %eq3A_26 : i32 to vector<1x128xi32>
      %eq3A_28 = arith.cmpi eq, %iota3A, %eq3A_27 : vector<1x128xi32>
      %jit3A = arith.constant 1.000000e+00 : f32
      %broadcast_in_dim3A_29 = vector.shape_cast %eq3A_28 : vector<1x128xi1> to vector<1x128xi1>
      %broadcast_in_dim3A_30 = vector.broadcast %broadcast_in_dim3A_29 : vector<1x128xi1> to vector<4096x128xi1>
      %broadcast_in_dim3A_31 = vector.broadcast %jit3A : f32 to vector<4096x128xf32>
      %select_n3A_32 = arith.select %broadcast_in_dim3A_30, %broadcast_in_dim3A_31, %select_n3A : vector<4096x128xi1>, vector<4096x128xf32>
      %eq3A_33 = arith.constant 96 : i32
      %eq3A_34 = vector.broadcast %eq3A_33 : i32 to vector<1x128xi32>
      %eq3A_35 = arith.cmpi eq, %iota3A, %eq3A_34 : vector<1x128xi32>
      %jit3A_36 = arith.constant 1.000000e+00 : f32
      %broadcast_in_dim3A_37 = vector.shape_cast %eq3A_35 : vector<1x128xi1> to vector<1x128xi1>
      %broadcast_in_dim3A_38 = vector.broadcast %broadcast_in_dim3A_37 : vector<1x128xi1> to vector<4096x128xi1>
      %broadcast_in_dim3A_39 = vector.broadcast %jit3A_36 : f32 to vector<4096x128xf32>
      %select_n3A_40 = arith.select %broadcast_in_dim3A_38, %broadcast_in_dim3A_39, %div3A_11 : vector<4096x128xi1>, vector<4096x128xf32>
      %eq3A_41 = arith.constant 97 : i32
      %eq3A_42 = vector.broadcast %eq3A_41 : i32 to vector<1x128xi32>
      %eq3A_43 = arith.cmpi eq, %iota3A, %eq3A_42 : vector<1x128xi32>
      %broadcast_in_dim3A_44 = vector.shape_cast %eq3A_43 : vector<1x128xi1> to vector<1x128xi1>
      %broadcast_in_dim3A_45 = vector.broadcast %broadcast_in_dim3A_44 : vector<1x128xi1> to vector<4096x128xi1>
      %broadcast_in_dim3A_46 = vector.shape_cast %broadcast_in_dim3A_15 : vector<4096x1xf32> to vector<4096x1xf32>
      %broadcast_in_dim3A_47 = vector.broadcast %broadcast_in_dim3A_46 : vector<4096x1xf32> to vector<4096x128xf32>
      %select_n3A_48 = arith.select %broadcast_in_dim3A_45, %broadcast_in_dim3A_47, %select_n3A_40 : vector<4096x128xi1>, vector<4096x128xf32>
      %swap3A = arith.constant 0 : index
      %swap3A_49 = arith.constant 0 : index
      %swap3A_50 = vector.load %arg3[%swap3A, %swap3A_49] : memref<4096x128xf32, #tpu.memory_space<vmem>>, vector<4096x128xf32>
      tpu.vector_store %arg3[%swap3A, %swap3A_49], %select_n3A_48 {strides = array<i32>} : memref<4096x128xf32, #tpu.memory_space<vmem>>, vector<4096x128xf32>,
      %swap3A_51 = arith.constant 0 : index
      %swap3A_52 = arith.constant 0 : index
      %swap3A_53 = vector.load %arg4[%swap3A_51, %swap3A_52] : memref<4096x128xf32, #tpu.memory_space<vmem>>, vector<4096x128xf32>
      tpu.vector_store %arg4[%swap3A_51, %swap3A_52], %select_n3A_32 {strides = array<i32>} : memref<4096x128xf32, #tpu.memory_space<vmem>>, vector<4096x128xf32>,
    } else {
    }
    %gt3A = arith.constant 0 : i32
    %gt3A_2 = arith.cmpi sgt, %arg0, %gt3A : i32
    %convert_element_type3A_3 = arith.extui %gt3A_2 : i1 to i32
    %cond3A_4 = arith.constant 0 : i32
    %cond3A_5 = arith.cmpi ne, %convert_element_type3A_3, %cond3A_4 : i32
    scf.if %cond3A_5 {
      %sub3A = arith.constant 1 : i32
      %sub3A_6 = arith.subi %arg0, %sub3A : i32
      %mul3A = arith.constant 256 : i32
      %mul3A_7 = arith.muli %sub3A_6, %mul3A : i32
      %get3A = arith.index_cast %mul3A_7 : i32 to index
      %get3A_8 = arith.constant 0 : index
      %get3A_9 = vector.load %arg3[%get3A, %get3A_8] : memref<4096x128xf32, #tpu.memory_space<vmem>>, vector<256x128xf32>
      %get3A_10 = arith.constant 0 : index
      %get3A_11 = arith.constant 0 : index
      %get3A_12 = vector.load %arg4[%get3A_10, %get3A_11] : memref<4096x128xf32, #tpu.memory_space<vmem>>, vector<4096x128xf32>
      %dot_general3A = arith.constant dense<0.000000e+00> : vector<256x4096xf32>
      %dot_general3A_13 = tpu.matmul %get3A_9, %get3A_12, %dot_general3A {dimension_numbers = #tpu.dot_dimension_numbers<[1], [1], [0], [0], [0, 0, 1, 0], [], []>, transpose_lhs_hint = false} : vector<256x128xf32>, vector<4096x128xf32>, vector<256x4096xf32> -> vector<256x4096xf32>
      %iota3A = tpu.iota {dimensions = array<i32: 1>} : vector<1x4096xi32>
      %convert_element_type3A_14 = arith.sitofp %iota3A : vector<1x4096xi32> to vector<1x4096xf32>
      %iota3A_15 = tpu.iota {dimensions = array<i32: 1>} : vector<1x128xi32>
      %broadcast_in_dim3A = arith.constant 0.000000e+00 : f32
      %broadcast_in_dim3A_16 = vector.broadcast %broadcast_in_dim3A : f32 to vector<256x128xf32>
      %reduce_min3A = arith.constant dense<0x7F800000> : vector<256xf32>
      %reduce_min3A_17 = vector.multi_reduction <minimumf>, %dot_general3A_13, %reduce_min3A [1] : vector<256x4096xf32> to vector<256xf32>
      %broadcast_in_dim3A_18 = vector.shape_cast %reduce_min3A_17 : vector<256xf32> to vector<256x1xf32>
      %eq3A_19 = vector.broadcast %broadcast_in_dim3A_18 : vector<256x1xf32> to vector<256x4096xf32>
      %eq3A_20 = arith.cmpf oeq, %dot_general3A_13, %eq3A_19 : vector<256x4096xf32>
      %jit3A = arith.constant 3.000000e+38 : f32
      %broadcast_in_dim3A_21 = vector.shape_cast %convert_element_type3A_14 : vector<1x4096xf32> to vector<1x4096xf32>
      %broadcast_in_dim3A_22 = vector.broadcast %broadcast_in_dim3A_21 : vector<1x4096xf32> to vector<256x4096xf32>
      %broadcast_in_dim3A_23 = vector.broadcast %jit3A : f32 to vector<256x4096xf32>
      %select_n3A = arith.select %eq3A_20, %broadcast_in_dim3A_22, %broadcast_in_dim3A_23 : vector<256x4096xi1>, vector<256x4096xf32>
      %reduce_min3A_24 = arith.constant dense<0x7F800000> : vector<256xf32>
      %reduce_min3A_25 = vector.multi_reduction <minimumf>, %select_n3A, %reduce_min3A_24 [1] : vector<256x4096xf32> to vector<256xf32>
      %broadcast_in_dim3A_26 = vector.shape_cast %reduce_min3A_25 : vector<256xf32> to vector<256x1xf32>
      %eq3A_27 = arith.constant 0 : i32
      %eq3A_28 = vector.broadcast %eq3A_27 : i32 to vector<1x128xi32>
      %eq3A_29 = arith.cmpi eq, %iota3A_15, %eq3A_28 : vector<1x128xi32>
      %broadcast_in_dim3A_30 = vector.shape_cast %eq3A_29 : vector<1x128xi1> to vector<1x128xi1>
      %broadcast_in_dim3A_31 = vector.broadcast %broadcast_in_dim3A_30 : vector<1x128xi1> to vector<256x128xi1>
      %broadcast_in_dim3A_32 = vector.shape_cast %broadcast_in_dim3A_26 : vector<256x1xf32> to vector<256x1xf32>
      %broadcast_in_dim3A_33 = vector.broadcast %broadcast_in_dim3A_32 : vector<256x1xf32> to vector<256x128xf32>
      %select_n3A_34 = arith.select %broadcast_in_dim3A_31, %broadcast_in_dim3A_33, %broadcast_in_dim3A_16 : vector<256x128xi1>, vector<256x128xf32>
      %eq3A_35 = vector.broadcast %convert_element_type3A_14 : vector<1x4096xf32> to vector<256x4096xf32>
      %eq3A_36 = vector.broadcast %broadcast_in_dim3A_26 : vector<256x1xf32> to vector<256x4096xf32>
      %eq3A_37 = arith.cmpf oeq, %eq3A_35, %eq3A_36 : vector<256x4096xf32>
      %jit3A_38 = arith.constant 3.000000e+38 : f32
      %broadcast_in_dim3A_39 = vector.broadcast %jit3A_38 : f32 to vector<256x4096xf32>
      %select_n3A_40 = arith.select %eq3A_37, %broadcast_in_dim3A_39, %dot_general3A_13 : vector<256x4096xi1>, vector<256x4096xf32>
      %reduce_min3A_41 = arith.constant dense<0x7F800000> : vector<256xf32>
      %reduce_min3A_42 = vector.multi_reduction <minimumf>, %select_n3A_40, %reduce_min3A_41 [1] : vector<256x4096xf32> to vector<256xf32>
      %broadcast_in_dim3A_43 = vector.shape_cast %reduce_min3A_42 : vector<256xf32> to vector<256x1xf32>
      %eq3A_44 = vector.broadcast %broadcast_in_dim3A_43 : vector<256x1xf32> to vector<256x4096xf32>
      %eq3A_45 = arith.cmpf oeq, %select_n3A_40, %eq3A_44 : vector<256x4096xf32>
      %jit3A_46 = arith.constant 3.000000e+38 : f32
      %broadcast_in_dim3A_47 = vector.shape_cast %convert_element_type3A_14 : vector<1x4096xf32> to vector<1x4096xf32>
      %broadcast_in_dim3A_48 = vector.broadcast %broadcast_in_dim3A_47 : vector<1x4096xf32> to vector<256x4096xf32>
      %broadcast_in_dim3A_49 = vector.broadcast %jit3A_46 : f32 to vector<256x4096xf32>
      %select_n3A_50 = arith.select %eq3A_45, %broadcast_in_dim3A_48, %broadcast_in_dim3A_49 : vector<256x4096xi1>, vector<256x4096xf32>
      %reduce_min3A_51 = arith.constant dense<0x7F800000> : vector<256xf32>
      %reduce_min3A_52 = vector.multi_reduction <minimumf>, %select_n3A_50, %reduce_min3A_51 [1] : vector<256x4096xf32> to vector<256xf32>
      %broadcast_in_dim3A_53 = vector.shape_cast %reduce_min3A_52 : vector<256xf32> to vector<256x1xf32>
      %eq3A_54 = arith.constant 1 : i32
      %eq3A_55 = vector.broadcast %eq3A_54 : i32 to vector<1x128xi32>
      %eq3A_56 = arith.cmpi eq, %iota3A_15, %eq3A_55 : vector<1x128xi32>
      %broadcast_in_dim3A_57 = vector.shape_cast %eq3A_56 : vector<1x128xi1> to vector<1x128xi1>
      %broadcast_in_dim3A_58 = vector.broadcast %broadcast_in_dim3A_57 : vector<1x128xi1> to vector<256x128xi1>
      %broadcast_in_dim3A_59 = vector.shape_cast %broadcast_in_dim3A_53 : vector<256x1xf32> to vector<256x1xf32>
      %broadcast_in_dim3A_60 = vector.broadcast %broadcast_in_dim3A_59 : vector<256x1xf32> to vector<256x128xf32>
      %select_n3A_61 = arith.select %broadcast_in_dim3A_58, %broadcast_in_dim3A_60, %select_n3A_34 : vector<256x128xi1>, vector<256x128xf32>
      %eq3A_62 = vector.broadcast %convert_element_type3A_14 : vector<1x4096xf32> to vector<256x4096xf32>
      %eq3A_63 = vector.broadcast %broadcast_in_dim3A_53 : vector<256x1xf32> to vector<256x4096xf32>
      %eq3A_64 = arith.cmpf oeq, %eq3A_62, %eq3A_63 : vector<256x4096xf32>
      %jit3A_65 = arith.constant 3.000000e+38 : f32
      %broadcast_in_dim3A_66 = vector.broadcast %jit3A_65 : f32 to vector<256x4096xf32>
      %select_n3A_67 = arith.select %eq3A_64, %broadcast_in_dim3A_66, %select_n3A_40 : vector<256x4096xi1>, vector<256x4096xf32>
      %reduce_min3A_68 = arith.constant dense<0x7F800000> : vector<256xf32>
      %reduce_min3A_69 = vector.multi_reduction <minimumf>, %select_n3A_67, %reduce_min3A_68 [1] : vector<256x4096xf32> to vector<256xf32>
      %broadcast_in_dim3A_70 = vector.shape_cast %reduce_min3A_69 : vector<256xf32> to vector<256x1xf32>
      %eq3A_71 = vector.broadcast %broadcast_in_dim3A_70 : vector<256x1xf32> to vector<256x4096xf32>
      %eq3A_72 = arith.cmpf oeq, %select_n3A_67, %eq3A_71 : vector<256x4096xf32>
      %jit3A_73 = arith.constant 3.000000e+38 : f32
      %broadcast_in_dim3A_74 = vector.shape_cast %convert_element_type3A_14 : vector<1x4096xf32> to vector<1x4096xf32>
      %broadcast_in_dim3A_75 = vector.broadcast %broadcast_in_dim3A_74 : vector<1x4096xf32> to vector<256x4096xf32>
      %broadcast_in_dim3A_76 = vector.broadcast %jit3A_73 : f32 to vector<256x4096xf32>
      %select_n3A_77 = arith.select %eq3A_72, %broadcast_in_dim3A_75, %broadcast_in_dim3A_76 : vector<256x4096xi1>, vector<256x4096xf32>
      %reduce_min3A_78 = arith.constant dense<0x7F800000> : vector<256xf32>
      %reduce_min3A_79 = vector.multi_reduction <minimumf>, %select_n3A_77, %reduce_min3A_78 [1] : vector<256x4096xf32> to vector<256xf32>
      %broadcast_in_dim3A_80 = vector.shape_cast %reduce_min3A_79 : vector<256xf32> to vector<256x1xf32>
      %eq3A_81 = arith.constant 2 : i32
      %eq3A_82 = vector.broadcast %eq3A_81 : i32 to vector<1x128xi32>
      %eq3A_83 = arith.cmpi eq, %iota3A_15, %eq3A_82 : vector<1x128xi32>
      %broadcast_in_dim3A_84 = vector.shape_cast %eq3A_83 : vector<1x128xi1> to vector<1x128xi1>
      %broadcast_in_dim3A_85 = vector.broadcast %broadcast_in_dim3A_84 : vector<1x128xi1> to vector<256x128xi1>
      %broadcast_in_dim3A_86 = vector.shape_cast %broadcast_in_dim3A_80 : vector<256x1xf32> to vector<256x1xf32>
      %broadcast_in_dim3A_87 = vector.broadcast %broadcast_in_dim3A_86 : vector<256x1xf32> to vector<256x128xf32>
      %select_n3A_88 = arith.select %broadcast_in_dim3A_85, %broadcast_in_dim3A_87, %select_n3A_61 : vector<256x128xi1>, vector<256x128xf32>
      %eq3A_89 = vector.broadcast %convert_element_type3A_14 : vector<1x4096xf32> to vector<256x4096xf32>
      %eq3A_90 = vector.broadcast %broadcast_in_dim3A_80 : vector<256x1xf32> to vector<256x4096xf32>
      %eq3A_91 = arith.cmpf oeq, %eq3A_89, %eq3A_90 : vector<256x4096xf32>
      %jit3A_92 = arith.constant 3.000000e+38 : f32
      %broadcast_in_dim3A_93 = vector.broadcast %jit3A_92 : f32 to vector<256x4096xf32>
      %select_n3A_94 = arith.select %eq3A_91, %broadcast_in_dim3A_93, %select_n3A_67 : vector<256x4096xi1>, vector<256x4096xf32>
      %reduce_min3A_95 = arith.constant dense<0x7F800000> : vector<256xf32>
      %reduce_min3A_96 = vector.multi_reduction <minimumf>, %select_n3A_94, %reduce_min3A_95 [1] : vector<256x4096xf32> to vector<256xf32>
      %broadcast_in_dim3A_97 = vector.shape_cast %reduce_min3A_96 : vector<256xf32> to vector<256x1xf32>
      %eq3A_98 = vector.broadcast %broadcast_in_dim3A_97 : vector<256x1xf32> to vector<256x4096xf32>
      %eq3A_99 = arith.cmpf oeq, %select_n3A_94, %eq3A_98 : vector<256x4096xf32>
      %jit3A_100 = arith.constant 3.000000e+38 : f32
      %broadcast_in_dim3A_101 = vector.shape_cast %convert_element_type3A_14 : vector<1x4096xf32> to vector<1x4096xf32>
      %broadcast_in_dim3A_102 = vector.broadcast %broadcast_in_dim3A_101 : vector<1x4096xf32> to vector<256x4096xf32>
      %broadcast_in_dim3A_103 = vector.broadcast %jit3A_100 : f32 to vector<256x4096xf32>
      %select_n3A_104 = arith.select %eq3A_99, %broadcast_in_dim3A_102, %broadcast_in_dim3A_103 : vector<256x4096xi1>, vector<256x4096xf32>
      %reduce_min3A_105 = arith.constant dense<0x7F800000> : vector<256xf32>
      %reduce_min3A_106 = vector.multi_reduction <minimumf>, %select_n3A_104, %reduce_min3A_105 [1] : vector<256x4096xf32> to vector<256xf32>
      %broadcast_in_dim3A_107 = vector.shape_cast %reduce_min3A_106 : vector<256xf32> to vector<256x1xf32>
      %eq3A_108 = arith.constant 3 : i32
      %eq3A_109 = vector.broadcast %eq3A_108 : i32 to vector<1x128xi32>
      %eq3A_110 = arith.cmpi eq, %iota3A_15, %eq3A_109 : vector<1x128xi32>
      %broadcast_in_dim3A_111 = vector.shape_cast %eq3A_110 : vector<1x128xi1> to vector<1x128xi1>
      %broadcast_in_dim3A_112 = vector.broadcast %broadcast_in_dim3A_111 : vector<1x128xi1> to vector<256x128xi1>
      %broadcast_in_dim3A_113 = vector.shape_cast %broadcast_in_dim3A_107 : vector<256x1xf32> to vector<256x1xf32>
      %broadcast_in_dim3A_114 = vector.broadcast %broadcast_in_dim3A_113 : vector<256x1xf32> to vector<256x128xf32>
      %select_n3A_115 = arith.select %broadcast_in_dim3A_112, %broadcast_in_dim3A_114, %select_n3A_88 : vector<256x128xi1>, vector<256x128xf32>
      %eq3A_116 = vector.broadcast %convert_element_type3A_14 : vector<1x4096xf32> to vector<256x4096xf32>
      %eq3A_117 = vector.broadcast %broadcast_in_dim3A_107 : vector<256x1xf32> to vector<256x4096xf32>
      %eq3A_118 = arith.cmpf oeq, %eq3A_116, %eq3A_117 : vector<256x4096xf32>
      %jit3A_119 = arith.constant 3.000000e+38 : f32
      %broadcast_in_dim3A_120 = vector.broadcast %jit3A_119 : f32 to vector<256x4096xf32>
      %select_n3A_121 = arith.select %eq3A_118, %broadcast_in_dim3A_120, %select_n3A_94 : vector<256x4096xi1>, vector<256x4096xf32>
      %reduce_min3A_122 = arith.constant dense<0x7F800000> : vector<256xf32>
      %reduce_min3A_123 = vector.multi_reduction <minimumf>, %select_n3A_121, %reduce_min3A_122 [1] : vector<256x4096xf32> to vector<256xf32>
      %broadcast_in_dim3A_124 = vector.shape_cast %reduce_min3A_123 : vector<256xf32> to vector<256x1xf32>
      %eq3A_125 = vector.broadcast %broadcast_in_dim3A_124 : vector<256x1xf32> to vector<256x4096xf32>
      %eq3A_126 = arith.cmpf oeq, %select_n3A_121, %eq3A_125 : vector<256x4096xf32>
      %jit3A_127 = arith.constant 3.000000e+38 : f32
      %broadcast_in_dim3A_128 = vector.shape_cast %convert_element_type3A_14 : vector<1x4096xf32> to vector<1x4096xf32>
      %broadcast_in_dim3A_129 = vector.broadcast %broadcast_in_dim3A_128 : vector<1x4096xf32> to vector<256x4096xf32>
      %broadcast_in_dim3A_130 = vector.broadcast %jit3A_127 : f32 to vector<256x4096xf32>
      %select_n3A_131 = arith.select %eq3A_126, %broadcast_in_dim3A_129, %broadcast_in_dim3A_130 : vector<256x4096xi1>, vector<256x4096xf32>
      %reduce_min3A_132 = arith.constant dense<0x7F800000> : vector<256xf32>
      %reduce_min3A_133 = vector.multi_reduction <minimumf>, %select_n3A_131, %reduce_min3A_132 [1] : vector<256x4096xf32> to vector<256xf32>
      %broadcast_in_dim3A_134 = vector.shape_cast %reduce_min3A_133 : vector<256xf32> to vector<256x1xf32>
      %eq3A_135 = arith.constant 4 : i32
      %eq3A_136 = vector.broadcast %eq3A_135 : i32 to vector<1x128xi32>
      %eq3A_137 = arith.cmpi eq, %iota3A_15, %eq3A_136 : vector<1x128xi32>
      %broadcast_in_dim3A_138 = vector.shape_cast %eq3A_137 : vector<1x128xi1> to vector<1x128xi1>
      %broadcast_in_dim3A_139 = vector.broadcast %broadcast_in_dim3A_138 : vector<1x128xi1> to vector<256x128xi1>
      %broadcast_in_dim3A_140 = vector.shape_cast %broadcast_in_dim3A_134 : vector<256x1xf32> to vector<256x1xf32>
      %broadcast_in_dim3A_141 = vector.broadcast %broadcast_in_dim3A_140 : vector<256x1xf32> to vector<256x128xf32>
      %select_n3A_142 = arith.select %broadcast_in_dim3A_139, %broadcast_in_dim3A_141, %select_n3A_115 : vector<256x128xi1>, vector<256x128xf32>
      %eq3A_143 = vector.broadcast %convert_element_type3A_14 : vector<1x4096xf32> to vector<256x4096xf32>
      %eq3A_144 = vector.broadcast %broadcast_in_dim3A_134 : vector<256x1xf32> to vector<256x4096xf32>
      %eq3A_145 = arith.cmpf oeq, %eq3A_143, %eq3A_144 : vector<256x4096xf32>
      %jit3A_146 = arith.constant 3.000000e+38 : f32
      %broadcast_in_dim3A_147 = vector.broadcast %jit3A_146 : f32 to vector<256x4096xf32>
      %select_n3A_148 = arith.select %eq3A_145, %broadcast_in_dim3A_147, %select_n3A_121 : vector<256x4096xi1>, vector<256x4096xf32>
      %reduce_min3A_149 = arith.constant dense<0x7F800000> : vector<256xf32>
      %reduce_min3A_150 = vector.multi_reduction <minimumf>, %select_n3A_148, %reduce_min3A_149 [1] : vector<256x4096xf32> to vector<256xf32>
      %broadcast_in_dim3A_151 = vector.shape_cast %reduce_min3A_150 : vector<256xf32> to vector<256x1xf32>
      %eq3A_152 = vector.broadcast %broadcast_in_dim3A_151 : vector<256x1xf32> to vector<256x4096xf32>
      %eq3A_153 = arith.cmpf oeq, %select_n3A_148, %eq3A_152 : vector<256x4096xf32>
      %jit3A_154 = arith.constant 3.000000e+38 : f32
      %broadcast_in_dim3A_155 = vector.shape_cast %convert_element_type3A_14 : vector<1x4096xf32> to vector<1x4096xf32>
      %broadcast_in_dim3A_156 = vector.broadcast %broadcast_in_dim3A_155 : vector<1x4096xf32> to vector<256x4096xf32>
      %broadcast_in_dim3A_157 = vector.broadcast %jit3A_154 : f32 to vector<256x4096xf32>
      %select_n3A_158 = arith.select %eq3A_153, %broadcast_in_dim3A_156, %broadcast_in_dim3A_157 : vector<256x4096xi1>, vector<256x4096xf32>
      %reduce_min3A_159 = arith.constant dense<0x7F800000> : vector<256xf32>
      %reduce_min3A_160 = vector.multi_reduction <minimumf>, %select_n3A_158, %reduce_min3A_159 [1] : vector<256x4096xf32> to vector<256xf32>
      %broadcast_in_dim3A_161 = vector.shape_cast %reduce_min3A_160 : vector<256xf32> to vector<256x1xf32>
      %eq3A_162 = arith.constant 5 : i32
      %eq3A_163 = vector.broadcast %eq3A_162 : i32 to vector<1x128xi32>
      %eq3A_164 = arith.cmpi eq, %iota3A_15, %eq3A_163 : vector<1x128xi32>
      %broadcast_in_dim3A_165 = vector.shape_cast %eq3A_164 : vector<1x128xi1> to vector<1x128xi1>
      %broadcast_in_dim3A_166 = vector.broadcast %broadcast_in_dim3A_165 : vector<1x128xi1> to vector<256x128xi1>
      %broadcast_in_dim3A_167 = vector.shape_cast %broadcast_in_dim3A_161 : vector<256x1xf32> to vector<256x1xf32>
      %broadcast_in_dim3A_168 = vector.broadcast %broadcast_in_dim3A_167 : vector<256x1xf32> to vector<256x128xf32>
      %select_n3A_169 = arith.select %broadcast_in_dim3A_166, %broadcast_in_dim3A_168, %select_n3A_142 : vector<256x128xi1>, vector<256x128xf32>
      %eq3A_170 = vector.broadcast %convert_element_type3A_14 : vector<1x4096xf32> to vector<256x4096xf32>
      %eq3A_171 = vector.broadcast %broadcast_in_dim3A_161 : vector<256x1xf32> to vector<256x4096xf32>
      %eq3A_172 = arith.cmpf oeq, %eq3A_170, %eq3A_171 : vector<256x4096xf32>
      %jit3A_173 = arith.constant 3.000000e+38 : f32
      %broadcast_in_dim3A_174 = vector.broadcast %jit3A_173 : f32 to vector<256x4096xf32>
      %select_n3A_175 = arith.select %eq3A_172, %broadcast_in_dim3A_174, %select_n3A_148 : vector<256x4096xi1>, vector<256x4096xf32>
      %reduce_min3A_176 = arith.constant dense<0x7F800000> : vector<256xf32>
      %reduce_min3A_177 = vector.multi_reduction <minimumf>, %select_n3A_175, %reduce_min3A_176 [1] : vector<256x4096xf32> to vector<256xf32>
      %broadcast_in_dim3A_178 = vector.shape_cast %reduce_min3A_177 : vector<256xf32> to vector<256x1xf32>
      %eq3A_179 = vector.broadcast %broadcast_in_dim3A_178 : vector<256x1xf32> to vector<256x4096xf32>
      %eq3A_180 = arith.cmpf oeq, %select_n3A_175, %eq3A_179 : vector<256x4096xf32>
      %jit3A_181 = arith.constant 3.000000e+38 : f32
      %broadcast_in_dim3A_182 = vector.shape_cast %convert_element_type3A_14 : vector<1x4096xf32> to vector<1x4096xf32>
      %broadcast_in_dim3A_183 = vector.broadcast %broadcast_in_dim3A_182 : vector<1x4096xf32> to vector<256x4096xf32>
      %broadcast_in_dim3A_184 = vector.broadcast %jit3A_181 : f32 to vector<256x4096xf32>
      %select_n3A_185 = arith.select %eq3A_180, %broadcast_in_dim3A_183, %broadcast_in_dim3A_184 : vector<256x4096xi1>, vector<256x4096xf32>
      %reduce_min3A_186 = arith.constant dense<0x7F800000> : vector<256xf32>
      %reduce_min3A_187 = vector.multi_reduction <minimumf>, %select_n3A_185, %reduce_min3A_186 [1] : vector<256x4096xf32> to vector<256xf32>
      %broadcast_in_dim3A_188 = vector.shape_cast %reduce_min3A_187 : vector<256xf32> to vector<256x1xf32>
      %eq3A_189 = arith.constant 6 : i32
      %eq3A_190 = vector.broadcast %eq3A_189 : i32 to vector<1x128xi32>
      %eq3A_191 = arith.cmpi eq, %iota3A_15, %eq3A_190 : vector<1x128xi32>
      %broadcast_in_dim3A_192 = vector.shape_cast %eq3A_191 : vector<1x128xi1> to vector<1x128xi1>
      %broadcast_in_dim3A_193 = vector.broadcast %broadcast_in_dim3A_192 : vector<1x128xi1> to vector<256x128xi1>
      %broadcast_in_dim3A_194 = vector.shape_cast %broadcast_in_dim3A_188 : vector<256x1xf32> to vector<256x1xf32>
      %broadcast_in_dim3A_195 = vector.broadcast %broadcast_in_dim3A_194 : vector<256x1xf32> to vector<256x128xf32>
      %select_n3A_196 = arith.select %broadcast_in_dim3A_193, %broadcast_in_dim3A_195, %select_n3A_169 : vector<256x128xi1>, vector<256x128xf32>
      %eq3A_197 = vector.broadcast %convert_element_type3A_14 : vector<1x4096xf32> to vector<256x4096xf32>
      %eq3A_198 = vector.broadcast %broadcast_in_dim3A_188 : vector<256x1xf32> to vector<256x4096xf32>
      %eq3A_199 = arith.cmpf oeq, %eq3A_197, %eq3A_198 : vector<256x4096xf32>
      %jit3A_200 = arith.constant 3.000000e+38 : f32
      %broadcast_in_dim3A_201 = vector.broadcast %jit3A_200 : f32 to vector<256x4096xf32>
      %select_n3A_202 = arith.select %eq3A_199, %broadcast_in_dim3A_201, %select_n3A_175 : vector<256x4096xi1>, vector<256x4096xf32>
      %reduce_min3A_203 = arith.constant dense<0x7F800000> : vector<256xf32>
      %reduce_min3A_204 = vector.multi_reduction <minimumf>, %select_n3A_202, %reduce_min3A_203 [1] : vector<256x4096xf32> to vector<256xf32>
      %broadcast_in_dim3A_205 = vector.shape_cast %reduce_min3A_204 : vector<256xf32> to vector<256x1xf32>
      %eq3A_206 = vector.broadcast %broadcast_in_dim3A_205 : vector<256x1xf32> to vector<256x4096xf32>
      %eq3A_207 = arith.cmpf oeq, %select_n3A_202, %eq3A_206 : vector<256x4096xf32>
      %jit3A_208 = arith.constant 3.000000e+38 : f32
      %broadcast_in_dim3A_209 = vector.shape_cast %convert_element_type3A_14 : vector<1x4096xf32> to vector<1x4096xf32>
      %broadcast_in_dim3A_210 = vector.broadcast %broadcast_in_dim3A_209 : vector<1x4096xf32> to vector<256x4096xf32>
      %broadcast_in_dim3A_211 = vector.broadcast %jit3A_208 : f32 to vector<256x4096xf32>
      %select_n3A_212 = arith.select %eq3A_207, %broadcast_in_dim3A_210, %broadcast_in_dim3A_211 : vector<256x4096xi1>, vector<256x4096xf32>
      %reduce_min3A_213 = arith.constant dense<0x7F800000> : vector<256xf32>
      %reduce_min3A_214 = vector.multi_reduction <minimumf>, %select_n3A_212, %reduce_min3A_213 [1] : vector<256x4096xf32> to vector<256xf32>
      %broadcast_in_dim3A_215 = vector.shape_cast %reduce_min3A_214 : vector<256xf32> to vector<256x1xf32>
      %eq3A_216 = arith.constant 7 : i32
      %eq3A_217 = vector.broadcast %eq3A_216 : i32 to vector<1x128xi32>
      %eq3A_218 = arith.cmpi eq, %iota3A_15, %eq3A_217 : vector<1x128xi32>
      %broadcast_in_dim3A_219 = vector.shape_cast %eq3A_218 : vector<1x128xi1> to vector<1x128xi1>
      %broadcast_in_dim3A_220 = vector.broadcast %broadcast_in_dim3A_219 : vector<1x128xi1> to vector<256x128xi1>
      %broadcast_in_dim3A_221 = vector.shape_cast %broadcast_in_dim3A_215 : vector<256x1xf32> to vector<256x1xf32>
      %broadcast_in_dim3A_222 = vector.broadcast %broadcast_in_dim3A_221 : vector<256x1xf32> to vector<256x128xf32>
      %select_n3A_223 = arith.select %broadcast_in_dim3A_220, %broadcast_in_dim3A_222, %select_n3A_196 : vector<256x128xi1>, vector<256x128xf32>
      %eq3A_224 = vector.broadcast %convert_element_type3A_14 : vector<1x4096xf32> to vector<256x4096xf32>
      %eq3A_225 = vector.broadcast %broadcast_in_dim3A_215 : vector<256x1xf32> to vector<256x4096xf32>
      %eq3A_226 = arith.cmpf oeq, %eq3A_224, %eq3A_225 : vector<256x4096xf32>
      %jit3A_227 = arith.constant 3.000000e+38 : f32
      %broadcast_in_dim3A_228 = vector.broadcast %jit3A_227 : f32 to vector<256x4096xf32>
      %select_n3A_229 = arith.select %eq3A_226, %broadcast_in_dim3A_228, %select_n3A_202 : vector<256x4096xi1>, vector<256x4096xf32>
      %reduce_min3A_230 = arith.constant dense<0x7F800000> : vector<256xf32>
      %reduce_min3A_231 = vector.multi_reduction <minimumf>, %select_n3A_229, %reduce_min3A_230 [1] : vector<256x4096xf32> to vector<256xf32>
      %broadcast_in_dim3A_232 = vector.shape_cast %reduce_min3A_231 : vector<256xf32> to vector<256x1xf32>
      %eq3A_233 = vector.broadcast %broadcast_in_dim3A_232 : vector<256x1xf32> to vector<256x4096xf32>
      %eq3A_234 = arith.cmpf oeq, %select_n3A_229, %eq3A_233 : vector<256x4096xf32>
      %jit3A_235 = arith.constant 3.000000e+38 : f32
      %broadcast_in_dim3A_236 = vector.shape_cast %convert_element_type3A_14 : vector<1x4096xf32> to vector<1x4096xf32>
      %broadcast_in_dim3A_237 = vector.broadcast %broadcast_in_dim3A_236 : vector<1x4096xf32> to vector<256x4096xf32>
      %broadcast_in_dim3A_238 = vector.broadcast %jit3A_235 : f32 to vector<256x4096xf32>
      %select_n3A_239 = arith.select %eq3A_234, %broadcast_in_dim3A_237, %broadcast_in_dim3A_238 : vector<256x4096xi1>, vector<256x4096xf32>
      %reduce_min3A_240 = arith.constant dense<0x7F800000> : vector<256xf32>
      %reduce_min3A_241 = vector.multi_reduction <minimumf>, %select_n3A_239, %reduce_min3A_240 [1] : vector<256x4096xf32> to vector<256xf32>
      %broadcast_in_dim3A_242 = vector.shape_cast %reduce_min3A_241 : vector<256xf32> to vector<256x1xf32>
      %eq3A_243 = arith.constant 8 : i32
      %eq3A_244 = vector.broadcast %eq3A_243 : i32 to vector<1x128xi32>
      %eq3A_245 = arith.cmpi eq, %iota3A_15, %eq3A_244 : vector<1x128xi32>
      %broadcast_in_dim3A_246 = vector.shape_cast %eq3A_245 : vector<1x128xi1> to vector<1x128xi1>
      %broadcast_in_dim3A_247 = vector.broadcast %broadcast_in_dim3A_246 : vector<1x128xi1> to vector<256x128xi1>
      %broadcast_in_dim3A_248 = vector.shape_cast %broadcast_in_dim3A_242 : vector<256x1xf32> to vector<256x1xf32>
      %broadcast_in_dim3A_249 = vector.broadcast %broadcast_in_dim3A_248 : vector<256x1xf32> to vector<256x128xf32>
      %select_n3A_250 = arith.select %broadcast_in_dim3A_247, %broadcast_in_dim3A_249, %select_n3A_223 : vector<256x128xi1>, vector<256x128xf32>
      %transpose3A = tpu.transpose %select_n3A_250, [1, 0] : vector<256x128xf32> -> vector<128x256xf32>
      %slice3A = vector.extract_strided_slice %transpose3A {offsets = [0, 0], sizes = [16, 256], strides = [1, 1]} : vector<128x256xf32> to vector<16x256xf32>
      %convert_element_type3A_251 = arith.fptosi %slice3A : vector<16x256xf32> to vector<16x256xi32>
      %add3A = arith.constant 4096 : i32
      %add3A_252 = vector.broadcast %add3A : i32 to vector<16x256xi32>
      %add3A_253 = arith.addi %convert_element_type3A_251, %add3A_252 : vector<16x256xi32>
      %swap3A = arith.constant 0 : index
      %swap3A_254 = arith.constant 0 : index
      %swap3A_255 = vector.load %arg2[%swap3A, %swap3A_254] : memref<16x256xi32, #tpu.memory_space<vmem>>, vector<16x256xi32>
      tpu.vector_store %arg2[%swap3A, %swap3A_254], %add3A_253 {strides = array<i32>} : memref<16x256xi32, #tpu.memory_space<vmem>>, vector<16x256xi32>,
    } else {
    }
    return
  }
  func.func @transform_0(%arg0: i32) -> (i32, i32) {
    %c0_i32 = arith.constant 0 : i32
    %c0_i32_0 = arith.constant 0 : i32
    %c0_i32_1 = arith.constant 0 : i32
    return %c0_i32, %c0_i32_0 : i32, i32
  }
  func.func @transform_1(%arg0: i32) -> (i32, i32) {
    %sub3A = arith.constant 1 : i32
    %sub3A_0 = arith.subi %arg0, %sub3A : i32
    %max3A = arith.constant 0 : i32
    %max3A_1 = arith.maxsi %sub3A_0, %max3A : i32
    %c0_i32 = arith.constant 0 : i32
    %c0_i32_2 = arith.constant 0 : i32
    return %c0_i32, %max3A_1 : i32, i32
  }
}

module attributes {stable_mosaic.version = 14 : i64} {
  func.func @_conv_body(%arg0: i32, %arg1: memref<512x128xf32, #tpu.memory_space<vmem>>, %arg2: memref<512x128xf32, #tpu.memory_space<vmem>>, %arg3: memref<96x96xf32, #tpu.memory_space<vmem>>, %arg4: memref<96x96xf32, #tpu.memory_space<vmem>>, %arg5: memref<96x1xf32, #tpu.memory_space<vmem>>, %arg6: memref<96x512xf32, #tpu.memory_space<vmem>>) attributes {dimension_semantics = [#tpu.dimension_semantics<arbitrary>], iteration_bounds = array<i64: 8>, scalar_prefetch = 0 : i64, scratch_operands = 0 : i64, tpu.core_type = #tpu.core_type<tc>, window_params = [{transform_indices = @transform_0, window_bounds = array<i64: 512, 128>}, {transform_indices = @transform_1, window_bounds = array<i64: 512, 128>}, {pipeline_mode = #tpu.pipeline_mode<synchronous>, transform_indices = @transform_2, window_bounds = array<i64: 96, 96>}, {pipeline_mode = #tpu.pipeline_mode<synchronous>, transform_indices = @transform_3, window_bounds = array<i64: 96, 96>}, {pipeline_mode = #tpu.pipeline_mode<synchronous>, transform_indices = @transform_4, window_bounds = array<i64: 96, 1>}, {transform_indices = @transform_5, window_bounds = array<i64: 96, 512>}]} {
    %get3A = arith.constant 0 : index
    %get3A_0 = arith.constant 0 : index
    %get3A_1 = vector.load %arg3[%get3A, %get3A_0] : memref<96x96xf32, #tpu.memory_space<vmem>>, vector<96x96xf32>
    %get3A_2 = arith.constant 0 : index
    %get3A_3 = arith.constant 0 : index
    %get3A_4 = vector.load %arg1[%get3A_2, %get3A_3] : memref<512x128xf32, #tpu.memory_space<vmem>>, vector<512x128xf32>
    %slice3A = vector.extract_strided_slice %get3A_4 {offsets = [0, 0], sizes = [512, 96], strides = [1, 1]} : vector<512x128xf32> to vector<512x96xf32>
    %dot_general3A = arith.constant dense<0.000000e+00> : vector<96x512xf32>
    %dot_general3A_5 = tpu.matmul %get3A_1, %slice3A, %dot_general3A {dimension_numbers = #tpu.dot_dimension_numbers<[1], [1], [0], [0], [0, 0, 1, 0], [], []>, transpose_lhs_hint = false} : vector<96x96xf32>, vector<512x96xf32>, vector<96x512xf32> -> vector<96x512xf32>
    %get3A_6 = arith.constant 0 : index
    %get3A_7 = arith.constant 0 : index
    %get3A_8 = vector.load %arg4[%get3A_6, %get3A_7] : memref<96x96xf32, #tpu.memory_space<vmem>>, vector<96x96xf32>
    %get3A_9 = arith.constant 0 : index
    %get3A_10 = arith.constant 0 : index
    %get3A_11 = vector.load %arg2[%get3A_9, %get3A_10] : memref<512x128xf32, #tpu.memory_space<vmem>>, vector<512x128xf32>
    %slice3A_12 = vector.extract_strided_slice %get3A_11 {offsets = [0, 0], sizes = [512, 96], strides = [1, 1]} : vector<512x128xf32> to vector<512x96xf32>
    %dot_general3A_13 = arith.constant dense<0.000000e+00> : vector<96x512xf32>
    %dot_general3A_14 = tpu.matmul %get3A_8, %slice3A_12, %dot_general3A_13 {dimension_numbers = #tpu.dot_dimension_numbers<[1], [1], [0], [0], [0, 0, 1, 0], [], []>, transpose_lhs_hint = false} : vector<96x96xf32>, vector<512x96xf32>, vector<96x512xf32> -> vector<96x512xf32>
    %add3A = arith.addf %dot_general3A_5, %dot_general3A_14 : vector<96x512xf32>
    %get3A_15 = arith.constant 0 : index
    %get3A_16 = arith.constant 0 : index
    %get3A_17 = vector.load %arg5[%get3A_15, %get3A_16] : memref<96x1xf32, #tpu.memory_space<vmem>>, vector<96x1xf32>
    %add3A_18 = vector.broadcast %get3A_17 : vector<96x1xf32> to vector<96x512xf32>
    %add3A_19 = arith.addf %add3A, %add3A_18 : vector<96x512xf32>
    %max3A = arith.constant 0.000000e+00 : f32
    %max3A_20 = vector.broadcast %max3A : f32 to vector<96x512xf32>
    %max3A_21 = arith.maximumf %add3A_19, %max3A_20 : vector<96x512xf32>
    %swap3A = arith.constant 0 : index
    %swap3A_22 = arith.constant 0 : index
    %swap3A_23 = vector.load %arg6[%swap3A, %swap3A_22] : memref<96x512xf32, #tpu.memory_space<vmem>>, vector<96x512xf32>
    tpu.vector_store %arg6[%swap3A, %swap3A_22], %max3A_21 {strides = array<i32>} : memref<96x512xf32, #tpu.memory_space<vmem>>, vector<96x512xf32>,
    return
  }
  func.func @transform_0(%arg0: i32) -> (i32, i32) {
    %c0_i32 = arith.constant 0 : i32
    %c0_i32_0 = arith.constant 0 : i32
    return %arg0, %c0_i32 : i32, i32
  }
  func.func @transform_1(%arg0: i32) -> (i32, i32) {
    %c0_i32 = arith.constant 0 : i32
    %c0_i32_0 = arith.constant 0 : i32
    return %arg0, %c0_i32 : i32, i32
  }
  func.func @transform_2(%arg0: i32) -> (i32, i32) {
    %c0_i32 = arith.constant 0 : i32
    %c0_i32_0 = arith.constant 0 : i32
    %c0_i32_1 = arith.constant 0 : i32
    return %c0_i32, %c0_i32_0 : i32, i32
  }
  func.func @transform_3(%arg0: i32) -> (i32, i32) {
    %c0_i32 = arith.constant 0 : i32
    %c0_i32_0 = arith.constant 0 : i32
    %c0_i32_1 = arith.constant 0 : i32
    return %c0_i32, %c0_i32_0 : i32, i32
  }
  func.func @transform_4(%arg0: i32) -> (i32, i32) {
    %c0_i32 = arith.constant 0 : i32
    %c0_i32_0 = arith.constant 0 : i32
    %c0_i32_1 = arith.constant 0 : i32
    return %c0_i32, %c0_i32_0 : i32, i32
  }
  func.func @transform_5(%arg0: i32) -> (i32, i32) {
    %c0_i32 = arith.constant 0 : i32
    %c0_i32_0 = arith.constant 0 : i32
    return %c0_i32, %arg0 : i32, i32
  }
}

</mosaic_0001>

<sc_bundles>
// kernel: kernel.11.cloned.1.call-start
scs
__scs_entry_jumppad:
0x0: {  	(pc) =	sbr.rel $0x88, $3  }
0x1: {  	(tag) =	ssettag $0x0;
	lr =	simm.s32 $0x1  }
0x2: {  	[smem:$0x3F9E] =	sst lr;
	_ =	strace $0xD0000000  }
0x3: {  	_ = 	snop  }
0x4: {  	_ = 	snop  }
0x5: {  	_ = 	snop  }
0x6: {  	_ = 	snop  }
0x7: {  	_ = 	snop  }
__scs_overlays_trampoline_lowered:
0x8: {  	[smem:$0x3FAD] =	sst s0  }
0x9: {  	[smem:$0x3FAE] =	sst s1  }
0xa: {  	[smem:$0x3FAF] =	sst s2  }
0xb: {  	[smem:$0x3FB0] =	sst s3  }
0xc: {  	[smem:$0x3FB1] =	sst s4  }
0xd: {  	[smem:$0x3FB2] =	sst s5  }
0xe: {  	[smem:$0x3FB3] =	sst s6  }
0xf: {  	[smem:$0x3FB4] =	sst s7  }
0x10: {  	[smem:$0x3FB5] =	sst s8  }
0x11: {  	[smem:$0x3FB6] =	sst s9;
	s0 =	simm.s32 @!p0 $0x0  }
0x12: {  	s1 =	sld [smem:$0x3F9C];
	s0 =	simm.s32 @p0 $0x1  }
0x13: {  	[smem:$0x3FB7] =	sst s0;
	s0 =	simm.s32 @!p1 $0x0  }
0x14: {  	s2 =	sld [smem:$0x3F9B];
	s0 =	simm.s32 @p1 $0x1  }
0x15: {  	[smem:$0x3FB8] =	sst s0;
	s0 =	simm.s32 @!p2 $0x0  }
0x16: {  	s3 =	sld [smem:$0x3FDB];
	s0 =	simm.s32 @p2 $0x1  }
0x17: {  	s4 =	simm.s32 $0x1BF5;
	[smem:$0x3FBA] =	sst s0  }
0x18: {  	s0 =	sld [smem:$0x3F9D];
	_ =	swait.ge [sflag:s4], $0x0  }
0x19: {  	s7 =	sld [smem:$0x3F9E]  }
0x1a: {  	s8 =	sadd.s32 $0xFFFFE003, lr  }
0x1b: {  	s9 =	sadd.s32 $0xFFFFFEF7, lr;
	s5 =	simm.s32 $0xFFFFFFFF;
	p2 =	slt.u32 s8, $0xFFFFF086  }
0x1c: {  	p1 =	slt.u32 s9, $0xF7A;
	s5 =	simm.s32 @!p2 $0x0  }
0x1d: {  	s5 =	simm.s32 @p1 $0x1;
	p0 =	seq.s32 s7, s2  }
0x1e: {  	s7 =	smul.u32 @!p0 $0xF7A, s2;
	p2 =	seq.s32 @!p0 s5, $0x0  }
0x1f: {  	s9 =	smul.u32 $0xF7A, s1;
	s8 =	simm.s32 @!p0 $0x1BF5;
	p2 =	por !p2, p0  }
0x20: {  	[sflag:s8] =	ssyncset.s32 @!p0 $0xFFFFF086;
	s6 =	sadd.s32 @!p0 s3, s7;
	s7 =	simm.s32 @!p0 $0x108  }
0x21: {  	s3 =	sadd.s32 s3, s9;
	s6 =	sadd.s32 @!p0 $0x88, s6;
	s7 =	simm.s32 @p2 $0x1082  }
0x22: {  	[simem:s7], [sflag:s8] =	dma.local @!p0 [hbm:s6], $0xF7A  }
0x23: {  	s9 =	sor.u32 $0xD0000000, s2;
	s6 =	simm.s32 $0x108;
	_ =	swait.ge @!p0 [sflag:s8], $0x0  }
0x24: {  	s3 =	sadd.s32 $0x88, s3;
	s6 =	simm.s32 @!p1 $0x1082;
	[sflag:s4] =	ssyncset.s32 $0xFFFFF086  }
0x25: {  	[simem:s6], [sflag:s4] =	dma.local [hbm:s3], $0xF7A  }
0x26: {  	[smem:$0x3F9E] =	sst s1;
	(tag) =	ssettag s2;
	_ =	strace s9  }
0x27: {  	s1 =	sld [smem:$0x3FAE]  }
0x28: {  	s2 =	sld [smem:$0x3FAF]  }
0x29: {  	s4 =	sld [smem:$0x3FB1]  }
0x2a: {  	p0 =	seq.s32 s5, $0x0;
	s5 =	sld [smem:$0x3FB2]  }
0x2b: {  	s6 =	sld [smem:$0x3FB3]  }
0x2c: {  	s7 =	sld [smem:$0x3FB4]  }
0x2d: {  	s3 =	simm.s32 $0x108;
	s8 =	sld [smem:$0x3FB5]  }
0x2e: {  	s3 =	simm.s32 @!p0 $0x1082;
	s9 =	sld [smem:$0x3FB6]  }
0x2f: {  	lr =	sadd.s32 s0, s3;
	s0 =	sld [smem:$0x3FAD]  }
0x30: {  	s3 =	sld [smem:$0x3FB0]  }
0x31: {  	[smem:$0x3FB9] =	sst s10  }
0x32: {  	s10 =	sld [smem:$0x3FB7];
	_ =	sdelay $0x3  }
0x33: {  	p0 =	seq.s32 s10, $0x1;
	s10 =	sld [smem:$0x3FB9];
	_ =	sdelay $0x3  }
0x34: {  	[smem:$0x3FB9] =	sst s10  }
0x35: {  	s10 =	sld [smem:$0x3FB8];
	_ =	sdelay $0x3  }
0x36: {  	p1 =	seq.s32 s10, $0x1;
	s10 =	sld [smem:$0x3FB9];
	_ =	sdelay $0x3  }
0x37: {  	[smem:$0x3FB9] =	sst s10  }
0x38: {  	s10 =	sld [smem:$0x3FBA]  }
0x39: {  	_ = 	snop;
	(pc) =	sbr.ind lr, $3  }
0x3a: {  	_ = 	snop  }
0x3b: {  	_ = 	snop  }
0x3c: {  	p2 =	seq.s32 s10, $0x1;
	s10 =	sld [smem:$0x3FB9]  }
0x3d: {  	_ =	shalt  }
0x3e: {  	_ =	shalt  }
0x3f: {  	_ =	shalt  }
0x40: {  	_ =	shalt  }
0x41: {  	_ =	shalt  }
0x42: {  	_ =	shalt  }
0x43: {  	_ =	shalt  }
0x44: {  	_ =	shalt  }
0x45: {  	_ =	shalt  }
0x46: {  	_ =	shalt  }
0x47: {  	_ =	shalt  }
0x48: {  	_ =	shalt  }
0x49: {  	_ =	shalt  }
0x4a: {  	_ =	shalt  }
0x4b: {  	_ =	shalt  }
0x4c: {  	_ =	shalt  }
0x4d: {  	_ =	shalt  }
0x4e: {  	_ =	shalt  }
0x4f: {  	_ =	shalt  }
0x50: {  	_ =	shalt  }
0x51: {  	_ =	shalt  }
0x52: {  	_ =	shalt  }
0x53: {  	_ =	shalt  }
0x54: {  	_ =	shalt  }
0x55: {  	_ =	shalt  }
0x56: {  	_ =	shalt  }
0x57: {  	_ =	shalt  }
0x58: {  	_ =	shalt  }
0x59: {  	_ =	shalt  }
0x5a: {  	_ =	shalt  }
0x5b: {  	_ =	shalt  }
0x5c: {  	_ =	shalt  }
0x5d: {  	_ =	shalt  }
0x5e: {  	_ =	shalt  }
0x5f: {  	_ =	shalt  }
0x60: {  	_ =	shalt  }
0x61: {  	_ =	shalt  }
0x62: {  	_ =	shalt  }
0x63: {  	_ =	shalt  }
0x64: {  	_ =	shalt  }
0x65: {  	_ =	shalt  }
0x66: {  	_ =	shalt  }
0x67: {  	_ =	shalt  }
0x68: {  	_ =	shalt  }
0x69: {  	_ =	shalt  }
0x6a: {  	_ =	shalt  }
0x6b: {  	_ =	shalt  }
0x6c: {  	_ =	shalt  }
0x6d: {  	_ =	shalt  }
0x6e: {  	_ =	shalt  }
0x6f: {  	_ =	shalt  }
0x70: {  	_ =	shalt  }
0x71: {  	_ =	shalt  }
0x72: {  	_ =	shalt  }
0x73: {  	_ =	shalt  }
0x74: {  	_ =	shalt  }
0x75: {  	_ =	shalt  }
0x76: {  	_ =	shalt  }
0x77: {  	_ =	shalt  }
0x78: {  	_ =	shalt  }
0x79: {  	_ =	shalt  }
0x7a: {  	_ =	shalt  }
0x7b: {  	_ =	shalt  }
0x7c: {  	_ =	shalt  }
0x7d: {  	_ =	shalt  }
0x7e: {  	_ =	shalt  }
0x7f: {  	_ =	shalt  }
0x80: {  	_ =	shalt  }
0x81: {  	_ =	shalt  }
0x82: {  	_ =	shalt  }
0x83: {  	_ =	shalt  }
0x84: {  	_ =	shalt  }
0x85: {  	_ =	shalt  }
0x86: {  	_ =	shalt  }
0x87: {  	_ =	shalt  }
.Lfunc_end0:
.L_simem_size_0:
called_computation.1_lowered:
.L_overlay_start_0:
0x88: {  	s2 =	sld [smem:$0x3FD9]  }
0x89: {  	s3 =	sld [smem:$0x3FFE];
	_ =	sdelay $0x1  }
0x8a: {  	s1 =	srdreg.scid  }
0x8b: {  	s0 =	sand.u32 $0x1, s1  }
0x8c: {  	s17 =	sshll.u32 s0, $0xA;
	s2 =	sadd.s32 s3, s2  }
0x8d: {  	s2 =	sadd.s32 s2, s17  }
0x8e: {  	[smem:$0x3FC5] =	sst s2  }
0x8f: {  	_ = 	snop  }
0x90: {  	s18 =	sld [smem:$0x3FD0];
	(tm) =	ssettm $0x1  }
0x91: {  	s19 =	sld [smem:$0x3FFB];
	_ =	sdelay $0x3  }
0x92: {  	_ =	strace s19  }
0x93: {  	s2 =	sld [smem:$0x3FFC];
	_ =	sdelay $0x3  }
0x94: {  	_ =	strace s2  }
0x95: {  	s2 =	sld [smem:$0x3FFD];
	_ =	sdelay $0x3  }
0x96: {  	_ =	strace s2  }
0x97: {  	_ =	strace $0x8FFFFFFF  }
0x98: {  	s20 =	sld [smem:$0x3FDB];
	_ =	sdelay $0x1  }
0x99: {  	s4 =	simm.s32 $_scs_section_size  }
0x9a: {  	s5 =	simm.s32 $_size__tile_overlayer_lowered;
	s6 =	simm.s32 $_tile_overlayer_lowered  }
0x9b: {  	s7 =	simm.s32 $0x1BFF;
	s21 =	sshll.u32 s6, $0x1;
	s4 =	sadd.s32 s4, s20  }
0x9c: {  	s22 =	simm.s32 $0x0;
	s5 =	sshll.u32 s5, $0x1;
	s6 =	sadd.s32 s21, s4  }
0x9d: {  	[timem:s22], [sflag:s7] =	dma.local [hbm:s6], s5  }
0x9e: {  	_ =	swait.ge [sflag:s7], s5  }
0x9f: {  	s5 =	ssub.s32 $0x0, s5;
	[sflag:s7] =	ssyncset.done $0x0  }
0xa0: {  	[sflag:s7] =	ssyncadd.s32 s5;
	_ =	sdelay $0x1  }
0xa1: {  	s23 =	simm.s32 $0x1B8B  }
0xa2: {  	_ =	swait.ge [sflag:s23], $0x1  }
0xa3: {  	[sflag:s23] =	ssyncset.done $0x0  }
0xa4: {  	[sflag:s23] =	ssyncadd.s32 $0xFFFFFFFF  }
0xa5: {  	s5 =	sld [smem:$0x0]  }
0xa6: {  	s6 =	sand.u32 $0xFFFFFFFE, s1  }
0xa7: {  	p0 =	sne.s32 s1, s6  }
0xa8: {  	s6 =	sshll.u32 @p0 s6, $0xE  }
0xa9: {  	s6 =	sadd.s32 @p0 $0x11B8D, s6;
	s7 =	sshll.u32 @p0 s5, $0x11  }
0xaa: {  	s6 =	sor.u32 @p0 s7, s6  }
0xab: {  	[sflag:s6] =	ssyncadd.remote.s32 @p0 $0x1;
	_ =	sdelay $0x1  }
0xac: {  	s6 =	simm.s32 @p0 $0x1B8D  }
0xad: {  	_ =	swait.eq @p0 [sflag:s6], $0x1  }
0xae: {  	[sflag:s6] =	ssyncadd.s32 @p0 $0xFFFFFFFF  }
0xaf: {  	s7 =	sshll.u32 @!p0 s1, $0xE  }
0xb0: {  	s7 =	sor.u32 @!p0 $0x4000, s7;
	s6 =	simm.s32 @!p0 $0x1B8D  }
0xb1: {  	s5 =	sshll.u32 @!p0 s5, $0x11;
	s7 =	sadd.s32 @!p0 $0x11B8D, s7;
	_ =	swait.eq @!p0 [sflag:s6], $0x1  }
0xb2: {  	s5 =	sor.u32 @!p0 s5, s7;
	[sflag:s6] =	ssyncadd.s32 @!p0 $0xFFFFFFFF  }
0xb3: {  	s25 =	simm.s32 $0x1B8E;
	s24 =	sld [smem:$0x3FFE];
	[sflag:s5] =	ssyncadd.remote.s32 @!p0 $0x1  }
0xb4: {  	s26 =	simm.s32 $execute0_lowered;
	[smem:$0x3FD2] =	sst s25  }
0xb5: {  	s6 =	sshll.u32 s26, $0x1;
	_ =	strace $0x80000049;
	[dreg:$0x1] =	wrdreg $0xFFFFFFFF  }
0xb6: {  	s28 =	simm.s32 $_size_execute0_lowered;
	s4 =	sadd.s32 s4, s6;
	[dreg:$0x0] =	wrdreg $0x0  }
0xb7: {  	s6 =	sshll.u32 s28, $0x1;
	[dreg:$0x2] =	wrdreg s4  }
0xb8: {  	[dreg:$0x3] =	wrdreg s6  }
0xb9: {  	[dreg:$0x4] =	wrdreg $0xC0  }
0xba: {  	_ =	task [dreg:s22], $0x5FFFF  }
0xbb: {  	[dreg:$0x1] =	wrdreg $0xFFFFFFFF  }
0xbc: {  	[dreg:$0x0] =	wrdreg $0x60  }
0xbd: {  	[dreg:$0x2] =	wrdreg s18  }
0xbe: {  	[dreg:$0x3] =	wrdreg s24  }
0xbf: {  	[dreg:$0x4] =	wrdreg $0xA  }
0xc0: {  	_ =	task.clear_ibuf [dreg:s22], $0x5FFFF;
	_ =	strace $0x90000049  }
0xc1: {  	s29 =	simm.s32 $0xA;
	_ =	strace $0x8000004B  }
0xc2: {  	_ =	swait.ge [sflag:s29], $0x1  }
0xc3: {  	[sflag:s29] =	ssyncadd.s32 $0xFFFFFFFF  }
0xc4: {  	_ =	strace $0x9000004B  }
0xc5: {  	_ =	sfence  }
0xc6: {  	s30 =	sld [smem:$0x0];
	_ =	sdelay $0x2  }
0xc7: {  	s31 =	sshll.u32 s1, $0xD;
	s1 =	sshrl.u32 s1, $0x2  }
0xc8: {  	s4 =	sand.u32 $0x4000, s31;
	s1 =	sadd.s32 s1, s30  }
0xc9: {  	s0 =	sor.u32 s4, s0;
	s1 =	sshll.u32 s1, $0x11  }
0xca: {  	s0 =	sor.u32 s1, s0  }
0xcb: {  	s0 =	sadd.s32 $0x8F2B, s0  }
0xcc: {  	[sflag:s0] =	ssyncadd.remote.s32 $0x1  }
0xcd: {  	_ =	sfence.sel $0xFFFF  }
0xce: {  	[dreg:$0x0] =	wrdreg $0xFFFFFFFF;
	(pc) =	sbr.abs _section_cstart, $3  }
0xcf: {  	[dreg:$0x1] =	wrdreg $0xFFFFFFFF  }
0xd0: {  	_ =	task.clear_ibuf [dreg:s22], $0x2FFFF;
	_ =	strace $0x9FFFFFFF  }
0xd1: {  	(tm) =	ssettm $0x7FFFFFFF  }
tec
execute0_lowered:
.L_overlay_start_1:
0x0: {  	(tag) =	ssettag $0x1  }
0x1: {  	s1 =	rddreg [dreg:$0x0]  }
0x2: {  	s0 =	rddreg [dreg:$0x1]  }
0x3: {  	s2 =	simm.s32 $0x0;
	s30 =	srdreg.scid;
	s7 =	stileid.u32  }
0x4: {  	s15 =	simm.s32 $0x2;
	s16 =	simm.s32 $0x80;
	s17 =	simm.s32 $0x100  }
0x5: {  	s18 =	simm.s32 $0x180;
	s19 =	simm.s32 $0x200;
	s20 =	simm.s32 $0x280  }
0x6: {  	s21 =	simm.s32 $0x300;
	s22 =	simm.s32 $0x380;
	s23 =	simm.s32 $0x400  }
0x7: {  	s24 =	simm.s32 $0x40;
	s14 =	simm.s32 $0x10800;
	s25 =	simm.s32 $0x1  }
0x8: {  	s26 =	simm.s32 $0x14800;
	s28 =	simm.s32 $0x0;
	[smem:$0x7FF] =	sst s2  }
0x9: {  	s4 =	sadd.s32 $0x13400, s0;
	s2 =	sand.u32 $0x1, s30;
	s5 =	sadd.s32 $0x15400, s0  }
0xa: {  	s7 =	sshll.u32 s7, $0x8;
	s8 =	sadd.s32 $0x13A00, s0;
	s9 =	sadd.s32 $0x13C00, s0  }
0xb: {  	s10 =	sadd.s32 $0x13E00, s0;
	s11 =	sadd.s32 $0x14000, s0;
	s3 =	ssub.s32 $0x2, s2  }
0xc: {  	s12 =	sadd.s32 $0x14200, s0;
	s13 =	sadd.s32 $0x14400, s0;
	s6 =	sshrl.u32 s3, $0x1  }
0xd: {  	_ =	strace $0x8000004A;
	s2 =	sshll.u32 s2, $0x7;
	s3 =	ssub.s32 s3, s6  }
0xe: {  	s6 =	sor.u32 s2, s7;
	s7 =	sadd.s32 $0x13800, s0;
	s31 =	smax.u32 s3, $0x1  }
0xf: {  	s2 =	simm.s32 $0x12800;
	s3 =	simm.s32 $0xE800;
	[dreg:$0x3] =	wrdreg s31  }
.LBB2_1:
0x10: {  	[dreg:$0x4] =	wrdreg s28;
	p1 =	por $0x1, $0x1;
	s28 =	simm.s32 $0x0  }
.LBB2_2:
0x11: {  	s28 =	sor.u32 s6, s28  }
0x12: {  	s29 =	sshrl.u32 s28, $0x3  }
0x13: {  	s31 =	simm.s32 $0x0;
	s30 =	sadd.s32 s4, s29  }
0x14: {  	[tilespmem:s31], [sflag:$0x2] =	stream.linear.gather [hbm4b:s30+s31], $0x40, $0x38;
	[tilespmem:$0x16800] =	vst v63  }
0x15: {  	s30 =	sor.u32 $0x1000, s28;
	_ =	swait.ge [sflag:s15], $0x40  }
0x16: {  	s0 =	sshrl.u32 s30, $0x3;
	[sflag:s15] =	ssyncset.done $0x0  }
0x17: {  	s0 =	sadd.s32 s4, s0;
	[sflag:s15] =	ssyncadd.s32 $0xFFFFFFC0  }
0x18: {  	[tilespmem:s16], [sflag:$0x2] =	stream.linear.gather [hbm4b:s0+s31], $0x40, $0x38;
	[tilespmem:$0x16800] =	vst v63  }
0x19: {  	_ =	swait.ge [sflag:s15], $0x40  }
0x1a: {  	[sflag:s15] =	ssyncset.done $0x0  }
0x1b: {  	s0 =	sadd.s32 s29, s7;
	[sflag:s15] =	ssyncadd.s32 $0xFFFFFFC0  }
0x1c: {  	[tilespmem:s17], [sflag:$0x2] =	stream.linear.gather [hbm4b:s0+s31], $0x40, $0x38;
	[tilespmem:$0x16800] =	vst v63  }
0x1d: {  	_ =	swait.ge [sflag:s15], $0x40  }
0x1e: {  	[sflag:s15] =	ssyncset.done $0x0  }
0x1f: {  	s0 =	sadd.s32 s29, s8;
	[sflag:s15] =	ssyncadd.s32 $0xFFFFFFC0  }
0x20: {  	[tilespmem:s18], [sflag:$0x2] =	stream.linear.gather [hbm4b:s0+s31], $0x40, $0x38;
	[tilespmem:$0x16800] =	vst v63  }
0x21: {  	_ =	swait.ge [sflag:s15], $0x40  }
0x22: {  	[sflag:s15] =	ssyncset.done $0x0  }
0x23: {  	s0 =	sadd.s32 s29, s9;
	[sflag:s15] =	ssyncadd.s32 $0xFFFFFFC0  }
0x24: {  	[tilespmem:s19], [sflag:$0x2] =	stream.linear.gather [hbm4b:s0+s31], $0x40, $0x38;
	[tilespmem:$0x16800] =	vst v63  }
0x25: {  	_ =	swait.ge [sflag:s15], $0x40  }
0x26: {  	[sflag:s15] =	ssyncset.done $0x0  }
0x27: {  	s0 =	sadd.s32 s29, s10;
	[sflag:s15] =	ssyncadd.s32 $0xFFFFFFC0  }
0x28: {  	[tilespmem:s20], [sflag:$0x2] =	stream.linear.gather [hbm4b:s0+s31], $0x40, $0x38;
	[tilespmem:$0x16800] =	vst v63  }
0x29: {  	_ =	swait.ge [sflag:s15], $0x40  }
0x2a: {  	[sflag:s15] =	ssyncset.done $0x0  }
0x2b: {  	s0 =	sadd.s32 s29, s11;
	[sflag:s15] =	ssyncadd.s32 $0xFFFFFFC0  }
0x2c: {  	[tilespmem:s21], [sflag:$0x2] =	stream.linear.gather [hbm4b:s0+s31], $0x40, $0x38;
	[tilespmem:$0x16800] =	vst v63  }
0x2d: {  	_ =	swait.ge [sflag:s15], $0x40  }
0x2e: {  	[sflag:s15] =	ssyncset.done $0x0  }
0x2f: {  	s0 =	sadd.s32 s29, s12;
	[sflag:s15] =	ssyncadd.s32 $0xFFFFFFC0  }
0x30: {  	[tilespmem:s22], [sflag:$0x2] =	stream.linear.gather [hbm4b:s0+s31], $0x40, $0x38;
	[tilespmem:$0x16800] =	vst v63  }
0x31: {  	_ =	swait.ge [sflag:s15], $0x40  }
0x32: {  	[sflag:s15] =	ssyncset.done $0x0  }
0x33: {  	s0 =	sadd.s32 s29, s13;
	[sflag:s15] =	ssyncadd.s32 $0xFFFFFFC0  }
0x34: {  	[tilespmem:s23], [sflag:$0x2] =	stream.linear.gather [hbm4b:s0+s31], $0x40, $0x38;
	[tilespmem:$0x16800] =	vst v63  }
0x35: {  	_ =	swait.ge [sflag:s15], $0x40  }
0x36: {  	[sflag:s15] =	ssyncset.done $0x0  }
0x37: {  	s0 =	simm.s32 $0x800;
	[sflag:s15] =	ssyncadd.s32 $0xFFFFFFC0  }
0x38: {  	[tilespmem:s0], [sflag:$0x1] =	stream.indirect.gather [hbm4b:s1+s24], $0x80, s31, s24, $0xb8;
	[tilespmem:$0x16800] =	vst v63  }
0x39: {  	s0 =	simm.s32 $0x2800  }
0x3a: {  	[tilespmem:s0], [sflag:$0x1] =	stream.indirect.gather [hbm4b:s1+s24], $0x80, s16, s24, $0xb8;
	[tilespmem:$0x16800] =	vst v63  }
0x3b: {  	s0 =	simm.s32 $0x4800  }
0x3c: {  	[tilespmem:s0], [sflag:$0x1] =	stream.indirect.gather [hbm4b:s1+s24], $0x80, s17, s24, $0xb8;
	[tilespmem:$0x16800] =	vst v63  }
0x3d: {  	s0 =	simm.s32 $0x6800  }
0x3e: {  	[tilespmem:s0], [sflag:$0x1] =	stream.indirect.gather [hbm4b:s1+s24], $0x80, s18, s24, $0xb8;
	[tilespmem:$0x16800] =	vst v63  }
0x3f: {  	s0 =	simm.s32 $0x8800  }
0x40: {  	[tilespmem:s0], [sflag:$0x1] =	stream.indirect.gather [hbm4b:s1+s24], $0x80, s19, s24, $0xb8;
	[tilespmem:$0x16800] =	vst v63  }
0x41: {  	s0 =	simm.s32 $0xA800  }
0x42: {  	[tilespmem:s0], [sflag:$0x1] =	stream.indirect.gather [hbm4b:s1+s24], $0x80, s20, s24, $0xb8;
	[tilespmem:$0x16800] =	vst v63  }
0x43: {  	s0 =	simm.s32 $0xC800  }
0x44: {  	[tilespmem:s0], [sflag:$0x1] =	stream.indirect.gather [hbm4b:s1+s24], $0x80, s21, s24, $0xb8;
	[tilespmem:$0x16800] =	vst v63  }
0x45: {  	_ = 	snop  }
0x46: {  	[tilespmem:s3], [sflag:$0x1] =	stream.indirect.gather [hbm4b:s1+s24], $0x80, s22, s24, $0xb8;
	[tilespmem:$0x16800] =	vst v63  }
0x47: {  	s0 =	sshll.u32 s30, $0x4  }
0x48: {  	[tilespmem:s14], [sflag:$0x1] =	stream.indirect.gather [hbm4b:s1+s24], $0x80, s23, s24, $0xb8;
	[tilespmem:$0x16800] =	vst v63  }
0x49: {  	s0 =	sadd.s32 s1, s0  }
0x4a: {  	[tilespmem:s2], [sflag:$0x2] =	stream.linear.gather [hbm4b:s0+s31], $0x2000, $0x38;
	[tilespmem:$0x16800] =	vst v63  }
0x4b: {  	_ =	swait.ge [sflag:s15], $0x2000  }
0x4c: {  	[sflag:s15] =	ssyncset.done $0x0  }
0x4d: {  	[sflag:s15] =	ssyncadd.s32 $0xFFFFE000  }
0x4e: {  	_ =	swait.ge [sflag:s25], $0x2000  }
0x4f: {  	[sflag:s25] =	ssyncset.done $0x0  }
0x50: {  	[sflag:s25] =	ssyncadd.s32 $0xFFFFE000  }
0x51: {  	_ =	swait.ge [sflag:s25], $0x2000  }
0x52: {  	[sflag:s25] =	ssyncset.done $0x0  }
0x53: {  	[sflag:s25] =	ssyncadd.s32 $0xFFFFE000  }
0x54: {  	_ =	swait.ge [sflag:s25], $0x2000  }
0x55: {  	[sflag:s25] =	ssyncset.done $0x0  }
0x56: {  	[sflag:s25] =	ssyncadd.s32 $0xFFFFE000  }
0x57: {  	_ =	swait.ge [sflag:s25], $0x2000  }
0x58: {  	[sflag:s25] =	ssyncset.done $0x0  }
0x59: {  	[sflag:s25] =	ssyncadd.s32 $0xFFFFE000  }
0x5a: {  	_ =	swait.ge [sflag:s25], $0x2000  }
0x5b: {  	[sflag:s25] =	ssyncset.done $0x0  }
0x5c: {  	[sflag:s25] =	ssyncadd.s32 $0xFFFFE000  }
0x5d: {  	_ =	swait.ge [sflag:s25], $0x2000  }
0x5e: {  	[sflag:s25] =	ssyncset.done $0x0  }
0x5f: {  	[sflag:s25] =	ssyncadd.s32 $0xFFFFE000  }
0x60: {  	_ =	swait.ge [sflag:s25], $0x2000  }
0x61: {  	[sflag:s25] =	ssyncset.done $0x0  }
0x62: {  	[sflag:s25] =	ssyncadd.s32 $0xFFFFE000  }
0x63: {  	_ =	swait.ge [sflag:s25], $0x2000  }
0x64: {  	[sflag:s25] =	ssyncset.done $0x0  }
0x65: {  	[sflag:s25] =	ssyncadd.s32 $0xFFFFE000  }
0x66: {  	_ =	swait.ge [sflag:s25], $0x2000  }
0x67: {  	[sflag:s25] =	ssyncset.done $0x0  }
0x68: {  	s29 =	simm.s32 $0x0;
	[sflag:s25] =	ssyncadd.s32 $0xFFFFE000  }
0x69: {  	v0 =	vld [tilespmem:s29+$0x850]  }
0x6a: {  	v1 =	vld [tilespmem:s29+$0x2850]  }
0x6b: {  	v2 =	vld [tilespmem:s29+$0x4850]  }
0x6c: {  	v3 =	vld [tilespmem:s29+$0x6850]  }
0x6d: {  	v4 =	vld [tilespmem:s29+$0x8850]  }
0x6e: {  	v5 =	vld [tilespmem:s29+$0xA850]  }
0x6f: {  	v6 =	vld [tilespmem:s29+$0xC850]  }
0x70: {  	v7 =	vld [tilespmem:s29+$0x830]  }
0x71: {  	v8 =	vld [tilespmem:s29+$0x840]  }
0x72: {  	v9 =	vld [tilespmem:s29+$0x2840]  }
0x73: {  	v10 =	vld [tilespmem:s29+$0x4800]  }
0x74: {  	v11 =	vld [tilespmem:s29+$0x4810]  }
0x75: {  	v12 =	vld [tilespmem:s29+$0x4820]  }
0x76: {  	v13 =	vld [tilespmem:s29+$0x4830]  }
0x77: {  	v14 =	vld [tilespmem:s29+$0x4840]  }
0x78: {  	v15 =	vld [tilespmem:s29+$0x6800]  }
0x79: {  	v16 =	vld [tilespmem:s29+$0x6810]  }
0x7a: {  	v17 =	vld [tilespmem:s29+$0x6820]  }
0x7b: {  	v18 =	vld [tilespmem:s29+$0x6830]  }
0x7c: {  	v19 =	vld [tilespmem:s29+$0x6840]  }
0x7d: {  	v20 =	vld [tilespmem:s29+$0x8800]  }
0x7e: {  	v21 =	vld [tilespmem:s29+$0x8810]  }
0x7f: {  	v22 =	vld [tilespmem:s29+$0x8820]  }
0x80: {  	v23 =	vld [tilespmem:s29+$0x8830]  }
0x81: {  	v24 =	vld [tilespmem:s29+$0x8840]  }
0x82: {  	v25 =	vld [tilespmem:s29+$0xA800]  }
0x83: {  	v26 =	vld [tilespmem:s29+$0xA810]  }
0x84: {  	v27 =	vld [tilespmem:s29+$0xA820]  }
0x85: {  	v28 =	vld [tilespmem:s29+$0xA830]  }
0x86: {  	v29 =	vld [tilespmem:s29+$0xA840]  }
0x87: {  	v30 =	vld [tilespmem:s29+$0xC800]  }
0x88: {  	v31 =	vld [tilespmem:s29+$0xC810]  }
0x89: {  	v32 =	vld [tilespmem:s29+$0xC820]  }
0x8a: {  	v33 =	vld [tilespmem:s29+$0xC830]  }
0x8b: {  	v34 =	vld [tilespmem:s29+$0xC840]  }
0x8c: {  	v35 =	vld [tilespmem:s29+$0xE800]  }
0x8d: {  	v0 =	vmax.f32 v0, v1;
	v1 =	vld [tilespmem:s29+$0xE850]  }
0x8e: {  	v0 =	vmax.f32 v0, v2;
	v2 =	vld [tilespmem:s29+$0x10850]  }
0x8f: {  	v0 =	vmax.f32 v0, v3;
	v3 =	vld [tilespmem:s29+$0x12850]  }
0x90: {  	v0 =	vmax.f32 v0, v4;
	v4 =	vld [tilespmem:s29+$0x800]  }
0x91: {  	v0 =	vmax.f32 v0, v5;
	v5 =	vld [tilespmem:s29+$0x2800]  }
0x92: {  	v0 =	vmax.f32 v0, v6;
	v6 =	vld [tilespmem:s29+$0x810]  }
0x93: {  	v0 =	vmax.f32 v0, v1;
	v1 =	vld [tilespmem:s29+$0x2810]  }
0x94: {  	v0 =	vmax.f32 v0, v2;
	v2 =	vld [tilespmem:s29+$0x820]  }
0x95: {  	v0 =	vsub.f32 v0, v3;
	v3 =	vld [tilespmem:s29+$0x2820]  }
0x96: {  	v36 =	vld [tilespmem:s29+$0xE810]  }
0x97: {  	v58 =	vld [tilespmem:s29+$0x10840];
	v4 =	vmax.f32 v4, v5  }
0x98: {  	[tilespmem:s29+$0x14850] =	vst v0;
	v0 =	vld [tilespmem:s29+$0x2830];
	v4 =	vmax.f32 v4, v10;
	v1 =	vmax.f32 v6, v1  }
0x99: {  	v59 =	vld [tilespmem:s29+$0x12800];
	v4 =	vmax.f32 v4, v15;
	v1 =	vmax.f32 v1, v11  }
0x9a: {  	v5 =	vld [tilespmem:s29+$0xE820];
	v4 =	vmax.f32 v4, v20;
	v2 =	vmax.f32 v2, v3;
	v3 =	vmax.f32 v8, v9  }
0x9b: {  	v10 =	vld [tilespmem:s29+$0x10820];
	v1 =	vmax.f32 v1, v16;
	v4 =	vmax.f32 v4, v25;
	v2 =	vmax.f32 v2, v12  }
0x9c: {  	v8 =	vld [tilespmem:s29+$0x10800];
	v3 =	vmax.f32 v3, v14;
	v1 =	vmax.f32 v1, v21;
	v4 =	vmax.f32 v4, v30  }
0x9d: {  	v9 =	vld [tilespmem:s29+$0x10810];
	v0 =	vmax.f32 v7, v0;
	v2 =	vmax.f32 v2, v17;
	v3 =	vmax.f32 v3, v19  }
0x9e: {  	v7 =	vld [tilespmem:s29+$0xE840];
	v1 =	vmax.f32 v1, v26;
	v4 =	vmax.f32 v4, v35;
	v0 =	vmax.f32 v0, v13  }
0x9f: {  	v6 =	vld [tilespmem:s29+$0xE830];
	v2 =	vmax.f32 v2, v22;
	v3 =	vmax.f32 v3, v24;
	v60 =	vmax.f32 v1, v31  }
0xa0: {  	v11 =	vld [tilespmem:s29+$0x10830];
	v0 =	vmax.f32 v0, v18;
	v2 =	vmax.f32 v2, v27;
	v3 =	vmax.f32 v3, v29  }
0xa1: {  	v1 =	vld [tilespmem:s29+$0x12810];
	v14 =	vmax.f32 v60, v36;
	v0 =	vmax.f32 v0, v23;
	v61 =	vmax.f32 v2, v32  }
0xa2: {  	v3 =	vmax.f32 v3, v34;
	v2 =	vld [tilespmem:s29+$0x12820];
	v63 =	vmax.f32 v4, v8;
	v0 =	vmax.f32 v0, v28  }
0xa3: {  	v8 =	vmax.f32 v14, v9;
	v0 =	vmax.f32 v0, v33;
	v62 =	vmax.f32 v3, v7;
	v3 =	vld [tilespmem:s29+$0x12830]  }
0xa4: {  	s31 =	simm.s32 $0x80;
	v4 =	vld [tilespmem:s29+$0x12840];
	v5 =	vmax.f32 v61, v5;
	v9 =	vsub.f32 v63, v59;
	v0 =	vmax.f32 v0, v6  }
0xa5: {  	p0 =	por p1, p1;
	s30 =	simm.s32 $0x400;
	v7 =	vmax.f32 v5, v10;
	v5 =	vmax.f32 v62, v58;
	v6 =	vmax.f32 v0, v11;
	v0 =	vld [tilespmem:s31+$0x850]  }
.LBB2_3:
0xa6: {  	p1 =	sne.s32 s30, $0x7E00;
	v10 =	vld [tilespmem:s31+$0x2850];
	v1 =	vsub.f32 v8, v1  }
0xa7: {  	v8 =	vld [tilespmem:s31+$0x4850];
	[tilespmem:s29+$0x14800] =	vst v9;
	v2 =	vsub.f32 v7, v2  }
0xa8: {  	v7 =	vld [tilespmem:s31+$0x6850];
	[tilespmem:s29+$0x14810] =	vst v1;
	v1 =	vsub.f32 v6, v3  }
0xa9: {  	v3 =	vld [tilespmem:s31+$0x8850];
	[tilespmem:s29+$0x14820] =	vst v2;
	v2 =	vsub.f32 v5, v4  }
0xaa: {  	v4 =	vld [tilespmem:s31+$0xA850];
	[tilespmem:s29+$0x14830] =	vst v1  }
0xab: {  	v0 =	vmax.f32 v0, v10;
	v1 =	vld [tilespmem:s31+$0xC850];
	[tilespmem:s29+$0x14840] =	vst v2;
	s29 =	smov.u32 s31  }
0xac: {  	v0 =	vmax.f32 v0, v8;
	v2 =	vld [tilespmem:s29+$0xE850]  }
0xad: {  	v0 =	vmax.f32 v0, v7;
	v5 =	vld [tilespmem:s29+$0x10850]  }
0xae: {  	v0 =	vmax.f32 v0, v3;
	v3 =	vld [tilespmem:s29+$0x12850]  }
0xaf: {  	v6 =	vld [tilespmem:s29+$0x800];
	v0 =	vmax.f32 v0, v4  }
0xb0: {  	v4 =	vld [tilespmem:s29+$0x2800];
	v0 =	vmax.f32 v0, v1  }
0xb1: {  	v1 =	vld [tilespmem:s29+$0x810];
	v0 =	vmax.f32 v0, v2  }
0xb2: {  	v2 =	vld [tilespmem:s29+$0x2810];
	v0 =	vmax.f32 v0, v5  }
0xb3: {  	v5 =	vld [tilespmem:s29+$0x820];
	v0 =	vsub.f32 v0, v3  }
0xb4: {  	v3 =	vld [tilespmem:s29+$0x2820]  }
0xb5: {  	v4 =	vmax.f32 v6, v4;
	v6 =	vld [tilespmem:s29+$0x830];
	[tilespmem:s29+$0x14850] =	vst v0  }
0xb6: {  	v0 =	vld [tilespmem:s29+$0x2830]  }
0xb7: {  	v1 =	vmax.f32 v1, v2;
	v2 =	vld [tilespmem:s29+$0x840]  }
0xb8: {  	v7 =	vld [tilespmem:s29+$0x2840]  }
0xb9: {  	v8 =	vld [tilespmem:s29+$0x4800];
	v3 =	vmax.f32 v5, v3  }
0xba: {  	v5 =	vld [tilespmem:s29+$0x4810]  }
0xbb: {  	v9 =	vld [tilespmem:s29+$0x4820];
	v0 =	vmax.f32 v6, v0  }
0xbc: {  	v6 =	vld [tilespmem:s29+$0x4830]  }
0xbd: {  	v2 =	vmax.f32 v2, v7;
	v7 =	vld [tilespmem:s29+$0x4840]  }
0xbe: {  	v4 =	vmax.f32 v4, v8;
	v8 =	vld [tilespmem:s29+$0x6800]  }
0xbf: {  	v1 =	vmax.f32 v1, v5;
	v5 =	vld [tilespmem:s29+$0x6810]  }
0xc0: {  	v3 =	vmax.f32 v3, v9;
	v9 =	vld [tilespmem:s29+$0x6820]  }
0xc1: {  	v0 =	vmax.f32 v0, v6;
	v6 =	vld [tilespmem:s29+$0x6830]  }
0xc2: {  	v2 =	vmax.f32 v2, v7;
	v7 =	vld [tilespmem:s29+$0x6840]  }
0xc3: {  	v4 =	vmax.f32 v4, v8;
	v8 =	vld [tilespmem:s29+$0x8800]  }
0xc4: {  	v1 =	vmax.f32 v1, v5;
	v5 =	vld [tilespmem:s29+$0x8810]  }
0xc5: {  	v3 =	vmax.f32 v3, v9;
	v9 =	vld [tilespmem:s29+$0x8820]  }
0xc6: {  	v0 =	vmax.f32 v0, v6;
	v6 =	vld [tilespmem:s29+$0x8830]  }
0xc7: {  	v2 =	vmax.f32 v2, v7;
	v7 =	vld [tilespmem:s29+$0x8840]  }
0xc8: {  	v4 =	vmax.f32 v4, v8;
	v8 =	vld [tilespmem:s29+$0xA800]  }
0xc9: {  	v1 =	vmax.f32 v1, v5;
	v5 =	vld [tilespmem:s29+$0xA810]  }
0xca: {  	v3 =	vmax.f32 v3, v9;
	v9 =	vld [tilespmem:s29+$0xA820]  }
0xcb: {  	v0 =	vmax.f32 v0, v6;
	v6 =	vld [tilespmem:s29+$0xA830]  }
0xcc: {  	v2 =	vmax.f32 v2, v7;
	v7 =	vld [tilespmem:s29+$0xA840]  }
0xcd: {  	v4 =	vmax.f32 v4, v8;
	v8 =	vld [tilespmem:s29+$0xC800]  }
0xce: {  	v1 =	vmax.f32 v1, v5;
	v5 =	vld [tilespmem:s29+$0xC810]  }
0xcf: {  	v3 =	vmax.f32 v3, v9;
	v9 =	vld [tilespmem:s29+$0xC820]  }
0xd0: {  	v0 =	vmax.f32 v0, v6;
	v6 =	vld [tilespmem:s29+$0xC830]  }
0xd1: {  	v2 =	vmax.f32 v2, v7;
	v7 =	vld [tilespmem:s29+$0xC840]  }
0xd2: {  	v4 =	vmax.f32 v4, v8;
	v8 =	vld [tilespmem:s29+$0xE800]  }
0xd3: {  	v1 =	vmax.f32 v1, v5;
	v5 =	vld [tilespmem:s29+$0xE810]  }
0xd4: {  	v3 =	vmax.f32 v3, v9;
	v9 =	vld [tilespmem:s29+$0xE820]  }
0xd5: {  	v0 =	vmax.f32 v0, v6;
	v6 =	vld [tilespmem:s29+$0xE830]  }
0xd6: {  	v2 =	vmax.f32 v2, v7;
	v7 =	vld [tilespmem:s29+$0xE840]  }
0xd7: {  	v4 =	vmax.f32 v4, v8;
	v8 =	vld [tilespmem:s29+$0x10800]  }
0xd8: {  	v1 =	vmax.f32 v1, v5;
	v5 =	vld [tilespmem:s29+$0x10810]  }
0xd9: {  	v3 =	vmax.f32 v3, v9;
	v9 =	vld [tilespmem:s29+$0x10820]  }
0xda: {  	v0 =	vmax.f32 v0, v6;
	v6 =	vld [tilespmem:s29+$0x10830]  }
0xdb: {  	v10 =	vmax.f32 v2, v7;
	v11 =	vld [tilespmem:s29+$0x10840]  }
0xdc: {  	v12 =	vmax.f32 v4, v8;
	v13 =	vld [tilespmem:s29+$0x12800]  }
.Ltmp0:
0xdd: {  	v8 =	vmax.f32 v1, v5;
	v1 =	vld [tilespmem:s29+$0x12810];
	(pc) =	sbr.rel @p1 .LBB2_3-.Ltmp0, $4  }
0xde: {  	v7 =	vmax.f32 v3, v9;
	v2 =	vld [tilespmem:s29+$0x12820]  }
0xdf: {  	v6 =	vmax.f32 v0, v6;
	v3 =	vld [tilespmem:s29+$0x12830]  }
0xe0: {  	s31 =	sshra.s32 s30, $0x2;
	v5 =	vmax.f32 v10, v11;
	v4 =	vld [tilespmem:s29+$0x12840]  }
0xe1: {  	s30 =	sadd.s32 $0x200, s30;
	v0 =	vld [tilespmem:s31+$0x850];
	v9 =	vsub.f32 v12, v13  }
0xe2: {  	v10 =	vld [tilespmem:s31+$0x2850];
	v1 =	vsub.f32 v8, v1  }
0xe3: {  	v11 =	vld [tilespmem:s31+$0x4850];
	[tilespmem:s29+$0x14800] =	vst v9;
	v2 =	vsub.f32 v7, v2  }
0xe4: {  	v57 =	vld [tilespmem:s31+$0x6850];
	[tilespmem:s29+$0x14810] =	vst v1;
	v3 =	vsub.f32 v6, v3  }
0xe5: {  	v1 =	vld [tilespmem:s31+$0x8850];
	[tilespmem:s29+$0x14820] =	vst v2;
	v4 =	vsub.f32 v5, v4  }
0xe6: {  	v2 =	vld [tilespmem:s31+$0xA850];
	[tilespmem:s29+$0x14830] =	vst v3  }
0xe7: {  	v3 =	vld [tilespmem:s31+$0xC850];
	[tilespmem:s29+$0x14840] =	vst v4  }
0xe8: {  	v4 =	vld [tilespmem:s31+$0xE850]  }
0xe9: {  	v58 =	vld [tilespmem:s31+$0x10850]  }
0xea: {  	v59 =	vld [tilespmem:s31+$0x12850]  }
0xeb: {  	v60 =	vld [tilespmem:s31+$0x800]  }
0xec: {  	v61 =	vld [tilespmem:s31+$0x2800]  }
0xed: {  	v62 =	vld [tilespmem:s31+$0x810]  }
0xee: {  	v63 =	vld [tilespmem:s31+$0x2810]  }
0xef: {  	v40 =	vld [tilespmem:s31+$0x820]  }
0xf0: {  	v41 =	vld [tilespmem:s31+$0x2820]  }
0xf1: {  	v42 =	vld [tilespmem:s31+$0x830]  }
0xf2: {  	v43 =	vld [tilespmem:s31+$0x2830]  }
0xf3: {  	v44 =	vld [tilespmem:s31+$0x840]  }
0xf4: {  	v9 =	vld [tilespmem:s31+$0x2840]  }
0xf5: {  	v45 =	vld [tilespmem:s31+$0x4800]  }
0xf6: {  	v46 =	vld [tilespmem:s31+$0x4810]  }
0xf7: {  	v12 =	vld [tilespmem:s31+$0x4820]  }
0xf8: {  	v13 =	vld [tilespmem:s31+$0x4830]  }
0xf9: {  	v14 =	vld [tilespmem:s31+$0x4840]  }
0xfa: {  	v15 =	vld [tilespmem:s31+$0x6800]  }
0xfb: {  	v16 =	vld [tilespmem:s31+$0x6810]  }
0xfc: {  	v17 =	vld [tilespmem:s31+$0x6820]  }
0xfd: {  	v18 =	vld [tilespmem:s31+$0x6830]  }
0xfe: {  	v19 =	vld [tilespmem:s31+$0x6840]  }
0xff: {  	v20 =	vld [tilespmem:s31+$0x8800]  }
0x100: {  	v21 =	vld [tilespmem:s31+$0x8810]  }
0x101: {  	v22 =	vld [tilespmem:s31+$0x8820]  }
0x102: {  	v23 =	vld [tilespmem:s31+$0x8830]  }
0x103: {  	v24 =	vld [tilespmem:s31+$0x8840]  }
0x104: {  	v25 =	vld [tilespmem:s31+$0xA800]  }
0x105: {  	v26 =	vld [tilespmem:s31+$0xA810]  }
0x106: {  	v27 =	vld [tilespmem:s31+$0xA820]  }
0x107: {  	v28 =	vld [tilespmem:s31+$0xA830]  }
0x108: {  	v29 =	vld [tilespmem:s31+$0xA840]  }
0x109: {  	v30 =	vld [tilespmem:s31+$0xC800]  }
0x10a: {  	v31 =	vld [tilespmem:s31+$0xC810]  }
0x10b: {  	v0 =	vmax.f32 v0, v10;
	v32 =	vld [tilespmem:s31+$0xC820]  }
0x10c: {  	v0 =	vmax.f32 v0, v11;
	v33 =	vld [tilespmem:s31+$0xC830]  }
0x10d: {  	v34 =	vld [tilespmem:s31+$0xC840];
	v0 =	vmax.f32 v0, v57  }
0x10e: {  	v35 =	vld [tilespmem:s31+$0xE800];
	v0 =	vmax.f32 v0, v1  }
0x10f: {  	v36 =	vld [tilespmem:s31+$0xE810];
	v0 =	vmax.f32 v0, v2  }
0x110: {  	v37 =	vld [tilespmem:s31+$0xE820];
	v0 =	vmax.f32 v0, v3  }
0x111: {  	v38 =	vld [tilespmem:s31+$0xE830];
	v0 =	vmax.f32 v0, v4;
	v1 =	vmax.f32 v60, v61;
	v47 =	vmax.f32 v62, v63  }
0x112: {  	v49 =	vld [tilespmem:s31+$0xE840];
	v48 =	vmax.f32 v40, v41;
	v50 =	vmax.f32 v44, v9;
	v0 =	vmax.f32 v0, v58  }
0x113: {  	v51 =	vld [tilespmem:s31+$0x10800];
	v1 =	vmax.f32 v1, v45;
	v2 =	vmax.f32 v47, v46;
	v3 =	vmax.f32 v48, v12  }
0x114: {  	v52 =	vld [tilespmem:s31+$0x10810];
	v5 =	vmax.f32 v50, v14;
	v0 =	vsub.f32 v0, v59;
	v1 =	vmax.f32 v1, v15  }
0x115: {  	v53 =	vld [tilespmem:s31+$0x10820];
	v2 =	vmax.f32 v2, v16;
	v3 =	vmax.f32 v3, v17;
	v5 =	vmax.f32 v5, v19  }
0x116: {  	v54 =	vld [tilespmem:s31+$0x10830];
	v1 =	vmax.f32 v1, v20;
	v2 =	vmax.f32 v2, v21;
	v3 =	vmax.f32 v3, v22  }
0x117: {  	v55 =	vld [tilespmem:s31+$0x10840];
	v5 =	vmax.f32 v5, v24;
	[tilespmem:s31+$0x14850] =	vst v0;
	v0 =	vmax.f32 v42, v43;
	v1 =	vmax.f32 v1, v25  }
0x118: {  	v56 =	vld [tilespmem:s31+$0x12800];
	v2 =	vmax.f32 v2, v26;
	v3 =	vmax.f32 v3, v27;
	v5 =	vmax.f32 v5, v29  }
0x119: {  	v57 =	vld [tilespmem:s31+$0x12810];
	v0 =	vmax.f32 v0, v13;
	v1 =	vmax.f32 v1, v30;
	v2 =	vmax.f32 v2, v31  }
0x11a: {  	v58 =	vld [tilespmem:s31+$0x12820];
	v3 =	vmax.f32 v3, v32;
	v5 =	vmax.f32 v5, v34;
	v0 =	vmax.f32 v0, v18  }
0x11b: {  	v60 =	vld [tilespmem:s31+$0x12840];
	v1 =	vmax.f32 v1, v35;
	v2 =	vmax.f32 v2, v36;
	v3 =	vmax.f32 v3, v37  }
0x11c: {  	v59 =	vld [tilespmem:s31+$0x12830];
	v4 =	vmax.f32 v5, v49;
	v0 =	vmax.f32 v0, v23;
	v1 =	vmax.f32 v1, v51  }
0x11d: {  	v2 =	vmax.f32 v2, v52;
	v0 =	vmax.f32 v0, v28;
	v1 =	vsub.f32 v1, v56  }
0x11e: {  	v3 =	vmax.f32 v3, v53;
	v2 =	vsub.f32 v2, v57;
	v0 =	vmax.f32 v0, v33  }
0x11f: {  	v62 =	vmax.f32 v4, v55;
	v61 =	vsub.f32 v3, v58;
	v0 =	vmax.f32 v0, v38;
	[tilespmem:s31+$0x14800] =	vst v1  }
0x120: {  	v63 =	vsub.f32 v62, v60;
	[tilespmem:s31+$0x14810] =	vst v2;
	v0 =	vmax.f32 v0, v54  }
0x121: {  	[tilespmem:s31+$0x14820] =	vst v61;
	v0 =	vsub.f32 v0, v59  }
0x122: {  	s0 =	sshll.u32 s28, $0x4;
	[tilespmem:s31+$0x14840] =	vst v63  }
.Ltmp1:
0x123: {  	s28 =	simm.s32 $0x0;
	s0 =	sadd.s32 s5, s0;
	[tilespmem:s31+$0x14830] =	vst v0;
	(pc) =	sbr.rel @p0 .LBB2_2-.Ltmp1, $4  }
0x124: {  	[hbm4b:s0+s28] =	stream.linear.scatter [tilespmem:s26], [sflag:$0x2], $0x2000, $0x38;
	[tilespmem:$0x16800] =	vst v63  }
0x125: {  	_ =	swait.ge [sflag:s15], $0x2000  }
0x126: {  	[sflag:s15] =	ssyncset.done $0x0  }
0x127: {  	p1 =	por $0x0, $0x0;
	s28 =	simm.s32 $0x40;
	[sflag:s15] =	ssyncadd.s32 $0xFFFFE000  }
0x128: {  	s28 =	rddreg [dreg:$0x4]  }
0x129: {  	s0 =	rddreg [dreg:$0x3];
	s28 =	sadd.s32 $0x1, s28  }
0x12a: {  	p0 =	sne.s32 s28, s0  }
.Ltmp2:
0x12b: {  	_ = 	snop;
	(pc) =	sbr.rel @p0 .LBB2_1-.Ltmp2, $1  }
0x12c: {  	_ =	sdelay $0x3  }
0x12d: {  	_ =	sfence.sel $0x180000  }
0x12e: {  	[bflag:$0x0] =	sbarrier.arrive $0xFFFF  }
0x12f: {  	_ =	strace $0x9000004A  }
0x130: {  	s0 =	stileid.u32;
	[bflag:$0x2] =	sbarrier.arrive $0xFFFF  }
0x131: {  	p0 =	sne.s32 s0, $0x0;
	s0 =	rddreg [dreg:$0x2]  }
0x132: {  	s0 =	sadd.s32 @!p0 $0x100000, s0  }
0x133: {  	[sflag:s0] =	ssyncadd.tile.s32 @!p0 $0x1;
	_ =	shalt  }
.Lfunc_end2:
_tile_overlayer_lowered:
.L_overlay_start_2:
0x134: {  	(tag) =	ssettag $0x2  }
0x135: {  	s0 =	rddreg [dreg:$0x0];
	s2 =	stileid.u32  }
0x136: {  	s1 =	rddreg [dreg:$0x1];
	p0 =	sne.s32 s2, $0x0  }
0x137: {  	s3 =	rddreg [dreg:$0x2];
	[bflag:$0x3] =	sbarrier.arrive $0xFFFF;
	s2 =	simm.s32 @!p0 $0x1C02  }
0x138: {  	[timem:s3], [sflag:s2] =	dma.local @!p0 [hbm:s0], s1  }
0x139: {  	s0 =	simm.s32 @!p0 $0x2  }
0x13a: {  	_ =	swait.ge @!p0 [sflag:s0], s1  }
0x13b: {  	s1 =	ssub.s32 @!p0 $0x0, s1;
	[sflag:s0] =	ssyncset.done @!p0 $0x0  }
0x13c: {  	[sflag:s0] =	ssyncadd.s32 @!p0 s1  }
0x13d: {  	[bflag:$0x3] =	sbarrier.arrive $0xFFFF  }
0x13e: {  	_ =	shalt  }

// kernel: kernel.8.cloned.1.call-start
scs
__scs_entry_jumppad:
0x0: {  	(pc) =	sbr.rel $0x88, $3  }
0x1: {  	(tag) =	ssettag $0x0;
	lr =	simm.s32 $0x1  }
0x2: {  	[smem:$0x3F9E] =	sst lr;
	_ =	strace $0xD0000000  }
0x3: {  	_ = 	snop  }
0x4: {  	_ = 	snop  }
0x5: {  	_ = 	snop  }
0x6: {  	_ = 	snop  }
0x7: {  	_ = 	snop  }
__scs_overlays_trampoline_lowered:
0x8: {  	[smem:$0x3FAD] =	sst s0  }
0x9: {  	[smem:$0x3FAE] =	sst s1  }
0xa: {  	[smem:$0x3FAF] =	sst s2  }
0xb: {  	[smem:$0x3FB0] =	sst s3  }
0xc: {  	[smem:$0x3FB1] =	sst s4  }
0xd: {  	[smem:$0x3FB2] =	sst s5  }
0xe: {  	[smem:$0x3FB3] =	sst s6  }
0xf: {  	[smem:$0x3FB4] =	sst s7  }
0x10: {  	[smem:$0x3FB5] =	sst s8  }
0x11: {  	[smem:$0x3FB6] =	sst s9;
	s0 =	simm.s32 @!p0 $0x0  }
0x12: {  	s1 =	sld [smem:$0x3F9C];
	s0 =	simm.s32 @p0 $0x1  }
0x13: {  	[smem:$0x3FB7] =	sst s0;
	s0 =	simm.s32 @!p1 $0x0  }
0x14: {  	s2 =	sld [smem:$0x3F9B];
	s0 =	simm.s32 @p1 $0x1  }
0x15: {  	[smem:$0x3FB8] =	sst s0;
	s0 =	simm.s32 @!p2 $0x0  }
0x16: {  	s3 =	sld [smem:$0x3FDB];
	s0 =	simm.s32 @p2 $0x1  }
0x17: {  	s4 =	simm.s32 $0x1BF5;
	[smem:$0x3FBA] =	sst s0  }
0x18: {  	s0 =	sld [smem:$0x3F9D];
	_ =	swait.ge [sflag:s4], $0x0  }
0x19: {  	s7 =	sld [smem:$0x3F9E]  }
0x1a: {  	s8 =	sadd.s32 $0xFFFFE003, lr  }
0x1b: {  	s9 =	sadd.s32 $0xFFFFFEF7, lr;
	s5 =	simm.s32 $0xFFFFFFFF;
	p2 =	slt.u32 s8, $0xFFFFF086  }
0x1c: {  	p1 =	slt.u32 s9, $0xF7A;
	s5 =	simm.s32 @!p2 $0x0  }
0x1d: {  	s5 =	simm.s32 @p1 $0x1;
	p0 =	seq.s32 s7, s2  }
0x1e: {  	s7 =	smul.u32 @!p0 $0xF7A, s2;
	p2 =	seq.s32 @!p0 s5, $0x0  }
0x1f: {  	s9 =	smul.u32 $0xF7A, s1;
	s8 =	simm.s32 @!p0 $0x1BF5;
	p2 =	por !p2, p0  }
0x20: {  	[sflag:s8] =	ssyncset.s32 @!p0 $0xFFFFF086;
	s6 =	sadd.s32 @!p0 s3, s7;
	s7 =	simm.s32 @!p0 $0x108  }
0x21: {  	s3 =	sadd.s32 s3, s9;
	s6 =	sadd.s32 @!p0 $0x88, s6;
	s7 =	simm.s32 @p2 $0x1082  }
0x22: {  	[simem:s7], [sflag:s8] =	dma.local @!p0 [hbm:s6], $0xF7A  }
0x23: {  	s9 =	sor.u32 $0xD0000000, s2;
	s6 =	simm.s32 $0x108;
	_ =	swait.ge @!p0 [sflag:s8], $0x0  }
0x24: {  	s3 =	sadd.s32 $0x88, s3;
	s6 =	simm.s32 @!p1 $0x1082;
	[sflag:s4] =	ssyncset.s32 $0xFFFFF086  }
0x25: {  	[simem:s6], [sflag:s4] =	dma.local [hbm:s3], $0xF7A  }
0x26: {  	[smem:$0x3F9E] =	sst s1;
	(tag) =	ssettag s2;
	_ =	strace s9  }
0x27: {  	s1 =	sld [smem:$0x3FAE]  }
0x28: {  	s2 =	sld [smem:$0x3FAF]  }
0x29: {  	s4 =	sld [smem:$0x3FB1]  }
0x2a: {  	p0 =	seq.s32 s5, $0x0;
	s5 =	sld [smem:$0x3FB2]  }
0x2b: {  	s6 =	sld [smem:$0x3FB3]  }
0x2c: {  	s7 =	sld [smem:$0x3FB4]  }
0x2d: {  	s3 =	simm.s32 $0x108;
	s8 =	sld [smem:$0x3FB5]  }
0x2e: {  	s3 =	simm.s32 @!p0 $0x1082;
	s9 =	sld [smem:$0x3FB6]  }
0x2f: {  	lr =	sadd.s32 s0, s3;
	s0 =	sld [smem:$0x3FAD]  }
0x30: {  	s3 =	sld [smem:$0x3FB0]  }
0x31: {  	[smem:$0x3FB9] =	sst s10  }
0x32: {  	s10 =	sld [smem:$0x3FB7];
	_ =	sdelay $0x3  }
0x33: {  	p0 =	seq.s32 s10, $0x1;
	s10 =	sld [smem:$0x3FB9];
	_ =	sdelay $0x3  }
0x34: {  	[smem:$0x3FB9] =	sst s10  }
0x35: {  	s10 =	sld [smem:$0x3FB8];
	_ =	sdelay $0x3  }
0x36: {  	p1 =	seq.s32 s10, $0x1;
	s10 =	sld [smem:$0x3FB9];
	_ =	sdelay $0x3  }
0x37: {  	[smem:$0x3FB9] =	sst s10  }
0x38: {  	s10 =	sld [smem:$0x3FBA]  }
0x39: {  	_ = 	snop;
	(pc) =	sbr.ind lr, $3  }
0x3a: {  	_ = 	snop  }
0x3b: {  	_ = 	snop  }
0x3c: {  	p2 =	seq.s32 s10, $0x1;
	s10 =	sld [smem:$0x3FB9]  }
0x3d: {  	_ =	shalt  }
0x3e: {  	_ =	shalt  }
0x3f: {  	_ =	shalt  }
0x40: {  	_ =	shalt  }
0x41: {  	_ =	shalt  }
0x42: {  	_ =	shalt  }
0x43: {  	_ =	shalt  }
0x44: {  	_ =	shalt  }
0x45: {  	_ =	shalt  }
0x46: {  	_ =	shalt  }
0x47: {  	_ =	shalt  }
0x48: {  	_ =	shalt  }
0x49: {  	_ =	shalt  }
0x4a: {  	_ =	shalt  }
0x4b: {  	_ =	shalt  }
0x4c: {  	_ =	shalt  }
0x4d: {  	_ =	shalt  }
0x4e: {  	_ =	shalt  }
0x4f: {  	_ =	shalt  }
0x50: {  	_ =	shalt  }
0x51: {  	_ =	shalt  }
0x52: {  	_ =	shalt  }
0x53: {  	_ =	shalt  }
0x54: {  	_ =	shalt  }
0x55: {  	_ =	shalt  }
0x56: {  	_ =	shalt  }
0x57: {  	_ =	shalt  }
0x58: {  	_ =	shalt  }
0x59: {  	_ =	shalt  }
0x5a: {  	_ =	shalt  }
0x5b: {  	_ =	shalt  }
0x5c: {  	_ =	shalt  }
0x5d: {  	_ =	shalt  }
0x5e: {  	_ =	shalt  }
0x5f: {  	_ =	shalt  }
0x60: {  	_ =	shalt  }
0x61: {  	_ =	shalt  }
0x62: {  	_ =	shalt  }
0x63: {  	_ =	shalt  }
0x64: {  	_ =	shalt  }
0x65: {  	_ =	shalt  }
0x66: {  	_ =	shalt  }
0x67: {  	_ =	shalt  }
0x68: {  	_ =	shalt  }
0x69: {  	_ =	shalt  }
0x6a: {  	_ =	shalt  }
0x6b: {  	_ =	shalt  }
0x6c: {  	_ =	shalt  }
0x6d: {  	_ =	shalt  }
0x6e: {  	_ =	shalt  }
0x6f: {  	_ =	shalt  }
0x70: {  	_ =	shalt  }
0x71: {  	_ =	shalt  }
0x72: {  	_ =	shalt  }
0x73: {  	_ =	shalt  }
0x74: {  	_ =	shalt  }
0x75: {  	_ =	shalt  }
0x76: {  	_ =	shalt  }
0x77: {  	_ =	shalt  }
0x78: {  	_ =	shalt  }
0x79: {  	_ =	shalt  }
0x7a: {  	_ =	shalt  }
0x7b: {  	_ =	shalt  }
0x7c: {  	_ =	shalt  }
0x7d: {  	_ =	shalt  }
0x7e: {  	_ =	shalt  }
0x7f: {  	_ =	shalt  }
0x80: {  	_ =	shalt  }
0x81: {  	_ =	shalt  }
0x82: {  	_ =	shalt  }
0x83: {  	_ =	shalt  }
0x84: {  	_ =	shalt  }
0x85: {  	_ =	shalt  }
0x86: {  	_ =	shalt  }
0x87: {  	_ =	shalt  }
.Lfunc_end0:
.L_simem_size_0:
called_computation_lowered:
.L_overlay_start_0:
0x88: {  	s2 =	sld [smem:$0x3FD9]  }
0x89: {  	s3 =	sld [smem:$0x3FFE];
	_ =	sdelay $0x1  }
0x8a: {  	s1 =	srdreg.scid  }
0x8b: {  	s0 =	sand.u32 $0x1, s1  }
0x8c: {  	s17 =	sshll.u32 s0, $0xA;
	s2 =	sadd.s32 s3, s2  }
0x8d: {  	s2 =	sadd.s32 s2, s17  }
0x8e: {  	[smem:$0x3FC5] =	sst s2  }
0x8f: {  	_ = 	snop  }
0x90: {  	s2 =	sld [smem:$0x3FD0];
	(tm) =	ssettm $0x1  }
0x91: {  	s18 =	sld [smem:$0x3FFB];
	_ =	sdelay $0x3  }
0x92: {  	_ =	strace s18  }
0x93: {  	s3 =	sld [smem:$0x3FFC];
	_ =	sdelay $0x3  }
0x94: {  	_ =	strace s3  }
0x95: {  	s3 =	sld [smem:$0x3FFD];
	_ =	sdelay $0x3  }
0x96: {  	_ =	strace s3  }
0x97: {  	_ =	strace $0x8FFFFFFF  }
0x98: {  	s19 =	sld [smem:$0x3FDB];
	_ =	sdelay $0x1  }
0x99: {  	s4 =	simm.s32 $_scs_section_size  }
0x9a: {  	s5 =	simm.s32 $_size__tile_overlayer_lowered;
	s6 =	simm.s32 $_tile_overlayer_lowered  }
0x9b: {  	s22 =	simm.s32 $0x1BFF;
	s21 =	sshll.u32 s6, $0x1;
	s3 =	sadd.s32 s4, s19  }
0x9c: {  	s7 =	simm.s32 $0x0;
	s20 =	sshll.u32 s5, $0x1;
	s5 =	sadd.s32 s21, s3  }
0x9d: {  	[timem:s7], [sflag:s22] =	dma.local [hbm:s5], s20  }
0x9e: {  	_ =	swait.ge [sflag:s22], s20  }
0x9f: {  	s4 =	ssub.s32 $0x0, s20;
	[sflag:s22] =	ssyncset.done $0x0  }
0xa0: {  	[sflag:s22] =	ssyncadd.s32 s4;
	_ =	sdelay $0x1  }
0xa1: {  	s23 =	simm.s32 $0x1B8B  }
0xa2: {  	_ =	swait.ge [sflag:s23], $0x1  }
0xa3: {  	[sflag:s23] =	ssyncset.done $0x0  }
0xa4: {  	s25 =	simm.s32 $0x1B8E;
	s24 =	sld [smem:$0x3FFE];
	[sflag:s23] =	ssyncadd.s32 $0xFFFFFFFF  }
0xa5: {  	s26 =	simm.s32 $execute0_lowered;
	[smem:$0x3FD2] =	sst s25  }
0xa6: {  	s5 =	sshll.u32 s26, $0x1;
	_ =	strace $0x80000046;
	[dreg:$0x1] =	wrdreg $0xFFFFFFFF  }
0xa7: {  	s28 =	simm.s32 $_size_execute0_lowered;
	s3 =	sadd.s32 s3, s5;
	[dreg:$0x0] =	wrdreg $0x0  }
0xa8: {  	s5 =	sshll.u32 s28, $0x1;
	[dreg:$0x2] =	wrdreg s3  }
0xa9: {  	[dreg:$0x3] =	wrdreg s5  }
0xaa: {  	[dreg:$0x4] =	wrdreg $0xC0  }
0xab: {  	_ =	task [dreg:s7], $0x5FFFF  }
0xac: {  	[dreg:$0x1] =	wrdreg $0xFFFFFFFF  }
0xad: {  	[dreg:$0x0] =	wrdreg $0x60  }
0xae: {  	[dreg:$0x2] =	wrdreg s2  }
0xaf: {  	[dreg:$0x3] =	wrdreg s24  }
0xb0: {  	[dreg:$0x4] =	wrdreg $0x9  }
0xb1: {  	_ =	task.clear_ibuf [dreg:s7], $0x5FFFF;
	_ =	strace $0x90000046  }
0xb2: {  	s29 =	simm.s32 $0x9;
	_ =	strace $0x80000048  }
0xb3: {  	_ =	swait.ge [sflag:s29], $0x1  }
0xb4: {  	[sflag:s29] =	ssyncadd.s32 $0xFFFFFFFF  }
0xb5: {  	_ =	strace $0x90000048  }
0xb6: {  	_ =	sfence  }
0xb7: {  	s30 =	sld [smem:$0x0];
	_ =	sdelay $0x2  }
0xb8: {  	s31 =	sshll.u32 s1, $0xD;
	s1 =	sshrl.u32 s1, $0x2  }
0xb9: {  	s3 =	sand.u32 $0x4000, s31;
	s1 =	sadd.s32 s1, s30  }
0xba: {  	s0 =	sor.u32 s3, s0;
	s1 =	sshll.u32 s1, $0x11  }
0xbb: {  	s0 =	sor.u32 s1, s0  }
0xbc: {  	s0 =	sadd.s32 $0x8F2B, s0  }
0xbd: {  	[sflag:s0] =	ssyncadd.remote.s32 $0x1  }
0xbe: {  	_ =	sfence.sel $0xFFFF  }
0xbf: {  	[dreg:$0x0] =	wrdreg $0xFFFFFFFF;
	(pc) =	sbr.abs _section_cstart, $3  }
0xc0: {  	[dreg:$0x1] =	wrdreg $0xFFFFFFFF  }
0xc1: {  	_ =	task.clear_ibuf [dreg:s7], $0x2FFFF;
	_ =	strace $0x9FFFFFFF  }
0xc2: {  	(tm) =	ssettm $0x7FFFFFFF  }
0xc3: {  	_ =	shalt  }
tec
execute0_lowered:
.L_overlay_start_1:
0x0: {  	(tag) =	ssettag $0x1  }
0x1: {  	s1 =	rddreg [dreg:$0x0]  }
0x2: {  	s0 =	rddreg [dreg:$0x1];
	s3 =	simm.s32 $0x0  }
0x3: {  	s2 =	srdreg.scid;
	s7 =	stileid.u32;
	s16 =	simm.s32 $0x2  }
0x4: {  	s17 =	simm.s32 $0x80;
	s18 =	simm.s32 $0x100;
	s19 =	simm.s32 $0x180  }
0x5: {  	s20 =	simm.s32 $0x200;
	s21 =	simm.s32 $0x280;
	s22 =	simm.s32 $0x300  }
0x6: {  	s23 =	simm.s32 $0x380;
	s24 =	simm.s32 $0x400;
	s25 =	simm.s32 $0x40  }
0x7: {  	s15 =	simm.s32 $0xE800;
	s28 =	simm.s32 $0x1;
	s29 =	simm.s32 $0x14800  }
0x8: {  	[smem:$0x7FF] =	sst s3;
	s2 =	sand.u32 $0x1, s2;
	s4 =	sadd.s32 $0x1400, s0  }
0x9: {  	s5 =	sadd.s32 $0x3400, s0;
	s30 =	sshll.u32 s7, $0x8;
	s7 =	sadd.s32 $0x1600, s0  }
0xa: {  	s8 =	sadd.s32 $0x1800, s0;
	s9 =	sadd.s32 $0x1A00, s0;
	s10 =	sadd.s32 $0x1C00, s0  }
0xb: {  	s11 =	sadd.s32 $0x1E00, s0;
	s12 =	sadd.s32 $0x2000, s0;
	s26 =	ssub.s32 $0x2, s2  }
0xc: {  	s13 =	sadd.s32 $0x2200, s0;
	s14 =	sadd.s32 $0x2400, s0;
	s6 =	sshrl.u32 s26, $0x1  }
0xd: {  	_ =	strace $0x80000047;
	s2 =	sshll.u32 s2, $0x7;
	s3 =	ssub.s32 s26, s6  }
0xe: {  	s6 =	sor.u32 s2, s30;
	s2 =	simm.s32 $0x10800;
	s31 =	smax.u32 s3, $0x1  }
0xf: {  	s26 =	simm.s32 $0x12800;
	s3 =	simm.s32 $0x0;
	[dreg:$0x3] =	wrdreg s31  }
.LBB2_1:
0x10: {  	[dreg:$0x4] =	wrdreg s3;
	p1 =	por $0x1, $0x1;
	s0 =	simm.s32 $0x0  }
.LBB2_2:
0x11: {  	s0 =	sor.u32 s6, s0  }
0x12: {  	s3 =	sshrl.u32 s0, $0x3  }
0x13: {  	s31 =	simm.s32 $0x0;
	s30 =	sadd.s32 s4, s3  }
0x14: {  	[tilespmem:s31], [sflag:$0x2] =	stream.linear.gather [hbm4b:s30+s31], $0x40, $0x38;
	[tilespmem:$0x16800] =	vst v63  }
0x15: {  	_ =	swait.ge [sflag:s16], $0x40  }
0x16: {  	[sflag:s16] =	ssyncset.done $0x0  }
0x17: {  	s30 =	sadd.s32 s3, s7;
	[sflag:s16] =	ssyncadd.s32 $0xFFFFFFC0  }
0x18: {  	[tilespmem:s17], [sflag:$0x2] =	stream.linear.gather [hbm4b:s30+s31], $0x40, $0x38;
	[tilespmem:$0x16800] =	vst v63  }
0x19: {  	_ =	swait.ge [sflag:s16], $0x40  }
0x1a: {  	[sflag:s16] =	ssyncset.done $0x0  }
0x1b: {  	s30 =	sadd.s32 s3, s8;
	[sflag:s16] =	ssyncadd.s32 $0xFFFFFFC0  }
0x1c: {  	[tilespmem:s18], [sflag:$0x2] =	stream.linear.gather [hbm4b:s30+s31], $0x40, $0x38;
	[tilespmem:$0x16800] =	vst v63  }
0x1d: {  	_ =	swait.ge [sflag:s16], $0x40  }
0x1e: {  	[sflag:s16] =	ssyncset.done $0x0  }
0x1f: {  	s30 =	sadd.s32 s3, s9;
	[sflag:s16] =	ssyncadd.s32 $0xFFFFFFC0  }
0x20: {  	[tilespmem:s19], [sflag:$0x2] =	stream.linear.gather [hbm4b:s30+s31], $0x40, $0x38;
	[tilespmem:$0x16800] =	vst v63  }
0x21: {  	_ =	swait.ge [sflag:s16], $0x40  }
0x22: {  	[sflag:s16] =	ssyncset.done $0x0  }
0x23: {  	s30 =	sadd.s32 s3, s10;
	[sflag:s16] =	ssyncadd.s32 $0xFFFFFFC0  }
0x24: {  	[tilespmem:s20], [sflag:$0x2] =	stream.linear.gather [hbm4b:s30+s31], $0x40, $0x38;
	[tilespmem:$0x16800] =	vst v63  }
0x25: {  	_ =	swait.ge [sflag:s16], $0x40  }
0x26: {  	[sflag:s16] =	ssyncset.done $0x0  }
0x27: {  	s30 =	sadd.s32 s3, s11;
	[sflag:s16] =	ssyncadd.s32 $0xFFFFFFC0  }
0x28: {  	[tilespmem:s21], [sflag:$0x2] =	stream.linear.gather [hbm4b:s30+s31], $0x40, $0x38;
	[tilespmem:$0x16800] =	vst v63  }
0x29: {  	_ =	swait.ge [sflag:s16], $0x40  }
0x2a: {  	[sflag:s16] =	ssyncset.done $0x0  }
0x2b: {  	s30 =	sadd.s32 s3, s12;
	[sflag:s16] =	ssyncadd.s32 $0xFFFFFFC0  }
0x2c: {  	[tilespmem:s22], [sflag:$0x2] =	stream.linear.gather [hbm4b:s30+s31], $0x40, $0x38;
	[tilespmem:$0x16800] =	vst v63  }
0x2d: {  	_ =	swait.ge [sflag:s16], $0x40  }
0x2e: {  	[sflag:s16] =	ssyncset.done $0x0  }
0x2f: {  	s30 =	sadd.s32 s3, s13;
	[sflag:s16] =	ssyncadd.s32 $0xFFFFFFC0  }
0x30: {  	[tilespmem:s23], [sflag:$0x2] =	stream.linear.gather [hbm4b:s30+s31], $0x40, $0x38;
	[tilespmem:$0x16800] =	vst v63  }
0x31: {  	_ =	swait.ge [sflag:s16], $0x40  }
0x32: {  	[sflag:s16] =	ssyncset.done $0x0  }
0x33: {  	s3 =	sadd.s32 s3, s14;
	[sflag:s16] =	ssyncadd.s32 $0xFFFFFFC0  }
0x34: {  	[tilespmem:s24], [sflag:$0x2] =	stream.linear.gather [hbm4b:s3+s31], $0x40, $0x38;
	[tilespmem:$0x16800] =	vst v63  }
0x35: {  	_ =	swait.ge [sflag:s16], $0x40  }
0x36: {  	[sflag:s16] =	ssyncset.done $0x0  }
0x37: {  	s3 =	simm.s32 $0x800;
	[sflag:s16] =	ssyncadd.s32 $0xFFFFFFC0  }
0x38: {  	[tilespmem:s3], [sflag:$0x1] =	stream.indirect.gather [hbm4b:s1+s25], $0x80, s31, s25, $0xb8;
	[tilespmem:$0x16800] =	vst v63  }
0x39: {  	s3 =	simm.s32 $0x2800  }
0x3a: {  	[tilespmem:s3], [sflag:$0x1] =	stream.indirect.gather [hbm4b:s1+s25], $0x80, s17, s25, $0xb8;
	[tilespmem:$0x16800] =	vst v63  }
0x3b: {  	s3 =	simm.s32 $0x4800  }
0x3c: {  	[tilespmem:s3], [sflag:$0x1] =	stream.indirect.gather [hbm4b:s1+s25], $0x80, s18, s25, $0xb8;
	[tilespmem:$0x16800] =	vst v63  }
0x3d: {  	s3 =	simm.s32 $0x6800  }
0x3e: {  	[tilespmem:s3], [sflag:$0x1] =	stream.indirect.gather [hbm4b:s1+s25], $0x80, s19, s25, $0xb8;
	[tilespmem:$0x16800] =	vst v63  }
0x3f: {  	s3 =	simm.s32 $0x8800  }
0x40: {  	[tilespmem:s3], [sflag:$0x1] =	stream.indirect.gather [hbm4b:s1+s25], $0x80, s20, s25, $0xb8;
	[tilespmem:$0x16800] =	vst v63  }
0x41: {  	s3 =	simm.s32 $0xA800  }
0x42: {  	[tilespmem:s3], [sflag:$0x1] =	stream.indirect.gather [hbm4b:s1+s25], $0x80, s21, s25, $0xb8;
	[tilespmem:$0x16800] =	vst v63  }
0x43: {  	s3 =	simm.s32 $0xC800  }
0x44: {  	[tilespmem:s3], [sflag:$0x1] =	stream.indirect.gather [hbm4b:s1+s25], $0x80, s22, s25, $0xb8;
	[tilespmem:$0x16800] =	vst v63  }
0x45: {  	_ = 	snop  }
0x46: {  	[tilespmem:s15], [sflag:$0x1] =	stream.indirect.gather [hbm4b:s1+s25], $0x80, s23, s25, $0xb8;
	[tilespmem:$0x16800] =	vst v63  }
0x47: {  	s30 =	sshll.u32 s0, $0x4  }
0x48: {  	[tilespmem:s2], [sflag:$0x1] =	stream.indirect.gather [hbm4b:s1+s25], $0x80, s24, s25, $0xb8;
	[tilespmem:$0x16800] =	vst v63  }
0x49: {  	s0 =	sadd.s32 s1, s30  }
0x4a: {  	[tilespmem:s26], [sflag:$0x2] =	stream.linear.gather [hbm4b:s0+s31], $0x2000, $0x38;
	[tilespmem:$0x16800] =	vst v63  }
0x4b: {  	_ =	swait.ge [sflag:s16], $0x2000  }
0x4c: {  	[sflag:s16] =	ssyncset.done $0x0  }
0x4d: {  	[sflag:s16] =	ssyncadd.s32 $0xFFFFE000  }
0x4e: {  	_ =	swait.ge [sflag:s28], $0x2000  }
0x4f: {  	[sflag:s28] =	ssyncset.done $0x0  }
0x50: {  	[sflag:s28] =	ssyncadd.s32 $0xFFFFE000  }
0x51: {  	_ =	swait.ge [sflag:s28], $0x2000  }
0x52: {  	[sflag:s28] =	ssyncset.done $0x0  }
0x53: {  	[sflag:s28] =	ssyncadd.s32 $0xFFFFE000  }
0x54: {  	_ =	swait.ge [sflag:s28], $0x2000  }
0x55: {  	[sflag:s28] =	ssyncset.done $0x0  }
0x56: {  	[sflag:s28] =	ssyncadd.s32 $0xFFFFE000  }
0x57: {  	_ =	swait.ge [sflag:s28], $0x2000  }
0x58: {  	[sflag:s28] =	ssyncset.done $0x0  }
0x59: {  	[sflag:s28] =	ssyncadd.s32 $0xFFFFE000  }
0x5a: {  	_ =	swait.ge [sflag:s28], $0x2000  }
0x5b: {  	[sflag:s28] =	ssyncset.done $0x0  }
0x5c: {  	[sflag:s28] =	ssyncadd.s32 $0xFFFFE000  }
0x5d: {  	_ =	swait.ge [sflag:s28], $0x2000  }
0x5e: {  	[sflag:s28] =	ssyncset.done $0x0  }
0x5f: {  	[sflag:s28] =	ssyncadd.s32 $0xFFFFE000  }
0x60: {  	_ =	swait.ge [sflag:s28], $0x2000  }
0x61: {  	[sflag:s28] =	ssyncset.done $0x0  }
0x62: {  	[sflag:s28] =	ssyncadd.s32 $0xFFFFE000  }
0x63: {  	_ =	swait.ge [sflag:s28], $0x2000  }
0x64: {  	[sflag:s28] =	ssyncset.done $0x0  }
0x65: {  	[sflag:s28] =	ssyncadd.s32 $0xFFFFE000  }
0x66: {  	_ =	swait.ge [sflag:s28], $0x2000  }
0x67: {  	[sflag:s28] =	ssyncset.done $0x0  }
0x68: {  	s31 =	simm.s32 $0x0;
	[sflag:s28] =	ssyncadd.s32 $0xFFFFE000  }
0x69: {  	v0 =	vld [tilespmem:s31+$0x850]  }
0x6a: {  	v1 =	vld [tilespmem:s31+$0x2850]  }
0x6b: {  	v2 =	vld [tilespmem:s31+$0x4850]  }
0x6c: {  	v3 =	vld [tilespmem:s31+$0x6850]  }
0x6d: {  	v4 =	vld [tilespmem:s31+$0x8850]  }
0x6e: {  	v5 =	vld [tilespmem:s31+$0xA850]  }
0x6f: {  	v6 =	vld [tilespmem:s31+$0xC850]  }
0x70: {  	v7 =	vld [tilespmem:s31+$0x830]  }
0x71: {  	v8 =	vld [tilespmem:s31+$0x840]  }
0x72: {  	v9 =	vld [tilespmem:s31+$0x2840]  }
0x73: {  	v10 =	vld [tilespmem:s31+$0x4800]  }
0x74: {  	v11 =	vld [tilespmem:s31+$0x4810]  }
0x75: {  	v12 =	vld [tilespmem:s31+$0x4820]  }
0x76: {  	v13 =	vld [tilespmem:s31+$0x4830]  }
0x77: {  	v14 =	vld [tilespmem:s31+$0x4840]  }
0x78: {  	v15 =	vld [tilespmem:s31+$0x6800]  }
0x79: {  	v16 =	vld [tilespmem:s31+$0x6810]  }
0x7a: {  	v17 =	vld [tilespmem:s31+$0x6820]  }
0x7b: {  	v18 =	vld [tilespmem:s31+$0x6830]  }
0x7c: {  	v19 =	vld [tilespmem:s31+$0x6840]  }
0x7d: {  	v20 =	vld [tilespmem:s31+$0x8800]  }
0x7e: {  	v21 =	vld [tilespmem:s31+$0x8810]  }
0x7f: {  	v22 =	vld [tilespmem:s31+$0x8820]  }
0x80: {  	v23 =	vld [tilespmem:s31+$0x8830]  }
0x81: {  	v24 =	vld [tilespmem:s31+$0x8840]  }
0x82: {  	v25 =	vld [tilespmem:s31+$0xA800]  }
0x83: {  	v26 =	vld [tilespmem:s31+$0xA810]  }
0x84: {  	v27 =	vld [tilespmem:s31+$0xA820]  }
0x85: {  	v28 =	vld [tilespmem:s31+$0xA830]  }
0x86: {  	v29 =	vld [tilespmem:s31+$0xA840]  }
0x87: {  	v30 =	vld [tilespmem:s31+$0xC800]  }
0x88: {  	v31 =	vld [tilespmem:s31+$0xC810]  }
0x89: {  	v32 =	vld [tilespmem:s31+$0xC820]  }
0x8a: {  	v33 =	vld [tilespmem:s31+$0xC830]  }
0x8b: {  	v34 =	vld [tilespmem:s31+$0xC840]  }
0x8c: {  	v35 =	vld [tilespmem:s31+$0xE800]  }
0x8d: {  	v0 =	vmax.f32 v0, v1;
	v1 =	vld [tilespmem:s31+$0xE850]  }
0x8e: {  	v0 =	vmax.f32 v0, v2;
	v2 =	vld [tilespmem:s31+$0x10850]  }
0x8f: {  	v0 =	vmax.f32 v0, v3;
	v3 =	vld [tilespmem:s31+$0x12850]  }
0x90: {  	v0 =	vmax.f32 v0, v4;
	v4 =	vld [tilespmem:s31+$0x800]  }
0x91: {  	v0 =	vmax.f32 v0, v5;
	v5 =	vld [tilespmem:s31+$0x2800]  }
0x92: {  	v0 =	vmax.f32 v0, v6;
	v6 =	vld [tilespmem:s31+$0x810]  }
0x93: {  	v0 =	vmax.f32 v0, v1;
	v1 =	vld [tilespmem:s31+$0x2810]  }
0x94: {  	v0 =	vmax.f32 v0, v2;
	v2 =	vld [tilespmem:s31+$0x820]  }
0x95: {  	v0 =	vsub.f32 v0, v3;
	v3 =	vld [tilespmem:s31+$0x2820]  }
0x96: {  	v36 =	vld [tilespmem:s31+$0xE810]  }
0x97: {  	v58 =	vld [tilespmem:s31+$0x10840];
	v4 =	vmax.f32 v4, v5  }
0x98: {  	[tilespmem:s31+$0x14850] =	vst v0;
	v0 =	vld [tilespmem:s31+$0x2830];
	v4 =	vmax.f32 v4, v10;
	v1 =	vmax.f32 v6, v1  }
0x99: {  	v59 =	vld [tilespmem:s31+$0x12800];
	v4 =	vmax.f32 v4, v15;
	v1 =	vmax.f32 v1, v11  }
0x9a: {  	v5 =	vld [tilespmem:s31+$0xE820];
	v4 =	vmax.f32 v4, v20;
	v2 =	vmax.f32 v2, v3;
	v3 =	vmax.f32 v8, v9  }
0x9b: {  	v10 =	vld [tilespmem:s31+$0x10820];
	v1 =	vmax.f32 v1, v16;
	v4 =	vmax.f32 v4, v25;
	v2 =	vmax.f32 v2, v12  }
0x9c: {  	v8 =	vld [tilespmem:s31+$0x10800];
	v3 =	vmax.f32 v3, v14;
	v1 =	vmax.f32 v1, v21;
	v4 =	vmax.f32 v4, v30  }
0x9d: {  	v9 =	vld [tilespmem:s31+$0x10810];
	v0 =	vmax.f32 v7, v0;
	v2 =	vmax.f32 v2, v17;
	v3 =	vmax.f32 v3, v19  }
0x9e: {  	v7 =	vld [tilespmem:s31+$0xE840];
	v1 =	vmax.f32 v1, v26;
	v4 =	vmax.f32 v4, v35;
	v0 =	vmax.f32 v0, v13  }
0x9f: {  	v6 =	vld [tilespmem:s31+$0xE830];
	v2 =	vmax.f32 v2, v22;
	v3 =	vmax.f32 v3, v24;
	v60 =	vmax.f32 v1, v31  }
0xa0: {  	v11 =	vld [tilespmem:s31+$0x10830];
	v0 =	vmax.f32 v0, v18;
	v2 =	vmax.f32 v2, v27;
	v3 =	vmax.f32 v3, v29  }
0xa1: {  	v1 =	vld [tilespmem:s31+$0x12810];
	v14 =	vmax.f32 v60, v36;
	v0 =	vmax.f32 v0, v23;
	v61 =	vmax.f32 v2, v32  }
0xa2: {  	v3 =	vmax.f32 v3, v34;
	v2 =	vld [tilespmem:s31+$0x12820];
	v63 =	vmax.f32 v4, v8;
	v0 =	vmax.f32 v0, v28  }
0xa3: {  	v8 =	vmax.f32 v14, v9;
	v0 =	vmax.f32 v0, v33;
	v62 =	vmax.f32 v3, v7;
	v3 =	vld [tilespmem:s31+$0x12830]  }
0xa4: {  	s3 =	simm.s32 $0x80;
	v4 =	vld [tilespmem:s31+$0x12840];
	v5 =	vmax.f32 v61, v5;
	v9 =	vsub.f32 v63, v59;
	v0 =	vmax.f32 v0, v6  }
0xa5: {  	p0 =	por p1, p1;
	s0 =	simm.s32 $0x400;
	v7 =	vmax.f32 v5, v10;
	v5 =	vmax.f32 v62, v58;
	v6 =	vmax.f32 v0, v11;
	v0 =	vld [tilespmem:s3+$0x850]  }
.LBB2_3:
0xa6: {  	p1 =	sne.s32 s0, $0x7E00;
	v10 =	vld [tilespmem:s3+$0x2850];
	v1 =	vsub.f32 v8, v1  }
0xa7: {  	v8 =	vld [tilespmem:s3+$0x4850];
	[tilespmem:s31+$0x14800] =	vst v9;
	v2 =	vsub.f32 v7, v2  }
0xa8: {  	v7 =	vld [tilespmem:s3+$0x6850];
	[tilespmem:s31+$0x14810] =	vst v1;
	v1 =	vsub.f32 v6, v3  }
0xa9: {  	v3 =	vld [tilespmem:s3+$0x8850];
	[tilespmem:s31+$0x14820] =	vst v2;
	v2 =	vsub.f32 v5, v4  }
0xaa: {  	v4 =	vld [tilespmem:s3+$0xA850];
	[tilespmem:s31+$0x14830] =	vst v1  }
0xab: {  	v0 =	vmax.f32 v0, v10;
	v1 =	vld [tilespmem:s3+$0xC850];
	[tilespmem:s31+$0x14840] =	vst v2;
	s31 =	smov.u32 s3  }
0xac: {  	v0 =	vmax.f32 v0, v8;
	v2 =	vld [tilespmem:s31+$0xE850]  }
0xad: {  	v0 =	vmax.f32 v0, v7;
	v5 =	vld [tilespmem:s31+$0x10850]  }
0xae: {  	v0 =	vmax.f32 v0, v3;
	v3 =	vld [tilespmem:s31+$0x12850]  }
0xaf: {  	v6 =	vld [tilespmem:s31+$0x800];
	v0 =	vmax.f32 v0, v4  }
0xb0: {  	v4 =	vld [tilespmem:s31+$0x2800];
	v0 =	vmax.f32 v0, v1  }
0xb1: {  	v1 =	vld [tilespmem:s31+$0x810];
	v0 =	vmax.f32 v0, v2  }
0xb2: {  	v2 =	vld [tilespmem:s31+$0x2810];
	v0 =	vmax.f32 v0, v5  }
0xb3: {  	v5 =	vld [tilespmem:s31+$0x820];
	v0 =	vsub.f32 v0, v3  }
0xb4: {  	v3 =	vld [tilespmem:s31+$0x2820]  }
0xb5: {  	v4 =	vmax.f32 v6, v4;
	v6 =	vld [tilespmem:s31+$0x830];
	[tilespmem:s31+$0x14850] =	vst v0  }
0xb6: {  	v0 =	vld [tilespmem:s31+$0x2830]  }
0xb7: {  	v1 =	vmax.f32 v1, v2;
	v2 =	vld [tilespmem:s31+$0x840]  }
0xb8: {  	v7 =	vld [tilespmem:s31+$0x2840]  }
0xb9: {  	v8 =	vld [tilespmem:s31+$0x4800];
	v3 =	vmax.f32 v5, v3  }
0xba: {  	v5 =	vld [tilespmem:s31+$0x4810]  }
0xbb: {  	v9 =	vld [tilespmem:s31+$0x4820];
	v0 =	vmax.f32 v6, v0  }
0xbc: {  	v6 =	vld [tilespmem:s31+$0x4830]  }
0xbd: {  	v2 =	vmax.f32 v2, v7;
	v7 =	vld [tilespmem:s31+$0x4840]  }
0xbe: {  	v4 =	vmax.f32 v4, v8;
	v8 =	vld [tilespmem:s31+$0x6800]  }
0xbf: {  	v1 =	vmax.f32 v1, v5;
	v5 =	vld [tilespmem:s31+$0x6810]  }
0xc0: {  	v3 =	vmax.f32 v3, v9;
	v9 =	vld [tilespmem:s31+$0x6820]  }
0xc1: {  	v0 =	vmax.f32 v0, v6;
	v6 =	vld [tilespmem:s31+$0x6830]  }
0xc2: {  	v2 =	vmax.f32 v2, v7;
	v7 =	vld [tilespmem:s31+$0x6840]  }
0xc3: {  	v4 =	vmax.f32 v4, v8;
	v8 =	vld [tilespmem:s31+$0x8800]  }
0xc4: {  	v1 =	vmax.f32 v1, v5;
	v5 =	vld [tilespmem:s31+$0x8810]  }
0xc5: {  	v3 =	vmax.f32 v3, v9;
	v9 =	vld [tilespmem:s31+$0x8820]  }
0xc6: {  	v0 =	vmax.f32 v0, v6;
	v6 =	vld [tilespmem:s31+$0x8830]  }
0xc7: {  	v2 =	vmax.f32 v2, v7;
	v7 =	vld [tilespmem:s31+$0x8840]  }
0xc8: {  	v4 =	vmax.f32 v4, v8;
	v8 =	vld [tilespmem:s31+$0xA800]  }
0xc9: {  	v1 =	vmax.f32 v1, v5;
	v5 =	vld [tilespmem:s31+$0xA810]  }
0xca: {  	v3 =	vmax.f32 v3, v9;
	v9 =	vld [tilespmem:s31+$0xA820]  }
0xcb: {  	v0 =	vmax.f32 v0, v6;
	v6 =	vld [tilespmem:s31+$0xA830]  }
0xcc: {  	v2 =	vmax.f32 v2, v7;
	v7 =	vld [tilespmem:s31+$0xA840]  }
0xcd: {  	v4 =	vmax.f32 v4, v8;
	v8 =	vld [tilespmem:s31+$0xC800]  }
0xce: {  	v1 =	vmax.f32 v1, v5;
	v5 =	vld [tilespmem:s31+$0xC810]  }
0xcf: {  	v3 =	vmax.f32 v3, v9;
	v9 =	vld [tilespmem:s31+$0xC820]  }
0xd0: {  	v0 =	vmax.f32 v0, v6;
	v6 =	vld [tilespmem:s31+$0xC830]  }
0xd1: {  	v2 =	vmax.f32 v2, v7;
	v7 =	vld [tilespmem:s31+$0xC840]  }
0xd2: {  	v4 =	vmax.f32 v4, v8;
	v8 =	vld [tilespmem:s31+$0xE800]  }
0xd3: {  	v1 =	vmax.f32 v1, v5;
	v5 =	vld [tilespmem:s31+$0xE810]  }
0xd4: {  	v3 =	vmax.f32 v3, v9;
	v9 =	vld [tilespmem:s31+$0xE820]  }
0xd5: {  	v0 =	vmax.f32 v0, v6;
	v6 =	vld [tilespmem:s31+$0xE830]  }
0xd6: {  	v2 =	vmax.f32 v2, v7;
	v7 =	vld [tilespmem:s31+$0xE840]  }
0xd7: {  	v4 =	vmax.f32 v4, v8;
	v8 =	vld [tilespmem:s31+$0x10800]  }
0xd8: {  	v1 =	vmax.f32 v1, v5;
	v5 =	vld [tilespmem:s31+$0x10810]  }
0xd9: {  	v3 =	vmax.f32 v3, v9;
	v9 =	vld [tilespmem:s31+$0x10820]  }
0xda: {  	v0 =	vmax.f32 v0, v6;
	v6 =	vld [tilespmem:s31+$0x10830]  }
0xdb: {  	v10 =	vmax.f32 v2, v7;
	v11 =	vld [tilespmem:s31+$0x10840]  }
0xdc: {  	v12 =	vmax.f32 v4, v8;
	v13 =	vld [tilespmem:s31+$0x12800]  }
.Ltmp0:
0xdd: {  	v8 =	vmax.f32 v1, v5;
	v1 =	vld [tilespmem:s31+$0x12810];
	(pc) =	sbr.rel @p1 .LBB2_3-.Ltmp0, $4  }
0xde: {  	v7 =	vmax.f32 v3, v9;
	v2 =	vld [tilespmem:s31+$0x12820]  }
0xdf: {  	v6 =	vmax.f32 v0, v6;
	v3 =	vld [tilespmem:s31+$0x12830]  }
0xe0: {  	s3 =	sshra.s32 s0, $0x2;
	v5 =	vmax.f32 v10, v11;
	v4 =	vld [tilespmem:s31+$0x12840]  }
0xe1: {  	s0 =	sadd.s32 $0x200, s0;
	v0 =	vld [tilespmem:s3+$0x850];
	v9 =	vsub.f32 v12, v13  }
0xe2: {  	v10 =	vld [tilespmem:s3+$0x2850];
	v1 =	vsub.f32 v8, v1  }
0xe3: {  	v11 =	vld [tilespmem:s3+$0x4850];
	[tilespmem:s31+$0x14800] =	vst v9;
	v2 =	vsub.f32 v7, v2  }
0xe4: {  	v57 =	vld [tilespmem:s3+$0x6850];
	[tilespmem:s31+$0x14810] =	vst v1;
	v3 =	vsub.f32 v6, v3  }
0xe5: {  	v1 =	vld [tilespmem:s3+$0x8850];
	[tilespmem:s31+$0x14820] =	vst v2;
	v4 =	vsub.f32 v5, v4  }
0xe6: {  	v2 =	vld [tilespmem:s3+$0xA850];
	[tilespmem:s31+$0x14830] =	vst v3  }
0xe7: {  	v3 =	vld [tilespmem:s3+$0xC850];
	[tilespmem:s31+$0x14840] =	vst v4  }
0xe8: {  	v4 =	vld [tilespmem:s3+$0xE850]  }
0xe9: {  	v58 =	vld [tilespmem:s3+$0x10850]  }
0xea: {  	v59 =	vld [tilespmem:s3+$0x12850]  }
0xeb: {  	v60 =	vld [tilespmem:s3+$0x800]  }
0xec: {  	v61 =	vld [tilespmem:s3+$0x2800]  }
0xed: {  	v62 =	vld [tilespmem:s3+$0x810]  }
0xee: {  	v63 =	vld [tilespmem:s3+$0x2810]  }
0xef: {  	v40 =	vld [tilespmem:s3+$0x820]  }
0xf0: {  	v41 =	vld [tilespmem:s3+$0x2820]  }
0xf1: {  	v42 =	vld [tilespmem:s3+$0x830]  }
0xf2: {  	v43 =	vld [tilespmem:s3+$0x2830]  }
0xf3: {  	v44 =	vld [tilespmem:s3+$0x840]  }
0xf4: {  	v9 =	vld [tilespmem:s3+$0x2840]  }
0xf5: {  	v45 =	vld [tilespmem:s3+$0x4800]  }
0xf6: {  	v46 =	vld [tilespmem:s3+$0x4810]  }
0xf7: {  	v12 =	vld [tilespmem:s3+$0x4820]  }
0xf8: {  	v13 =	vld [tilespmem:s3+$0x4830]  }
0xf9: {  	v14 =	vld [tilespmem:s3+$0x4840]  }
0xfa: {  	v15 =	vld [tilespmem:s3+$0x6800]  }
0xfb: {  	v16 =	vld [tilespmem:s3+$0x6810]  }
0xfc: {  	v17 =	vld [tilespmem:s3+$0x6820]  }
0xfd: {  	v18 =	vld [tilespmem:s3+$0x6830]  }
0xfe: {  	v19 =	vld [tilespmem:s3+$0x6840]  }
0xff: {  	v20 =	vld [tilespmem:s3+$0x8800]  }
0x100: {  	v21 =	vld [tilespmem:s3+$0x8810]  }
0x101: {  	v22 =	vld [tilespmem:s3+$0x8820]  }
0x102: {  	v23 =	vld [tilespmem:s3+$0x8830]  }
0x103: {  	v24 =	vld [tilespmem:s3+$0x8840]  }
0x104: {  	v25 =	vld [tilespmem:s3+$0xA800]  }
0x105: {  	v26 =	vld [tilespmem:s3+$0xA810]  }
0x106: {  	v27 =	vld [tilespmem:s3+$0xA820]  }
0x107: {  	v28 =	vld [tilespmem:s3+$0xA830]  }
0x108: {  	v29 =	vld [tilespmem:s3+$0xA840]  }
0x109: {  	v30 =	vld [tilespmem:s3+$0xC800]  }
0x10a: {  	v31 =	vld [tilespmem:s3+$0xC810]  }
0x10b: {  	v0 =	vmax.f32 v0, v10;
	v32 =	vld [tilespmem:s3+$0xC820]  }
0x10c: {  	v0 =	vmax.f32 v0, v11;
	v33 =	vld [tilespmem:s3+$0xC830]  }
0x10d: {  	v34 =	vld [tilespmem:s3+$0xC840];
	v0 =	vmax.f32 v0, v57  }
0x10e: {  	v35 =	vld [tilespmem:s3+$0xE800];
	v0 =	vmax.f32 v0, v1  }
0x10f: {  	v36 =	vld [tilespmem:s3+$0xE810];
	v0 =	vmax.f32 v0, v2  }
0x110: {  	v37 =	vld [tilespmem:s3+$0xE820];
	v0 =	vmax.f32 v0, v3  }
0x111: {  	v38 =	vld [tilespmem:s3+$0xE830];
	v0 =	vmax.f32 v0, v4;
	v1 =	vmax.f32 v60, v61;
	v47 =	vmax.f32 v62, v63  }
0x112: {  	v49 =	vld [tilespmem:s3+$0xE840];
	v48 =	vmax.f32 v40, v41;
	v50 =	vmax.f32 v44, v9;
	v0 =	vmax.f32 v0, v58  }
0x113: {  	v51 =	vld [tilespmem:s3+$0x10800];
	v1 =	vmax.f32 v1, v45;
	v2 =	vmax.f32 v47, v46;
	v3 =	vmax.f32 v48, v12  }
0x114: {  	v52 =	vld [tilespmem:s3+$0x10810];
	v5 =	vmax.f32 v50, v14;
	v0 =	vsub.f32 v0, v59;
	v1 =	vmax.f32 v1, v15  }
0x115: {  	v53 =	vld [tilespmem:s3+$0x10820];
	v2 =	vmax.f32 v2, v16;
	v3 =	vmax.f32 v3, v17;
	v5 =	vmax.f32 v5, v19  }
0x116: {  	v54 =	vld [tilespmem:s3+$0x10830];
	v1 =	vmax.f32 v1, v20;
	v2 =	vmax.f32 v2, v21;
	v3 =	vmax.f32 v3, v22  }
0x117: {  	v55 =	vld [tilespmem:s3+$0x10840];
	v5 =	vmax.f32 v5, v24;
	[tilespmem:s3+$0x14850] =	vst v0;
	v0 =	vmax.f32 v42, v43;
	v1 =	vmax.f32 v1, v25  }
0x118: {  	v56 =	vld [tilespmem:s3+$0x12800];
	v2 =	vmax.f32 v2, v26;
	v3 =	vmax.f32 v3, v27;
	v5 =	vmax.f32 v5, v29  }
0x119: {  	v57 =	vld [tilespmem:s3+$0x12810];
	v0 =	vmax.f32 v0, v13;
	v1 =	vmax.f32 v1, v30;
	v2 =	vmax.f32 v2, v31  }
0x11a: {  	v58 =	vld [tilespmem:s3+$0x12820];
	v3 =	vmax.f32 v3, v32;
	v5 =	vmax.f32 v5, v34;
	v0 =	vmax.f32 v0, v18  }
0x11b: {  	v60 =	vld [tilespmem:s3+$0x12840];
	v1 =	vmax.f32 v1, v35;
	v2 =	vmax.f32 v2, v36;
	v3 =	vmax.f32 v3, v37  }
0x11c: {  	v59 =	vld [tilespmem:s3+$0x12830];
	v4 =	vmax.f32 v5, v49;
	v0 =	vmax.f32 v0, v23;
	v1 =	vmax.f32 v1, v51  }
0x11d: {  	v2 =	vmax.f32 v2, v52;
	v0 =	vmax.f32 v0, v28;
	v1 =	vsub.f32 v1, v56  }
0x11e: {  	v3 =	vmax.f32 v3, v53;
	v2 =	vsub.f32 v2, v57;
	v0 =	vmax.f32 v0, v33  }
0x11f: {  	v62 =	vmax.f32 v4, v55;
	v61 =	vsub.f32 v3, v58;
	v0 =	vmax.f32 v0, v38;
	[tilespmem:s3+$0x14800] =	vst v1  }
0x120: {  	v63 =	vsub.f32 v62, v60;
	[tilespmem:s3+$0x14810] =	vst v2;
	v0 =	vmax.f32 v0, v54  }
0x121: {  	[tilespmem:s3+$0x14820] =	vst v61;
	v0 =	vsub.f32 v0, v59  }
0x122: {  	[tilespmem:s3+$0x14840] =	vst v63  }
.Ltmp1:
0x123: {  	s0 =	sadd.s32 s5, s30;
	s31 =	simm.s32 $0x0;
	[tilespmem:s3+$0x14830] =	vst v0;
	(pc) =	sbr.rel @p0 .LBB2_2-.Ltmp1, $4  }
0x124: {  	[hbm4b:s0+s31] =	stream.linear.scatter [tilespmem:s29], [sflag:$0x2], $0x2000, $0x38;
	[tilespmem:$0x16800] =	vst v63  }
0x125: {  	_ =	swait.ge [sflag:s16], $0x2000  }
0x126: {  	[sflag:s16] =	ssyncset.done $0x0  }
0x127: {  	p1 =	por $0x0, $0x0;
	s0 =	simm.s32 $0x40;
	[sflag:s16] =	ssyncadd.s32 $0xFFFFE000  }
0x128: {  	s3 =	rddreg [dreg:$0x4]  }
0x129: {  	s0 =	rddreg [dreg:$0x3];
	s3 =	sadd.s32 $0x1, s3  }
0x12a: {  	p0 =	sne.s32 s3, s0  }
.Ltmp2:
0x12b: {  	_ = 	snop;
	(pc) =	sbr.rel @p0 .LBB2_1-.Ltmp2, $1  }
0x12c: {  	_ =	sdelay $0x3  }
0x12d: {  	_ =	sfence.sel $0x180000  }
0x12e: {  	[bflag:$0x0] =	sbarrier.arrive $0xFFFF  }
0x12f: {  	_ =	strace $0x90000047  }
0x130: {  	s0 =	stileid.u32;
	[bflag:$0x2] =	sbarrier.arrive $0xFFFF  }
0x131: {  	p0 =	sne.s32 s0, $0x0;
	s0 =	rddreg [dreg:$0x2]  }
0x132: {  	s0 =	sadd.s32 @!p0 $0x100000, s0  }
0x133: {  	[sflag:s0] =	ssyncadd.tile.s32 @!p0 $0x1;
	_ =	shalt  }
.Lfunc_end2:
_tile_overlayer_lowered:
.L_overlay_start_2:
0x134: {  	(tag) =	ssettag $0x2  }
0x135: {  	s0 =	rddreg [dreg:$0x0];
	s2 =	stileid.u32  }
0x136: {  	s1 =	rddreg [dreg:$0x1];
	p0 =	sne.s32 s2, $0x0  }
0x137: {  	s3 =	rddreg [dreg:$0x2];
	[bflag:$0x3] =	sbarrier.arrive $0xFFFF;
	s2 =	simm.s32 @!p0 $0x1C02  }
0x138: {  	[timem:s3], [sflag:s2] =	dma.local @!p0 [hbm:s0], s1  }
0x139: {  	s0 =	simm.s32 @!p0 $0x2  }
0x13a: {  	_ =	swait.ge @!p0 [sflag:s0], s1  }
0x13b: {  	s1 =	ssub.s32 @!p0 $0x0, s1;
	[sflag:s0] =	ssyncset.done @!p0 $0x0  }
0x13c: {  	[sflag:s0] =	ssyncadd.s32 @!p0 s1  }
0x13d: {  	[bflag:$0x3] =	sbarrier.arrive $0xFFFF  }
0x13e: {  	_ =	shalt  }

</sc_bundles>
